<compile_context>
chip_gen: v7x
topology: tpu7x:2x2x1
jax: 0.10.2.dev20260603
libtpu: 0.0.44.dev20260713+nightly
codegen_flags: <defaults>
</compile_context>

<pallas_src>
import jax
import jax.numpy as jnp
import numpy as np
from jax import lax
from jax.experimental import pallas as pl
from jax.experimental.pallas import tpu as pltpu
from jax.experimental.pallas import tpu_sc as plsc

SPATIAL_SHAPES = [(64, 64), (32, 32), (16, 16), (8, 8)]
D_MODEL = 256
N_HEADS = 8
N_LEVELS = 4
N_POINTS = 4
C_HEAD = D_MODEL // N_HEADS
LP = N_LEVELS * N_POINTS
NUM_KEYS = sum(h * w for (h, w) in SPATIAL_SHAPES)

_K = np.arange(128)
_H = _K // 16
_L = (_K // 4) % 4
_P = _K % 4

_WL = np.array([w for (h, w) in SPATIAL_SHAPES], np.float32)[_L]
_HL = np.array([h for (h, w) in SPATIAL_SHAPES], np.float32)[_L]
_STARTS = np.cumsum([0] + [h * w for (h, w) in SPATIAL_SHAPES])[:4]

_CONST = np.stack([
    _WL,
    _HL,
    1.0 / np.maximum(_HL, 1.0),
    1.0 / np.maximum(_WL, 1.0),
    _STARTS[_L].astype(np.float32),
    _H.astype(np.float32),
    _WL - 1.0,
    _HL - 1.0,
]).astype(np.float32)

_COL_X = (_H * 32 + _L * 8 + _P * 2).astype(np.int32)
_COL_Y = _COL_X + 1

_SBLK = (( _K[:, None] // 16) == (_K[None, :] // 16)).astype(np.float32)

_EX = np.zeros((8, 128), np.float32)
_EY = np.zeros((8, 128), np.float32)
_EX[2 * _L, _K] = 1.0
_EY[2 * _L + 1, _K] = 1.0

_VPERM = np.zeros(256, np.int32)
for _h in range(8):
    for _i in range(16):
        for _j in range(2):
            _VPERM[_h * 32 + 2 * _i + _j] = _h * 32 + _j * 16 + _i

B = 4
Q = 1024
NQ = B * Q
N_ROWS = B * NUM_KEYS * N_HEADS
ROW_B_STRIDE = NUM_KEYS * N_HEADS

NW = 32
ROWS_PER_W = NQ // NW
E_PER_ROW = 128
SB = 32
NSUPER = ROWS_PER_W // SB
G = 4
NT = SB // G
NG = NT // 2


def _mm_body(x_ref, w_ref, b_ref, o_ref):
    o_ref[...] = (
        jnp.dot(x_ref[...], w_ref[...], preferred_element_type=jnp.float32)
        + b_ref[...]
    ).astype(o_ref.dtype)


def _matmul_bias(x, w, b, block_rows, out_dtype=jnp.float32):
    n, k = x.shape
    m = w.shape[1]
    grid = n // block_rows
    return pl.pallas_call(
        _mm_body,
        grid=(grid,),
        in_specs=[
            pl.BlockSpec((block_rows, k), lambda i: (i, 0)),
            pl.BlockSpec((k, m), lambda i: (0, 0)),
            pl.BlockSpec((1, m), lambda i: (0, 0)),
        ],
        out_specs=pl.BlockSpec((block_rows, m), lambda i: (i, 0)),
        out_shape=jax.ShapeDtypeStruct((n, m), out_dtype),
    )(x, w, b.reshape(1, m))


def _prep_body(q_ref, r8_ref, woff_ref, boff_ref, wa_ref, ba_ref,
               sb_ref, ex_ref, ey_ref, cst_ref,
               i00, i10, i01, i11, w00, w10, w01, w11):
    qb = q_ref[...]
    off = jnp.dot(qb, woff_ref[...], preferred_element_type=jnp.float32, precision=lax.Precision.HIGHEST) + boff_ref[...]
    gx = off[:, :128]
    gy = off[:, 128:]
    logits = jnp.dot(qb, wa_ref[...], preferred_element_type=jnp.float32, precision=lax.Precision.HIGHEST) + ba_ref[...]

    e = jnp.exp(logits)
    esum = jnp.dot(e, sb_ref[...], preferred_element_type=jnp.float32,
                   precision=lax.Precision.HIGHEST)
    attn = e / esum

    r8 = r8_ref[...]
    refx = jnp.dot(r8, ex_ref[...], preferred_element_type=jnp.float32, precision=lax.Precision.HIGHEST)
    refy = jnp.dot(r8, ey_ref[...], preferred_element_type=jnp.float32, precision=lax.Precision.HIGHEST)

    cst = cst_ref[...]
    wq = cst[0:1, :]
    hq = cst[1:2, :]
    inv_nx = cst[2:3, :]
    inv_ny = cst[3:4, :]
    start = cst[4:5, :]
    hvec = cst[5:6, :]
    wm1 = cst[6:7, :]
    hm1 = cst[7:8, :]

    x = (refx + gx * inv_nx) * wq - 0.5
    y = (refy + gy * inv_ny) * hq - 0.5
    x0 = jnp.floor(x)
    y0 = jnp.floor(y)
    fx = x - x0
    fy = y - y0
    fx0 = 1.0 - fx
    fy0 = 1.0 - fy

    bidx = pl.program_id(0) // 2
    bbase = (bidx * ROW_B_STRIDE).astype(jnp.float32)

    outs = ((i00, w00, 0.0, 0.0, fx0 * fy0),
            (i10, w10, 1.0, 0.0, fx * fy0),
            (i01, w01, 0.0, 1.0, fx0 * fy),
            (i11, w11, 1.0, 1.0, fx * fy))
    for iref, wref, cx, cy, wbil in outs:
        xc = x0 + cx
        yc = y0 + cy
        valid = ((xc >= 0.0) & (xc <= wm1) & (yc >= 0.0) & (yc <= hm1))
        xcc = jnp.clip(xc, 0.0, wm1)
        ycc = jnp.clip(yc, 0.0, hm1)
        key = start + ycc * wq + xcc
        rowf = bbase + key * 8.0 + hvec
        iref[...] = rowf.astype(jnp.int32)
        wref[...] = attn * wbil * valid.astype(jnp.float32)


def _prep(q2, ref8, woff_p, boff_p, wa, ba):
    blk = 512
    grid = NQ // blk
    full = lambda shape: pl.BlockSpec(shape, lambda i: (0, 0))
    o_spec = pl.BlockSpec((blk, 128), lambda i: (i, 0))
    o_i = jax.ShapeDtypeStruct((NQ, 128), jnp.int32)
    o_f = jax.ShapeDtypeStruct((NQ, 128), jnp.float32)
    return pl.pallas_call(
        _prep_body,
        grid=(grid,),
        in_specs=[
            pl.BlockSpec((blk, 256), lambda i: (i, 0)),
            pl.BlockSpec((blk, 8), lambda i: (i, 0)),
            full((256, 256)),
            full((1, 256)),
            full((256, 128)),
            full((1, 128)),
            full((128, 128)),
            full((8, 128)),
            full((8, 128)),
            full((8, 128)),
        ],
        out_specs=[o_spec] * 8,
        out_shape=[o_i] * 4 + [o_f] * 4,
    )(q2, ref8, woff_p, boff_p.reshape(1, 256), wa, ba.reshape(1, 128),
      jnp.asarray(_SBLK), jnp.asarray(_EX), jnp.asarray(_EY),
      jnp.asarray(_CONST))


def _sc_body(table, i0, i1, i2, i3, w0, w1, w2, w3, out,
             ist0, ist1, ist2, ist3, wst0, wst1, wst2, wst3,
             ga0, ga1, ga2, ga3, gb0, gb1, gb2, gb3,
             out_v, sem_s, sem_g0, sem_g1):
    idx_hbm = (i0, i1, i2, i3)
    w_hbm = (w0, w1, w2, w3)
    ist = (ist0, ist1, ist2, ist3)
    wst = (wst0, wst1, wst2, wst3)
    gv = ((ga0, ga1, ga2, ga3), (gb0, gb1, gb2, gb3))
    sem_g = (sem_g0, sem_g1)

    wid = lax.axis_index("s") * 2 + lax.axis_index("c")

    def fire(t, b):
        for c in range(4):
            for j in range(G):
                pltpu.async_copy(
                    table.at[ist[c].at[t * G + j]],
                    gv[b][c].at[pl.ds(j * E_PER_ROW, E_PER_ROW)], sem_g[b])

    def drain(b):
        for c in range(4):
            pltpu.make_async_copy(
                table.at[pl.ds(0, G * E_PER_ROW)], gv[b][c], sem_g[b]).wait()

    def compute(t, b):
        def rbody(r, _):
            row = t * G + r

            def hbody(h, _):
                a0 = [jnp.zeros((16,), jnp.float32) for _ in range(4)]
                a1 = [jnp.zeros((16,), jnp.float32) for _ in range(4)]
                gbase = r * E_PER_ROW + h * LP
                wbase = jnp.full((16,), row * E_PER_ROW + h * LP, jnp.int32)
                for c in range(4):
                    for lp in range(LP):
                        wsp = plsc.load_gather(wst[c], [wbase + lp])
                        xi = plsc.bitcast(gv[b][c][gbase + lp, :], jnp.int32)
                        lo = plsc.bitcast(xi << 16, jnp.float32)
                        hi = plsc.bitcast(xi & jnp.int32(-65536), jnp.float32)
                        a0[c] = a0[c] + wsp * lo
                        a1[c] = a1[c] + wsp * hi
                out_v[row, pl.ds(h * 32, 16)] = (
                    (a0[0] + a0[1]) + (a0[2] + a0[3]))
                out_v[row, pl.ds(h * 32 + 16, 16)] = (
                    (a1[0] + a1[1]) + (a1[2] + a1[3]))
                return 0

            lax.fori_loop(0, N_HEADS, hbody, 0)
            return 0

        lax.fori_loop(0, G, rbody, 0)

    def super_chunk(s, carry):
        r0 = wid * ROWS_PER_W + s * SB
        descs = []
        for c in range(4):
            descs.append(pltpu.async_copy(
                idx_hbm[c].at[pl.ds(r0, SB)], ist[c], sem_s))
            descs.append(pltpu.async_copy(
                w_hbm[c].at[pl.ds(r0 * E_PER_ROW, SB * E_PER_ROW)],
                wst[c], sem_s))
        for d in descs:
            d.wait()

        for b in range(2):
            fire(b, b)

        def pair(g, carry):
            for b in range(2):
                t = g * 2 + b
                drain(b)
                compute(t, b)

                @pl.when(g < NG - 1)
                def _():
                    fire(t + 2, b)

            return carry

        lax.fori_loop(0, NG, pair, 0)
        pltpu.sync_copy(out_v, out.at[pl.ds(r0, SB)])
        return carry

    lax.fori_loop(0, NSUPER, super_chunk, 0)


def _sc_combine(table, idx4, w4):
    mesh = plsc.VectorSubcoreMesh(core_axis_name="c", subcore_axis_name="s")
    f = pl.kernel(
        _sc_body,
        out_type=jax.ShapeDtypeStruct((NQ, 256), jnp.float32),
        mesh=mesh,
        compiler_params=pltpu.CompilerParams(
            needs_layout_passes=False, use_tc_tiling_on_sc=False),
        scratch_types=(
            [pltpu.VMEM((SB, E_PER_ROW), jnp.int32) for _ in range(4)]
            + [pltpu.VMEM((SB * E_PER_ROW,), jnp.float32) for _ in range(4)]
            + [pltpu.VMEM((G * E_PER_ROW, C_HEAD), jnp.bfloat16)
               for _ in range(8)]
            + [pltpu.VMEM((SB, 256), jnp.float32),
               pltpu.SemaphoreType.DMA, pltpu.SemaphoreType.DMA,
               pltpu.SemaphoreType.DMA]
        ),
    )
    return f(table, *idx4, *w4)


def kernel(query, reference_points, input_flatten, Wv, bv, Woff, boff, Wa, ba,
           Wout, bout):
    q2 = query.reshape(NQ, D_MODEL)
    vin = input_flatten.reshape(B * NUM_KEYS, D_MODEL)

    vperm = jnp.asarray(_VPERM)
    value = _matmul_bias(vin, Wv[:, vperm], bv[vperm], block_rows=2176,
                         out_dtype=jnp.bfloat16)
    table = value.reshape(N_ROWS, C_HEAD)

    woff_p = jnp.concatenate(
        [Woff[:, jnp.asarray(_COL_X)], Woff[:, jnp.asarray(_COL_Y)]], axis=1)
    boff_p = jnp.concatenate(
        [boff[jnp.asarray(_COL_X)], boff[jnp.asarray(_COL_Y)]], axis=0)
    ref8 = reference_points.reshape(NQ, N_LEVELS * 2)

    prep = _prep(q2, ref8, woff_p, boff_p, Wa, ba)
    idx4 = list(prep[:4])
    w4 = [a.reshape(-1) for a in prep[4:]]

    heads = _sc_combine(table, idx4, w4)
    out = _matmul_bias(heads, Wout, bout, block_rows=512)
    return out.reshape(B, Q, D_MODEL)

# --- scband reference (transcript-rebuilt; emitter-appended) ---
"""Pipeline reference for scband-multi-scale-deformable-attention-52733608460641 (READ-ONLY COPY).

The authoritative reference and input builder live on the scoring server;
editing this copy changes nothing except your own understanding.
"""

import jax, jax.numpy as jnp
import numpy as np

SPATIAL_SHAPES = [(64, 64), (32, 32), (16, 16), (8, 8)]
D_MODEL = 256
N_HEADS = 8
N_LEVELS = 4
N_POINTS = 4


def grid_sample_bilinear(im, grid):
    # im: [N, C, H, W]; grid: [N, Hg, Wg, 2] in [-1, 1], (x, y) order,
    # bilinear, padding_mode='zeros', align_corners=False (matches torch)
    N, C, H, W = im.shape
    gx = grid[..., 0]
    gy = grid[..., 1]
    x = (gx + 1.0) * W / 2.0 - 0.5
    y = (gy + 1.0) * H / 2.0 - 0.5
    x0 = jnp.floor(x)
    y0 = jnp.floor(y)
    x1 = x0 + 1.0
    y1 = y0 + 1.0
    wx1 = x - x0
    wx0 = 1.0 - wx1
    wy1 = y - y0
    wy0 = 1.0 - wy1

    def gather(ix, iy):
        valid = ((ix >= 0) & (ix <= W - 1) & (iy >= 0) & (iy <= H - 1)).astype(im.dtype)
        ixc = jnp.clip(ix, 0, W - 1).astype(jnp.int32)
        iyc = jnp.clip(iy, 0, H - 1).astype(jnp.int32)

        def g(im_n, iy_n, ix_n, v_n):
            return im_n[:, iy_n, ix_n] * v_n[None, :, :]

        return jax.vmap(g)(im, iyc, ixc, valid)

    v00 = gather(x0, y0)
    v10 = gather(x1, y0)
    v01 = gather(x0, y1)
    v11 = gather(x1, y1)
    out = (v00 * (wx0 * wy0)[:, None]
           + v10 * (wx1 * wy0)[:, None]
           + v01 * (wx0 * wy1)[:, None]
           + v11 * (wx1 * wy1)[:, None])
    return out  # [N, C, Hg, Wg]


def _forward(query, reference_points, input_flatten, Wv, bv, Woff, boff, Wa, ba, Wout, bout, spatial_shapes):
    B, Q, _ = query.shape
    num_keys = input_flatten.shape[1]
    C_head = D_MODEL // N_HEADS

    value = (input_flatten @ Wv + bv).reshape(B, num_keys, N_HEADS, C_head)
    off = (query @ Woff + boff).reshape(B, Q, N_HEADS, N_LEVELS, N_POINTS, 2)
    attn = (query @ Wa + ba).reshape(B, Q, N_HEADS, N_LEVELS * N_POINTS)
    attn = jax.nn.softmax(attn, axis=-1).reshape(B, Q, N_HEADS, N_LEVELS, N_POINTS)

    # NOTE: faithful to the torch module, which normalizes by [H, W] (not [W, H])
    offset_normalizer = jnp.array([[h, w] for (h, w) in spatial_shapes], dtype=jnp.float32)
    ref = reference_points[:, :, None, :, None, :]
    loc = ref + off / jnp.clip(offset_normalizer, 1.0, None)[None, None, None, :, None, :]
    grids = 2.0 * loc - 1.0

    lvl_sizes = [h * w for (h, w) in spatial_shapes]
    starts = np.cumsum([0] + lvl_sizes)
    outs = []
    for lid, (h, w) in enumerate(spatial_shapes):
        v = value[:, int(starts[lid]):int(starts[lid + 1])]
        v = v.reshape(B, h, w, N_HEADS, C_head).transpose(0, 3, 4, 1, 2).reshape(B * N_HEADS, C_head, h, w)
        g = grids[:, :, :, lid].transpose(0, 2, 1, 3, 4).reshape(B * N_HEADS, Q, N_POINTS, 2)
        a = attn[:, :, :, lid].transpose(0, 2, 1, 3).reshape(B * N_HEADS, Q, N_POINTS)
        sv = grid_sample_bilinear(v, g)        # [B*H, C, Q, P]
        sv = sv.transpose(0, 2, 1, 3)          # [B*H, Q, C, P]
        outs.append((sv * a[:, :, None, :]).sum(axis=-1))
    out = jnp.stack(outs, axis=-2).sum(axis=2)  # [B*H, Q, C]
    out = out.reshape(B, N_HEADS, Q, C_head).transpose(0, 2, 1, 3).reshape(B, Q, D_MODEL)
    return out @ Wout + bout


def setup_inputs(seed: int = 0) -> dict:
    key = jax.random.key(seed)
    ks = jax.random.split(key, 10)
    B, Q = 4, 1024
    num_keys = sum(h * w for (h, w) in SPATIAL_SHAPES)  # 5440
    dm = D_MODEL
    n_off = N_HEADS * N_LEVELS * N_POINTS * 2
    n_attn = N_HEADS * N_LEVELS * N_POINTS
    return {
        'query': jax.random.normal(ks[0], (B, Q, dm), dtype=jnp.float32),
        'reference_points': jax.random.uniform(ks[1], (B, Q, N_LEVELS, 2), dtype=jnp.float32),
        'input_flatten': jax.random.normal(ks[2], (B, num_keys, dm), dtype=jnp.float32),
        'Wv': jax.random.normal(ks[3], (dm, dm), dtype=jnp.float32) * 0.02,
        'bv': jnp.zeros((dm,), dtype=jnp.float32),
        'Woff': jax.random.normal(ks[4], (dm, n_off), dtype=jnp.float32) * 0.02,
        'boff': jax.random.normal(ks[5], (n_off,), dtype=jnp.float32) * 0.5,
        'Wa': jax.random.normal(ks[6], (dm, n_attn), dtype=jnp.float32) * 0.02,
        'ba': jnp.zeros((n_attn,), dtype=jnp.float32),
        'Wout': jax.random.normal(ks[7], (dm, dm), dtype=jnp.float32) * 0.02,
        'bout': jnp.zeros((dm,), dtype=jnp.float32),
    }


def reference(query, reference_points, input_flatten, Wv, bv, Woff, boff, Wa, ba, Wout, bout):
    return _forward(query, reference_points, input_flatten, Wv, bv, Woff, boff, Wa, ba, Wout, bout, SPATIAL_SHAPES)

if __name__ == "__main__":
    import jax
    _d = setup_inputs()
    print(jax.jit(kernel)(*tuple(_d.values())))

</pallas_src>

<mosaic_0001>
#map = affine_map<(d0, d1) -> (0, 0)>
#map1 = affine_map<(d0, d1) -> (0)>
module attributes {stable_mosaic.version = 14 : i64} {
  func.func @_sc_body(%arg0: i32, %arg1: i32, %arg2: memref<174080x32xbf16, #tpu.memory_space<hbm>>, %arg3: memref<4096x128xi32, #tpu.memory_space<hbm>>, %arg4: memref<4096x128xi32, #tpu.memory_space<hbm>>, %arg5: memref<4096x128xi32, #tpu.memory_space<hbm>>, %arg6: memref<4096x128xi32, #tpu.memory_space<hbm>>, %arg7: memref<524288xf32, #tpu.memory_space<hbm>>, %arg8: memref<524288xf32, #tpu.memory_space<hbm>>, %arg9: memref<524288xf32, #tpu.memory_space<hbm>>, %arg10: memref<524288xf32, #tpu.memory_space<hbm>>, %arg11: memref<4096x256xf32, #tpu.memory_space<hbm>>, %arg12: memref<32x128xi32, #tpu.memory_space<vmem>>, %arg13: memref<32x128xi32, #tpu.memory_space<vmem>>, %arg14: memref<32x128xi32, #tpu.memory_space<vmem>>, %arg15: memref<32x128xi32, #tpu.memory_space<vmem>>, %arg16: memref<4096xf32, #tpu.memory_space<vmem>>, %arg17: memref<4096xf32, #tpu.memory_space<vmem>>, %arg18: memref<4096xf32, #tpu.memory_space<vmem>>, %arg19: memref<4096xf32, #tpu.memory_space<vmem>>, %arg20: memref<512x32xbf16, #tpu.memory_space<vmem>>, %arg21: memref<512x32xbf16, #tpu.memory_space<vmem>>, %arg22: memref<512x32xbf16, #tpu.memory_space<vmem>>, %arg23: memref<512x32xbf16, #tpu.memory_space<vmem>>, %arg24: memref<512x32xbf16, #tpu.memory_space<vmem>>, %arg25: memref<512x32xbf16, #tpu.memory_space<vmem>>, %arg26: memref<512x32xbf16, #tpu.memory_space<vmem>>, %arg27: memref<512x32xbf16, #tpu.memory_space<vmem>>, %arg28: memref<32x256xf32, #tpu.memory_space<vmem>>, %arg29: memref<!tpu.dma_semaphore, #tpu.memory_space<semaphore_mem>>, %arg30: memref<!tpu.dma_semaphore, #tpu.memory_space<semaphore_mem>>, %arg31: memref<!tpu.dma_semaphore, #tpu.memory_space<semaphore_mem>>) attributes {dimension_semantics = [#tpu.dimension_semantics<core_parallel>, #tpu.dimension_semantics<subcore_parallel>], iteration_bounds = array<i64: 2, 16>, scalar_prefetch = 0 : i64, scratch_operands = 20 : i64, tpu.core_type = #tpu.core_type<sc_vector_subcore>, window_params = [{transform_indices = #map}, {transform_indices = #map}, {transform_indices = #map}, {transform_indices = #map}, {transform_indices = #map}, {transform_indices = #map1}, {transform_indices = #map1}, {transform_indices = #map1}, {transform_indices = #map1}, {transform_indices = #map}]} {
    %mul3A = arith.constant 2 : i32
    %mul3A_0 = arith.muli %arg1, %mul3A : i32
    %add3A = arith.addi %mul3A_0, %arg0 : i32
    %scan3A = arith.constant 0 : i32
    %scan3A_1 = arith.constant 0 : i32
    %scan3A_2 = arith.constant 4 : i32
    %scan3A_3 = arith.addi %scan3A_1, %scan3A_2 : i32
    %scan3A_4 = arith.constant 1 : i32
    scf.for %scan3A_6 = %scan3A_1 to %scan3A_3 step %scan3A_4  : i32 {
      %mul3A_7 = arith.constant 128 : i32
      %mul3A_8 = arith.muli %add3A, %mul3A_7 : i32
      %mul3A_9 = arith.constant 32 : i32
      %mul3A_10 = arith.muli %scan3A_6, %mul3A_9 : i32
      %add3A_11 = arith.addi %mul3A_8, %mul3A_10 : i32
      %dma_start3A = arith.constant 0 : i32
      %dma_start3A_12 = tpu.memref_slice %arg3[%add3A_11, %dma_start3A] : memref<4096x128xi32, #tpu.memory_space<hbm>> -> memref<32x128xi32, #tpu.memory_space<hbm>>
      %dma_start3A_13 = arith.constant 0 : i32
      %dma_start3A_14 = tpu.memref_slice %arg3[%add3A_11, %dma_start3A_13] : memref<4096x128xi32, #tpu.memory_space<hbm>> -> memref<32x128xi32, #tpu.memory_space<hbm>>
      tpu.enqueue_dma source(%dma_start3A_14 : memref<32x128xi32, #tpu.memory_space<hbm>>) target(%arg12 : memref<32x128xi32, #tpu.memory_space<vmem>>) target_semaphore(%arg29 : memref<!tpu.dma_semaphore, #tpu.memory_space<semaphore_mem>>)
      %mul3A_15 = arith.constant 128 : i32
      %mul3A_16 = arith.muli %add3A_11, %mul3A_15 : i32
      %dma_start3A_17 = tpu.memref_slice %arg7[%mul3A_16] : memref<524288xf32, #tpu.memory_space<hbm>> -> memref<4096xf32, #tpu.memory_space<hbm>>
      %dma_start3A_18 = tpu.memref_slice %arg7[%mul3A_16] : memref<524288xf32, #tpu.memory_space<hbm>> -> memref<4096xf32, #tpu.memory_space<hbm>>
      tpu.enqueue_dma source(%dma_start3A_18 : memref<4096xf32, #tpu.memory_space<hbm>>) target(%arg16 : memref<4096xf32, #tpu.memory_space<vmem>>) target_semaphore(%arg29 : memref<!tpu.dma_semaphore, #tpu.memory_space<semaphore_mem>>)
      %dma_start3A_19 = arith.constant 0 : i32
      %dma_start3A_20 = tpu.memref_slice %arg4[%add3A_11, %dma_start3A_19] : memref<4096x128xi32, #tpu.memory_space<hbm>> -> memref<32x128xi32, #tpu.memory_space<hbm>>
      %dma_start3A_21 = arith.constant 0 : i32
      %dma_start3A_22 = tpu.memref_slice %arg4[%add3A_11, %dma_start3A_21] : memref<4096x128xi32, #tpu.memory_space<hbm>> -> memref<32x128xi32, #tpu.memory_space<hbm>>
      tpu.enqueue_dma source(%dma_start3A_22 : memref<32x128xi32, #tpu.memory_space<hbm>>) target(%arg13 : memref<32x128xi32, #tpu.memory_space<vmem>>) target_semaphore(%arg29 : memref<!tpu.dma_semaphore, #tpu.memory_space<semaphore_mem>>)
      %mul3A_23 = arith.constant 128 : i32
      %mul3A_24 = arith.muli %add3A_11, %mul3A_23 : i32
      %dma_start3A_25 = tpu.memref_slice %arg8[%mul3A_24] : memref<524288xf32, #tpu.memory_space<hbm>> -> memref<4096xf32, #tpu.memory_space<hbm>>
      %dma_start3A_26 = tpu.memref_slice %arg8[%mul3A_24] : memref<524288xf32, #tpu.memory_space<hbm>> -> memref<4096xf32, #tpu.memory_space<hbm>>
      tpu.enqueue_dma source(%dma_start3A_26 : memref<4096xf32, #tpu.memory_space<hbm>>) target(%arg17 : memref<4096xf32, #tpu.memory_space<vmem>>) target_semaphore(%arg29 : memref<!tpu.dma_semaphore, #tpu.memory_space<semaphore_mem>>)
      %dma_start3A_27 = arith.constant 0 : i32
      %dma_start3A_28 = tpu.memref_slice %arg5[%add3A_11, %dma_start3A_27] : memref<4096x128xi32, #tpu.memory_space<hbm>> -> memref<32x128xi32, #tpu.memory_space<hbm>>
      %dma_start3A_29 = arith.constant 0 : i32
      %dma_start3A_30 = tpu.memref_slice %arg5[%add3A_11, %dma_start3A_29] : memref<4096x128xi32, #tpu.memory_space<hbm>> -> memref<32x128xi32, #tpu.memory_space<hbm>>
      tpu.enqueue_dma source(%dma_start3A_30 : memref<32x128xi32, #tpu.memory_space<hbm>>) target(%arg14 : memref<32x128xi32, #tpu.memory_space<vmem>>) target_semaphore(%arg29 : memref<!tpu.dma_semaphore, #tpu.memory_space<semaphore_mem>>)
      %mul3A_31 = arith.constant 128 : i32
      %mul3A_32 = arith.muli %add3A_11, %mul3A_31 : i32
      %dma_start3A_33 = tpu.memref_slice %arg9[%mul3A_32] : memref<524288xf32, #tpu.memory_space<hbm>> -> memref<4096xf32, #tpu.memory_space<hbm>>
      %dma_start3A_34 = tpu.memref_slice %arg9[%mul3A_32] : memref<524288xf32, #tpu.memory_space<hbm>> -> memref<4096xf32, #tpu.memory_space<hbm>>
      tpu.enqueue_dma source(%dma_start3A_34 : memref<4096xf32, #tpu.memory_space<hbm>>) target(%arg18 : memref<4096xf32, #tpu.memory_space<vmem>>) target_semaphore(%arg29 : memref<!tpu.dma_semaphore, #tpu.memory_space<semaphore_mem>>)
      %dma_start3A_35 = arith.constant 0 : i32
      %dma_start3A_36 = tpu.memref_slice %arg6[%add3A_11, %dma_start3A_35] : memref<4096x128xi32, #tpu.memory_space<hbm>> -> memref<32x128xi32, #tpu.memory_space<hbm>>
      %dma_start3A_37 = arith.constant 0 : i32
      %dma_start3A_38 = tpu.memref_slice %arg6[%add3A_11, %dma_start3A_37] : memref<4096x128xi32, #tpu.memory_space<hbm>> -> memref<32x128xi32, #tpu.memory_space<hbm>>
      tpu.enqueue_dma source(%dma_start3A_38 : memref<32x128xi32, #tpu.memory_space<hbm>>) target(%arg15 : memref<32x128xi32, #tpu.memory_space<vmem>>) target_semaphore(%arg29 : memref<!tpu.dma_semaphore, #tpu.memory_space<semaphore_mem>>)
      %mul3A_39 = arith.constant 128 : i32
      %mul3A_40 = arith.muli %add3A_11, %mul3A_39 : i32
      %dma_start3A_41 = tpu.memref_slice %arg10[%mul3A_40] : memref<524288xf32, #tpu.memory_space<hbm>> -> memref<4096xf32, #tpu.memory_space<hbm>>
      %dma_start3A_42 = tpu.memref_slice %arg10[%mul3A_40] : memref<524288xf32, #tpu.memory_space<hbm>> -> memref<4096xf32, #tpu.memory_space<hbm>>
      tpu.enqueue_dma source(%dma_start3A_42 : memref<4096xf32, #tpu.memory_space<hbm>>) target(%arg19 : memref<4096xf32, #tpu.memory_space<vmem>>) target_semaphore(%arg29 : memref<!tpu.dma_semaphore, #tpu.memory_space<semaphore_mem>>)
      %dma_wait3A = arith.constant 0 : i32
      %dma_wait3A_43 = tpu.memref_slice %arg3[%add3A_11, %dma_wait3A] : memref<4096x128xi32, #tpu.memory_space<hbm>> -> memref<32x128xi32, #tpu.memory_space<hbm>>
      %dma_wait3A_44 = arith.constant 0 : i32
      %dma_wait3A_45 = tpu.memref_slice %arg3[%add3A_11, %dma_wait3A_44] : memref<4096x128xi32, #tpu.memory_space<hbm>> -> memref<32x128xi32, #tpu.memory_space<hbm>>
      tpu.wait_dma2 semaphore(%arg29 : memref<!tpu.dma_semaphore, #tpu.memory_space<semaphore_mem>>) src(%dma_wait3A_45 : memref<32x128xi32, #tpu.memory_space<hbm>>) dst(%arg12 : memref<32x128xi32, #tpu.memory_space<vmem>>)
      %dma_wait3A_46 = tpu.memref_slice %arg7[%mul3A_16] : memref<524288xf32, #tpu.memory_space<hbm>> -> memref<4096xf32, #tpu.memory_space<hbm>>
      %dma_wait3A_47 = tpu.memref_slice %arg7[%mul3A_16] : memref<524288xf32, #tpu.memory_space<hbm>> -> memref<4096xf32, #tpu.memory_space<hbm>>
      tpu.wait_dma2 semaphore(%arg29 : memref<!tpu.dma_semaphore, #tpu.memory_space<semaphore_mem>>) src(%dma_wait3A_47 : memref<4096xf32, #tpu.memory_space<hbm>>) dst(%arg16 : memref<4096xf32, #tpu.memory_space<vmem>>)
      %dma_wait3A_48 = arith.constant 0 : i32
      %dma_wait3A_49 = tpu.memref_slice %arg4[%add3A_11, %dma_wait3A_48] : memref<4096x128xi32, #tpu.memory_space<hbm>> -> memref<32x128xi32, #tpu.memory_space<hbm>>
      %dma_wait3A_50 = arith.constant 0 : i32
      %dma_wait3A_51 = tpu.memref_slice %arg4[%add3A_11, %dma_wait3A_50] : memref<4096x128xi32, #tpu.memory_space<hbm>> -> memref<32x128xi32, #tpu.memory_space<hbm>>
      tpu.wait_dma2 semaphore(%arg29 : memref<!tpu.dma_semaphore, #tpu.memory_space<semaphore_mem>>) src(%dma_wait3A_51 : memref<32x128xi32, #tpu.memory_space<hbm>>) dst(%arg13 : memref<32x128xi32, #tpu.memory_space<vmem>>)
      %dma_wait3A_52 = tpu.memref_slice %arg8[%mul3A_24] : memref<524288xf32, #tpu.memory_space<hbm>> -> memref<4096xf32, #tpu.memory_space<hbm>>
      %dma_wait3A_53 = tpu.memref_slice %arg8[%mul3A_24] : memref<524288xf32, #tpu.memory_space<hbm>> -> memref<4096xf32, #tpu.memory_space<hbm>>
      tpu.wait_dma2 semaphore(%arg29 : memref<!tpu.dma_semaphore, #tpu.memory_space<semaphore_mem>>) src(%dma_wait3A_53 : memref<4096xf32, #tpu.memory_space<hbm>>) dst(%arg17 : memref<4096xf32, #tpu.memory_space<vmem>>)
      %dma_wait3A_54 = arith.constant 0 : i32
      %dma_wait3A_55 = tpu.memref_slice %arg5[%add3A_11, %dma_wait3A_54] : memref<4096x128xi32, #tpu.memory_space<hbm>> -> memref<32x128xi32, #tpu.memory_space<hbm>>
      %dma_wait3A_56 = arith.constant 0 : i32
      %dma_wait3A_57 = tpu.memref_slice %arg5[%add3A_11, %dma_wait3A_56] : memref<4096x128xi32, #tpu.memory_space<hbm>> -> memref<32x128xi32, #tpu.memory_space<hbm>>
      tpu.wait_dma2 semaphore(%arg29 : memref<!tpu.dma_semaphore, #tpu.memory_space<semaphore_mem>>) src(%dma_wait3A_57 : memref<32x128xi32, #tpu.memory_space<hbm>>) dst(%arg14 : memref<32x128xi32, #tpu.memory_space<vmem>>)
      %dma_wait3A_58 = tpu.memref_slice %arg9[%mul3A_32] : memref<524288xf32, #tpu.memory_space<hbm>> -> memref<4096xf32, #tpu.memory_space<hbm>>
      %dma_wait3A_59 = tpu.memref_slice %arg9[%mul3A_32] : memref<524288xf32, #tpu.memory_space<hbm>> -> memref<4096xf32, #tpu.memory_space<hbm>>
      tpu.wait_dma2 semaphore(%arg29 : memref<!tpu.dma_semaphore, #tpu.memory_space<semaphore_mem>>) src(%dma_wait3A_59 : memref<4096xf32, #tpu.memory_space<hbm>>) dst(%arg18 : memref<4096xf32, #tpu.memory_space<vmem>>)
      %dma_wait3A_60 = arith.constant 0 : i32
      %dma_wait3A_61 = tpu.memref_slice %arg6[%add3A_11, %dma_wait3A_60] : memref<4096x128xi32, #tpu.memory_space<hbm>> -> memref<32x128xi32, #tpu.memory_space<hbm>>
      %dma_wait3A_62 = arith.constant 0 : i32
      %dma_wait3A_63 = tpu.memref_slice %arg6[%add3A_11, %dma_wait3A_62] : memref<4096x128xi32, #tpu.memory_space<hbm>> -> memref<32x128xi32, #tpu.memory_space<hbm>>
      tpu.wait_dma2 semaphore(%arg29 : memref<!tpu.dma_semaphore, #tpu.memory_space<semaphore_mem>>) src(%dma_wait3A_63 : memref<32x128xi32, #tpu.memory_space<hbm>>) dst(%arg15 : memref<32x128xi32, #tpu.memory_space<vmem>>)
      %dma_wait3A_64 = tpu.memref_slice %arg10[%mul3A_40] : memref<524288xf32, #tpu.memory_space<hbm>> -> memref<4096xf32, #tpu.memory_space<hbm>>
      %dma_wait3A_65 = tpu.memref_slice %arg10[%mul3A_40] : memref<524288xf32, #tpu.memory_space<hbm>> -> memref<4096xf32, #tpu.memory_space<hbm>>
      tpu.wait_dma2 semaphore(%arg29 : memref<!tpu.dma_semaphore, #tpu.memory_space<semaphore_mem>>) src(%dma_wait3A_65 : memref<4096xf32, #tpu.memory_space<hbm>>) dst(%arg19 : memref<4096xf32, #tpu.memory_space<vmem>>)
      %dma_start3A_66 = arith.constant 0 : i32
      %dma_start3A_67 = arith.constant 0 : i32
      %dma_start3A_68 = arith.constant 0 : i32
      %dma_start3A_69 = tpu.memref_slice %arg20[%dma_start3A_67, %dma_start3A_68] : memref<512x32xbf16, #tpu.memory_space<vmem>> -> memref<128x32xbf16, #tpu.memory_space<vmem>>
      %dma_start3A_70 = arith.constant 0 : i32
      %dma_start3A_71 = tpu.memref_slice %arg12[%dma_start3A_66, %dma_start3A_70] : memref<32x128xi32, #tpu.memory_space<vmem>> -> memref<1x128xi32, #tpu.memory_space<vmem>>
      %dma_start3A_72 = tpu.memref_squeeze %dma_start3A_71 : memref<1x128xi32, #tpu.memory_space<vmem>> -> memref<128xi32, #tpu.memory_space<vmem>>
      %dma_start3A_73 = arith.constant 0 : i32
      %dma_start3A_74 = arith.constant 0 : i32
      %dma_start3A_75 = tpu.memref_slice %arg2[%dma_start3A_73, %dma_start3A_74] : memref<174080x32xbf16, #tpu.memory_space<hbm>> -> memref<174080x32xbf16, #tpu.memory_space<hbm>>
      tpu.enqueue_indirect_dma source(%dma_start3A_75 : memref<174080x32xbf16, #tpu.memory_space<hbm>>) target(%dma_start3A_69 : memref<128x32xbf16, #tpu.memory_space<vmem>>) offsets(%dma_start3A_72 : memref<128xi32, #tpu.memory_space<vmem>>) semaphore(%arg30 : memref<!tpu.dma_semaphore, #tpu.memory_space<semaphore_mem>>)
      %dma_start3A_76 = arith.constant 1 : i32
      %dma_start3A_77 = arith.constant 128 : i32
      %dma_start3A_78 = arith.constant 0 : i32
      %dma_start3A_79 = tpu.memref_slice %arg20[%dma_start3A_77, %dma_start3A_78] : memref<512x32xbf16, #tpu.memory_space<vmem>> -> memref<128x32xbf16, #tpu.memory_space<vmem>>
      %dma_start3A_80 = arith.constant 0 : i32
      %dma_start3A_81 = tpu.memref_slice %arg12[%dma_start3A_76, %dma_start3A_80] : memref<32x128xi32, #tpu.memory_space<vmem>> -> memref<1x128xi32, #tpu.memory_space<vmem>>
      %dma_start3A_82 = tpu.memref_squeeze %dma_start3A_81 : memref<1x128xi32, #tpu.memory_space<vmem>> -> memref<128xi32, #tpu.memory_space<vmem>>
      %dma_start3A_83 = arith.constant 0 : i32
      %dma_start3A_84 = arith.constant 0 : i32
      %dma_start3A_85 = tpu.memref_slice %arg2[%dma_start3A_83, %dma_start3A_84] : memref<174080x32xbf16, #tpu.memory_space<hbm>> -> memref<174080x32xbf16, #tpu.memory_space<hbm>>
      tpu.enqueue_indirect_dma source(%dma_start3A_85 : memref<174080x32xbf16, #tpu.memory_space<hbm>>) target(%dma_start3A_79 : memref<128x32xbf16, #tpu.memory_space<vmem>>) offsets(%dma_start3A_82 : memref<128xi32, #tpu.memory_space<vmem>>) semaphore(%arg30 : memref<!tpu.dma_semaphore, #tpu.memory_space<semaphore_mem>>)
      %dma_start3A_86 = arith.constant 2 : i32
      %dma_start3A_87 = arith.constant 256 : i32
      %dma_start3A_88 = arith.constant 0 : i32
      %dma_start3A_89 = tpu.memref_slice %arg20[%dma_start3A_87, %dma_start3A_88] : memref<512x32xbf16, #tpu.memory_space<vmem>> -> memref<128x32xbf16, #tpu.memory_space<vmem>>
      %dma_start3A_90 = arith.constant 0 : i32
      %dma_start3A_91 = tpu.memref_slice %arg12[%dma_start3A_86, %dma_start3A_90] : memref<32x128xi32, #tpu.memory_space<vmem>> -> memref<1x128xi32, #tpu.memory_space<vmem>>
      %dma_start3A_92 = tpu.memref_squeeze %dma_start3A_91 : memref<1x128xi32, #tpu.memory_space<vmem>> -> memref<128xi32, #tpu.memory_space<vmem>>
      %dma_start3A_93 = arith.constant 0 : i32
      %dma_start3A_94 = arith.constant 0 : i32
      %dma_start3A_95 = tpu.memref_slice %arg2[%dma_start3A_93, %dma_start3A_94] : memref<174080x32xbf16, #tpu.memory_space<hbm>> -> memref<174080x32xbf16, #tpu.memory_space<hbm>>
      tpu.enqueue_indirect_dma source(%dma_start3A_95 : memref<174080x32xbf16, #tpu.memory_space<hbm>>) target(%dma_start3A_89 : memref<128x32xbf16, #tpu.memory_space<vmem>>) offsets(%dma_start3A_92 : memref<128xi32, #tpu.memory_space<vmem>>) semaphore(%arg30 : memref<!tpu.dma_semaphore, #tpu.memory_space<semaphore_mem>>)
      %dma_start3A_96 = arith.constant 3 : i32
      %dma_start3A_97 = arith.constant 384 : i32
      %dma_start3A_98 = arith.constant 0 : i32
      %dma_start3A_99 = tpu.memref_slice %arg20[%dma_start3A_97, %dma_start3A_98] : memref<512x32xbf16, #tpu.memory_space<vmem>> -> memref<128x32xbf16, #tpu.memory_space<vmem>>
      %dma_start3A_100 = arith.constant 0 : i32
      %dma_start3A_101 = tpu.memref_slice %arg12[%dma_start3A_96, %dma_start3A_100] : memref<32x128xi32, #tpu.memory_space<vmem>> -> memref<1x128xi32, #tpu.memory_space<vmem>>
      %dma_start3A_102 = tpu.memref_squeeze %dma_start3A_101 : memref<1x128xi32, #tpu.memory_space<vmem>> -> memref<128xi32, #tpu.memory_space<vmem>>
      %dma_start3A_103 = arith.constant 0 : i32
      %dma_start3A_104 = arith.constant 0 : i32
      %dma_start3A_105 = tpu.memref_slice %arg2[%dma_start3A_103, %dma_start3A_104] : memref<174080x32xbf16, #tpu.memory_space<hbm>> -> memref<174080x32xbf16, #tpu.memory_space<hbm>>
      tpu.enqueue_indirect_dma source(%dma_start3A_105 : memref<174080x32xbf16, #tpu.memory_space<hbm>>) target(%dma_start3A_99 : memref<128x32xbf16, #tpu.memory_space<vmem>>) offsets(%dma_start3A_102 : memref<128xi32, #tpu.memory_space<vmem>>) semaphore(%arg30 : memref<!tpu.dma_semaphore, #tpu.memory_space<semaphore_mem>>)
      %dma_start3A_106 = arith.constant 0 : i32
      %dma_start3A_107 = arith.constant 0 : i32
      %dma_start3A_108 = arith.constant 0 : i32
      %dma_start3A_109 = tpu.memref_slice %arg21[%dma_start3A_107, %dma_start3A_108] : memref<512x32xbf16, #tpu.memory_space<vmem>> -> memref<128x32xbf16, #tpu.memory_space<vmem>>
      %dma_start3A_110 = arith.constant 0 : i32
      %dma_start3A_111 = tpu.memref_slice %arg13[%dma_start3A_106, %dma_start3A_110] : memref<32x128xi32, #tpu.memory_space<vmem>> -> memref<1x128xi32, #tpu.memory_space<vmem>>
      %dma_start3A_112 = tpu.memref_squeeze %dma_start3A_111 : memref<1x128xi32, #tpu.memory_space<vmem>> -> memref<128xi32, #tpu.memory_space<vmem>>
      %dma_start3A_113 = arith.constant 0 : i32
      %dma_start3A_114 = arith.constant 0 : i32
      %dma_start3A_115 = tpu.memref_slice %arg2[%dma_start3A_113, %dma_start3A_114] : memref<174080x32xbf16, #tpu.memory_space<hbm>> -> memref<174080x32xbf16, #tpu.memory_space<hbm>>
      tpu.enqueue_indirect_dma source(%dma_start3A_115 : memref<174080x32xbf16, #tpu.memory_space<hbm>>) target(%dma_start3A_109 : memref<128x32xbf16, #tpu.memory_space<vmem>>) offsets(%dma_start3A_112 : memref<128xi32, #tpu.memory_space<vmem>>) semaphore(%arg30 : memref<!tpu.dma_semaphore, #tpu.memory_space<semaphore_mem>>)
      %dma_start3A_116 = arith.constant 1 : i32
      %dma_start3A_117 = arith.constant 128 : i32
      %dma_start3A_118 = arith.constant 0 : i32
      %dma_start3A_119 = tpu.memref_slice %arg21[%dma_start3A_117, %dma_start3A_118] : memref<512x32xbf16, #tpu.memory_space<vmem>> -> memref<128x32xbf16, #tpu.memory_space<vmem>>
      %dma_start3A_120 = arith.constant 0 : i32
      %dma_start3A_121 = tpu.memref_slice %arg13[%dma_start3A_116, %dma_start3A_120] : memref<32x128xi32, #tpu.memory_space<vmem>> -> memref<1x128xi32, #tpu.memory_space<vmem>>
      %dma_start3A_122 = tpu.memref_squeeze %dma_start3A_121 : memref<1x128xi32, #tpu.memory_space<vmem>> -> memref<128xi32, #tpu.memory_space<vmem>>
      %dma_start3A_123 = arith.constant 0 : i32
      %dma_start3A_124 = arith.constant 0 : i32
      %dma_start3A_125 = tpu.memref_slice %arg2[%dma_start3A_123, %dma_start3A_124] : memref<174080x32xbf16, #tpu.memory_space<hbm>> -> memref<174080x32xbf16, #tpu.memory_space<hbm>>
      tpu.enqueue_indirect_dma source(%dma_start3A_125 : memref<174080x32xbf16, #tpu.memory_space<hbm>>) target(%dma_start3A_119 : memref<128x32xbf16, #tpu.memory_space<vmem>>) offsets(%dma_start3A_122 : memref<128xi32, #tpu.memory_space<vmem>>) semaphore(%arg30 : memref<!tpu.dma_semaphore, #tpu.memory_space<semaphore_mem>>)
      %dma_start3A_126 = arith.constant 2 : i32
      %dma_start3A_127 = arith.constant 256 : i32
      %dma_start3A_128 = arith.constant 0 : i32
      %dma_start3A_129 = tpu.memref_slice %arg21[%dma_start3A_127, %dma_start3A_128] : memref<512x32xbf16, #tpu.memory_space<vmem>> -> memref<128x32xbf16, #tpu.memory_space<vmem>>
      %dma_start3A_130 = arith.constant 0 : i32
      %dma_start3A_131 = tpu.memref_slice %arg13[%dma_start3A_126, %dma_start3A_130] : memref<32x128xi32, #tpu.memory_space<vmem>> -> memref<1x128xi32, #tpu.memory_space<vmem>>
      %dma_start3A_132 = tpu.memref_squeeze %dma_start3A_131 : memref<1x128xi32, #tpu.memory_space<vmem>> -> memref<128xi32, #tpu.memory_space<vmem>>
      %dma_start3A_133 = arith.constant 0 : i32
      %dma_start3A_134 = arith.constant 0 : i32
      %dma_start3A_135 = tpu.memref_slice %arg2[%dma_start3A_133, %dma_start3A_134] : memref<174080x32xbf16, #tpu.memory_space<hbm>> -> memref<174080x32xbf16, #tpu.memory_space<hbm>>
      tpu.enqueue_indirect_dma source(%dma_start3A_135 : memref<174080x32xbf16, #tpu.memory_space<hbm>>) target(%dma_start3A_129 : memref<128x32xbf16, #tpu.memory_space<vmem>>) offsets(%dma_start3A_132 : memref<128xi32, #tpu.memory_space<vmem>>) semaphore(%arg30 : memref<!tpu.dma_semaphore, #tpu.memory_space<semaphore_mem>>)
      %dma_start3A_136 = arith.constant 3 : i32
      %dma_start3A_137 = arith.constant 384 : i32
      %dma_start3A_138 = arith.constant 0 : i32
      %dma_start3A_139 = tpu.memref_slice %arg21[%dma_start3A_137, %dma_start3A_138] : memref<512x32xbf16, #tpu.memory_space<vmem>> -> memref<128x32xbf16, #tpu.memory_space<vmem>>
      %dma_start3A_140 = arith.constant 0 : i32
      %dma_start3A_141 = tpu.memref_slice %arg13[%dma_start3A_136, %dma_start3A_140] : memref<32x128xi32, #tpu.memory_space<vmem>> -> memref<1x128xi32, #tpu.memory_space<vmem>>
      %dma_start3A_142 = tpu.memref_squeeze %dma_start3A_141 : memref<1x128xi32, #tpu.memory_space<vmem>> -> memref<128xi32, #tpu.memory_space<vmem>>
      %dma_start3A_143 = arith.constant 0 : i32
      %dma_start3A_144 = arith.constant 0 : i32
      %dma_start3A_145 = tpu.memref_slice %arg2[%dma_start3A_143, %dma_start3A_144] : memref<174080x32xbf16, #tpu.memory_space<hbm>> -> memref<174080x32xbf16, #tpu.memory_space<hbm>>
      tpu.enqueue_indirect_dma source(%dma_start3A_145 : memref<174080x32xbf16, #tpu.memory_space<hbm>>) target(%dma_start3A_139 : memref<128x32xbf16, #tpu.memory_space<vmem>>) offsets(%dma_start3A_142 : memref<128xi32, #tpu.memory_space<vmem>>) semaphore(%arg30 : memref<!tpu.dma_semaphore, #tpu.memory_space<semaphore_mem>>)
      %dma_start3A_146 = arith.constant 0 : i32
      %dma_start3A_147 = arith.constant 0 : i32
      %dma_start3A_148 = arith.constant 0 : i32
      %dma_start3A_149 = tpu.memref_slice %arg22[%dma_start3A_147, %dma_start3A_148] : memref<512x32xbf16, #tpu.memory_space<vmem>> -> memref<128x32xbf16, #tpu.memory_space<vmem>>
      %dma_start3A_150 = arith.constant 0 : i32
      %dma_start3A_151 = tpu.memref_slice %arg14[%dma_start3A_146, %dma_start3A_150] : memref<32x128xi32, #tpu.memory_space<vmem>> -> memref<1x128xi32, #tpu.memory_space<vmem>>
      %dma_start3A_152 = tpu.memref_squeeze %dma_start3A_151 : memref<1x128xi32, #tpu.memory_space<vmem>> -> memref<128xi32, #tpu.memory_space<vmem>>
      %dma_start3A_153 = arith.constant 0 : i32
      %dma_start3A_154 = arith.constant 0 : i32
      %dma_start3A_155 = tpu.memref_slice %arg2[%dma_start3A_153, %dma_start3A_154] : memref<174080x32xbf16, #tpu.memory_space<hbm>> -> memref<174080x32xbf16, #tpu.memory_space<hbm>>
      tpu.enqueue_indirect_dma source(%dma_start3A_155 : memref<174080x32xbf16, #tpu.memory_space<hbm>>) target(%dma_start3A_149 : memref<128x32xbf16, #tpu.memory_space<vmem>>) offsets(%dma_start3A_152 : memref<128xi32, #tpu.memory_space<vmem>>) semaphore(%arg30 : memref<!tpu.dma_semaphore, #tpu.memory_space<semaphore_mem>>)
      %dma_start3A_156 = arith.constant 1 : i32
      %dma_start3A_157 = arith.constant 128 : i32
      %dma_start3A_158 = arith.constant 0 : i32
      %dma_start3A_159 = tpu.memref_slice %arg22[%dma_start3A_157, %dma_start3A_158] : memref<512x32xbf16, #tpu.memory_space<vmem>> -> memref<128x32xbf16, #tpu.memory_space<vmem>>
      %dma_start3A_160 = arith.constant 0 : i32
      %dma_start3A_161 = tpu.memref_slice %arg14[%dma_start3A_156, %dma_start3A_160] : memref<32x128xi32, #tpu.memory_space<vmem>> -> memref<1x128xi32, #tpu.memory_space<vmem>>
      %dma_start3A_162 = tpu.memref_squeeze %dma_start3A_161 : memref<1x128xi32, #tpu.memory_space<vmem>> -> memref<128xi32, #tpu.memory_space<vmem>>
      %dma_start3A_163 = arith.constant 0 : i32
      %dma_start3A_164 = arith.constant 0 : i32
      %dma_start3A_165 = tpu.memref_slice %arg2[%dma_start3A_163, %dma_start3A_164] : memref<174080x32xbf16, #tpu.memory_space<hbm>> -> memref<174080x32xbf16, #tpu.memory_space<hbm>>
      tpu.enqueue_indirect_dma source(%dma_start3A_165 : memref<174080x32xbf16, #tpu.memory_space<hbm>>) target(%dma_start3A_159 : memref<128x32xbf16, #tpu.memory_space<vmem>>) offsets(%dma_start3A_162 : memref<128xi32, #tpu.memory_space<vmem>>) semaphore(%arg30 : memref<!tpu.dma_semaphore, #tpu.memory_space<semaphore_mem>>)
      %dma_start3A_166 = arith.constant 2 : i32
      %dma_start3A_167 = arith.constant 256 : i32
      %dma_start3A_168 = arith.constant 0 : i32
      %dma_start3A_169 = tpu.memref_slice %arg22[%dma_start3A_167, %dma_start3A_168] : memref<512x32xbf16, #tpu.memory_space<vmem>> -> memref<128x32xbf16, #tpu.memory_space<vmem>>
      %dma_start3A_170 = arith.constant 0 : i32
      %dma_start3A_171 = tpu.memref_slice %arg14[%dma_start3A_166, %dma_start3A_170] : memref<32x128xi32, #tpu.memory_space<vmem>> -> memref<1x128xi32, #tpu.memory_space<vmem>>
      %dma_start3A_172 = tpu.memref_squeeze %dma_start3A_171 : memref<1x128xi32, #tpu.memory_space<vmem>> -> memref<128xi32, #tpu.memory_space<vmem>>
      %dma_start3A_173 = arith.constant 0 : i32
      %dma_start3A_174 = arith.constant 0 : i32
      %dma_start3A_175 = tpu.memref_slice %arg2[%dma_start3A_173, %dma_start3A_174] : memref<174080x32xbf16, #tpu.memory_space<hbm>> -> memref<174080x32xbf16, #tpu.memory_space<hbm>>
      tpu.enqueue_indirect_dma source(%dma_start3A_175 : memref<174080x32xbf16, #tpu.memory_space<hbm>>) target(%dma_start3A_169 : memref<128x32xbf16, #tpu.memory_space<vmem>>) offsets(%dma_start3A_172 : memref<128xi32, #tpu.memory_space<vmem>>) semaphore(%arg30 : memref<!tpu.dma_semaphore, #tpu.memory_space<semaphore_mem>>)
      %dma_start3A_176 = arith.constant 3 : i32
      %dma_start3A_177 = arith.constant 384 : i32
      %dma_start3A_178 = arith.constant 0 : i32
      %dma_start3A_179 = tpu.memref_slice %arg22[%dma_start3A_177, %dma_start3A_178] : memref<512x32xbf16, #tpu.memory_space<vmem>> -> memref<128x32xbf16, #tpu.memory_space<vmem>>
      %dma_start3A_180 = arith.constant 0 : i32
      %dma_start3A_181 = tpu.memref_slice %arg14[%dma_start3A_176, %dma_start3A_180] : memref<32x128xi32, #tpu.memory_space<vmem>> -> memref<1x128xi32, #tpu.memory_space<vmem>>
      %dma_start3A_182 = tpu.memref_squeeze %dma_start3A_181 : memref<1x128xi32, #tpu.memory_space<vmem>> -> memref<128xi32, #tpu.memory_space<vmem>>
      %dma_start3A_183 = arith.constant 0 : i32
      %dma_start3A_184 = arith.constant 0 : i32
      %dma_start3A_185 = tpu.memref_slice %arg2[%dma_start3A_183, %dma_start3A_184] : memref<174080x32xbf16, #tpu.memory_space<hbm>> -> memref<174080x32xbf16, #tpu.memory_space<hbm>>
      tpu.enqueue_indirect_dma source(%dma_start3A_185 : memref<174080x32xbf16, #tpu.memory_space<hbm>>) target(%dma_start3A_179 : memref<128x32xbf16, #tpu.memory_space<vmem>>) offsets(%dma_start3A_182 : memref<128xi32, #tpu.memory_space<vmem>>) semaphore(%arg30 : memref<!tpu.dma_semaphore, #tpu.memory_space<semaphore_mem>>)
      %dma_start3A_186 = arith.constant 0 : i32
      %dma_start3A_187 = arith.constant 0 : i32
      %dma_start3A_188 = arith.constant 0 : i32
      %dma_start3A_189 = tpu.memref_slice %arg23[%dma_start3A_187, %dma_start3A_188] : memref<512x32xbf16, #tpu.memory_space<vmem>> -> memref<128x32xbf16, #tpu.memory_space<vmem>>
      %dma_start3A_190 = arith.constant 0 : i32
      %dma_start3A_191 = tpu.memref_slice %arg15[%dma_start3A_186, %dma_start3A_190] : memref<32x128xi32, #tpu.memory_space<vmem>> -> memref<1x128xi32, #tpu.memory_space<vmem>>
      %dma_start3A_192 = tpu.memref_squeeze %dma_start3A_191 : memref<1x128xi32, #tpu.memory_space<vmem>> -> memref<128xi32, #tpu.memory_space<vmem>>
      %dma_start3A_193 = arith.constant 0 : i32
      %dma_start3A_194 = arith.constant 0 : i32
      %dma_start3A_195 = tpu.memref_slice %arg2[%dma_start3A_193, %dma_start3A_194] : memref<174080x32xbf16, #tpu.memory_space<hbm>> -> memref<174080x32xbf16, #tpu.memory_space<hbm>>
      tpu.enqueue_indirect_dma source(%dma_start3A_195 : memref<174080x32xbf16, #tpu.memory_space<hbm>>) target(%dma_start3A_189 : memref<128x32xbf16, #tpu.memory_space<vmem>>) offsets(%dma_start3A_192 : memref<128xi32, #tpu.memory_space<vmem>>) semaphore(%arg30 : memref<!tpu.dma_semaphore, #tpu.memory_space<semaphore_mem>>)
      %dma_start3A_196 = arith.constant 1 : i32
      %dma_start3A_197 = arith.constant 128 : i32
      %dma_start3A_198 = arith.constant 0 : i32
      %dma_start3A_199 = tpu.memref_slice %arg23[%dma_start3A_197, %dma_start3A_198] : memref<512x32xbf16, #tpu.memory_space<vmem>> -> memref<128x32xbf16, #tpu.memory_space<vmem>>
      %dma_start3A_200 = arith.constant 0 : i32
      %dma_start3A_201 = tpu.memref_slice %arg15[%dma_start3A_196, %dma_start3A_200] : memref<32x128xi32, #tpu.memory_space<vmem>> -> memref<1x128xi32, #tpu.memory_space<vmem>>
      %dma_start3A_202 = tpu.memref_squeeze %dma_start3A_201 : memref<1x128xi32, #tpu.memory_space<vmem>> -> memref<128xi32, #tpu.memory_space<vmem>>
      %dma_start3A_203 = arith.constant 0 : i32
      %dma_start3A_204 = arith.constant 0 : i32
      %dma_start3A_205 = tpu.memref_slice %arg2[%dma_start3A_203, %dma_start3A_204] : memref<174080x32xbf16, #tpu.memory_space<hbm>> -> memref<174080x32xbf16, #tpu.memory_space<hbm>>
      tpu.enqueue_indirect_dma source(%dma_start3A_205 : memref<174080x32xbf16, #tpu.memory_space<hbm>>) target(%dma_start3A_199 : memref<128x32xbf16, #tpu.memory_space<vmem>>) offsets(%dma_start3A_202 : memref<128xi32, #tpu.memory_space<vmem>>) semaphore(%arg30 : memref<!tpu.dma_semaphore, #tpu.memory_space<semaphore_mem>>)
      %dma_start3A_206 = arith.constant 2 : i32
      %dma_start3A_207 = arith.constant 256 : i32
      %dma_start3A_208 = arith.constant 0 : i32
      %dma_start3A_209 = tpu.memref_slice %arg23[%dma_start3A_207, %dma_start3A_208] : memref<512x32xbf16, #tpu.memory_space<vmem>> -> memref<128x32xbf16, #tpu.memory_space<vmem>>
      %dma_start3A_210 = arith.constant 0 : i32
      %dma_start3A_211 = tpu.memref_slice %arg15[%dma_start3A_206, %dma_start3A_210] : memref<32x128xi32, #tpu.memory_space<vmem>> -> memref<1x128xi32, #tpu.memory_space<vmem>>
      %dma_start3A_212 = tpu.memref_squeeze %dma_start3A_211 : memref<1x128xi32, #tpu.memory_space<vmem>> -> memref<128xi32, #tpu.memory_space<vmem>>
      %dma_start3A_213 = arith.constant 0 : i32
      %dma_start3A_214 = arith.constant 0 : i32
      %dma_start3A_215 = tpu.memref_slice %arg2[%dma_start3A_213, %dma_start3A_214] : memref<174080x32xbf16, #tpu.memory_space<hbm>> -> memref<174080x32xbf16, #tpu.memory_space<hbm>>
      tpu.enqueue_indirect_dma source(%dma_start3A_215 : memref<174080x32xbf16, #tpu.memory_space<hbm>>) target(%dma_start3A_209 : memref<128x32xbf16, #tpu.memory_space<vmem>>) offsets(%dma_start3A_212 : memref<128xi32, #tpu.memory_space<vmem>>) semaphore(%arg30 : memref<!tpu.dma_semaphore, #tpu.memory_space<semaphore_mem>>)
      %dma_start3A_216 = arith.constant 3 : i32
      %dma_start3A_217 = arith.constant 384 : i32
      %dma_start3A_218 = arith.constant 0 : i32
      %dma_start3A_219 = tpu.memref_slice %arg23[%dma_start3A_217, %dma_start3A_218] : memref<512x32xbf16, #tpu.memory_space<vmem>> -> memref<128x32xbf16, #tpu.memory_space<vmem>>
      %dma_start3A_220 = arith.constant 0 : i32
      %dma_start3A_221 = tpu.memref_slice %arg15[%dma_start3A_216, %dma_start3A_220] : memref<32x128xi32, #tpu.memory_space<vmem>> -> memref<1x128xi32, #tpu.memory_space<vmem>>
      %dma_start3A_222 = tpu.memref_squeeze %dma_start3A_221 : memref<1x128xi32, #tpu.memory_space<vmem>> -> memref<128xi32, #tpu.memory_space<vmem>>
      %dma_start3A_223 = arith.constant 0 : i32
      %dma_start3A_224 = arith.constant 0 : i32
      %dma_start3A_225 = tpu.memref_slice %arg2[%dma_start3A_223, %dma_start3A_224] : memref<174080x32xbf16, #tpu.memory_space<hbm>> -> memref<174080x32xbf16, #tpu.memory_space<hbm>>
      tpu.enqueue_indirect_dma source(%dma_start3A_225 : memref<174080x32xbf16, #tpu.memory_space<hbm>>) target(%dma_start3A_219 : memref<128x32xbf16, #tpu.memory_space<vmem>>) offsets(%dma_start3A_222 : memref<128xi32, #tpu.memory_space<vmem>>) semaphore(%arg30 : memref<!tpu.dma_semaphore, #tpu.memory_space<semaphore_mem>>)
      %dma_start3A_226 = arith.constant 4 : i32
      %dma_start3A_227 = arith.constant 0 : i32
      %dma_start3A_228 = arith.constant 0 : i32
      %dma_start3A_229 = tpu.memref_slice %arg24[%dma_start3A_227, %dma_start3A_228] : memref<512x32xbf16, #tpu.memory_space<vmem>> -> memref<128x32xbf16, #tpu.memory_space<vmem>>
      %dma_start3A_230 = arith.constant 0 : i32
      %dma_start3A_231 = tpu.memref_slice %arg12[%dma_start3A_226, %dma_start3A_230] : memref<32x128xi32, #tpu.memory_space<vmem>> -> memref<1x128xi32, #tpu.memory_space<vmem>>
      %dma_start3A_232 = tpu.memref_squeeze %dma_start3A_231 : memref<1x128xi32, #tpu.memory_space<vmem>> -> memref<128xi32, #tpu.memory_space<vmem>>
      %dma_start3A_233 = arith.constant 0 : i32
      %dma_start3A_234 = arith.constant 0 : i32
      %dma_start3A_235 = tpu.memref_slice %arg2[%dma_start3A_233, %dma_start3A_234] : memref<174080x32xbf16, #tpu.memory_space<hbm>> -> memref<174080x32xbf16, #tpu.memory_space<hbm>>
      tpu.enqueue_indirect_dma source(%dma_start3A_235 : memref<174080x32xbf16, #tpu.memory_space<hbm>>) target(%dma_start3A_229 : memref<128x32xbf16, #tpu.memory_space<vmem>>) offsets(%dma_start3A_232 : memref<128xi32, #tpu.memory_space<vmem>>) semaphore(%arg31 : memref<!tpu.dma_semaphore, #tpu.memory_space<semaphore_mem>>)
      %dma_start3A_236 = arith.constant 5 : i32
      %dma_start3A_237 = arith.constant 128 : i32
      %dma_start3A_238 = arith.constant 0 : i32
      %dma_start3A_239 = tpu.memref_slice %arg24[%dma_start3A_237, %dma_start3A_238] : memref<512x32xbf16, #tpu.memory_space<vmem>> -> memref<128x32xbf16, #tpu.memory_space<vmem>>
      %dma_start3A_240 = arith.constant 0 : i32
      %dma_start3A_241 = tpu.memref_slice %arg12[%dma_start3A_236, %dma_start3A_240] : memref<32x128xi32, #tpu.memory_space<vmem>> -> memref<1x128xi32, #tpu.memory_space<vmem>>
      %dma_start3A_242 = tpu.memref_squeeze %dma_start3A_241 : memref<1x128xi32, #tpu.memory_space<vmem>> -> memref<128xi32, #tpu.memory_space<vmem>>
      %dma_start3A_243 = arith.constant 0 : i32
      %dma_start3A_244 = arith.constant 0 : i32
      %dma_start3A_245 = tpu.memref_slice %arg2[%dma_start3A_243, %dma_start3A_244] : memref<174080x32xbf16, #tpu.memory_space<hbm>> -> memref<174080x32xbf16, #tpu.memory_space<hbm>>
      tpu.enqueue_indirect_dma source(%dma_start3A_245 : memref<174080x32xbf16, #tpu.memory_space<hbm>>) target(%dma_start3A_239 : memref<128x32xbf16, #tpu.memory_space<vmem>>) offsets(%dma_start3A_242 : memref<128xi32, #tpu.memory_space<vmem>>) semaphore(%arg31 : memref<!tpu.dma_semaphore, #tpu.memory_space<semaphore_mem>>)
      %dma_start3A_246 = arith.constant 6 : i32
      %dma_start3A_247 = arith.constant 256 : i32
      %dma_start3A_248 = arith.constant 0 : i32
      %dma_start3A_249 = tpu.memref_slice %arg24[%dma_start3A_247, %dma_start3A_248] : memref<512x32xbf16, #tpu.memory_space<vmem>> -> memref<128x32xbf16, #tpu.memory_space<vmem>>
      %dma_start3A_250 = arith.constant 0 : i32
      %dma_start3A_251 = tpu.memref_slice %arg12[%dma_start3A_246, %dma_start3A_250] : memref<32x128xi32, #tpu.memory_space<vmem>> -> memref<1x128xi32, #tpu.memory_space<vmem>>
      %dma_start3A_252 = tpu.memref_squeeze %dma_start3A_251 : memref<1x128xi32, #tpu.memory_space<vmem>> -> memref<128xi32, #tpu.memory_space<vmem>>
      %dma_start3A_253 = arith.constant 0 : i32
      %dma_start3A_254 = arith.constant 0 : i32
      %dma_start3A_255 = tpu.memref_slice %arg2[%dma_start3A_253, %dma_start3A_254] : memref<174080x32xbf16, #tpu.memory_space<hbm>> -> memref<174080x32xbf16, #tpu.memory_space<hbm>>
      tpu.enqueue_indirect_dma source(%dma_start3A_255 : memref<174080x32xbf16, #tpu.memory_space<hbm>>) target(%dma_start3A_249 : memref<128x32xbf16, #tpu.memory_space<vmem>>) offsets(%dma_start3A_252 : memref<128xi32, #tpu.memory_space<vmem>>) semaphore(%arg31 : memref<!tpu.dma_semaphore, #tpu.memory_space<semaphore_mem>>)
      %dma_start3A_256 = arith.constant 7 : i32
      %dma_start3A_257 = arith.constant 384 : i32
      %dma_start3A_258 = arith.constant 0 : i32
      %dma_start3A_259 = tpu.memref_slice %arg24[%dma_start3A_257, %dma_start3A_258] : memref<512x32xbf16, #tpu.memory_space<vmem>> -> memref<128x32xbf16, #tpu.memory_space<vmem>>
      %dma_start3A_260 = arith.constant 0 : i32
      %dma_start3A_261 = tpu.memref_slice %arg12[%dma_start3A_256, %dma_start3A_260] : memref<32x128xi32, #tpu.memory_space<vmem>> -> memref<1x128xi32, #tpu.memory_space<vmem>>
      %dma_start3A_262 = tpu.memref_squeeze %dma_start3A_261 : memref<1x128xi32, #tpu.memory_space<vmem>> -> memref<128xi32, #tpu.memory_space<vmem>>
      %dma_start3A_263 = arith.constant 0 : i32
      %dma_start3A_264 = arith.constant 0 : i32
      %dma_start3A_265 = tpu.memref_slice %arg2[%dma_start3A_263, %dma_start3A_264] : memref<174080x32xbf16, #tpu.memory_space<hbm>> -> memref<174080x32xbf16, #tpu.memory_space<hbm>>
      tpu.enqueue_indirect_dma source(%dma_start3A_265 : memref<174080x32xbf16, #tpu.memory_space<hbm>>) target(%dma_start3A_259 : memref<128x32xbf16, #tpu.memory_space<vmem>>) offsets(%dma_start3A_262 : memref<128xi32, #tpu.memory_space<vmem>>) semaphore(%arg31 : memref<!tpu.dma_semaphore, #tpu.memory_space<semaphore_mem>>)
      %dma_start3A_266 = arith.constant 4 : i32
      %dma_start3A_267 = arith.constant 0 : i32
      %dma_start3A_268 = arith.constant 0 : i32
      %dma_start3A_269 = tpu.memref_slice %arg25[%dma_start3A_267, %dma_start3A_268] : memref<512x32xbf16, #tpu.memory_space<vmem>> -> memref<128x32xbf16, #tpu.memory_space<vmem>>
      %dma_start3A_270 = arith.constant 0 : i32
      %dma_start3A_271 = tpu.memref_slice %arg13[%dma_start3A_266, %dma_start3A_270] : memref<32x128xi32, #tpu.memory_space<vmem>> -> memref<1x128xi32, #tpu.memory_space<vmem>>
      %dma_start3A_272 = tpu.memref_squeeze %dma_start3A_271 : memref<1x128xi32, #tpu.memory_space<vmem>> -> memref<128xi32, #tpu.memory_space<vmem>>
      %dma_start3A_273 = arith.constant 0 : i32
      %dma_start3A_274 = arith.constant 0 : i32
      %dma_start3A_275 = tpu.memref_slice %arg2[%dma_start3A_273, %dma_start3A_274] : memref<174080x32xbf16, #tpu.memory_space<hbm>> -> memref<174080x32xbf16, #tpu.memory_space<hbm>>
      tpu.enqueue_indirect_dma source(%dma_start3A_275 : memref<174080x32xbf16, #tpu.memory_space<hbm>>) target(%dma_start3A_269 : memref<128x32xbf16, #tpu.memory_space<vmem>>) offsets(%dma_start3A_272 : memref<128xi32, #tpu.memory_space<vmem>>) semaphore(%arg31 : memref<!tpu.dma_semaphore, #tpu.memory_space<semaphore_mem>>)
      %dma_start3A_276 = arith.constant 5 : i32
      %dma_start3A_277 = arith.constant 128 : i32
      %dma_start3A_278 = arith.constant 0 : i32
      %dma_start3A_279 = tpu.memref_slice %arg25[%dma_start3A_277, %dma_start3A_278] : memref<512x32xbf16, #tpu.memory_space<vmem>> -> memref<128x32xbf16, #tpu.memory_space<vmem>>
      %dma_start3A_280 = arith.constant 0 : i32
      %dma_start3A_281 = tpu.memref_slice %arg13[%dma_start3A_276, %dma_start3A_280] : memref<32x128xi32, #tpu.memory_space<vmem>> -> memref<1x128xi32, #tpu.memory_space<vmem>>
      %dma_start3A_282 = tpu.memref_squeeze %dma_start3A_281 : memref<1x128xi32, #tpu.memory_space<vmem>> -> memref<128xi32, #tpu.memory_space<vmem>>
      %dma_start3A_283 = arith.constant 0 : i32
      %dma_start3A_284 = arith.constant 0 : i32
      %dma_start3A_285 = tpu.memref_slice %arg2[%dma_start3A_283, %dma_start3A_284] : memref<174080x32xbf16, #tpu.memory_space<hbm>> -> memref<174080x32xbf16, #tpu.memory_space<hbm>>
      tpu.enqueue_indirect_dma source(%dma_start3A_285 : memref<174080x32xbf16, #tpu.memory_space<hbm>>) target(%dma_start3A_279 : memref<128x32xbf16, #tpu.memory_space<vmem>>) offsets(%dma_start3A_282 : memref<128xi32, #tpu.memory_space<vmem>>) semaphore(%arg31 : memref<!tpu.dma_semaphore, #tpu.memory_space<semaphore_mem>>)
      %dma_start3A_286 = arith.constant 6 : i32
      %dma_start3A_287 = arith.constant 256 : i32
      %dma_start3A_288 = arith.constant 0 : i32
      %dma_start3A_289 = tpu.memref_slice %arg25[%dma_start3A_287, %dma_start3A_288] : memref<512x32xbf16, #tpu.memory_space<vmem>> -> memref<128x32xbf16, #tpu.memory_space<vmem>>
      %dma_start3A_290 = arith.constant 0 : i32
      %dma_start3A_291 = tpu.memref_slice %arg13[%dma_start3A_286, %dma_start3A_290] : memref<32x128xi32, #tpu.memory_space<vmem>> -> memref<1x128xi32, #tpu.memory_space<vmem>>
      %dma_start3A_292 = tpu.memref_squeeze %dma_start3A_291 : memref<1x128xi32, #tpu.memory_space<vmem>> -> memref<128xi32, #tpu.memory_space<vmem>>
      %dma_start3A_293 = arith.constant 0 : i32
      %dma_start3A_294 = arith.constant 0 : i32
      %dma_start3A_295 = tpu.memref_slice %arg2[%dma_start3A_293, %dma_start3A_294] : memref<174080x32xbf16, #tpu.memory_space<hbm>> -> memref<174080x32xbf16, #tpu.memory_space<hbm>>
      tpu.enqueue_indirect_dma source(%dma_start3A_295 : memref<174080x32xbf16, #tpu.memory_space<hbm>>) target(%dma_start3A_289 : memref<128x32xbf16, #tpu.memory_space<vmem>>) offsets(%dma_start3A_292 : memref<128xi32, #tpu.memory_space<vmem>>) semaphore(%arg31 : memref<!tpu.dma_semaphore, #tpu.memory_space<semaphore_mem>>)
      %dma_start3A_296 = arith.constant 7 : i32
      %dma_start3A_297 = arith.constant 384 : i32
      %dma_start3A_298 = arith.constant 0 : i32
      %dma_start3A_299 = tpu.memref_slice %arg25[%dma_start3A_297, %dma_start3A_298] : memref<512x32xbf16, #tpu.memory_space<vmem>> -> memref<128x32xbf16, #tpu.memory_space<vmem>>
      %dma_start3A_300 = arith.constant 0 : i32
      %dma_start3A_301 = tpu.memref_slice %arg13[%dma_start3A_296, %dma_start3A_300] : memref<32x128xi32, #tpu.memory_space<vmem>> -> memref<1x128xi32, #tpu.memory_space<vmem>>
      %dma_start3A_302 = tpu.memref_squeeze %dma_start3A_301 : memref<1x128xi32, #tpu.memory_space<vmem>> -> memref<128xi32, #tpu.memory_space<vmem>>
      %dma_start3A_303 = arith.constant 0 : i32
      %dma_start3A_304 = arith.constant 0 : i32
      %dma_start3A_305 = tpu.memref_slice %arg2[%dma_start3A_303, %dma_start3A_304] : memref<174080x32xbf16, #tpu.memory_space<hbm>> -> memref<174080x32xbf16, #tpu.memory_space<hbm>>
      tpu.enqueue_indirect_dma source(%dma_start3A_305 : memref<174080x32xbf16, #tpu.memory_space<hbm>>) target(%dma_start3A_299 : memref<128x32xbf16, #tpu.memory_space<vmem>>) offsets(%dma_start3A_302 : memref<128xi32, #tpu.memory_space<vmem>>) semaphore(%arg31 : memref<!tpu.dma_semaphore, #tpu.memory_space<semaphore_mem>>)
      %dma_start3A_306 = arith.constant 4 : i32
      %dma_start3A_307 = arith.constant 0 : i32
      %dma_start3A_308 = arith.constant 0 : i32
      %dma_start3A_309 = tpu.memref_slice %arg26[%dma_start3A_307, %dma_start3A_308] : memref<512x32xbf16, #tpu.memory_space<vmem>> -> memref<128x32xbf16, #tpu.memory_space<vmem>>
      %dma_start3A_310 = arith.constant 0 : i32
      %dma_start3A_311 = tpu.memref_slice %arg14[%dma_start3A_306, %dma_start3A_310] : memref<32x128xi32, #tpu.memory_space<vmem>> -> memref<1x128xi32, #tpu.memory_space<vmem>>
      %dma_start3A_312 = tpu.memref_squeeze %dma_start3A_311 : memref<1x128xi32, #tpu.memory_space<vmem>> -> memref<128xi32, #tpu.memory_space<vmem>>
      %dma_start3A_313 = arith.constant 0 : i32
      %dma_start3A_314 = arith.constant 0 : i32
      %dma_start3A_315 = tpu.memref_slice %arg2[%dma_start3A_313, %dma_start3A_314] : memref<174080x32xbf16, #tpu.memory_space<hbm>> -> memref<174080x32xbf16, #tpu.memory_space<hbm>>
      tpu.enqueue_indirect_dma source(%dma_start3A_315 : memref<174080x32xbf16, #tpu.memory_space<hbm>>) target(%dma_start3A_309 : memref<128x32xbf16, #tpu.memory_space<vmem>>) offsets(%dma_start3A_312 : memref<128xi32, #tpu.memory_space<vmem>>) semaphore(%arg31 : memref<!tpu.dma_semaphore, #tpu.memory_space<semaphore_mem>>)
      %dma_start3A_316 = arith.constant 5 : i32
      %dma_start3A_317 = arith.constant 128 : i32
      %dma_start3A_318 = arith.constant 0 : i32
      %dma_start3A_319 = tpu.memref_slice %arg26[%dma_start3A_317, %dma_start3A_318] : memref<512x32xbf16, #tpu.memory_space<vmem>> -> memref<128x32xbf16, #tpu.memory_space<vmem>>
      %dma_start3A_320 = arith.constant 0 : i32
      %dma_start3A_321 = tpu.memref_slice %arg14[%dma_start3A_316, %dma_start3A_320] : memref<32x128xi32, #tpu.memory_space<vmem>> -> memref<1x128xi32, #tpu.memory_space<vmem>>
      %dma_start3A_322 = tpu.memref_squeeze %dma_start3A_321 : memref<1x128xi32, #tpu.memory_space<vmem>> -> memref<128xi32, #tpu.memory_space<vmem>>
      %dma_start3A_323 = arith.constant 0 : i32
      %dma_start3A_324 = arith.constant 0 : i32
      %dma_start3A_325 = tpu.memref_slice %arg2[%dma_start3A_323, %dma_start3A_324] : memref<174080x32xbf16, #tpu.memory_space<hbm>> -> memref<174080x32xbf16, #tpu.memory_space<hbm>>
      tpu.enqueue_indirect_dma source(%dma_start3A_325 : memref<174080x32xbf16, #tpu.memory_space<hbm>>) target(%dma_start3A_319 : memref<128x32xbf16, #tpu.memory_space<vmem>>) offsets(%dma_start3A_322 : memref<128xi32, #tpu.memory_space<vmem>>) semaphore(%arg31 : memref<!tpu.dma_semaphore, #tpu.memory_space<semaphore_mem>>)
      %dma_start3A_326 = arith.constant 6 : i32
      %dma_start3A_327 = arith.constant 256 : i32
      %dma_start3A_328 = arith.constant 0 : i32
      %dma_start3A_329 = tpu.memref_slice %arg26[%dma_start3A_327, %dma_start3A_328] : memref<512x32xbf16, #tpu.memory_space<vmem>> -> memref<128x32xbf16, #tpu.memory_space<vmem>>
      %dma_start3A_330 = arith.constant 0 : i32
      %dma_start3A_331 = tpu.memref_slice %arg14[%dma_start3A_326, %dma_start3A_330] : memref<32x128xi32, #tpu.memory_space<vmem>> -> memref<1x128xi32, #tpu.memory_space<vmem>>
      %dma_start3A_332 = tpu.memref_squeeze %dma_start3A_331 : memref<1x128xi32, #tpu.memory_space<vmem>> -> memref<128xi32, #tpu.memory_space<vmem>>
      %dma_start3A_333 = arith.constant 0 : i32
      %dma_start3A_334 = arith.constant 0 : i32
      %dma_start3A_335 = tpu.memref_slice %arg2[%dma_start3A_333, %dma_start3A_334] : memref<174080x32xbf16, #tpu.memory_space<hbm>> -> memref<174080x32xbf16, #tpu.memory_space<hbm>>
      tpu.enqueue_indirect_dma source(%dma_start3A_335 : memref<174080x32xbf16, #tpu.memory_space<hbm>>) target(%dma_start3A_329 : memref<128x32xbf16, #tpu.memory_space<vmem>>) offsets(%dma_start3A_332 : memref<128xi32, #tpu.memory_space<vmem>>) semaphore(%arg31 : memref<!tpu.dma_semaphore, #tpu.memory_space<semaphore_mem>>)
      %dma_start3A_336 = arith.constant 7 : i32
      %dma_start3A_337 = arith.constant 384 : i32
      %dma_start3A_338 = arith.constant 0 : i32
      %dma_start3A_339 = tpu.memref_slice %arg26[%dma_start3A_337, %dma_start3A_338] : memref<512x32xbf16, #tpu.memory_space<vmem>> -> memref<128x32xbf16, #tpu.memory_space<vmem>>
      %dma_start3A_340 = arith.constant 0 : i32
      %dma_start3A_341 = tpu.memref_slice %arg14[%dma_start3A_336, %dma_start3A_340] : memref<32x128xi32, #tpu.memory_space<vmem>> -> memref<1x128xi32, #tpu.memory_space<vmem>>
      %dma_start3A_342 = tpu.memref_squeeze %dma_start3A_341 : memref<1x128xi32, #tpu.memory_space<vmem>> -> memref<128xi32, #tpu.memory_space<vmem>>
      %dma_start3A_343 = arith.constant 0 : i32
      %dma_start3A_344 = arith.constant 0 : i32
      %dma_start3A_345 = tpu.memref_slice %arg2[%dma_start3A_343, %dma_start3A_344] : memref<174080x32xbf16, #tpu.memory_space<hbm>> -> memref<174080x32xbf16, #tpu.memory_space<hbm>>
      tpu.enqueue_indirect_dma source(%dma_start3A_345 : memref<174080x32xbf16, #tpu.memory_space<hbm>>) target(%dma_start3A_339 : memref<128x32xbf16, #tpu.memory_space<vmem>>) offsets(%dma_start3A_342 : memref<128xi32, #tpu.memory_space<vmem>>) semaphore(%arg31 : memref<!tpu.dma_semaphore, #tpu.memory_space<semaphore_mem>>)
      %dma_start3A_346 = arith.constant 4 : i32
      %dma_start3A_347 = arith.constant 0 : i32
      %dma_start3A_348 = arith.constant 0 : i32
      %dma_start3A_349 = tpu.memref_slice %arg27[%dma_start3A_347, %dma_start3A_348] : memref<512x32xbf16, #tpu.memory_space<vmem>> -> memref<128x32xbf16, #tpu.memory_space<vmem>>
      %dma_start3A_350 = arith.constant 0 : i32
      %dma_start3A_351 = tpu.memref_slice %arg15[%dma_start3A_346, %dma_start3A_350] : memref<32x128xi32, #tpu.memory_space<vmem>> -> memref<1x128xi32, #tpu.memory_space<vmem>>
      %dma_start3A_352 = tpu.memref_squeeze %dma_start3A_351 : memref<1x128xi32, #tpu.memory_space<vmem>> -> memref<128xi32, #tpu.memory_space<vmem>>
      %dma_start3A_353 = arith.constant 0 : i32
      %dma_start3A_354 = arith.constant 0 : i32
      %dma_start3A_355 = tpu.memref_slice %arg2[%dma_start3A_353, %dma_start3A_354] : memref<174080x32xbf16, #tpu.memory_space<hbm>> -> memref<174080x32xbf16, #tpu.memory_space<hbm>>
      tpu.enqueue_indirect_dma source(%dma_start3A_355 : memref<174080x32xbf16, #tpu.memory_space<hbm>>) target(%dma_start3A_349 : memref<128x32xbf16, #tpu.memory_space<vmem>>) offsets(%dma_start3A_352 : memref<128xi32, #tpu.memory_space<vmem>>) semaphore(%arg31 : memref<!tpu.dma_semaphore, #tpu.memory_space<semaphore_mem>>)
      %dma_start3A_356 = arith.constant 5 : i32
      %dma_start3A_357 = arith.constant 128 : i32
      %dma_start3A_358 = arith.constant 0 : i32
      %dma_start3A_359 = tpu.memref_slice %arg27[%dma_start3A_357, %dma_start3A_358] : memref<512x32xbf16, #tpu.memory_space<vmem>> -> memref<128x32xbf16, #tpu.memory_space<vmem>>
      %dma_start3A_360 = arith.constant 0 : i32
      %dma_start3A_361 = tpu.memref_slice %arg15[%dma_start3A_356, %dma_start3A_360] : memref<32x128xi32, #tpu.memory_space<vmem>> -> memref<1x128xi32, #tpu.memory_space<vmem>>
      %dma_start3A_362 = tpu.memref_squeeze %dma_start3A_361 : memref<1x128xi32, #tpu.memory_space<vmem>> -> memref<128xi32, #tpu.memory_space<vmem>>
      %dma_start3A_363 = arith.constant 0 : i32
      %dma_start3A_364 = arith.constant 0 : i32
      %dma_start3A_365 = tpu.memref_slice %arg2[%dma_start3A_363, %dma_start3A_364] : memref<174080x32xbf16, #tpu.memory_space<hbm>> -> memref<174080x32xbf16, #tpu.memory_space<hbm>>
      tpu.enqueue_indirect_dma source(%dma_start3A_365 : memref<174080x32xbf16, #tpu.memory_space<hbm>>) target(%dma_start3A_359 : memref<128x32xbf16, #tpu.memory_space<vmem>>) offsets(%dma_start3A_362 : memref<128xi32, #tpu.memory_space<vmem>>) semaphore(%arg31 : memref<!tpu.dma_semaphore, #tpu.memory_space<semaphore_mem>>)
      %dma_start3A_366 = arith.constant 6 : i32
      %dma_start3A_367 = arith.constant 256 : i32
      %dma_start3A_368 = arith.constant 0 : i32
      %dma_start3A_369 = tpu.memref_slice %arg27[%dma_start3A_367, %dma_start3A_368] : memref<512x32xbf16, #tpu.memory_space<vmem>> -> memref<128x32xbf16, #tpu.memory_space<vmem>>
      %dma_start3A_370 = arith.constant 0 : i32
      %dma_start3A_371 = tpu.memref_slice %arg15[%dma_start3A_366, %dma_start3A_370] : memref<32x128xi32, #tpu.memory_space<vmem>> -> memref<1x128xi32, #tpu.memory_space<vmem>>
      %dma_start3A_372 = tpu.memref_squeeze %dma_start3A_371 : memref<1x128xi32, #tpu.memory_space<vmem>> -> memref<128xi32, #tpu.memory_space<vmem>>
      %dma_start3A_373 = arith.constant 0 : i32
      %dma_start3A_374 = arith.constant 0 : i32
      %dma_start3A_375 = tpu.memref_slice %arg2[%dma_start3A_373, %dma_start3A_374] : memref<174080x32xbf16, #tpu.memory_space<hbm>> -> memref<174080x32xbf16, #tpu.memory_space<hbm>>
      tpu.enqueue_indirect_dma source(%dma_start3A_375 : memref<174080x32xbf16, #tpu.memory_space<hbm>>) target(%dma_start3A_369 : memref<128x32xbf16, #tpu.memory_space<vmem>>) offsets(%dma_start3A_372 : memref<128xi32, #tpu.memory_space<vmem>>) semaphore(%arg31 : memref<!tpu.dma_semaphore, #tpu.memory_space<semaphore_mem>>)
      %dma_start3A_376 = arith.constant 7 : i32
      %dma_start3A_377 = arith.constant 384 : i32
      %dma_start3A_378 = arith.constant 0 : i32
      %dma_start3A_379 = tpu.memref_slice %arg27[%dma_start3A_377, %dma_start3A_378] : memref<512x32xbf16, #tpu.memory_space<vmem>> -> memref<128x32xbf16, #tpu.memory_space<vmem>>
      %dma_start3A_380 = arith.constant 0 : i32
      %dma_start3A_381 = tpu.memref_slice %arg15[%dma_start3A_376, %dma_start3A_380] : memref<32x128xi32, #tpu.memory_space<vmem>> -> memref<1x128xi32, #tpu.memory_space<vmem>>
      %dma_start3A_382 = tpu.memref_squeeze %dma_start3A_381 : memref<1x128xi32, #tpu.memory_space<vmem>> -> memref<128xi32, #tpu.memory_space<vmem>>
      %dma_start3A_383 = arith.constant 0 : i32
      %dma_start3A_384 = arith.constant 0 : i32
      %dma_start3A_385 = tpu.memref_slice %arg2[%dma_start3A_383, %dma_start3A_384] : memref<174080x32xbf16, #tpu.memory_space<hbm>> -> memref<174080x32xbf16, #tpu.memory_space<hbm>>
      tpu.enqueue_indirect_dma source(%dma_start3A_385 : memref<174080x32xbf16, #tpu.memory_space<hbm>>) target(%dma_start3A_379 : memref<128x32xbf16, #tpu.memory_space<vmem>>) offsets(%dma_start3A_382 : memref<128xi32, #tpu.memory_space<vmem>>) semaphore(%arg31 : memref<!tpu.dma_semaphore, #tpu.memory_space<semaphore_mem>>)
      %scan3A_386 = arith.constant 0 : i32
      %scan3A_387 = arith.constant 0 : i32
      %scan3A_388 = arith.constant 4 : i32
      %scan3A_389 = arith.addi %scan3A_387, %scan3A_388 : i32
      %scan3A_390 = arith.constant 1 : i32
      scf.for %scan3A_392 = %scan3A_387 to %scan3A_389 step %scan3A_390  : i32 {
        %mul3A_393 = arith.constant 2 : i32
        %mul3A_394 = arith.muli %scan3A_392, %mul3A_393 : i32
        %add3A_395 = arith.constant 0 : i32
        %add3A_396 = arith.addi %mul3A_394, %add3A_395 : i32
        %dma_wait3A_397 = arith.constant 0 : i32
        %dma_wait3A_398 = arith.constant 0 : i32
        %dma_wait3A_399 = tpu.memref_slice %arg2[%dma_wait3A_397, %dma_wait3A_398] : memref<174080x32xbf16, #tpu.memory_space<hbm>> -> memref<512x32xbf16, #tpu.memory_space<hbm>>
        %dma_wait3A_400 = arith.constant 0 : i32
        %dma_wait3A_401 = arith.constant 0 : i32
        %dma_wait3A_402 = tpu.memref_slice %arg2[%dma_wait3A_400, %dma_wait3A_401] : memref<174080x32xbf16, #tpu.memory_space<hbm>> -> memref<512x32xbf16, #tpu.memory_space<hbm>>
        tpu.wait_dma2 semaphore(%arg30 : memref<!tpu.dma_semaphore, #tpu.memory_space<semaphore_mem>>) src(%dma_wait3A_402 : memref<512x32xbf16, #tpu.memory_space<hbm>>) dst(%arg20 : memref<512x32xbf16, #tpu.memory_space<vmem>>)
        %dma_wait3A_403 = arith.constant 0 : i32
        %dma_wait3A_404 = arith.constant 0 : i32
        %dma_wait3A_405 = tpu.memref_slice %arg2[%dma_wait3A_403, %dma_wait3A_404] : memref<174080x32xbf16, #tpu.memory_space<hbm>> -> memref<512x32xbf16, #tpu.memory_space<hbm>>
        %dma_wait3A_406 = arith.constant 0 : i32
        %dma_wait3A_407 = arith.constant 0 : i32
        %dma_wait3A_408 = tpu.memref_slice %arg2[%dma_wait3A_406, %dma_wait3A_407] : memref<174080x32xbf16, #tpu.memory_space<hbm>> -> memref<512x32xbf16, #tpu.memory_space<hbm>>
        tpu.wait_dma2 semaphore(%arg30 : memref<!tpu.dma_semaphore, #tpu.memory_space<semaphore_mem>>) src(%dma_wait3A_408 : memref<512x32xbf16, #tpu.memory_space<hbm>>) dst(%arg21 : memref<512x32xbf16, #tpu.memory_space<vmem>>)
        %dma_wait3A_409 = arith.constant 0 : i32
        %dma_wait3A_410 = arith.constant 0 : i32
        %dma_wait3A_411 = tpu.memref_slice %arg2[%dma_wait3A_409, %dma_wait3A_410] : memref<174080x32xbf16, #tpu.memory_space<hbm>> -> memref<512x32xbf16, #tpu.memory_space<hbm>>
        %dma_wait3A_412 = arith.constant 0 : i32
        %dma_wait3A_413 = arith.constant 0 : i32
        %dma_wait3A_414 = tpu.memref_slice %arg2[%dma_wait3A_412, %dma_wait3A_413] : memref<174080x32xbf16, #tpu.memory_space<hbm>> -> memref<512x32xbf16, #tpu.memory_space<hbm>>
        tpu.wait_dma2 semaphore(%arg30 : memref<!tpu.dma_semaphore, #tpu.memory_space<semaphore_mem>>) src(%dma_wait3A_414 : memref<512x32xbf16, #tpu.memory_space<hbm>>) dst(%arg22 : memref<512x32xbf16, #tpu.memory_space<vmem>>)
        %dma_wait3A_415 = arith.constant 0 : i32
        %dma_wait3A_416 = arith.constant 0 : i32
        %dma_wait3A_417 = tpu.memref_slice %arg2[%dma_wait3A_415, %dma_wait3A_416] : memref<174080x32xbf16, #tpu.memory_space<hbm>> -> memref<512x32xbf16, #tpu.memory_space<hbm>>
        %dma_wait3A_418 = arith.constant 0 : i32
        %dma_wait3A_419 = arith.constant 0 : i32
        %dma_wait3A_420 = tpu.memref_slice %arg2[%dma_wait3A_418, %dma_wait3A_419] : memref<174080x32xbf16, #tpu.memory_space<hbm>> -> memref<512x32xbf16, #tpu.memory_space<hbm>>
        tpu.wait_dma2 semaphore(%arg30 : memref<!tpu.dma_semaphore, #tpu.memory_space<semaphore_mem>>) src(%dma_wait3A_420 : memref<512x32xbf16, #tpu.memory_space<hbm>>) dst(%arg23 : memref<512x32xbf16, #tpu.memory_space<vmem>>)
        %scan3A_421 = arith.constant 0 : i32
        %scan3A_422 = arith.constant 0 : i32
        %scan3A_423 = arith.constant 4 : i32
        %scan3A_424 = arith.addi %scan3A_422, %scan3A_423 : i32
        %scan3A_425 = arith.constant 1 : i32
        %scan3A_426 = scf.for %scan3A_470 = %scan3A_422 to %scan3A_424 step %scan3A_425 iter_args(%scan3A_471 = %scan3A_421) -> (i32)  : i32 {
          %mul3A_472 = arith.constant 4 : i32
          %mul3A_473 = arith.muli %add3A_396, %mul3A_472 : i32
          %add3A_474 = arith.addi %mul3A_473, %scan3A_470 : i32
          %scan3A_475 = arith.constant 0 : i32
          %scan3A_476 = arith.constant 0 : i32
          %scan3A_477 = arith.constant 8 : i32
          %scan3A_478 = arith.addi %scan3A_476, %scan3A_477 : i32
          %scan3A_479 = arith.constant 1 : i32
          %scan3A_480 = scf.for %scan3A_483 = %scan3A_476 to %scan3A_478 step %scan3A_479 iter_args(%scan3A_484 = %scan3A_475) -> (i32)  : i32 {
            %broadcast_in_dim3A = arith.constant 0.000000e+00 : f32
            %broadcast_in_dim3A_485 = vector.broadcast %broadcast_in_dim3A : f32 to vector<16xf32>
            %broadcast_in_dim3A_486 = arith.constant 0.000000e+00 : f32
            %broadcast_in_dim3A_487 = vector.broadcast %broadcast_in_dim3A_486 : f32 to vector<16xf32>
            %broadcast_in_dim3A_488 = arith.constant 0.000000e+00 : f32
            %broadcast_in_dim3A_489 = vector.broadcast %broadcast_in_dim3A_488 : f32 to vector<16xf32>
            %broadcast_in_dim3A_490 = arith.constant 0.000000e+00 : f32
            %broadcast_in_dim3A_491 = vector.broadcast %broadcast_in_dim3A_490 : f32 to vector<16xf32>
            %broadcast_in_dim3A_492 = arith.constant 0.000000e+00 : f32
            %broadcast_in_dim3A_493 = vector.broadcast %broadcast_in_dim3A_492 : f32 to vector<16xf32>
            %broadcast_in_dim3A_494 = arith.constant 0.000000e+00 : f32
            %broadcast_in_dim3A_495 = vector.broadcast %broadcast_in_dim3A_494 : f32 to vector<16xf32>
            %broadcast_in_dim3A_496 = arith.constant 0.000000e+00 : f32
            %broadcast_in_dim3A_497 = vector.broadcast %broadcast_in_dim3A_496 : f32 to vector<16xf32>
            %broadcast_in_dim3A_498 = arith.constant 0.000000e+00 : f32
            %broadcast_in_dim3A_499 = vector.broadcast %broadcast_in_dim3A_498 : f32 to vector<16xf32>
            %mul3A_500 = arith.constant 128 : i32
            %mul3A_501 = arith.muli %scan3A_470, %mul3A_500 : i32
            %mul3A_502 = arith.constant 16 : i32
            %mul3A_503 = arith.muli %scan3A_483, %mul3A_502 : i32
            %add3A_504 = arith.addi %mul3A_501, %mul3A_503 : i32
            %mul3A_505 = arith.constant 128 : i32
            %mul3A_506 = arith.muli %add3A_474, %mul3A_505 : i32
            %mul3A_507 = arith.constant 16 : i32
            %mul3A_508 = arith.muli %scan3A_483, %mul3A_507 : i32
            %add3A_509 = arith.addi %mul3A_506, %mul3A_508 : i32
            %broadcast_in_dim3A_510 = vector.broadcast %add3A_509 : i32 to vector<16xi32>
            %add3A_511 = arith.constant 0 : i32
            %add3A_512 = vector.broadcast %add3A_511 : i32 to vector<16xi32>
            %add3A_513 = arith.addi %broadcast_in_dim3A_510, %add3A_512 : vector<16xi32>
            %gather3A = tpu.vector_load_idx %arg16[%add3A_513] : memref<4096xf32, #tpu.memory_space<vmem>>[vector<16xi32>], vector<16xf32>,
            %add3A_514 = arith.constant 0 : i32
            %add3A_515 = arith.addi %add3A_504, %add3A_514 : i32
            %get3A = arith.index_cast %add3A_515 : i32 to index
            %get3A_516 = arith.constant 0 : index
            %get3A_517 = tpu.vector_load %arg20[%get3A, %get3A_516] {strides = array<i32>} : memref<512x32xbf16, #tpu.memory_space<vmem>>, vector<32xbf16>,
            %bitcast3A = vector.bitcast %get3A_517 : vector<32xbf16> to vector<16xi32>
            %shift_left3A = arith.constant 16 : i32
            %shift_left3A_518 = vector.broadcast %shift_left3A : i32 to vector<16xi32>
            %shift_left3A_519 = arith.shli %bitcast3A, %shift_left3A_518 : vector<16xi32>
            %bitcast3A_520 = vector.bitcast %shift_left3A_519 : vector<16xi32> to vector<16xf32>
            %and3A = arith.constant -65536 : i32
            %and3A_521 = vector.broadcast %and3A : i32 to vector<16xi32>
            %and3A_522 = arith.andi %bitcast3A, %and3A_521 : vector<16xi32>
            %bitcast3A_523 = vector.bitcast %and3A_522 : vector<16xi32> to vector<16xf32>
            %mul3A_524 = arith.mulf %gather3A, %bitcast3A_520 : vector<16xf32>
            %add3A_525 = arith.addf %broadcast_in_dim3A_485, %mul3A_524 : vector<16xf32>
            %mul3A_526 = arith.mulf %gather3A, %bitcast3A_523 : vector<16xf32>
            %add3A_527 = arith.addf %broadcast_in_dim3A_493, %mul3A_526 : vector<16xf32>
            %add3A_528 = arith.constant 1 : i32
            %add3A_529 = vector.broadcast %add3A_528 : i32 to vector<16xi32>
            %add3A_530 = arith.addi %broadcast_in_dim3A_510, %add3A_529 : vector<16xi32>
            %gather3A_531 = tpu.vector_load_idx %arg16[%add3A_530] : memref<4096xf32, #tpu.memory_space<vmem>>[vector<16xi32>], vector<16xf32>,
            %add3A_532 = arith.constant 1 : i32
            %add3A_533 = arith.addi %add3A_504, %add3A_532 : i32
            %get3A_534 = arith.index_cast %add3A_533 : i32 to index
            %get3A_535 = arith.constant 0 : index
            %get3A_536 = tpu.vector_load %arg20[%get3A_534, %get3A_535] {strides = array<i32>} : memref<512x32xbf16, #tpu.memory_space<vmem>>, vector<32xbf16>,
            %bitcast3A_537 = vector.bitcast %get3A_536 : vector<32xbf16> to vector<16xi32>
            %shift_left3A_538 = arith.constant 16 : i32
            %shift_left3A_539 = vector.broadcast %shift_left3A_538 : i32 to vector<16xi32>
            %shift_left3A_540 = arith.shli %bitcast3A_537, %shift_left3A_539 : vector<16xi32>
            %bitcast3A_541 = vector.bitcast %shift_left3A_540 : vector<16xi32> to vector<16xf32>
            %and3A_542 = arith.constant -65536 : i32
            %and3A_543 = vector.broadcast %and3A_542 : i32 to vector<16xi32>
            %and3A_544 = arith.andi %bitcast3A_537, %and3A_543 : vector<16xi32>
            %bitcast3A_545 = vector.bitcast %and3A_544 : vector<16xi32> to vector<16xf32>
            %mul3A_546 = arith.mulf %gather3A_531, %bitcast3A_541 : vector<16xf32>
            %add3A_547 = arith.addf %add3A_525, %mul3A_546 : vector<16xf32>
            %mul3A_548 = arith.mulf %gather3A_531, %bitcast3A_545 : vector<16xf32>
            %add3A_549 = arith.addf %add3A_527, %mul3A_548 : vector<16xf32>
            %add3A_550 = arith.constant 2 : i32
            %add3A_551 = vector.broadcast %add3A_550 : i32 to vector<16xi32>
            %add3A_552 = arith.addi %broadcast_in_dim3A_510, %add3A_551 : vector<16xi32>
            %gather3A_553 = tpu.vector_load_idx %arg16[%add3A_552] : memref<4096xf32, #tpu.memory_space<vmem>>[vector<16xi32>], vector<16xf32>,
            %add3A_554 = arith.constant 2 : i32
            %add3A_555 = arith.addi %add3A_504, %add3A_554 : i32
            %get3A_556 = arith.index_cast %add3A_555 : i32 to index
            %get3A_557 = arith.constant 0 : index
            %get3A_558 = tpu.vector_load %arg20[%get3A_556, %get3A_557] {strides = array<i32>} : memref<512x32xbf16, #tpu.memory_space<vmem>>, vector<32xbf16>,
            %bitcast3A_559 = vector.bitcast %get3A_558 : vector<32xbf16> to vector<16xi32>
            %shift_left3A_560 = arith.constant 16 : i32
            %shift_left3A_561 = vector.broadcast %shift_left3A_560 : i32 to vector<16xi32>
            %shift_left3A_562 = arith.shli %bitcast3A_559, %shift_left3A_561 : vector<16xi32>
            %bitcast3A_563 = vector.bitcast %shift_left3A_562 : vector<16xi32> to vector<16xf32>
            %and3A_564 = arith.constant -65536 : i32
            %and3A_565 = vector.broadcast %and3A_564 : i32 to vector<16xi32>
            %and3A_566 = arith.andi %bitcast3A_559, %and3A_565 : vector<16xi32>
            %bitcast3A_567 = vector.bitcast %and3A_566 : vector<16xi32> to vector<16xf32>
            %mul3A_568 = arith.mulf %gather3A_553, %bitcast3A_563 : vector<16xf32>
            %add3A_569 = arith.addf %add3A_547, %mul3A_568 : vector<16xf32>
            %mul3A_570 = arith.mulf %gather3A_553, %bitcast3A_567 : vector<16xf32>
            %add3A_571 = arith.addf %add3A_549, %mul3A_570 : vector<16xf32>
            %add3A_572 = arith.constant 3 : i32
            %add3A_573 = vector.broadcast %add3A_572 : i32 to vector<16xi32>
            %add3A_574 = arith.addi %broadcast_in_dim3A_510, %add3A_573 : vector<16xi32>
            %gather3A_575 = tpu.vector_load_idx %arg16[%add3A_574] : memref<4096xf32, #tpu.memory_space<vmem>>[vector<16xi32>], vector<16xf32>,
            %add3A_576 = arith.constant 3 : i32
            %add3A_577 = arith.addi %add3A_504, %add3A_576 : i32
            %get3A_578 = arith.index_cast %add3A_577 : i32 to index
            %get3A_579 = arith.constant 0 : index
            %get3A_580 = tpu.vector_load %arg20[%get3A_578, %get3A_579] {strides = array<i32>} : memref<512x32xbf16, #tpu.memory_space<vmem>>, vector<32xbf16>,
            %bitcast3A_581 = vector.bitcast %get3A_580 : vector<32xbf16> to vector<16xi32>
            %shift_left3A_582 = arith.constant 16 : i32
            %shift_left3A_583 = vector.broadcast %shift_left3A_582 : i32 to vector<16xi32>
            %shift_left3A_584 = arith.shli %bitcast3A_581, %shift_left3A_583 : vector<16xi32>
            %bitcast3A_585 = vector.bitcast %shift_left3A_584 : vector<16xi32> to vector<16xf32>
            %and3A_586 = arith.constant -65536 : i32
            %and3A_587 = vector.broadcast %and3A_586 : i32 to vector<16xi32>
            %and3A_588 = arith.andi %bitcast3A_581, %and3A_587 : vector<16xi32>
            %bitcast3A_589 = vector.bitcast %and3A_588 : vector<16xi32> to vector<16xf32>
            %mul3A_590 = arith.mulf %gather3A_575, %bitcast3A_585 : vector<16xf32>
            %add3A_591 = arith.addf %add3A_569, %mul3A_590 : vector<16xf32>
            %mul3A_592 = arith.mulf %gather3A_575, %bitcast3A_589 : vector<16xf32>
            %add3A_593 = arith.addf %add3A_571, %mul3A_592 : vector<16xf32>
            %add3A_594 = arith.constant 4 : i32
            %add3A_595 = vector.broadcast %add3A_594 : i32 to vector<16xi32>
            %add3A_596 = arith.addi %broadcast_in_dim3A_510, %add3A_595 : vector<16xi32>
            %gather3A_597 = tpu.vector_load_idx %arg16[%add3A_596] : memref<4096xf32, #tpu.memory_space<vmem>>[vector<16xi32>], vector<16xf32>,
            %add3A_598 = arith.constant 4 : i32
            %add3A_599 = arith.addi %add3A_504, %add3A_598 : i32
            %get3A_600 = arith.index_cast %add3A_599 : i32 to index
            %get3A_601 = arith.constant 0 : index
            %get3A_602 = tpu.vector_load %arg20[%get3A_600, %get3A_601] {strides = array<i32>} : memref<512x32xbf16, #tpu.memory_space<vmem>>, vector<32xbf16>,
            %bitcast3A_603 = vector.bitcast %get3A_602 : vector<32xbf16> to vector<16xi32>
            %shift_left3A_604 = arith.constant 16 : i32
            %shift_left3A_605 = vector.broadcast %shift_left3A_604 : i32 to vector<16xi32>
            %shift_left3A_606 = arith.shli %bitcast3A_603, %shift_left3A_605 : vector<16xi32>
            %bitcast3A_607 = vector.bitcast %shift_left3A_606 : vector<16xi32> to vector<16xf32>
            %and3A_608 = arith.constant -65536 : i32
            %and3A_609 = vector.broadcast %and3A_608 : i32 to vector<16xi32>
            %and3A_610 = arith.andi %bitcast3A_603, %and3A_609 : vector<16xi32>
            %bitcast3A_611 = vector.bitcast %and3A_610 : vector<16xi32> to vector<16xf32>
            %mul3A_612 = arith.mulf %gather3A_597, %bitcast3A_607 : vector<16xf32>
            %add3A_613 = arith.addf %add3A_591, %mul3A_612 : vector<16xf32>
            %mul3A_614 = arith.mulf %gather3A_597, %bitcast3A_611 : vector<16xf32>
            %add3A_615 = arith.addf %add3A_593, %mul3A_614 : vector<16xf32>
            %add3A_616 = arith.constant 5 : i32
            %add3A_617 = vector.broadcast %add3A_616 : i32 to vector<16xi32>
            %add3A_618 = arith.addi %broadcast_in_dim3A_510, %add3A_617 : vector<16xi32>
            %gather3A_619 = tpu.vector_load_idx %arg16[%add3A_618] : memref<4096xf32, #tpu.memory_space<vmem>>[vector<16xi32>], vector<16xf32>,
            %add3A_620 = arith.constant 5 : i32
            %add3A_621 = arith.addi %add3A_504, %add3A_620 : i32
            %get3A_622 = arith.index_cast %add3A_621 : i32 to index
            %get3A_623 = arith.constant 0 : index
            %get3A_624 = tpu.vector_load %arg20[%get3A_622, %get3A_623] {strides = array<i32>} : memref<512x32xbf16, #tpu.memory_space<vmem>>, vector<32xbf16>,
            %bitcast3A_625 = vector.bitcast %get3A_624 : vector<32xbf16> to vector<16xi32>
            %shift_left3A_626 = arith.constant 16 : i32
            %shift_left3A_627 = vector.broadcast %shift_left3A_626 : i32 to vector<16xi32>
            %shift_left3A_628 = arith.shli %bitcast3A_625, %shift_left3A_627 : vector<16xi32>
            %bitcast3A_629 = vector.bitcast %shift_left3A_628 : vector<16xi32> to vector<16xf32>
            %and3A_630 = arith.constant -65536 : i32
            %and3A_631 = vector.broadcast %and3A_630 : i32 to vector<16xi32>
            %and3A_632 = arith.andi %bitcast3A_625, %and3A_631 : vector<16xi32>
            %bitcast3A_633 = vector.bitcast %and3A_632 : vector<16xi32> to vector<16xf32>
            %mul3A_634 = arith.mulf %gather3A_619, %bitcast3A_629 : vector<16xf32>
            %add3A_635 = arith.addf %add3A_613, %mul3A_634 : vector<16xf32>
            %mul3A_636 = arith.mulf %gather3A_619, %bitcast3A_633 : vector<16xf32>
            %add3A_637 = arith.addf %add3A_615, %mul3A_636 : vector<16xf32>
            %add3A_638 = arith.constant 6 : i32
            %add3A_639 = vector.broadcast %add3A_638 : i32 to vector<16xi32>
            %add3A_640 = arith.addi %broadcast_in_dim3A_510, %add3A_639 : vector<16xi32>
            %gather3A_641 = tpu.vector_load_idx %arg16[%add3A_640] : memref<4096xf32, #tpu.memory_space<vmem>>[vector<16xi32>], vector<16xf32>,
            %add3A_642 = arith.constant 6 : i32
            %add3A_643 = arith.addi %add3A_504, %add3A_642 : i32
            %get3A_644 = arith.index_cast %add3A_643 : i32 to index
            %get3A_645 = arith.constant 0 : index
            %get3A_646 = tpu.vector_load %arg20[%get3A_644, %get3A_645] {strides = array<i32>} : memref<512x32xbf16, #tpu.memory_space<vmem>>, vector<32xbf16>,
            %bitcast3A_647 = vector.bitcast %get3A_646 : vector<32xbf16> to vector<16xi32>
            %shift_left3A_648 = arith.constant 16 : i32
            %shift_left3A_649 = vector.broadcast %shift_left3A_648 : i32 to vector<16xi32>
            %shift_left3A_650 = arith.shli %bitcast3A_647, %shift_left3A_649 : vector<16xi32>
            %bitcast3A_651 = vector.bitcast %shift_left3A_650 : vector<16xi32> to vector<16xf32>
            %and3A_652 = arith.constant -65536 : i32
            %and3A_653 = vector.broadcast %and3A_652 : i32 to vector<16xi32>
            %and3A_654 = arith.andi %bitcast3A_647, %and3A_653 : vector<16xi32>
            %bitcast3A_655 = vector.bitcast %and3A_654 : vector<16xi32> to vector<16xf32>
            %mul3A_656 = arith.mulf %gather3A_641, %bitcast3A_651 : vector<16xf32>
            %add3A_657 = arith.addf %add3A_635, %mul3A_656 : vector<16xf32>
            %mul3A_658 = arith.mulf %gather3A_641, %bitcast3A_655 : vector<16xf32>
            %add3A_659 = arith.addf %add3A_637, %mul3A_658 : vector<16xf32>
            %add3A_660 = arith.constant 7 : i32
            %add3A_661 = vector.broadcast %add3A_660 : i32 to vector<16xi32>
            %add3A_662 = arith.addi %broadcast_in_dim3A_510, %add3A_661 : vector<16xi32>
            %gather3A_663 = tpu.vector_load_idx %arg16[%add3A_662] : memref<4096xf32, #tpu.memory_space<vmem>>[vector<16xi32>], vector<16xf32>,
            %add3A_664 = arith.constant 7 : i32
            %add3A_665 = arith.addi %add3A_504, %add3A_664 : i32
            %get3A_666 = arith.index_cast %add3A_665 : i32 to index
            %get3A_667 = arith.constant 0 : index
            %get3A_668 = tpu.vector_load %arg20[%get3A_666, %get3A_667] {strides = array<i32>} : memref<512x32xbf16, #tpu.memory_space<vmem>>, vector<32xbf16>,
            %bitcast3A_669 = vector.bitcast %get3A_668 : vector<32xbf16> to vector<16xi32>
            %shift_left3A_670 = arith.constant 16 : i32
            %shift_left3A_671 = vector.broadcast %shift_left3A_670 : i32 to vector<16xi32>
            %shift_left3A_672 = arith.shli %bitcast3A_669, %shift_left3A_671 : vector<16xi32>
            %bitcast3A_673 = vector.bitcast %shift_left3A_672 : vector<16xi32> to vector<16xf32>
            %and3A_674 = arith.constant -65536 : i32
            %and3A_675 = vector.broadcast %and3A_674 : i32 to vector<16xi32>
            %and3A_676 = arith.andi %bitcast3A_669, %and3A_675 : vector<16xi32>
            %bitcast3A_677 = vector.bitcast %and3A_676 : vector<16xi32> to vector<16xf32>
            %mul3A_678 = arith.mulf %gather3A_663, %bitcast3A_673 : vector<16xf32>
            %add3A_679 = arith.addf %add3A_657, %mul3A_678 : vector<16xf32>
            %mul3A_680 = arith.mulf %gather3A_663, %bitcast3A_677 : vector<16xf32>
            %add3A_681 = arith.addf %add3A_659, %mul3A_680 : vector<16xf32>
            %add3A_682 = arith.constant 8 : i32
            %add3A_683 = vector.broadcast %add3A_682 : i32 to vector<16xi32>
            %add3A_684 = arith.addi %broadcast_in_dim3A_510, %add3A_683 : vector<16xi32>
            %gather3A_685 = tpu.vector_load_idx %arg16[%add3A_684] : memref<4096xf32, #tpu.memory_space<vmem>>[vector<16xi32>], vector<16xf32>,
            %add3A_686 = arith.constant 8 : i32
            %add3A_687 = arith.addi %add3A_504, %add3A_686 : i32
            %get3A_688 = arith.index_cast %add3A_687 : i32 to index
            %get3A_689 = arith.constant 0 : index
            %get3A_690 = tpu.vector_load %arg20[%get3A_688, %get3A_689] {strides = array<i32>} : memref<512x32xbf16, #tpu.memory_space<vmem>>, vector<32xbf16>,
            %bitcast3A_691 = vector.bitcast %get3A_690 : vector<32xbf16> to vector<16xi32>
            %shift_left3A_692 = arith.constant 16 : i32
            %shift_left3A_693 = vector.broadcast %shift_left3A_692 : i32 to vector<16xi32>
            %shift_left3A_694 = arith.shli %bitcast3A_691, %shift_left3A_693 : vector<16xi32>
            %bitcast3A_695 = vector.bitcast %shift_left3A_694 : vector<16xi32> to vector<16xf32>
            %and3A_696 = arith.constant -65536 : i32
            %and3A_697 = vector.broadcast %and3A_696 : i32 to vector<16xi32>
            %and3A_698 = arith.andi %bitcast3A_691, %and3A_697 : vector<16xi32>
            %bitcast3A_699 = vector.bitcast %and3A_698 : vector<16xi32> to vector<16xf32>
            %mul3A_700 = arith.mulf %gather3A_685, %bitcast3A_695 : vector<16xf32>
            %add3A_701 = arith.addf %add3A_679, %mul3A_700 : vector<16xf32>
            %mul3A_702 = arith.mulf %gather3A_685, %bitcast3A_699 : vector<16xf32>
            %add3A_703 = arith.addf %add3A_681, %mul3A_702 : vector<16xf32>
            %add3A_704 = arith.constant 9 : i32
            %add3A_705 = vector.broadcast %add3A_704 : i32 to vector<16xi32>
            %add3A_706 = arith.addi %broadcast_in_dim3A_510, %add3A_705 : vector<16xi32>
            %gather3A_707 = tpu.vector_load_idx %arg16[%add3A_706] : memref<4096xf32, #tpu.memory_space<vmem>>[vector<16xi32>], vector<16xf32>,
            %add3A_708 = arith.constant 9 : i32
            %add3A_709 = arith.addi %add3A_504, %add3A_708 : i32
            %get3A_710 = arith.index_cast %add3A_709 : i32 to index
            %get3A_711 = arith.constant 0 : index
            %get3A_712 = tpu.vector_load %arg20[%get3A_710, %get3A_711] {strides = array<i32>} : memref<512x32xbf16, #tpu.memory_space<vmem>>, vector<32xbf16>,
            %bitcast3A_713 = vector.bitcast %get3A_712 : vector<32xbf16> to vector<16xi32>
            %shift_left3A_714 = arith.constant 16 : i32
            %shift_left3A_715 = vector.broadcast %shift_left3A_714 : i32 to vector<16xi32>
            %shift_left3A_716 = arith.shli %bitcast3A_713, %shift_left3A_715 : vector<16xi32>
            %bitcast3A_717 = vector.bitcast %shift_left3A_716 : vector<16xi32> to vector<16xf32>
            %and3A_718 = arith.constant -65536 : i32
            %and3A_719 = vector.broadcast %and3A_718 : i32 to vector<16xi32>
            %and3A_720 = arith.andi %bitcast3A_713, %and3A_719 : vector<16xi32>
            %bitcast3A_721 = vector.bitcast %and3A_720 : vector<16xi32> to vector<16xf32>
            %mul3A_722 = arith.mulf %gather3A_707, %bitcast3A_717 : vector<16xf32>
            %add3A_723 = arith.addf %add3A_701, %mul3A_722 : vector<16xf32>
            %mul3A_724 = arith.mulf %gather3A_707, %bitcast3A_721 : vector<16xf32>
            %add3A_725 = arith.addf %add3A_703, %mul3A_724 : vector<16xf32>
            %add3A_726 = arith.constant 10 : i32
            %add3A_727 = vector.broadcast %add3A_726 : i32 to vector<16xi32>
            %add3A_728 = arith.addi %broadcast_in_dim3A_510, %add3A_727 : vector<16xi32>
            %gather3A_729 = tpu.vector_load_idx %arg16[%add3A_728] : memref<4096xf32, #tpu.memory_space<vmem>>[vector<16xi32>], vector<16xf32>,
            %add3A_730 = arith.constant 10 : i32
            %add3A_731 = arith.addi %add3A_504, %add3A_730 : i32
            %get3A_732 = arith.index_cast %add3A_731 : i32 to index
            %get3A_733 = arith.constant 0 : index
            %get3A_734 = tpu.vector_load %arg20[%get3A_732, %get3A_733] {strides = array<i32>} : memref<512x32xbf16, #tpu.memory_space<vmem>>, vector<32xbf16>,
            %bitcast3A_735 = vector.bitcast %get3A_734 : vector<32xbf16> to vector<16xi32>
            %shift_left3A_736 = arith.constant 16 : i32
            %shift_left3A_737 = vector.broadcast %shift_left3A_736 : i32 to vector<16xi32>
            %shift_left3A_738 = arith.shli %bitcast3A_735, %shift_left3A_737 : vector<16xi32>
            %bitcast3A_739 = vector.bitcast %shift_left3A_738 : vector<16xi32> to vector<16xf32>
            %and3A_740 = arith.constant -65536 : i32
            %and3A_741 = vector.broadcast %and3A_740 : i32 to vector<16xi32>
            %and3A_742 = arith.andi %bitcast3A_735, %and3A_741 : vector<16xi32>
            %bitcast3A_743 = vector.bitcast %and3A_742 : vector<16xi32> to vector<16xf32>
            %mul3A_744 = arith.mulf %gather3A_729, %bitcast3A_739 : vector<16xf32>
            %add3A_745 = arith.addf %add3A_723, %mul3A_744 : vector<16xf32>
            %mul3A_746 = arith.mulf %gather3A_729, %bitcast3A_743 : vector<16xf32>
            %add3A_747 = arith.addf %add3A_725, %mul3A_746 : vector<16xf32>
            %add3A_748 = arith.constant 11 : i32
            %add3A_749 = vector.broadcast %add3A_748 : i32 to vector<16xi32>
            %add3A_750 = arith.addi %broadcast_in_dim3A_510, %add3A_749 : vector<16xi32>
            %gather3A_751 = tpu.vector_load_idx %arg16[%add3A_750] : memref<4096xf32, #tpu.memory_space<vmem>>[vector<16xi32>], vector<16xf32>,
            %add3A_752 = arith.constant 11 : i32
            %add3A_753 = arith.addi %add3A_504, %add3A_752 : i32
            %get3A_754 = arith.index_cast %add3A_753 : i32 to index
            %get3A_755 = arith.constant 0 : index
            %get3A_756 = tpu.vector_load %arg20[%get3A_754, %get3A_755] {strides = array<i32>} : memref<512x32xbf16, #tpu.memory_space<vmem>>, vector<32xbf16>,
            %bitcast3A_757 = vector.bitcast %get3A_756 : vector<32xbf16> to vector<16xi32>
            %shift_left3A_758 = arith.constant 16 : i32
            %shift_left3A_759 = vector.broadcast %shift_left3A_758 : i32 to vector<16xi32>
            %shift_left3A_760 = arith.shli %bitcast3A_757, %shift_left3A_759 : vector<16xi32>
            %bitcast3A_761 = vector.bitcast %shift_left3A_760 : vector<16xi32> to vector<16xf32>
            %and3A_762 = arith.constant -65536 : i32
            %and3A_763 = vector.broadcast %and3A_762 : i32 to vector<16xi32>
            %and3A_764 = arith.andi %bitcast3A_757, %and3A_763 : vector<16xi32>
            %bitcast3A_765 = vector.bitcast %and3A_764 : vector<16xi32> to vector<16xf32>
            %mul3A_766 = arith.mulf %gather3A_751, %bitcast3A_761 : vector<16xf32>
            %add3A_767 = arith.addf %add3A_745, %mul3A_766 : vector<16xf32>
            %mul3A_768 = arith.mulf %gather3A_751, %bitcast3A_765 : vector<16xf32>
            %add3A_769 = arith.addf %add3A_747, %mul3A_768 : vector<16xf32>
            %add3A_770 = arith.constant 12 : i32
            %add3A_771 = vector.broadcast %add3A_770 : i32 to vector<16xi32>
            %add3A_772 = arith.addi %broadcast_in_dim3A_510, %add3A_771 : vector<16xi32>
            %gather3A_773 = tpu.vector_load_idx %arg16[%add3A_772] : memref<4096xf32, #tpu.memory_space<vmem>>[vector<16xi32>], vector<16xf32>,
            %add3A_774 = arith.constant 12 : i32
            %add3A_775 = arith.addi %add3A_504, %add3A_774 : i32
            %get3A_776 = arith.index_cast %add3A_775 : i32 to index
            %get3A_777 = arith.constant 0 : index
            %get3A_778 = tpu.vector_load %arg20[%get3A_776, %get3A_777] {strides = array<i32>} : memref<512x32xbf16, #tpu.memory_space<vmem>>, vector<32xbf16>,
            %bitcast3A_779 = vector.bitcast %get3A_778 : vector<32xbf16> to vector<16xi32>
            %shift_left3A_780 = arith.constant 16 : i32
            %shift_left3A_781 = vector.broadcast %shift_left3A_780 : i32 to vector<16xi32>
            %shift_left3A_782 = arith.shli %bitcast3A_779, %shift_left3A_781 : vector<16xi32>
            %bitcast3A_783 = vector.bitcast %shift_left3A_782 : vector<16xi32> to vector<16xf32>
            %and3A_784 = arith.constant -65536 : i32
            %and3A_785 = vector.broadcast %and3A_784 : i32 to vector<16xi32>
            %and3A_786 = arith.andi %bitcast3A_779, %and3A_785 : vector<16xi32>
            %bitcast3A_787 = vector.bitcast %and3A_786 : vector<16xi32> to vector<16xf32>
            %mul3A_788 = arith.mulf %gather3A_773, %bitcast3A_783 : vector<16xf32>
            %add3A_789 = arith.addf %add3A_767, %mul3A_788 : vector<16xf32>
            %mul3A_790 = arith.mulf %gather3A_773, %bitcast3A_787 : vector<16xf32>
            %add3A_791 = arith.addf %add3A_769, %mul3A_790 : vector<16xf32>
            %add3A_792 = arith.constant 13 : i32
            %add3A_793 = vector.broadcast %add3A_792 : i32 to vector<16xi32>
            %add3A_794 = arith.addi %broadcast_in_dim3A_510, %add3A_793 : vector<16xi32>
            %gather3A_795 = tpu.vector_load_idx %arg16[%add3A_794] : memref<4096xf32, #tpu.memory_space<vmem>>[vector<16xi32>], vector<16xf32>,
            %add3A_796 = arith.constant 13 : i32
            %add3A_797 = arith.addi %add3A_504, %add3A_796 : i32
            %get3A_798 = arith.index_cast %add3A_797 : i32 to index
            %get3A_799 = arith.constant 0 : index
            %get3A_800 = tpu.vector_load %arg20[%get3A_798, %get3A_799] {strides = array<i32>} : memref<512x32xbf16, #tpu.memory_space<vmem>>, vector<32xbf16>,
            %bitcast3A_801 = vector.bitcast %get3A_800 : vector<32xbf16> to vector<16xi32>
            %shift_left3A_802 = arith.constant 16 : i32
            %shift_left3A_803 = vector.broadcast %shift_left3A_802 : i32 to vector<16xi32>
            %shift_left3A_804 = arith.shli %bitcast3A_801, %shift_left3A_803 : vector<16xi32>
            %bitcast3A_805 = vector.bitcast %shift_left3A_804 : vector<16xi32> to vector<16xf32>
            %and3A_806 = arith.constant -65536 : i32
            %and3A_807 = vector.broadcast %and3A_806 : i32 to vector<16xi32>
            %and3A_808 = arith.andi %bitcast3A_801, %and3A_807 : vector<16xi32>
            %bitcast3A_809 = vector.bitcast %and3A_808 : vector<16xi32> to vector<16xf32>
            %mul3A_810 = arith.mulf %gather3A_795, %bitcast3A_805 : vector<16xf32>
            %add3A_811 = arith.addf %add3A_789, %mul3A_810 : vector<16xf32>
            %mul3A_812 = arith.mulf %gather3A_795, %bitcast3A_809 : vector<16xf32>
            %add3A_813 = arith.addf %add3A_791, %mul3A_812 : vector<16xf32>
            %add3A_814 = arith.constant 14 : i32
            %add3A_815 = vector.broadcast %add3A_814 : i32 to vector<16xi32>
            %add3A_816 = arith.addi %broadcast_in_dim3A_510, %add3A_815 : vector<16xi32>
            %gather3A_817 = tpu.vector_load_idx %arg16[%add3A_816] : memref<4096xf32, #tpu.memory_space<vmem>>[vector<16xi32>], vector<16xf32>,
            %add3A_818 = arith.constant 14 : i32
            %add3A_819 = arith.addi %add3A_504, %add3A_818 : i32
            %get3A_820 = arith.index_cast %add3A_819 : i32 to index
            %get3A_821 = arith.constant 0 : index
            %get3A_822 = tpu.vector_load %arg20[%get3A_820, %get3A_821] {strides = array<i32>} : memref<512x32xbf16, #tpu.memory_space<vmem>>, vector<32xbf16>,
            %bitcast3A_823 = vector.bitcast %get3A_822 : vector<32xbf16> to vector<16xi32>
            %shift_left3A_824 = arith.constant 16 : i32
            %shift_left3A_825 = vector.broadcast %shift_left3A_824 : i32 to vector<16xi32>
            %shift_left3A_826 = arith.shli %bitcast3A_823, %shift_left3A_825 : vector<16xi32>
            %bitcast3A_827 = vector.bitcast %shift_left3A_826 : vector<16xi32> to vector<16xf32>
            %and3A_828 = arith.constant -65536 : i32
            %and3A_829 = vector.broadcast %and3A_828 : i32 to vector<16xi32>
            %and3A_830 = arith.andi %bitcast3A_823, %and3A_829 : vector<16xi32>
            %bitcast3A_831 = vector.bitcast %and3A_830 : vector<16xi32> to vector<16xf32>
            %mul3A_832 = arith.mulf %gather3A_817, %bitcast3A_827 : vector<16xf32>
            %add3A_833 = arith.addf %add3A_811, %mul3A_832 : vector<16xf32>
            %mul3A_834 = arith.mulf %gather3A_817, %bitcast3A_831 : vector<16xf32>
            %add3A_835 = arith.addf %add3A_813, %mul3A_834 : vector<16xf32>
            %add3A_836 = arith.constant 15 : i32
            %add3A_837 = vector.broadcast %add3A_836 : i32 to vector<16xi32>
            %add3A_838 = arith.addi %broadcast_in_dim3A_510, %add3A_837 : vector<16xi32>
            %gather3A_839 = tpu.vector_load_idx %arg16[%add3A_838] : memref<4096xf32, #tpu.memory_space<vmem>>[vector<16xi32>], vector<16xf32>,
            %add3A_840 = arith.constant 15 : i32
            %add3A_841 = arith.addi %add3A_504, %add3A_840 : i32
            %get3A_842 = arith.index_cast %add3A_841 : i32 to index
            %get3A_843 = arith.constant 0 : index
            %get3A_844 = tpu.vector_load %arg20[%get3A_842, %get3A_843] {strides = array<i32>} : memref<512x32xbf16, #tpu.memory_space<vmem>>, vector<32xbf16>,
            %bitcast3A_845 = vector.bitcast %get3A_844 : vector<32xbf16> to vector<16xi32>
            %shift_left3A_846 = arith.constant 16 : i32
            %shift_left3A_847 = vector.broadcast %shift_left3A_846 : i32 to vector<16xi32>
            %shift_left3A_848 = arith.shli %bitcast3A_845, %shift_left3A_847 : vector<16xi32>
            %bitcast3A_849 = vector.bitcast %shift_left3A_848 : vector<16xi32> to vector<16xf32>
            %and3A_850 = arith.constant -65536 : i32
            %and3A_851 = vector.broadcast %and3A_850 : i32 to vector<16xi32>
            %and3A_852 = arith.andi %bitcast3A_845, %and3A_851 : vector<16xi32>
            %bitcast3A_853 = vector.bitcast %and3A_852 : vector<16xi32> to vector<16xf32>
            %mul3A_854 = arith.mulf %gather3A_839, %bitcast3A_849 : vector<16xf32>
            %add3A_855 = arith.addf %add3A_833, %mul3A_854 : vector<16xf32>
            %mul3A_856 = arith.mulf %gather3A_839, %bitcast3A_853 : vector<16xf32>
            %add3A_857 = arith.addf %add3A_835, %mul3A_856 : vector<16xf32>
            %add3A_858 = arith.constant 0 : i32
            %add3A_859 = vector.broadcast %add3A_858 : i32 to vector<16xi32>
            %add3A_860 = arith.addi %broadcast_in_dim3A_510, %add3A_859 : vector<16xi32>
            %gather3A_861 = tpu.vector_load_idx %arg17[%add3A_860] : memref<4096xf32, #tpu.memory_space<vmem>>[vector<16xi32>], vector<16xf32>,
            %add3A_862 = arith.constant 0 : i32
            %add3A_863 = arith.addi %add3A_504, %add3A_862 : i32
            %get3A_864 = arith.index_cast %add3A_863 : i32 to index
            %get3A_865 = arith.constant 0 : index
            %get3A_866 = tpu.vector_load %arg21[%get3A_864, %get3A_865] {strides = array<i32>} : memref<512x32xbf16, #tpu.memory_space<vmem>>, vector<32xbf16>,
            %bitcast3A_867 = vector.bitcast %get3A_866 : vector<32xbf16> to vector<16xi32>
            %shift_left3A_868 = arith.constant 16 : i32
            %shift_left3A_869 = vector.broadcast %shift_left3A_868 : i32 to vector<16xi32>
            %shift_left3A_870 = arith.shli %bitcast3A_867, %shift_left3A_869 : vector<16xi32>
            %bitcast3A_871 = vector.bitcast %shift_left3A_870 : vector<16xi32> to vector<16xf32>
            %and3A_872 = arith.constant -65536 : i32
            %and3A_873 = vector.broadcast %and3A_872 : i32 to vector<16xi32>
            %and3A_874 = arith.andi %bitcast3A_867, %and3A_873 : vector<16xi32>
            %bitcast3A_875 = vector.bitcast %and3A_874 : vector<16xi32> to vector<16xf32>
            %mul3A_876 = arith.mulf %gather3A_861, %bitcast3A_871 : vector<16xf32>
            %add3A_877 = arith.addf %broadcast_in_dim3A_487, %mul3A_876 : vector<16xf32>
            %mul3A_878 = arith.mulf %gather3A_861, %bitcast3A_875 : vector<16xf32>
            %add3A_879 = arith.addf %broadcast_in_dim3A_495, %mul3A_878 : vector<16xf32>
            %add3A_880 = arith.constant 1 : i32
            %add3A_881 = vector.broadcast %add3A_880 : i32 to vector<16xi32>
            %add3A_882 = arith.addi %broadcast_in_dim3A_510, %add3A_881 : vector<16xi32>
            %gather3A_883 = tpu.vector_load_idx %arg17[%add3A_882] : memref<4096xf32, #tpu.memory_space<vmem>>[vector<16xi32>], vector<16xf32>,
            %add3A_884 = arith.constant 1 : i32
            %add3A_885 = arith.addi %add3A_504, %add3A_884 : i32
            %get3A_886 = arith.index_cast %add3A_885 : i32 to index
            %get3A_887 = arith.constant 0 : index
            %get3A_888 = tpu.vector_load %arg21[%get3A_886, %get3A_887] {strides = array<i32>} : memref<512x32xbf16, #tpu.memory_space<vmem>>, vector<32xbf16>,
            %bitcast3A_889 = vector.bitcast %get3A_888 : vector<32xbf16> to vector<16xi32>
            %shift_left3A_890 = arith.constant 16 : i32
            %shift_left3A_891 = vector.broadcast %shift_left3A_890 : i32 to vector<16xi32>
            %shift_left3A_892 = arith.shli %bitcast3A_889, %shift_left3A_891 : vector<16xi32>
            %bitcast3A_893 = vector.bitcast %shift_left3A_892 : vector<16xi32> to vector<16xf32>
            %and3A_894 = arith.constant -65536 : i32
            %and3A_895 = vector.broadcast %and3A_894 : i32 to vector<16xi32>
            %and3A_896 = arith.andi %bitcast3A_889, %and3A_895 : vector<16xi32>
            %bitcast3A_897 = vector.bitcast %and3A_896 : vector<16xi32> to vector<16xf32>
            %mul3A_898 = arith.mulf %gather3A_883, %bitcast3A_893 : vector<16xf32>
            %add3A_899 = arith.addf %add3A_877, %mul3A_898 : vector<16xf32>
            %mul3A_900 = arith.mulf %gather3A_883, %bitcast3A_897 : vector<16xf32>
            %add3A_901 = arith.addf %add3A_879, %mul3A_900 : vector<16xf32>
            %add3A_902 = arith.constant 2 : i32
            %add3A_903 = vector.broadcast %add3A_902 : i32 to vector<16xi32>
            %add3A_904 = arith.addi %broadcast_in_dim3A_510, %add3A_903 : vector<16xi32>
            %gather3A_905 = tpu.vector_load_idx %arg17[%add3A_904] : memref<4096xf32, #tpu.memory_space<vmem>>[vector<16xi32>], vector<16xf32>,
            %add3A_906 = arith.constant 2 : i32
            %add3A_907 = arith.addi %add3A_504, %add3A_906 : i32
            %get3A_908 = arith.index_cast %add3A_907 : i32 to index
            %get3A_909 = arith.constant 0 : index
            %get3A_910 = tpu.vector_load %arg21[%get3A_908, %get3A_909] {strides = array<i32>} : memref<512x32xbf16, #tpu.memory_space<vmem>>, vector<32xbf16>,
            %bitcast3A_911 = vector.bitcast %get3A_910 : vector<32xbf16> to vector<16xi32>
            %shift_left3A_912 = arith.constant 16 : i32
            %shift_left3A_913 = vector.broadcast %shift_left3A_912 : i32 to vector<16xi32>
            %shift_left3A_914 = arith.shli %bitcast3A_911, %shift_left3A_913 : vector<16xi32>
            %bitcast3A_915 = vector.bitcast %shift_left3A_914 : vector<16xi32> to vector<16xf32>
            %and3A_916 = arith.constant -65536 : i32
            %and3A_917 = vector.broadcast %and3A_916 : i32 to vector<16xi32>
            %and3A_918 = arith.andi %bitcast3A_911, %and3A_917 : vector<16xi32>
            %bitcast3A_919 = vector.bitcast %and3A_918 : vector<16xi32> to vector<16xf32>
            %mul3A_920 = arith.mulf %gather3A_905, %bitcast3A_915 : vector<16xf32>
            %add3A_921 = arith.addf %add3A_899, %mul3A_920 : vector<16xf32>
            %mul3A_922 = arith.mulf %gather3A_905, %bitcast3A_919 : vector<16xf32>
            %add3A_923 = arith.addf %add3A_901, %mul3A_922 : vector<16xf32>
            %add3A_924 = arith.constant 3 : i32
            %add3A_925 = vector.broadcast %add3A_924 : i32 to vector<16xi32>
            %add3A_926 = arith.addi %broadcast_in_dim3A_510, %add3A_925 : vector<16xi32>
            %gather3A_927 = tpu.vector_load_idx %arg17[%add3A_926] : memref<4096xf32, #tpu.memory_space<vmem>>[vector<16xi32>], vector<16xf32>,
            %add3A_928 = arith.constant 3 : i32
            %add3A_929 = arith.addi %add3A_504, %add3A_928 : i32
            %get3A_930 = arith.index_cast %add3A_929 : i32 to index
            %get3A_931 = arith.constant 0 : index
            %get3A_932 = tpu.vector_load %arg21[%get3A_930, %get3A_931] {strides = array<i32>} : memref<512x32xbf16, #tpu.memory_space<vmem>>, vector<32xbf16>,
            %bitcast3A_933 = vector.bitcast %get3A_932 : vector<32xbf16> to vector<16xi32>
            %shift_left3A_934 = arith.constant 16 : i32
            %shift_left3A_935 = vector.broadcast %shift_left3A_934 : i32 to vector<16xi32>
            %shift_left3A_936 = arith.shli %bitcast3A_933, %shift_left3A_935 : vector<16xi32>
            %bitcast3A_937 = vector.bitcast %shift_left3A_936 : vector<16xi32> to vector<16xf32>
            %and3A_938 = arith.constant -65536 : i32
            %and3A_939 = vector.broadcast %and3A_938 : i32 to vector<16xi32>
            %and3A_940 = arith.andi %bitcast3A_933, %and3A_939 : vector<16xi32>
            %bitcast3A_941 = vector.bitcast %and3A_940 : vector<16xi32> to vector<16xf32>
            %mul3A_942 = arith.mulf %gather3A_927, %bitcast3A_937 : vector<16xf32>
            %add3A_943 = arith.addf %add3A_921, %mul3A_942 : vector<16xf32>
            %mul3A_944 = arith.mulf %gather3A_927, %bitcast3A_941 : vector<16xf32>
            %add3A_945 = arith.addf %add3A_923, %mul3A_944 : vector<16xf32>
            %add3A_946 = arith.constant 4 : i32
            %add3A_947 = vector.broadcast %add3A_946 : i32 to vector<16xi32>
            %add3A_948 = arith.addi %broadcast_in_dim3A_510, %add3A_947 : vector<16xi32>
            %gather3A_949 = tpu.vector_load_idx %arg17[%add3A_948] : memref<4096xf32, #tpu.memory_space<vmem>>[vector<16xi32>], vector<16xf32>,
            %add3A_950 = arith.constant 4 : i32
            %add3A_951 = arith.addi %add3A_504, %add3A_950 : i32
            %get3A_952 = arith.index_cast %add3A_951 : i32 to index
            %get3A_953 = arith.constant 0 : index
            %get3A_954 = tpu.vector_load %arg21[%get3A_952, %get3A_953] {strides = array<i32>} : memref<512x32xbf16, #tpu.memory_space<vmem>>, vector<32xbf16>,
            %bitcast3A_955 = vector.bitcast %get3A_954 : vector<32xbf16> to vector<16xi32>
            %shift_left3A_956 = arith.constant 16 : i32
            %shift_left3A_957 = vector.broadcast %shift_left3A_956 : i32 to vector<16xi32>
            %shift_left3A_958 = arith.shli %bitcast3A_955, %shift_left3A_957 : vector<16xi32>
            %bitcast3A_959 = vector.bitcast %shift_left3A_958 : vector<16xi32> to vector<16xf32>
            %and3A_960 = arith.constant -65536 : i32
            %and3A_961 = vector.broadcast %and3A_960 : i32 to vector<16xi32>
            %and3A_962 = arith.andi %bitcast3A_955, %and3A_961 : vector<16xi32>
            %bitcast3A_963 = vector.bitcast %and3A_962 : vector<16xi32> to vector<16xf32>
            %mul3A_964 = arith.mulf %gather3A_949, %bitcast3A_959 : vector<16xf32>
            %add3A_965 = arith.addf %add3A_943, %mul3A_964 : vector<16xf32>
            %mul3A_966 = arith.mulf %gather3A_949, %bitcast3A_963 : vector<16xf32>
            %add3A_967 = arith.addf %add3A_945, %mul3A_966 : vector<16xf32>
            %add3A_968 = arith.constant 5 : i32
            %add3A_969 = vector.broadcast %add3A_968 : i32 to vector<16xi32>
            %add3A_970 = arith.addi %broadcast_in_dim3A_510, %add3A_969 : vector<16xi32>
            %gather3A_971 = tpu.vector_load_idx %arg17[%add3A_970] : memref<4096xf32, #tpu.memory_space<vmem>>[vector<16xi32>], vector<16xf32>,
            %add3A_972 = arith.constant 5 : i32
            %add3A_973 = arith.addi %add3A_504, %add3A_972 : i32
            %get3A_974 = arith.index_cast %add3A_973 : i32 to index
            %get3A_975 = arith.constant 0 : index
            %get3A_976 = tpu.vector_load %arg21[%get3A_974, %get3A_975] {strides = array<i32>} : memref<512x32xbf16, #tpu.memory_space<vmem>>, vector<32xbf16>,
            %bitcast3A_977 = vector.bitcast %get3A_976 : vector<32xbf16> to vector<16xi32>
            %shift_left3A_978 = arith.constant 16 : i32
            %shift_left3A_979 = vector.broadcast %shift_left3A_978 : i32 to vector<16xi32>
            %shift_left3A_980 = arith.shli %bitcast3A_977, %shift_left3A_979 : vector<16xi32>
            %bitcast3A_981 = vector.bitcast %shift_left3A_980 : vector<16xi32> to vector<16xf32>
            %and3A_982 = arith.constant -65536 : i32
            %and3A_983 = vector.broadcast %and3A_982 : i32 to vector<16xi32>
            %and3A_984 = arith.andi %bitcast3A_977, %and3A_983 : vector<16xi32>
            %bitcast3A_985 = vector.bitcast %and3A_984 : vector<16xi32> to vector<16xf32>
            %mul3A_986 = arith.mulf %gather3A_971, %bitcast3A_981 : vector<16xf32>
            %add3A_987 = arith.addf %add3A_965, %mul3A_986 : vector<16xf32>
            %mul3A_988 = arith.mulf %gather3A_971, %bitcast3A_985 : vector<16xf32>
            %add3A_989 = arith.addf %add3A_967, %mul3A_988 : vector<16xf32>
            %add3A_990 = arith.constant 6 : i32
            %add3A_991 = vector.broadcast %add3A_990 : i32 to vector<16xi32>
            %add3A_992 = arith.addi %broadcast_in_dim3A_510, %add3A_991 : vector<16xi32>
            %gather3A_993 = tpu.vector_load_idx %arg17[%add3A_992] : memref<4096xf32, #tpu.memory_space<vmem>>[vector<16xi32>], vector<16xf32>,
            %add3A_994 = arith.constant 6 : i32
            %add3A_995 = arith.addi %add3A_504, %add3A_994 : i32
            %get3A_996 = arith.index_cast %add3A_995 : i32 to index
            %get3A_997 = arith.constant 0 : index
            %get3A_998 = tpu.vector_load %arg21[%get3A_996, %get3A_997] {strides = array<i32>} : memref<512x32xbf16, #tpu.memory_space<vmem>>, vector<32xbf16>,
            %bitcast3A_999 = vector.bitcast %get3A_998 : vector<32xbf16> to vector<16xi32>
            %shift_left3A_1000 = arith.constant 16 : i32
            %shift_left3A_1001 = vector.broadcast %shift_left3A_1000 : i32 to vector<16xi32>
            %shift_left3A_1002 = arith.shli %bitcast3A_999, %shift_left3A_1001 : vector<16xi32>
            %bitcast3A_1003 = vector.bitcast %shift_left3A_1002 : vector<16xi32> to vector<16xf32>
            %and3A_1004 = arith.constant -65536 : i32
            %and3A_1005 = vector.broadcast %and3A_1004 : i32 to vector<16xi32>
            %and3A_1006 = arith.andi %bitcast3A_999, %and3A_1005 : vector<16xi32>
            %bitcast3A_1007 = vector.bitcast %and3A_1006 : vector<16xi32> to vector<16xf32>
            %mul3A_1008 = arith.mulf %gather3A_993, %bitcast3A_1003 : vector<16xf32>
            %add3A_1009 = arith.addf %add3A_987, %mul3A_1008 : vector<16xf32>
            %mul3A_1010 = arith.mulf %gather3A_993, %bitcast3A_1007 : vector<16xf32>
            %add3A_1011 = arith.addf %add3A_989, %mul3A_1010 : vector<16xf32>
            %add3A_1012 = arith.constant 7 : i32
            %add3A_1013 = vector.broadcast %add3A_1012 : i32 to vector<16xi32>
            %add3A_1014 = arith.addi %broadcast_in_dim3A_510, %add3A_1013 : vector<16xi32>
            %gather3A_1015 = tpu.vector_load_idx %arg17[%add3A_1014] : memref<4096xf32, #tpu.memory_space<vmem>>[vector<16xi32>], vector<16xf32>,
            %add3A_1016 = arith.constant 7 : i32
            %add3A_1017 = arith.addi %add3A_504, %add3A_1016 : i32
            %get3A_1018 = arith.index_cast %add3A_1017 : i32 to index
            %get3A_1019 = arith.constant 0 : index
            %get3A_1020 = tpu.vector_load %arg21[%get3A_1018, %get3A_1019] {strides = array<i32>} : memref<512x32xbf16, #tpu.memory_space<vmem>>, vector<32xbf16>,
            %bitcast3A_1021 = vector.bitcast %get3A_1020 : vector<32xbf16> to vector<16xi32>
            %shift_left3A_1022 = arith.constant 16 : i32
            %shift_left3A_1023 = vector.broadcast %shift_left3A_1022 : i32 to vector<16xi32>
            %shift_left3A_1024 = arith.shli %bitcast3A_1021, %shift_left3A_1023 : vector<16xi32>
            %bitcast3A_1025 = vector.bitcast %shift_left3A_1024 : vector<16xi32> to vector<16xf32>
            %and3A_1026 = arith.constant -65536 : i32
            %and3A_1027 = vector.broadcast %and3A_1026 : i32 to vector<16xi32>
            %and3A_1028 = arith.andi %bitcast3A_1021, %and3A_1027 : vector<16xi32>
            %bitcast3A_1029 = vector.bitcast %and3A_1028 : vector<16xi32> to vector<16xf32>
            %mul3A_1030 = arith.mulf %gather3A_1015, %bitcast3A_1025 : vector<16xf32>
            %add3A_1031 = arith.addf %add3A_1009, %mul3A_1030 : vector<16xf32>
            %mul3A_1032 = arith.mulf %gather3A_1015, %bitcast3A_1029 : vector<16xf32>
            %add3A_1033 = arith.addf %add3A_1011, %mul3A_1032 : vector<16xf32>
            %add3A_1034 = arith.constant 8 : i32
            %add3A_1035 = vector.broadcast %add3A_1034 : i32 to vector<16xi32>
            %add3A_1036 = arith.addi %broadcast_in_dim3A_510, %add3A_1035 : vector<16xi32>
            %gather3A_1037 = tpu.vector_load_idx %arg17[%add3A_1036] : memref<4096xf32, #tpu.memory_space<vmem>>[vector<16xi32>], vector<16xf32>,
            %add3A_1038 = arith.constant 8 : i32
            %add3A_1039 = arith.addi %add3A_504, %add3A_1038 : i32
            %get3A_1040 = arith.index_cast %add3A_1039 : i32 to index
            %get3A_1041 = arith.constant 0 : index
            %get3A_1042 = tpu.vector_load %arg21[%get3A_1040, %get3A_1041] {strides = array<i32>} : memref<512x32xbf16, #tpu.memory_space<vmem>>, vector<32xbf16>,
            %bitcast3A_1043 = vector.bitcast %get3A_1042 : vector<32xbf16> to vector<16xi32>
            %shift_left3A_1044 = arith.constant 16 : i32
            %shift_left3A_1045 = vector.broadcast %shift_left3A_1044 : i32 to vector<16xi32>
            %shift_left3A_1046 = arith.shli %bitcast3A_1043, %shift_left3A_1045 : vector<16xi32>
            %bitcast3A_1047 = vector.bitcast %shift_left3A_1046 : vector<16xi32> to vector<16xf32>
            %and3A_1048 = arith.constant -65536 : i32
            %and3A_1049 = vector.broadcast %and3A_1048 : i32 to vector<16xi32>
            %and3A_1050 = arith.andi %bitcast3A_1043, %and3A_1049 : vector<16xi32>
            %bitcast3A_1051 = vector.bitcast %and3A_1050 : vector<16xi32> to vector<16xf32>
            %mul3A_1052 = arith.mulf %gather3A_1037, %bitcast3A_1047 : vector<16xf32>
            %add3A_1053 = arith.addf %add3A_1031, %mul3A_1052 : vector<16xf32>
            %mul3A_1054 = arith.mulf %gather3A_1037, %bitcast3A_1051 : vector<16xf32>
            %add3A_1055 = arith.addf %add3A_1033, %mul3A_1054 : vector<16xf32>
            %add3A_1056 = arith.constant 9 : i32
            %add3A_1057 = vector.broadcast %add3A_1056 : i32 to vector<16xi32>
            %add3A_1058 = arith.addi %broadcast_in_dim3A_510, %add3A_1057 : vector<16xi32>
            %gather3A_1059 = tpu.vector_load_idx %arg17[%add3A_1058] : memref<4096xf32, #tpu.memory_space<vmem>>[vector<16xi32>], vector<16xf32>,
            %add3A_1060 = arith.constant 9 : i32
            %add3A_1061 = arith.addi %add3A_504, %add3A_1060 : i32
            %get3A_1062 = arith.index_cast %add3A_1061 : i32 to index
            %get3A_1063 = arith.constant 0 : index
            %get3A_1064 = tpu.vector_load %arg21[%get3A_1062, %get3A_1063] {strides = array<i32>} : memref<512x32xbf16, #tpu.memory_space<vmem>>, vector<32xbf16>,
            %bitcast3A_1065 = vector.bitcast %get3A_1064 : vector<32xbf16> to vector<16xi32>
            %shift_left3A_1066 = arith.constant 16 : i32
            %shift_left3A_1067 = vector.broadcast %shift_left3A_1066 : i32 to vector<16xi32>
            %shift_left3A_1068 = arith.shli %bitcast3A_1065, %shift_left3A_1067 : vector<16xi32>
            %bitcast3A_1069 = vector.bitcast %shift_left3A_1068 : vector<16xi32> to vector<16xf32>
            %and3A_1070 = arith.constant -65536 : i32
            %and3A_1071 = vector.broadcast %and3A_1070 : i32 to vector<16xi32>
            %and3A_1072 = arith.andi %bitcast3A_1065, %and3A_1071 : vector<16xi32>
            %bitcast3A_1073 = vector.bitcast %and3A_1072 : vector<16xi32> to vector<16xf32>
            %mul3A_1074 = arith.mulf %gather3A_1059, %bitcast3A_1069 : vector<16xf32>
            %add3A_1075 = arith.addf %add3A_1053, %mul3A_1074 : vector<16xf32>
            %mul3A_1076 = arith.mulf %gather3A_1059, %bitcast3A_1073 : vector<16xf32>
            %add3A_1077 = arith.addf %add3A_1055, %mul3A_1076 : vector<16xf32>
            %add3A_1078 = arith.constant 10 : i32
            %add3A_1079 = vector.broadcast %add3A_1078 : i32 to vector<16xi32>
            %add3A_1080 = arith.addi %broadcast_in_dim3A_510, %add3A_1079 : vector<16xi32>
            %gather3A_1081 = tpu.vector_load_idx %arg17[%add3A_1080] : memref<4096xf32, #tpu.memory_space<vmem>>[vector<16xi32>], vector<16xf32>,
            %add3A_1082 = arith.constant 10 : i32
            %add3A_1083 = arith.addi %add3A_504, %add3A_1082 : i32
            %get3A_1084 = arith.index_cast %add3A_1083 : i32 to index
            %get3A_1085 = arith.constant 0 : index
            %get3A_1086 = tpu.vector_load %arg21[%get3A_1084, %get3A_1085] {strides = array<i32>} : memref<512x32xbf16, #tpu.memory_space<vmem>>, vector<32xbf16>,
            %bitcast3A_1087 = vector.bitcast %get3A_1086 : vector<32xbf16> to vector<16xi32>
            %shift_left3A_1088 = arith.constant 16 : i32
            %shift_left3A_1089 = vector.broadcast %shift_left3A_1088 : i32 to vector<16xi32>
            %shift_left3A_1090 = arith.shli %bitcast3A_1087, %shift_left3A_1089 : vector<16xi32>
            %bitcast3A_1091 = vector.bitcast %shift_left3A_1090 : vector<16xi32> to vector<16xf32>
            %and3A_1092 = arith.constant -65536 : i32
            %and3A_1093 = vector.broadcast %and3A_1092 : i32 to vector<16xi32>
            %and3A_1094 = arith.andi %bitcast3A_1087, %and3A_1093 : vector<16xi32>
            %bitcast3A_1095 = vector.bitcast %and3A_1094 : vector<16xi32> to vector<16xf32>
            %mul3A_1096 = arith.mulf %gather3A_1081, %bitcast3A_1091 : vector<16xf32>
            %add3A_1097 = arith.addf %add3A_1075, %mul3A_1096 : vector<16xf32>
            %mul3A_1098 = arith.mulf %gather3A_1081, %bitcast3A_1095 : vector<16xf32>
            %add3A_1099 = arith.addf %add3A_1077, %mul3A_1098 : vector<16xf32>
            %add3A_1100 = arith.constant 11 : i32
            %add3A_1101 = vector.broadcast %add3A_1100 : i32 to vector<16xi32>
            %add3A_1102 = arith.addi %broadcast_in_dim3A_510, %add3A_1101 : vector<16xi32>
            %gather3A_1103 = tpu.vector_load_idx %arg17[%add3A_1102] : memref<4096xf32, #tpu.memory_space<vmem>>[vector<16xi32>], vector<16xf32>,
            %add3A_1104 = arith.constant 11 : i32
            %add3A_1105 = arith.addi %add3A_504, %add3A_1104 : i32
            %get3A_1106 = arith.index_cast %add3A_1105 : i32 to index
            %get3A_1107 = arith.constant 0 : index
            %get3A_1108 = tpu.vector_load %arg21[%get3A_1106, %get3A_1107] {strides = array<i32>} : memref<512x32xbf16, #tpu.memory_space<vmem>>, vector<32xbf16>,
            %bitcast3A_1109 = vector.bitcast %get3A_1108 : vector<32xbf16> to vector<16xi32>
            %shift_left3A_1110 = arith.constant 16 : i32
            %shift_left3A_1111 = vector.broadcast %shift_left3A_1110 : i32 to vector<16xi32>
            %shift_left3A_1112 = arith.shli %bitcast3A_1109, %shift_left3A_1111 : vector<16xi32>
            %bitcast3A_1113 = vector.bitcast %shift_left3A_1112 : vector<16xi32> to vector<16xf32>
            %and3A_1114 = arith.constant -65536 : i32
            %and3A_1115 = vector.broadcast %and3A_1114 : i32 to vector<16xi32>
            %and3A_1116 = arith.andi %bitcast3A_1109, %and3A_1115 : vector<16xi32>
            %bitcast3A_1117 = vector.bitcast %and3A_1116 : vector<16xi32> to vector<16xf32>
            %mul3A_1118 = arith.mulf %gather3A_1103, %bitcast3A_1113 : vector<16xf32>
            %add3A_1119 = arith.addf %add3A_1097, %mul3A_1118 : vector<16xf32>
            %mul3A_1120 = arith.mulf %gather3A_1103, %bitcast3A_1117 : vector<16xf32>
            %add3A_1121 = arith.addf %add3A_1099, %mul3A_1120 : vector<16xf32>
            %add3A_1122 = arith.constant 12 : i32
            %add3A_1123 = vector.broadcast %add3A_1122 : i32 to vector<16xi32>
            %add3A_1124 = arith.addi %broadcast_in_dim3A_510, %add3A_1123 : vector<16xi32>
            %gather3A_1125 = tpu.vector_load_idx %arg17[%add3A_1124] : memref<4096xf32, #tpu.memory_space<vmem>>[vector<16xi32>], vector<16xf32>,
            %add3A_1126 = arith.constant 12 : i32
            %add3A_1127 = arith.addi %add3A_504, %add3A_1126 : i32
            %get3A_1128 = arith.index_cast %add3A_1127 : i32 to index
            %get3A_1129 = arith.constant 0 : index
            %get3A_1130 = tpu.vector_load %arg21[%get3A_1128, %get3A_1129] {strides = array<i32>} : memref<512x32xbf16, #tpu.memory_space<vmem>>, vector<32xbf16>,
            %bitcast3A_1131 = vector.bitcast %get3A_1130 : vector<32xbf16> to vector<16xi32>
            %shift_left3A_1132 = arith.constant 16 : i32
            %shift_left3A_1133 = vector.broadcast %shift_left3A_1132 : i32 to vector<16xi32>
            %shift_left3A_1134 = arith.shli %bitcast3A_1131, %shift_left3A_1133 : vector<16xi32>
            %bitcast3A_1135 = vector.bitcast %shift_left3A_1134 : vector<16xi32> to vector<16xf32>
            %and3A_1136 = arith.constant -65536 : i32
            %and3A_1137 = vector.broadcast %and3A_1136 : i32 to vector<16xi32>
            %and3A_1138 = arith.andi %bitcast3A_1131, %and3A_1137 : vector<16xi32>
            %bitcast3A_1139 = vector.bitcast %and3A_1138 : vector<16xi32> to vector<16xf32>
            %mul3A_1140 = arith.mulf %gather3A_1125, %bitcast3A_1135 : vector<16xf32>
            %add3A_1141 = arith.addf %add3A_1119, %mul3A_1140 : vector<16xf32>
            %mul3A_1142 = arith.mulf %gather3A_1125, %bitcast3A_1139 : vector<16xf32>
            %add3A_1143 = arith.addf %add3A_1121, %mul3A_1142 : vector<16xf32>
            %add3A_1144 = arith.constant 13 : i32
            %add3A_1145 = vector.broadcast %add3A_1144 : i32 to vector<16xi32>
            %add3A_1146 = arith.addi %broadcast_in_dim3A_510, %add3A_1145 : vector<16xi32>
            %gather3A_1147 = tpu.vector_load_idx %arg17[%add3A_1146] : memref<4096xf32, #tpu.memory_space<vmem>>[vector<16xi32>], vector<16xf32>,
            %add3A_1148 = arith.constant 13 : i32
            %add3A_1149 = arith.addi %add3A_504, %add3A_1148 : i32
            %get3A_1150 = arith.index_cast %add3A_1149 : i32 to index
            %get3A_1151 = arith.constant 0 : index
            %get3A_1152 = tpu.vector_load %arg21[%get3A_1150, %get3A_1151] {strides = array<i32>} : memref<512x32xbf16, #tpu.memory_space<vmem>>, vector<32xbf16>,
            %bitcast3A_1153 = vector.bitcast %get3A_1152 : vector<32xbf16> to vector<16xi32>
            %shift_left3A_1154 = arith.constant 16 : i32
            %shift_left3A_1155 = vector.broadcast %shift_left3A_1154 : i32 to vector<16xi32>
            %shift_left3A_1156 = arith.shli %bitcast3A_1153, %shift_left3A_1155 : vector<16xi32>
            %bitcast3A_1157 = vector.bitcast %shift_left3A_1156 : vector<16xi32> to vector<16xf32>
            %and3A_1158 = arith.constant -65536 : i32
            %and3A_1159 = vector.broadcast %and3A_1158 : i32 to vector<16xi32>
            %and3A_1160 = arith.andi %bitcast3A_1153, %and3A_1159 : vector<16xi32>
            %bitcast3A_1161 = vector.bitcast %and3A_1160 : vector<16xi32> to vector<16xf32>
            %mul3A_1162 = arith.mulf %gather3A_1147, %bitcast3A_1157 : vector<16xf32>
            %add3A_1163 = arith.addf %add3A_1141, %mul3A_1162 : vector<16xf32>
            %mul3A_1164 = arith.mulf %gather3A_1147, %bitcast3A_1161 : vector<16xf32>
            %add3A_1165 = arith.addf %add3A_1143, %mul3A_1164 : vector<16xf32>
            %add3A_1166 = arith.constant 14 : i32
            %add3A_1167 = vector.broadcast %add3A_1166 : i32 to vector<16xi32>
            %add3A_1168 = arith.addi %broadcast_in_dim3A_510, %add3A_1167 : vector<16xi32>
            %gather3A_1169 = tpu.vector_load_idx %arg17[%add3A_1168] : memref<4096xf32, #tpu.memory_space<vmem>>[vector<16xi32>], vector<16xf32>,
            %add3A_1170 = arith.constant 14 : i32
            %add3A_1171 = arith.addi %add3A_504, %add3A_1170 : i32
            %get3A_1172 = arith.index_cast %add3A_1171 : i32 to index
            %get3A_1173 = arith.constant 0 : index
            %get3A_1174 = tpu.vector_load %arg21[%get3A_1172, %get3A_1173] {strides = array<i32>} : memref<512x32xbf16, #tpu.memory_space<vmem>>, vector<32xbf16>,
            %bitcast3A_1175 = vector.bitcast %get3A_1174 : vector<32xbf16> to vector<16xi32>
            %shift_left3A_1176 = arith.constant 16 : i32
            %shift_left3A_1177 = vector.broadcast %shift_left3A_1176 : i32 to vector<16xi32>
            %shift_left3A_1178 = arith.shli %bitcast3A_1175, %shift_left3A_1177 : vector<16xi32>
            %bitcast3A_1179 = vector.bitcast %shift_left3A_1178 : vector<16xi32> to vector<16xf32>
            %and3A_1180 = arith.constant -65536 : i32
            %and3A_1181 = vector.broadcast %and3A_1180 : i32 to vector<16xi32>
            %and3A_1182 = arith.andi %bitcast3A_1175, %and3A_1181 : vector<16xi32>
            %bitcast3A_1183 = vector.bitcast %and3A_1182 : vector<16xi32> to vector<16xf32>
            %mul3A_1184 = arith.mulf %gather3A_1169, %bitcast3A_1179 : vector<16xf32>
            %add3A_1185 = arith.addf %add3A_1163, %mul3A_1184 : vector<16xf32>
            %mul3A_1186 = arith.mulf %gather3A_1169, %bitcast3A_1183 : vector<16xf32>
            %add3A_1187 = arith.addf %add3A_1165, %mul3A_1186 : vector<16xf32>
            %add3A_1188 = arith.constant 15 : i32
            %add3A_1189 = vector.broadcast %add3A_1188 : i32 to vector<16xi32>
            %add3A_1190 = arith.addi %broadcast_in_dim3A_510, %add3A_1189 : vector<16xi32>
            %gather3A_1191 = tpu.vector_load_idx %arg17[%add3A_1190] : memref<4096xf32, #tpu.memory_space<vmem>>[vector<16xi32>], vector<16xf32>,
            %add3A_1192 = arith.constant 15 : i32
            %add3A_1193 = arith.addi %add3A_504, %add3A_1192 : i32
            %get3A_1194 = arith.index_cast %add3A_1193 : i32 to index
            %get3A_1195 = arith.constant 0 : index
            %get3A_1196 = tpu.vector_load %arg21[%get3A_1194, %get3A_1195] {strides = array<i32>} : memref<512x32xbf16, #tpu.memory_space<vmem>>, vector<32xbf16>,
            %bitcast3A_1197 = vector.bitcast %get3A_1196 : vector<32xbf16> to vector<16xi32>
            %shift_left3A_1198 = arith.constant 16 : i32
            %shift_left3A_1199 = vector.broadcast %shift_left3A_1198 : i32 to vector<16xi32>
            %shift_left3A_1200 = arith.shli %bitcast3A_1197, %shift_left3A_1199 : vector<16xi32>
            %bitcast3A_1201 = vector.bitcast %shift_left3A_1200 : vector<16xi32> to vector<16xf32>
            %and3A_1202 = arith.constant -65536 : i32
            %and3A_1203 = vector.broadcast %and3A_1202 : i32 to vector<16xi32>
            %and3A_1204 = arith.andi %bitcast3A_1197, %and3A_1203 : vector<16xi32>
            %bitcast3A_1205 = vector.bitcast %and3A_1204 : vector<16xi32> to vector<16xf32>
            %mul3A_1206 = arith.mulf %gather3A_1191, %bitcast3A_1201 : vector<16xf32>
            %add3A_1207 = arith.addf %add3A_1185, %mul3A_1206 : vector<16xf32>
            %mul3A_1208 = arith.mulf %gather3A_1191, %bitcast3A_1205 : vector<16xf32>
            %add3A_1209 = arith.addf %add3A_1187, %mul3A_1208 : vector<16xf32>
            %add3A_1210 = arith.constant 0 : i32
            %add3A_1211 = vector.broadcast %add3A_1210 : i32 to vector<16xi32>
            %add3A_1212 = arith.addi %broadcast_in_dim3A_510, %add3A_1211 : vector<16xi32>
            %gather3A_1213 = tpu.vector_load_idx %arg18[%add3A_1212] : memref<4096xf32, #tpu.memory_space<vmem>>[vector<16xi32>], vector<16xf32>,
            %add3A_1214 = arith.constant 0 : i32
            %add3A_1215 = arith.addi %add3A_504, %add3A_1214 : i32
            %get3A_1216 = arith.index_cast %add3A_1215 : i32 to index
            %get3A_1217 = arith.constant 0 : index
            %get3A_1218 = tpu.vector_load %arg22[%get3A_1216, %get3A_1217] {strides = array<i32>} : memref<512x32xbf16, #tpu.memory_space<vmem>>, vector<32xbf16>,
            %bitcast3A_1219 = vector.bitcast %get3A_1218 : vector<32xbf16> to vector<16xi32>
            %shift_left3A_1220 = arith.constant 16 : i32
            %shift_left3A_1221 = vector.broadcast %shift_left3A_1220 : i32 to vector<16xi32>
            %shift_left3A_1222 = arith.shli %bitcast3A_1219, %shift_left3A_1221 : vector<16xi32>
            %bitcast3A_1223 = vector.bitcast %shift_left3A_1222 : vector<16xi32> to vector<16xf32>
            %and3A_1224 = arith.constant -65536 : i32
            %and3A_1225 = vector.broadcast %and3A_1224 : i32 to vector<16xi32>
            %and3A_1226 = arith.andi %bitcast3A_1219, %and3A_1225 : vector<16xi32>
            %bitcast3A_1227 = vector.bitcast %and3A_1226 : vector<16xi32> to vector<16xf32>
            %mul3A_1228 = arith.mulf %gather3A_1213, %bitcast3A_1223 : vector<16xf32>
            %add3A_1229 = arith.addf %broadcast_in_dim3A_489, %mul3A_1228 : vector<16xf32>
            %mul3A_1230 = arith.mulf %gather3A_1213, %bitcast3A_1227 : vector<16xf32>
            %add3A_1231 = arith.addf %broadcast_in_dim3A_497, %mul3A_1230 : vector<16xf32>
            %add3A_1232 = arith.constant 1 : i32
            %add3A_1233 = vector.broadcast %add3A_1232 : i32 to vector<16xi32>
            %add3A_1234 = arith.addi %broadcast_in_dim3A_510, %add3A_1233 : vector<16xi32>
            %gather3A_1235 = tpu.vector_load_idx %arg18[%add3A_1234] : memref<4096xf32, #tpu.memory_space<vmem>>[vector<16xi32>], vector<16xf32>,
            %add3A_1236 = arith.constant 1 : i32
            %add3A_1237 = arith.addi %add3A_504, %add3A_1236 : i32
            %get3A_1238 = arith.index_cast %add3A_1237 : i32 to index
            %get3A_1239 = arith.constant 0 : index
            %get3A_1240 = tpu.vector_load %arg22[%get3A_1238, %get3A_1239] {strides = array<i32>} : memref<512x32xbf16, #tpu.memory_space<vmem>>, vector<32xbf16>,
            %bitcast3A_1241 = vector.bitcast %get3A_1240 : vector<32xbf16> to vector<16xi32>
            %shift_left3A_1242 = arith.constant 16 : i32
            %shift_left3A_1243 = vector.broadcast %shift_left3A_1242 : i32 to vector<16xi32>
            %shift_left3A_1244 = arith.shli %bitcast3A_1241, %shift_left3A_1243 : vector<16xi32>
            %bitcast3A_1245 = vector.bitcast %shift_left3A_1244 : vector<16xi32> to vector<16xf32>
            %and3A_1246 = arith.constant -65536 : i32
            %and3A_1247 = vector.broadcast %and3A_1246 : i32 to vector<16xi32>
            %and3A_1248 = arith.andi %bitcast3A_1241, %and3A_1247 : vector<16xi32>
            %bitcast3A_1249 = vector.bitcast %and3A_1248 : vector<16xi32> to vector<16xf32>
            %mul3A_1250 = arith.mulf %gather3A_1235, %bitcast3A_1245 : vector<16xf32>
            %add3A_1251 = arith.addf %add3A_1229, %mul3A_1250 : vector<16xf32>
            %mul3A_1252 = arith.mulf %gather3A_1235, %bitcast3A_1249 : vector<16xf32>
            %add3A_1253 = arith.addf %add3A_1231, %mul3A_1252 : vector<16xf32>
            %add3A_1254 = arith.constant 2 : i32
            %add3A_1255 = vector.broadcast %add3A_1254 : i32 to vector<16xi32>
            %add3A_1256 = arith.addi %broadcast_in_dim3A_510, %add3A_1255 : vector<16xi32>
            %gather3A_1257 = tpu.vector_load_idx %arg18[%add3A_1256] : memref<4096xf32, #tpu.memory_space<vmem>>[vector<16xi32>], vector<16xf32>,
            %add3A_1258 = arith.constant 2 : i32
            %add3A_1259 = arith.addi %add3A_504, %add3A_1258 : i32
            %get3A_1260 = arith.index_cast %add3A_1259 : i32 to index
            %get3A_1261 = arith.constant 0 : index
            %get3A_1262 = tpu.vector_load %arg22[%get3A_1260, %get3A_1261] {strides = array<i32>} : memref<512x32xbf16, #tpu.memory_space<vmem>>, vector<32xbf16>,
            %bitcast3A_1263 = vector.bitcast %get3A_1262 : vector<32xbf16> to vector<16xi32>
            %shift_left3A_1264 = arith.constant 16 : i32
            %shift_left3A_1265 = vector.broadcast %shift_left3A_1264 : i32 to vector<16xi32>
            %shift_left3A_1266 = arith.shli %bitcast3A_1263, %shift_left3A_1265 : vector<16xi32>
            %bitcast3A_1267 = vector.bitcast %shift_left3A_1266 : vector<16xi32> to vector<16xf32>
            %and3A_1268 = arith.constant -65536 : i32
            %and3A_1269 = vector.broadcast %and3A_1268 : i32 to vector<16xi32>
            %and3A_1270 = arith.andi %bitcast3A_1263, %and3A_1269 : vector<16xi32>
            %bitcast3A_1271 = vector.bitcast %and3A_1270 : vector<16xi32> to vector<16xf32>
            %mul3A_1272 = arith.mulf %gather3A_1257, %bitcast3A_1267 : vector<16xf32>
            %add3A_1273 = arith.addf %add3A_1251, %mul3A_1272 : vector<16xf32>
            %mul3A_1274 = arith.mulf %gather3A_1257, %bitcast3A_1271 : vector<16xf32>
            %add3A_1275 = arith.addf %add3A_1253, %mul3A_1274 : vector<16xf32>
            %add3A_1276 = arith.constant 3 : i32
            %add3A_1277 = vector.broadcast %add3A_1276 : i32 to vector<16xi32>
            %add3A_1278 = arith.addi %broadcast_in_dim3A_510, %add3A_1277 : vector<16xi32>
            %gather3A_1279 = tpu.vector_load_idx %arg18[%add3A_1278] : memref<4096xf32, #tpu.memory_space<vmem>>[vector<16xi32>], vector<16xf32>,
            %add3A_1280 = arith.constant 3 : i32
            %add3A_1281 = arith.addi %add3A_504, %add3A_1280 : i32
            %get3A_1282 = arith.index_cast %add3A_1281 : i32 to index
            %get3A_1283 = arith.constant 0 : index
            %get3A_1284 = tpu.vector_load %arg22[%get3A_1282, %get3A_1283] {strides = array<i32>} : memref<512x32xbf16, #tpu.memory_space<vmem>>, vector<32xbf16>,
            %bitcast3A_1285 = vector.bitcast %get3A_1284 : vector<32xbf16> to vector<16xi32>
            %shift_left3A_1286 = arith.constant 16 : i32
            %shift_left3A_1287 = vector.broadcast %shift_left3A_1286 : i32 to vector<16xi32>
            %shift_left3A_1288 = arith.shli %bitcast3A_1285, %shift_left3A_1287 : vector<16xi32>
            %bitcast3A_1289 = vector.bitcast %shift_left3A_1288 : vector<16xi32> to vector<16xf32>
            %and3A_1290 = arith.constant -65536 : i32
            %and3A_1291 = vector.broadcast %and3A_1290 : i32 to vector<16xi32>
            %and3A_1292 = arith.andi %bitcast3A_1285, %and3A_1291 : vector<16xi32>
            %bitcast3A_1293 = vector.bitcast %and3A_1292 : vector<16xi32> to vector<16xf32>
            %mul3A_1294 = arith.mulf %gather3A_1279, %bitcast3A_1289 : vector<16xf32>
            %add3A_1295 = arith.addf %add3A_1273, %mul3A_1294 : vector<16xf32>
            %mul3A_1296 = arith.mulf %gather3A_1279, %bitcast3A_1293 : vector<16xf32>
            %add3A_1297 = arith.addf %add3A_1275, %mul3A_1296 : vector<16xf32>
            %add3A_1298 = arith.constant 4 : i32
            %add3A_1299 = vector.broadcast %add3A_1298 : i32 to vector<16xi32>
            %add3A_1300 = arith.addi %broadcast_in_dim3A_510, %add3A_1299 : vector<16xi32>
            %gather3A_1301 = tpu.vector_load_idx %arg18[%add3A_1300] : memref<4096xf32, #tpu.memory_space<vmem>>[vector<16xi32>], vector<16xf32>,
            %add3A_1302 = arith.constant 4 : i32
            %add3A_1303 = arith.addi %add3A_504, %add3A_1302 : i32
            %get3A_1304 = arith.index_cast %add3A_1303 : i32 to index
            %get3A_1305 = arith.constant 0 : index
            %get3A_1306 = tpu.vector_load %arg22[%get3A_1304, %get3A_1305] {strides = array<i32>} : memref<512x32xbf16, #tpu.memory_space<vmem>>, vector<32xbf16>,
            %bitcast3A_1307 = vector.bitcast %get3A_1306 : vector<32xbf16> to vector<16xi32>
            %shift_left3A_1308 = arith.constant 16 : i32
            %shift_left3A_1309 = vector.broadcast %shift_left3A_1308 : i32 to vector<16xi32>
            %shift_left3A_1310 = arith.shli %bitcast3A_1307, %shift_left3A_1309 : vector<16xi32>
            %bitcast3A_1311 = vector.bitcast %shift_left3A_1310 : vector<16xi32> to vector<16xf32>
            %and3A_1312 = arith.constant -65536 : i32
            %and3A_1313 = vector.broadcast %and3A_1312 : i32 to vector<16xi32>
            %and3A_1314 = arith.andi %bitcast3A_1307, %and3A_1313 : vector<16xi32>
            %bitcast3A_1315 = vector.bitcast %and3A_1314 : vector<16xi32> to vector<16xf32>
            %mul3A_1316 = arith.mulf %gather3A_1301, %bitcast3A_1311 : vector<16xf32>
            %add3A_1317 = arith.addf %add3A_1295, %mul3A_1316 : vector<16xf32>
            %mul3A_1318 = arith.mulf %gather3A_1301, %bitcast3A_1315 : vector<16xf32>
            %add3A_1319 = arith.addf %add3A_1297, %mul3A_1318 : vector<16xf32>
            %add3A_1320 = arith.constant 5 : i32
            %add3A_1321 = vector.broadcast %add3A_1320 : i32 to vector<16xi32>
            %add3A_1322 = arith.addi %broadcast_in_dim3A_510, %add3A_1321 : vector<16xi32>
            %gather3A_1323 = tpu.vector_load_idx %arg18[%add3A_1322] : memref<4096xf32, #tpu.memory_space<vmem>>[vector<16xi32>], vector<16xf32>,
            %add3A_1324 = arith.constant 5 : i32
            %add3A_1325 = arith.addi %add3A_504, %add3A_1324 : i32
            %get3A_1326 = arith.index_cast %add3A_1325 : i32 to index
            %get3A_1327 = arith.constant 0 : index
            %get3A_1328 = tpu.vector_load %arg22[%get3A_1326, %get3A_1327] {strides = array<i32>} : memref<512x32xbf16, #tpu.memory_space<vmem>>, vector<32xbf16>,
            %bitcast3A_1329 = vector.bitcast %get3A_1328 : vector<32xbf16> to vector<16xi32>
            %shift_left3A_1330 = arith.constant 16 : i32
            %shift_left3A_1331 = vector.broadcast %shift_left3A_1330 : i32 to vector<16xi32>
            %shift_left3A_1332 = arith.shli %bitcast3A_1329, %shift_left3A_1331 : vector<16xi32>
            %bitcast3A_1333 = vector.bitcast %shift_left3A_1332 : vector<16xi32> to vector<16xf32>
            %and3A_1334 = arith.constant -65536 : i32
            %and3A_1335 = vector.broadcast %and3A_1334 : i32 to vector<16xi32>
            %and3A_1336 = arith.andi %bitcast3A_1329, %and3A_1335 : vector<16xi32>
            %bitcast3A_1337 = vector.bitcast %and3A_1336 : vector<16xi32> to vector<16xf32>
            %mul3A_1338 = arith.mulf %gather3A_1323, %bitcast3A_1333 : vector<16xf32>
            %add3A_1339 = arith.addf %add3A_1317, %mul3A_1338 : vector<16xf32>
            %mul3A_1340 = arith.mulf %gather3A_1323, %bitcast3A_1337 : vector<16xf32>
            %add3A_1341 = arith.addf %add3A_1319, %mul3A_1340 : vector<16xf32>
            %add3A_1342 = arith.constant 6 : i32
            %add3A_1343 = vector.broadcast %add3A_1342 : i32 to vector<16xi32>
            %add3A_1344 = arith.addi %broadcast_in_dim3A_510, %add3A_1343 : vector<16xi32>
            %gather3A_1345 = tpu.vector_load_idx %arg18[%add3A_1344] : memref<4096xf32, #tpu.memory_space<vmem>>[vector<16xi32>], vector<16xf32>,
            %add3A_1346 = arith.constant 6 : i32
            %add3A_1347 = arith.addi %add3A_504, %add3A_1346 : i32
            %get3A_1348 = arith.index_cast %add3A_1347 : i32 to index
            %get3A_1349 = arith.constant 0 : index
            %get3A_1350 = tpu.vector_load %arg22[%get3A_1348, %get3A_1349] {strides = array<i32>} : memref<512x32xbf16, #tpu.memory_space<vmem>>, vector<32xbf16>,
            %bitcast3A_1351 = vector.bitcast %get3A_1350 : vector<32xbf16> to vector<16xi32>
            %shift_left3A_1352 = arith.constant 16 : i32
            %shift_left3A_1353 = vector.broadcast %shift_left3A_1352 : i32 to vector<16xi32>
            %shift_left3A_1354 = arith.shli %bitcast3A_1351, %shift_left3A_1353 : vector<16xi32>
            %bitcast3A_1355 = vector.bitcast %shift_left3A_1354 : vector<16xi32> to vector<16xf32>
            %and3A_1356 = arith.constant -65536 : i32
            %and3A_1357 = vector.broadcast %and3A_1356 : i32 to vector<16xi32>
            %and3A_1358 = arith.andi %bitcast3A_1351, %and3A_1357 : vector<16xi32>
            %bitcast3A_1359 = vector.bitcast %and3A_1358 : vector<16xi32> to vector<16xf32>
            %mul3A_1360 = arith.mulf %gather3A_1345, %bitcast3A_1355 : vector<16xf32>
            %add3A_1361 = arith.addf %add3A_1339, %mul3A_1360 : vector<16xf32>
            %mul3A_1362 = arith.mulf %gather3A_1345, %bitcast3A_1359 : vector<16xf32>
            %add3A_1363 = arith.addf %add3A_1341, %mul3A_1362 : vector<16xf32>
            %add3A_1364 = arith.constant 7 : i32
            %add3A_1365 = vector.broadcast %add3A_1364 : i32 to vector<16xi32>
            %add3A_1366 = arith.addi %broadcast_in_dim3A_510, %add3A_1365 : vector<16xi32>
            %gather3A_1367 = tpu.vector_load_idx %arg18[%add3A_1366] : memref<4096xf32, #tpu.memory_space<vmem>>[vector<16xi32>], vector<16xf32>,
            %add3A_1368 = arith.constant 7 : i32
            %add3A_1369 = arith.addi %add3A_504, %add3A_1368 : i32
            %get3A_1370 = arith.index_cast %add3A_1369 : i32 to index
            %get3A_1371 = arith.constant 0 : index
            %get3A_1372 = tpu.vector_load %arg22[%get3A_1370, %get3A_1371] {strides = array<i32>} : memref<512x32xbf16, #tpu.memory_space<vmem>>, vector<32xbf16>,
            %bitcast3A_1373 = vector.bitcast %get3A_1372 : vector<32xbf16> to vector<16xi32>
            %shift_left3A_1374 = arith.constant 16 : i32
            %shift_left3A_1375 = vector.broadcast %shift_left3A_1374 : i32 to vector<16xi32>
            %shift_left3A_1376 = arith.shli %bitcast3A_1373, %shift_left3A_1375 : vector<16xi32>
            %bitcast3A_1377 = vector.bitcast %shift_left3A_1376 : vector<16xi32> to vector<16xf32>
            %and3A_1378 = arith.constant -65536 : i32
            %and3A_1379 = vector.broadcast %and3A_1378 : i32 to vector<16xi32>
            %and3A_1380 = arith.andi %bitcast3A_1373, %and3A_1379 : vector<16xi32>
            %bitcast3A_1381 = vector.bitcast %and3A_1380 : vector<16xi32> to vector<16xf32>
            %mul3A_1382 = arith.mulf %gather3A_1367, %bitcast3A_1377 : vector<16xf32>
            %add3A_1383 = arith.addf %add3A_1361, %mul3A_1382 : vector<16xf32>
            %mul3A_1384 = arith.mulf %gather3A_1367, %bitcast3A_1381 : vector<16xf32>
            %add3A_1385 = arith.addf %add3A_1363, %mul3A_1384 : vector<16xf32>
            %add3A_1386 = arith.constant 8 : i32
            %add3A_1387 = vector.broadcast %add3A_1386 : i32 to vector<16xi32>
            %add3A_1388 = arith.addi %broadcast_in_dim3A_510, %add3A_1387 : vector<16xi32>
            %gather3A_1389 = tpu.vector_load_idx %arg18[%add3A_1388] : memref<4096xf32, #tpu.memory_space<vmem>>[vector<16xi32>], vector<16xf32>,
            %add3A_1390 = arith.constant 8 : i32
            %add3A_1391 = arith.addi %add3A_504, %add3A_1390 : i32
            %get3A_1392 = arith.index_cast %add3A_1391 : i32 to index
            %get3A_1393 = arith.constant 0 : index
            %get3A_1394 = tpu.vector_load %arg22[%get3A_1392, %get3A_1393] {strides = array<i32>} : memref<512x32xbf16, #tpu.memory_space<vmem>>, vector<32xbf16>,
            %bitcast3A_1395 = vector.bitcast %get3A_1394 : vector<32xbf16> to vector<16xi32>
            %shift_left3A_1396 = arith.constant 16 : i32
            %shift_left3A_1397 = vector.broadcast %shift_left3A_1396 : i32 to vector<16xi32>
            %shift_left3A_1398 = arith.shli %bitcast3A_1395, %shift_left3A_1397 : vector<16xi32>
            %bitcast3A_1399 = vector.bitcast %shift_left3A_1398 : vector<16xi32> to vector<16xf32>
            %and3A_1400 = arith.constant -65536 : i32
            %and3A_1401 = vector.broadcast %and3A_1400 : i32 to vector<16xi32>
            %and3A_1402 = arith.andi %bitcast3A_1395, %and3A_1401 : vector<16xi32>
            %bitcast3A_1403 = vector.bitcast %and3A_1402 : vector<16xi32> to vector<16xf32>
            %mul3A_1404 = arith.mulf %gather3A_1389, %bitcast3A_1399 : vector<16xf32>
            %add3A_1405 = arith.addf %add3A_1383, %mul3A_1404 : vector<16xf32>
            %mul3A_1406 = arith.mulf %gather3A_1389, %bitcast3A_1403 : vector<16xf32>
            %add3A_1407 = arith.addf %add3A_1385, %mul3A_1406 : vector<16xf32>
            %add3A_1408 = arith.constant 9 : i32
            %add3A_1409 = vector.broadcast %add3A_1408 : i32 to vector<16xi32>
            %add3A_1410 = arith.addi %broadcast_in_dim3A_510, %add3A_1409 : vector<16xi32>
            %gather3A_1411 = tpu.vector_load_idx %arg18[%add3A_1410] : memref<4096xf32, #tpu.memory_space<vmem>>[vector<16xi32>], vector<16xf32>,
            %add3A_1412 = arith.constant 9 : i32
            %add3A_1413 = arith.addi %add3A_504, %add3A_1412 : i32
            %get3A_1414 = arith.index_cast %add3A_1413 : i32 to index
            %get3A_1415 = arith.constant 0 : index
            %get3A_1416 = tpu.vector_load %arg22[%get3A_1414, %get3A_1415] {strides = array<i32>} : memref<512x32xbf16, #tpu.memory_space<vmem>>, vector<32xbf16>,
            %bitcast3A_1417 = vector.bitcast %get3A_1416 : vector<32xbf16> to vector<16xi32>
            %shift_left3A_1418 = arith.constant 16 : i32
            %shift_left3A_1419 = vector.broadcast %shift_left3A_1418 : i32 to vector<16xi32>
            %shift_left3A_1420 = arith.shli %bitcast3A_1417, %shift_left3A_1419 : vector<16xi32>
            %bitcast3A_1421 = vector.bitcast %shift_left3A_1420 : vector<16xi32> to vector<16xf32>
            %and3A_1422 = arith.constant -65536 : i32
            %and3A_1423 = vector.broadcast %and3A_1422 : i32 to vector<16xi32>
            %and3A_1424 = arith.andi %bitcast3A_1417, %and3A_1423 : vector<16xi32>
            %bitcast3A_1425 = vector.bitcast %and3A_1424 : vector<16xi32> to vector<16xf32>
            %mul3A_1426 = arith.mulf %gather3A_1411, %bitcast3A_1421 : vector<16xf32>
            %add3A_1427 = arith.addf %add3A_1405, %mul3A_1426 : vector<16xf32>
            %mul3A_1428 = arith.mulf %gather3A_1411, %bitcast3A_1425 : vector<16xf32>
            %add3A_1429 = arith.addf %add3A_1407, %mul3A_1428 : vector<16xf32>
            %add3A_1430 = arith.constant 10 : i32
            %add3A_1431 = vector.broadcast %add3A_1430 : i32 to vector<16xi32>
            %add3A_1432 = arith.addi %broadcast_in_dim3A_510, %add3A_1431 : vector<16xi32>
            %gather3A_1433 = tpu.vector_load_idx %arg18[%add3A_1432] : memref<4096xf32, #tpu.memory_space<vmem>>[vector<16xi32>], vector<16xf32>,
            %add3A_1434 = arith.constant 10 : i32
            %add3A_1435 = arith.addi %add3A_504, %add3A_1434 : i32
            %get3A_1436 = arith.index_cast %add3A_1435 : i32 to index
            %get3A_1437 = arith.constant 0 : index
            %get3A_1438 = tpu.vector_load %arg22[%get3A_1436, %get3A_1437] {strides = array<i32>} : memref<512x32xbf16, #tpu.memory_space<vmem>>, vector<32xbf16>,
            %bitcast3A_1439 = vector.bitcast %get3A_1438 : vector<32xbf16> to vector<16xi32>
            %shift_left3A_1440 = arith.constant 16 : i32
            %shift_left3A_1441 = vector.broadcast %shift_left3A_1440 : i32 to vector<16xi32>
            %shift_left3A_1442 = arith.shli %bitcast3A_1439, %shift_left3A_1441 : vector<16xi32>
            %bitcast3A_1443 = vector.bitcast %shift_left3A_1442 : vector<16xi32> to vector<16xf32>
            %and3A_1444 = arith.constant -65536 : i32
            %and3A_1445 = vector.broadcast %and3A_1444 : i32 to vector<16xi32>
            %and3A_1446 = arith.andi %bitcast3A_1439, %and3A_1445 : vector<16xi32>
            %bitcast3A_1447 = vector.bitcast %and3A_1446 : vector<16xi32> to vector<16xf32>
            %mul3A_1448 = arith.mulf %gather3A_1433, %bitcast3A_1443 : vector<16xf32>
            %add3A_1449 = arith.addf %add3A_1427, %mul3A_1448 : vector<16xf32>
            %mul3A_1450 = arith.mulf %gather3A_1433, %bitcast3A_1447 : vector<16xf32>
            %add3A_1451 = arith.addf %add3A_1429, %mul3A_1450 : vector<16xf32>
            %add3A_1452 = arith.constant 11 : i32
            %add3A_1453 = vector.broadcast %add3A_1452 : i32 to vector<16xi32>
            %add3A_1454 = arith.addi %broadcast_in_dim3A_510, %add3A_1453 : vector<16xi32>
            %gather3A_1455 = tpu.vector_load_idx %arg18[%add3A_1454] : memref<4096xf32, #tpu.memory_space<vmem>>[vector<16xi32>], vector<16xf32>,
            %add3A_1456 = arith.constant 11 : i32
            %add3A_1457 = arith.addi %add3A_504, %add3A_1456 : i32
            %get3A_1458 = arith.index_cast %add3A_1457 : i32 to index
            %get3A_1459 = arith.constant 0 : index
            %get3A_1460 = tpu.vector_load %arg22[%get3A_1458, %get3A_1459] {strides = array<i32>} : memref<512x32xbf16, #tpu.memory_space<vmem>>, vector<32xbf16>,
            %bitcast3A_1461 = vector.bitcast %get3A_1460 : vector<32xbf16> to vector<16xi32>
            %shift_left3A_1462 = arith.constant 16 : i32
            %shift_left3A_1463 = vector.broadcast %shift_left3A_1462 : i32 to vector<16xi32>
            %shift_left3A_1464 = arith.shli %bitcast3A_1461, %shift_left3A_1463 : vector<16xi32>
            %bitcast3A_1465 = vector.bitcast %shift_left3A_1464 : vector<16xi32> to vector<16xf32>
            %and3A_1466 = arith.constant -65536 : i32
            %and3A_1467 = vector.broadcast %and3A_1466 : i32 to vector<16xi32>
            %and3A_1468 = arith.andi %bitcast3A_1461, %and3A_1467 : vector<16xi32>
            %bitcast3A_1469 = vector.bitcast %and3A_1468 : vector<16xi32> to vector<16xf32>
            %mul3A_1470 = arith.mulf %gather3A_1455, %bitcast3A_1465 : vector<16xf32>
            %add3A_1471 = arith.addf %add3A_1449, %mul3A_1470 : vector<16xf32>
            %mul3A_1472 = arith.mulf %gather3A_1455, %bitcast3A_1469 : vector<16xf32>
            %add3A_1473 = arith.addf %add3A_1451, %mul3A_1472 : vector<16xf32>
            %add3A_1474 = arith.constant 12 : i32
            %add3A_1475 = vector.broadcast %add3A_1474 : i32 to vector<16xi32>
            %add3A_1476 = arith.addi %broadcast_in_dim3A_510, %add3A_1475 : vector<16xi32>
            %gather3A_1477 = tpu.vector_load_idx %arg18[%add3A_1476] : memref<4096xf32, #tpu.memory_space<vmem>>[vector<16xi32>], vector<16xf32>,
            %add3A_1478 = arith.constant 12 : i32
            %add3A_1479 = arith.addi %add3A_504, %add3A_1478 : i32
            %get3A_1480 = arith.index_cast %add3A_1479 : i32 to index
            %get3A_1481 = arith.constant 0 : index
            %get3A_1482 = tpu.vector_load %arg22[%get3A_1480, %get3A_1481] {strides = array<i32>} : memref<512x32xbf16, #tpu.memory_space<vmem>>, vector<32xbf16>,
            %bitcast3A_1483 = vector.bitcast %get3A_1482 : vector<32xbf16> to vector<16xi32>
            %shift_left3A_1484 = arith.constant 16 : i32
            %shift_left3A_1485 = vector.broadcast %shift_left3A_1484 : i32 to vector<16xi32>
            %shift_left3A_1486 = arith.shli %bitcast3A_1483, %shift_left3A_1485 : vector<16xi32>
            %bitcast3A_1487 = vector.bitcast %shift_left3A_1486 : vector<16xi32> to vector<16xf32>
            %and3A_1488 = arith.constant -65536 : i32
            %and3A_1489 = vector.broadcast %and3A_1488 : i32 to vector<16xi32>
            %and3A_1490 = arith.andi %bitcast3A_1483, %and3A_1489 : vector<16xi32>
            %bitcast3A_1491 = vector.bitcast %and3A_1490 : vector<16xi32> to vector<16xf32>
            %mul3A_1492 = arith.mulf %gather3A_1477, %bitcast3A_1487 : vector<16xf32>
            %add3A_1493 = arith.addf %add3A_1471, %mul3A_1492 : vector<16xf32>
            %mul3A_1494 = arith.mulf %gather3A_1477, %bitcast3A_1491 : vector<16xf32>
            %add3A_1495 = arith.addf %add3A_1473, %mul3A_1494 : vector<16xf32>
            %add3A_1496 = arith.constant 13 : i32
            %add3A_1497 = vector.broadcast %add3A_1496 : i32 to vector<16xi32>
            %add3A_1498 = arith.addi %broadcast_in_dim3A_510, %add3A_1497 : vector<16xi32>
            %gather3A_1499 = tpu.vector_load_idx %arg18[%add3A_1498] : memref<4096xf32, #tpu.memory_space<vmem>>[vector<16xi32>], vector<16xf32>,
            %add3A_1500 = arith.constant 13 : i32
            %add3A_1501 = arith.addi %add3A_504, %add3A_1500 : i32
            %get3A_1502 = arith.index_cast %add3A_1501 : i32 to index
            %get3A_1503 = arith.constant 0 : index
            %get3A_1504 = tpu.vector_load %arg22[%get3A_1502, %get3A_1503] {strides = array<i32>} : memref<512x32xbf16, #tpu.memory_space<vmem>>, vector<32xbf16>,
            %bitcast3A_1505 = vector.bitcast %get3A_1504 : vector<32xbf16> to vector<16xi32>
            %shift_left3A_1506 = arith.constant 16 : i32
            %shift_left3A_1507 = vector.broadcast %shift_left3A_1506 : i32 to vector<16xi32>
            %shift_left3A_1508 = arith.shli %bitcast3A_1505, %shift_left3A_1507 : vector<16xi32>
            %bitcast3A_1509 = vector.bitcast %shift_left3A_1508 : vector<16xi32> to vector<16xf32>
            %and3A_1510 = arith.constant -65536 : i32
            %and3A_1511 = vector.broadcast %and3A_1510 : i32 to vector<16xi32>
            %and3A_1512 = arith.andi %bitcast3A_1505, %and3A_1511 : vector<16xi32>
            %bitcast3A_1513 = vector.bitcast %and3A_1512 : vector<16xi32> to vector<16xf32>
            %mul3A_1514 = arith.mulf %gather3A_1499, %bitcast3A_1509 : vector<16xf32>
            %add3A_1515 = arith.addf %add3A_1493, %mul3A_1514 : vector<16xf32>
            %mul3A_1516 = arith.mulf %gather3A_1499, %bitcast3A_1513 : vector<16xf32>
            %add3A_1517 = arith.addf %add3A_1495, %mul3A_1516 : vector<16xf32>
            %add3A_1518 = arith.constant 14 : i32
            %add3A_1519 = vector.broadcast %add3A_1518 : i32 to vector<16xi32>
            %add3A_1520 = arith.addi %broadcast_in_dim3A_510, %add3A_1519 : vector<16xi32>
            %gather3A_1521 = tpu.vector_load_idx %arg18[%add3A_1520] : memref<4096xf32, #tpu.memory_space<vmem>>[vector<16xi32>], vector<16xf32>,
            %add3A_1522 = arith.constant 14 : i32
            %add3A_1523 = arith.addi %add3A_504, %add3A_1522 : i32
            %get3A_1524 = arith.index_cast %add3A_1523 : i32 to index
            %get3A_1525 = arith.constant 0 : index
            %get3A_1526 = tpu.vector_load %arg22[%get3A_1524, %get3A_1525] {strides = array<i32>} : memref<512x32xbf16, #tpu.memory_space<vmem>>, vector<32xbf16>,
            %bitcast3A_1527 = vector.bitcast %get3A_1526 : vector<32xbf16> to vector<16xi32>
            %shift_left3A_1528 = arith.constant 16 : i32
            %shift_left3A_1529 = vector.broadcast %shift_left3A_1528 : i32 to vector<16xi32>
            %shift_left3A_1530 = arith.shli %bitcast3A_1527, %shift_left3A_1529 : vector<16xi32>
            %bitcast3A_1531 = vector.bitcast %shift_left3A_1530 : vector<16xi32> to vector<16xf32>
            %and3A_1532 = arith.constant -65536 : i32
            %and3A_1533 = vector.broadcast %and3A_1532 : i32 to vector<16xi32>
            %and3A_1534 = arith.andi %bitcast3A_1527, %and3A_1533 : vector<16xi32>
            %bitcast3A_1535 = vector.bitcast %and3A_1534 : vector<16xi32> to vector<16xf32>
            %mul3A_1536 = arith.mulf %gather3A_1521, %bitcast3A_1531 : vector<16xf32>
            %add3A_1537 = arith.addf %add3A_1515, %mul3A_1536 : vector<16xf32>
            %mul3A_1538 = arith.mulf %gather3A_1521, %bitcast3A_1535 : vector<16xf32>
            %add3A_1539 = arith.addf %add3A_1517, %mul3A_1538 : vector<16xf32>
            %add3A_1540 = arith.constant 15 : i32
            %add3A_1541 = vector.broadcast %add3A_1540 : i32 to vector<16xi32>
            %add3A_1542 = arith.addi %broadcast_in_dim3A_510, %add3A_1541 : vector<16xi32>
            %gather3A_1543 = tpu.vector_load_idx %arg18[%add3A_1542] : memref<4096xf32, #tpu.memory_space<vmem>>[vector<16xi32>], vector<16xf32>,
            %add3A_1544 = arith.constant 15 : i32
            %add3A_1545 = arith.addi %add3A_504, %add3A_1544 : i32
            %get3A_1546 = arith.index_cast %add3A_1545 : i32 to index
            %get3A_1547 = arith.constant 0 : index
            %get3A_1548 = tpu.vector_load %arg22[%get3A_1546, %get3A_1547] {strides = array<i32>} : memref<512x32xbf16, #tpu.memory_space<vmem>>, vector<32xbf16>,
            %bitcast3A_1549 = vector.bitcast %get3A_1548 : vector<32xbf16> to vector<16xi32>
            %shift_left3A_1550 = arith.constant 16 : i32
            %shift_left3A_1551 = vector.broadcast %shift_left3A_1550 : i32 to vector<16xi32>
            %shift_left3A_1552 = arith.shli %bitcast3A_1549, %shift_left3A_1551 : vector<16xi32>
            %bitcast3A_1553 = vector.bitcast %shift_left3A_1552 : vector<16xi32> to vector<16xf32>
            %and3A_1554 = arith.constant -65536 : i32
            %and3A_1555 = vector.broadcast %and3A_1554 : i32 to vector<16xi32>
            %and3A_1556 = arith.andi %bitcast3A_1549, %and3A_1555 : vector<16xi32>
            %bitcast3A_1557 = vector.bitcast %and3A_1556 : vector<16xi32> to vector<16xf32>
            %mul3A_1558 = arith.mulf %gather3A_1543, %bitcast3A_1553 : vector<16xf32>
            %add3A_1559 = arith.addf %add3A_1537, %mul3A_1558 : vector<16xf32>
            %mul3A_1560 = arith.mulf %gather3A_1543, %bitcast3A_1557 : vector<16xf32>
            %add3A_1561 = arith.addf %add3A_1539, %mul3A_1560 : vector<16xf32>
            %add3A_1562 = arith.constant 0 : i32
            %add3A_1563 = vector.broadcast %add3A_1562 : i32 to vector<16xi32>
            %add3A_1564 = arith.addi %broadcast_in_dim3A_510, %add3A_1563 : vector<16xi32>
            %gather3A_1565 = tpu.vector_load_idx %arg19[%add3A_1564] : memref<4096xf32, #tpu.memory_space<vmem>>[vector<16xi32>], vector<16xf32>,
            %add3A_1566 = arith.constant 0 : i32
            %add3A_1567 = arith.addi %add3A_504, %add3A_1566 : i32
            %get3A_1568 = arith.index_cast %add3A_1567 : i32 to index
            %get3A_1569 = arith.constant 0 : index
            %get3A_1570 = tpu.vector_load %arg23[%get3A_1568, %get3A_1569] {strides = array<i32>} : memref<512x32xbf16, #tpu.memory_space<vmem>>, vector<32xbf16>,
            %bitcast3A_1571 = vector.bitcast %get3A_1570 : vector<32xbf16> to vector<16xi32>
            %shift_left3A_1572 = arith.constant 16 : i32
            %shift_left3A_1573 = vector.broadcast %shift_left3A_1572 : i32 to vector<16xi32>
            %shift_left3A_1574 = arith.shli %bitcast3A_1571, %shift_left3A_1573 : vector<16xi32>
            %bitcast3A_1575 = vector.bitcast %shift_left3A_1574 : vector<16xi32> to vector<16xf32>
            %and3A_1576 = arith.constant -65536 : i32
            %and3A_1577 = vector.broadcast %and3A_1576 : i32 to vector<16xi32>
            %and3A_1578 = arith.andi %bitcast3A_1571, %and3A_1577 : vector<16xi32>
            %bitcast3A_1579 = vector.bitcast %and3A_1578 : vector<16xi32> to vector<16xf32>
            %mul3A_1580 = arith.mulf %gather3A_1565, %bitcast3A_1575 : vector<16xf32>
            %add3A_1581 = arith.addf %broadcast_in_dim3A_491, %mul3A_1580 : vector<16xf32>
            %mul3A_1582 = arith.mulf %gather3A_1565, %bitcast3A_1579 : vector<16xf32>
            %add3A_1583 = arith.addf %broadcast_in_dim3A_499, %mul3A_1582 : vector<16xf32>
            %add3A_1584 = arith.constant 1 : i32
            %add3A_1585 = vector.broadcast %add3A_1584 : i32 to vector<16xi32>
            %add3A_1586 = arith.addi %broadcast_in_dim3A_510, %add3A_1585 : vector<16xi32>
            %gather3A_1587 = tpu.vector_load_idx %arg19[%add3A_1586] : memref<4096xf32, #tpu.memory_space<vmem>>[vector<16xi32>], vector<16xf32>,
            %add3A_1588 = arith.constant 1 : i32
            %add3A_1589 = arith.addi %add3A_504, %add3A_1588 : i32
            %get3A_1590 = arith.index_cast %add3A_1589 : i32 to index
            %get3A_1591 = arith.constant 0 : index
            %get3A_1592 = tpu.vector_load %arg23[%get3A_1590, %get3A_1591] {strides = array<i32>} : memref<512x32xbf16, #tpu.memory_space<vmem>>, vector<32xbf16>,
            %bitcast3A_1593 = vector.bitcast %get3A_1592 : vector<32xbf16> to vector<16xi32>
            %shift_left3A_1594 = arith.constant 16 : i32
            %shift_left3A_1595 = vector.broadcast %shift_left3A_1594 : i32 to vector<16xi32>
            %shift_left3A_1596 = arith.shli %bitcast3A_1593, %shift_left3A_1595 : vector<16xi32>
            %bitcast3A_1597 = vector.bitcast %shift_left3A_1596 : vector<16xi32> to vector<16xf32>
            %and3A_1598 = arith.constant -65536 : i32
            %and3A_1599 = vector.broadcast %and3A_1598 : i32 to vector<16xi32>
            %and3A_1600 = arith.andi %bitcast3A_1593, %and3A_1599 : vector<16xi32>
            %bitcast3A_1601 = vector.bitcast %and3A_1600 : vector<16xi32> to vector<16xf32>
            %mul3A_1602 = arith.mulf %gather3A_1587, %bitcast3A_1597 : vector<16xf32>
            %add3A_1603 = arith.addf %add3A_1581, %mul3A_1602 : vector<16xf32>
            %mul3A_1604 = arith.mulf %gather3A_1587, %bitcast3A_1601 : vector<16xf32>
            %add3A_1605 = arith.addf %add3A_1583, %mul3A_1604 : vector<16xf32>
            %add3A_1606 = arith.constant 2 : i32
            %add3A_1607 = vector.broadcast %add3A_1606 : i32 to vector<16xi32>
            %add3A_1608 = arith.addi %broadcast_in_dim3A_510, %add3A_1607 : vector<16xi32>
            %gather3A_1609 = tpu.vector_load_idx %arg19[%add3A_1608] : memref<4096xf32, #tpu.memory_space<vmem>>[vector<16xi32>], vector<16xf32>,
            %add3A_1610 = arith.constant 2 : i32
            %add3A_1611 = arith.addi %add3A_504, %add3A_1610 : i32
            %get3A_1612 = arith.index_cast %add3A_1611 : i32 to index
            %get3A_1613 = arith.constant 0 : index
            %get3A_1614 = tpu.vector_load %arg23[%get3A_1612, %get3A_1613] {strides = array<i32>} : memref<512x32xbf16, #tpu.memory_space<vmem>>, vector<32xbf16>,
            %bitcast3A_1615 = vector.bitcast %get3A_1614 : vector<32xbf16> to vector<16xi32>
            %shift_left3A_1616 = arith.constant 16 : i32
            %shift_left3A_1617 = vector.broadcast %shift_left3A_1616 : i32 to vector<16xi32>
            %shift_left3A_1618 = arith.shli %bitcast3A_1615, %shift_left3A_1617 : vector<16xi32>
            %bitcast3A_1619 = vector.bitcast %shift_left3A_1618 : vector<16xi32> to vector<16xf32>
            %and3A_1620 = arith.constant -65536 : i32
            %and3A_1621 = vector.broadcast %and3A_1620 : i32 to vector<16xi32>
            %and3A_1622 = arith.andi %bitcast3A_1615, %and3A_1621 : vector<16xi32>
            %bitcast3A_1623 = vector.bitcast %and3A_1622 : vector<16xi32> to vector<16xf32>
            %mul3A_1624 = arith.mulf %gather3A_1609, %bitcast3A_1619 : vector<16xf32>
            %add3A_1625 = arith.addf %add3A_1603, %mul3A_1624 : vector<16xf32>
            %mul3A_1626 = arith.mulf %gather3A_1609, %bitcast3A_1623 : vector<16xf32>
            %add3A_1627 = arith.addf %add3A_1605, %mul3A_1626 : vector<16xf32>
            %add3A_1628 = arith.constant 3 : i32
            %add3A_1629 = vector.broadcast %add3A_1628 : i32 to vector<16xi32>
            %add3A_1630 = arith.addi %broadcast_in_dim3A_510, %add3A_1629 : vector<16xi32>
            %gather3A_1631 = tpu.vector_load_idx %arg19[%add3A_1630] : memref<4096xf32, #tpu.memory_space<vmem>>[vector<16xi32>], vector<16xf32>,
            %add3A_1632 = arith.constant 3 : i32
            %add3A_1633 = arith.addi %add3A_504, %add3A_1632 : i32
            %get3A_1634 = arith.index_cast %add3A_1633 : i32 to index
            %get3A_1635 = arith.constant 0 : index
            %get3A_1636 = tpu.vector_load %arg23[%get3A_1634, %get3A_1635] {strides = array<i32>} : memref<512x32xbf16, #tpu.memory_space<vmem>>, vector<32xbf16>,
            %bitcast3A_1637 = vector.bitcast %get3A_1636 : vector<32xbf16> to vector<16xi32>
            %shift_left3A_1638 = arith.constant 16 : i32
            %shift_left3A_1639 = vector.broadcast %shift_left3A_1638 : i32 to vector<16xi32>
            %shift_left3A_1640 = arith.shli %bitcast3A_1637, %shift_left3A_1639 : vector<16xi32>
            %bitcast3A_1641 = vector.bitcast %shift_left3A_1640 : vector<16xi32> to vector<16xf32>
            %and3A_1642 = arith.constant -65536 : i32
            %and3A_1643 = vector.broadcast %and3A_1642 : i32 to vector<16xi32>
            %and3A_1644 = arith.andi %bitcast3A_1637, %and3A_1643 : vector<16xi32>
            %bitcast3A_1645 = vector.bitcast %and3A_1644 : vector<16xi32> to vector<16xf32>
            %mul3A_1646 = arith.mulf %gather3A_1631, %bitcast3A_1641 : vector<16xf32>
            %add3A_1647 = arith.addf %add3A_1625, %mul3A_1646 : vector<16xf32>
            %mul3A_1648 = arith.mulf %gather3A_1631, %bitcast3A_1645 : vector<16xf32>
            %add3A_1649 = arith.addf %add3A_1627, %mul3A_1648 : vector<16xf32>
            %add3A_1650 = arith.constant 4 : i32
            %add3A_1651 = vector.broadcast %add3A_1650 : i32 to vector<16xi32>
            %add3A_1652 = arith.addi %broadcast_in_dim3A_510, %add3A_1651 : vector<16xi32>
            %gather3A_1653 = tpu.vector_load_idx %arg19[%add3A_1652] : memref<4096xf32, #tpu.memory_space<vmem>>[vector<16xi32>], vector<16xf32>,
            %add3A_1654 = arith.constant 4 : i32
            %add3A_1655 = arith.addi %add3A_504, %add3A_1654 : i32
            %get3A_1656 = arith.index_cast %add3A_1655 : i32 to index
            %get3A_1657 = arith.constant 0 : index
            %get3A_1658 = tpu.vector_load %arg23[%get3A_1656, %get3A_1657] {strides = array<i32>} : memref<512x32xbf16, #tpu.memory_space<vmem>>, vector<32xbf16>,
            %bitcast3A_1659 = vector.bitcast %get3A_1658 : vector<32xbf16> to vector<16xi32>
            %shift_left3A_1660 = arith.constant 16 : i32
            %shift_left3A_1661 = vector.broadcast %shift_left3A_1660 : i32 to vector<16xi32>
            %shift_left3A_1662 = arith.shli %bitcast3A_1659, %shift_left3A_1661 : vector<16xi32>
            %bitcast3A_1663 = vector.bitcast %shift_left3A_1662 : vector<16xi32> to vector<16xf32>
            %and3A_1664 = arith.constant -65536 : i32
            %and3A_1665 = vector.broadcast %and3A_1664 : i32 to vector<16xi32>
            %and3A_1666 = arith.andi %bitcast3A_1659, %and3A_1665 : vector<16xi32>
            %bitcast3A_1667 = vector.bitcast %and3A_1666 : vector<16xi32> to vector<16xf32>
            %mul3A_1668 = arith.mulf %gather3A_1653, %bitcast3A_1663 : vector<16xf32>
            %add3A_1669 = arith.addf %add3A_1647, %mul3A_1668 : vector<16xf32>
            %mul3A_1670 = arith.mulf %gather3A_1653, %bitcast3A_1667 : vector<16xf32>
            %add3A_1671 = arith.addf %add3A_1649, %mul3A_1670 : vector<16xf32>
            %add3A_1672 = arith.constant 5 : i32
            %add3A_1673 = vector.broadcast %add3A_1672 : i32 to vector<16xi32>
            %add3A_1674 = arith.addi %broadcast_in_dim3A_510, %add3A_1673 : vector<16xi32>
            %gather3A_1675 = tpu.vector_load_idx %arg19[%add3A_1674] : memref<4096xf32, #tpu.memory_space<vmem>>[vector<16xi32>], vector<16xf32>,
            %add3A_1676 = arith.constant 5 : i32
            %add3A_1677 = arith.addi %add3A_504, %add3A_1676 : i32
            %get3A_1678 = arith.index_cast %add3A_1677 : i32 to index
            %get3A_1679 = arith.constant 0 : index
            %get3A_1680 = tpu.vector_load %arg23[%get3A_1678, %get3A_1679] {strides = array<i32>} : memref<512x32xbf16, #tpu.memory_space<vmem>>, vector<32xbf16>,
            %bitcast3A_1681 = vector.bitcast %get3A_1680 : vector<32xbf16> to vector<16xi32>
            %shift_left3A_1682 = arith.constant 16 : i32
            %shift_left3A_1683 = vector.broadcast %shift_left3A_1682 : i32 to vector<16xi32>
            %shift_left3A_1684 = arith.shli %bitcast3A_1681, %shift_left3A_1683 : vector<16xi32>
            %bitcast3A_1685 = vector.bitcast %shift_left3A_1684 : vector<16xi32> to vector<16xf32>
            %and3A_1686 = arith.constant -65536 : i32
            %and3A_1687 = vector.broadcast %and3A_1686 : i32 to vector<16xi32>
            %and3A_1688 = arith.andi %bitcast3A_1681, %and3A_1687 : vector<16xi32>
            %bitcast3A_1689 = vector.bitcast %and3A_1688 : vector<16xi32> to vector<16xf32>
            %mul3A_1690 = arith.mulf %gather3A_1675, %bitcast3A_1685 : vector<16xf32>
            %add3A_1691 = arith.addf %add3A_1669, %mul3A_1690 : vector<16xf32>
            %mul3A_1692 = arith.mulf %gather3A_1675, %bitcast3A_1689 : vector<16xf32>
            %add3A_1693 = arith.addf %add3A_1671, %mul3A_1692 : vector<16xf32>
            %add3A_1694 = arith.constant 6 : i32
            %add3A_1695 = vector.broadcast %add3A_1694 : i32 to vector<16xi32>
            %add3A_1696 = arith.addi %broadcast_in_dim3A_510, %add3A_1695 : vector<16xi32>
            %gather3A_1697 = tpu.vector_load_idx %arg19[%add3A_1696] : memref<4096xf32, #tpu.memory_space<vmem>>[vector<16xi32>], vector<16xf32>,
            %add3A_1698 = arith.constant 6 : i32
            %add3A_1699 = arith.addi %add3A_504, %add3A_1698 : i32
            %get3A_1700 = arith.index_cast %add3A_1699 : i32 to index
            %get3A_1701 = arith.constant 0 : index
            %get3A_1702 = tpu.vector_load %arg23[%get3A_1700, %get3A_1701] {strides = array<i32>} : memref<512x32xbf16, #tpu.memory_space<vmem>>, vector<32xbf16>,
            %bitcast3A_1703 = vector.bitcast %get3A_1702 : vector<32xbf16> to vector<16xi32>
            %shift_left3A_1704 = arith.constant 16 : i32
            %shift_left3A_1705 = vector.broadcast %shift_left3A_1704 : i32 to vector<16xi32>
            %shift_left3A_1706 = arith.shli %bitcast3A_1703, %shift_left3A_1705 : vector<16xi32>
            %bitcast3A_1707 = vector.bitcast %shift_left3A_1706 : vector<16xi32> to vector<16xf32>
            %and3A_1708 = arith.constant -65536 : i32
            %and3A_1709 = vector.broadcast %and3A_1708 : i32 to vector<16xi32>
            %and3A_1710 = arith.andi %bitcast3A_1703, %and3A_1709 : vector<16xi32>
            %bitcast3A_1711 = vector.bitcast %and3A_1710 : vector<16xi32> to vector<16xf32>
            %mul3A_1712 = arith.mulf %gather3A_1697, %bitcast3A_1707 : vector<16xf32>
            %add3A_1713 = arith.addf %add3A_1691, %mul3A_1712 : vector<16xf32>
            %mul3A_1714 = arith.mulf %gather3A_1697, %bitcast3A_1711 : vector<16xf32>
            %add3A_1715 = arith.addf %add3A_1693, %mul3A_1714 : vector<16xf32>
            %add3A_1716 = arith.constant 7 : i32
            %add3A_1717 = vector.broadcast %add3A_1716 : i32 to vector<16xi32>
            %add3A_1718 = arith.addi %broadcast_in_dim3A_510, %add3A_1717 : vector<16xi32>
            %gather3A_1719 = tpu.vector_load_idx %arg19[%add3A_1718] : memref<4096xf32, #tpu.memory_space<vmem>>[vector<16xi32>], vector<16xf32>,
            %add3A_1720 = arith.constant 7 : i32
            %add3A_1721 = arith.addi %add3A_504, %add3A_1720 : i32
            %get3A_1722 = arith.index_cast %add3A_1721 : i32 to index
            %get3A_1723 = arith.constant 0 : index
            %get3A_1724 = tpu.vector_load %arg23[%get3A_1722, %get3A_1723] {strides = array<i32>} : memref<512x32xbf16, #tpu.memory_space<vmem>>, vector<32xbf16>,
            %bitcast3A_1725 = vector.bitcast %get3A_1724 : vector<32xbf16> to vector<16xi32>
            %shift_left3A_1726 = arith.constant 16 : i32
            %shift_left3A_1727 = vector.broadcast %shift_left3A_1726 : i32 to vector<16xi32>
            %shift_left3A_1728 = arith.shli %bitcast3A_1725, %shift_left3A_1727 : vector<16xi32>
            %bitcast3A_1729 = vector.bitcast %shift_left3A_1728 : vector<16xi32> to vector<16xf32>
            %and3A_1730 = arith.constant -65536 : i32
            %and3A_1731 = vector.broadcast %and3A_1730 : i32 to vector<16xi32>
            %and3A_1732 = arith.andi %bitcast3A_1725, %and3A_1731 : vector<16xi32>
            %bitcast3A_1733 = vector.bitcast %and3A_1732 : vector<16xi32> to vector<16xf32>
            %mul3A_1734 = arith.mulf %gather3A_1719, %bitcast3A_1729 : vector<16xf32>
            %add3A_1735 = arith.addf %add3A_1713, %mul3A_1734 : vector<16xf32>
            %mul3A_1736 = arith.mulf %gather3A_1719, %bitcast3A_1733 : vector<16xf32>
            %add3A_1737 = arith.addf %add3A_1715, %mul3A_1736 : vector<16xf32>
            %add3A_1738 = arith.constant 8 : i32
            %add3A_1739 = vector.broadcast %add3A_1738 : i32 to vector<16xi32>
            %add3A_1740 = arith.addi %broadcast_in_dim3A_510, %add3A_1739 : vector<16xi32>
            %gather3A_1741 = tpu.vector_load_idx %arg19[%add3A_1740] : memref<4096xf32, #tpu.memory_space<vmem>>[vector<16xi32>], vector<16xf32>,
            %add3A_1742 = arith.constant 8 : i32
            %add3A_1743 = arith.addi %add3A_504, %add3A_1742 : i32
            %get3A_1744 = arith.index_cast %add3A_1743 : i32 to index
            %get3A_1745 = arith.constant 0 : index
            %get3A_1746 = tpu.vector_load %arg23[%get3A_1744, %get3A_1745] {strides = array<i32>} : memref<512x32xbf16, #tpu.memory_space<vmem>>, vector<32xbf16>,
            %bitcast3A_1747 = vector.bitcast %get3A_1746 : vector<32xbf16> to vector<16xi32>
            %shift_left3A_1748 = arith.constant 16 : i32
            %shift_left3A_1749 = vector.broadcast %shift_left3A_1748 : i32 to vector<16xi32>
            %shift_left3A_1750 = arith.shli %bitcast3A_1747, %shift_left3A_1749 : vector<16xi32>
            %bitcast3A_1751 = vector.bitcast %shift_left3A_1750 : vector<16xi32> to vector<16xf32>
            %and3A_1752 = arith.constant -65536 : i32
            %and3A_1753 = vector.broadcast %and3A_1752 : i32 to vector<16xi32>
            %and3A_1754 = arith.andi %bitcast3A_1747, %and3A_1753 : vector<16xi32>
            %bitcast3A_1755 = vector.bitcast %and3A_1754 : vector<16xi32> to vector<16xf32>
            %mul3A_1756 = arith.mulf %gather3A_1741, %bitcast3A_1751 : vector<16xf32>
            %add3A_1757 = arith.addf %add3A_1735, %mul3A_1756 : vector<16xf32>
            %mul3A_1758 = arith.mulf %gather3A_1741, %bitcast3A_1755 : vector<16xf32>
            %add3A_1759 = arith.addf %add3A_1737, %mul3A_1758 : vector<16xf32>
            %add3A_1760 = arith.constant 9 : i32
            %add3A_1761 = vector.broadcast %add3A_1760 : i32 to vector<16xi32>
            %add3A_1762 = arith.addi %broadcast_in_dim3A_510, %add3A_1761 : vector<16xi32>
            %gather3A_1763 = tpu.vector_load_idx %arg19[%add3A_1762] : memref<4096xf32, #tpu.memory_space<vmem>>[vector<16xi32>], vector<16xf32>,
            %add3A_1764 = arith.constant 9 : i32
            %add3A_1765 = arith.addi %add3A_504, %add3A_1764 : i32
            %get3A_1766 = arith.index_cast %add3A_1765 : i32 to index
            %get3A_1767 = arith.constant 0 : index
            %get3A_1768 = tpu.vector_load %arg23[%get3A_1766, %get3A_1767] {strides = array<i32>} : memref<512x32xbf16, #tpu.memory_space<vmem>>, vector<32xbf16>,
            %bitcast3A_1769 = vector.bitcast %get3A_1768 : vector<32xbf16> to vector<16xi32>
            %shift_left3A_1770 = arith.constant 16 : i32
            %shift_left3A_1771 = vector.broadcast %shift_left3A_1770 : i32 to vector<16xi32>
            %shift_left3A_1772 = arith.shli %bitcast3A_1769, %shift_left3A_1771 : vector<16xi32>
            %bitcast3A_1773 = vector.bitcast %shift_left3A_1772 : vector<16xi32> to vector<16xf32>
            %and3A_1774 = arith.constant -65536 : i32
            %and3A_1775 = vector.broadcast %and3A_1774 : i32 to vector<16xi32>
            %and3A_1776 = arith.andi %bitcast3A_1769, %and3A_1775 : vector<16xi32>
            %bitcast3A_1777 = vector.bitcast %and3A_1776 : vector<16xi32> to vector<16xf32>
            %mul3A_1778 = arith.mulf %gather3A_1763, %bitcast3A_1773 : vector<16xf32>
            %add3A_1779 = arith.addf %add3A_1757, %mul3A_1778 : vector<16xf32>
            %mul3A_1780 = arith.mulf %gather3A_1763, %bitcast3A_1777 : vector<16xf32>
            %add3A_1781 = arith.addf %add3A_1759, %mul3A_1780 : vector<16xf32>
            %add3A_1782 = arith.constant 10 : i32
            %add3A_1783 = vector.broadcast %add3A_1782 : i32 to vector<16xi32>
            %add3A_1784 = arith.addi %broadcast_in_dim3A_510, %add3A_1783 : vector<16xi32>
            %gather3A_1785 = tpu.vector_load_idx %arg19[%add3A_1784] : memref<4096xf32, #tpu.memory_space<vmem>>[vector<16xi32>], vector<16xf32>,
            %add3A_1786 = arith.constant 10 : i32
            %add3A_1787 = arith.addi %add3A_504, %add3A_1786 : i32
            %get3A_1788 = arith.index_cast %add3A_1787 : i32 to index
            %get3A_1789 = arith.constant 0 : index
            %get3A_1790 = tpu.vector_load %arg23[%get3A_1788, %get3A_1789] {strides = array<i32>} : memref<512x32xbf16, #tpu.memory_space<vmem>>, vector<32xbf16>,
            %bitcast3A_1791 = vector.bitcast %get3A_1790 : vector<32xbf16> to vector<16xi32>
            %shift_left3A_1792 = arith.constant 16 : i32
            %shift_left3A_1793 = vector.broadcast %shift_left3A_1792 : i32 to vector<16xi32>
            %shift_left3A_1794 = arith.shli %bitcast3A_1791, %shift_left3A_1793 : vector<16xi32>
            %bitcast3A_1795 = vector.bitcast %shift_left3A_1794 : vector<16xi32> to vector<16xf32>
            %and3A_1796 = arith.constant -65536 : i32
            %and3A_1797 = vector.broadcast %and3A_1796 : i32 to vector<16xi32>
            %and3A_1798 = arith.andi %bitcast3A_1791, %and3A_1797 : vector<16xi32>
            %bitcast3A_1799 = vector.bitcast %and3A_1798 : vector<16xi32> to vector<16xf32>
            %mul3A_1800 = arith.mulf %gather3A_1785, %bitcast3A_1795 : vector<16xf32>
            %add3A_1801 = arith.addf %add3A_1779, %mul3A_1800 : vector<16xf32>
            %mul3A_1802 = arith.mulf %gather3A_1785, %bitcast3A_1799 : vector<16xf32>
            %add3A_1803 = arith.addf %add3A_1781, %mul3A_1802 : vector<16xf32>
            %add3A_1804 = arith.constant 11 : i32
            %add3A_1805 = vector.broadcast %add3A_1804 : i32 to vector<16xi32>
            %add3A_1806 = arith.addi %broadcast_in_dim3A_510, %add3A_1805 : vector<16xi32>
            %gather3A_1807 = tpu.vector_load_idx %arg19[%add3A_1806] : memref<4096xf32, #tpu.memory_space<vmem>>[vector<16xi32>], vector<16xf32>,
            %add3A_1808 = arith.constant 11 : i32
            %add3A_1809 = arith.addi %add3A_504, %add3A_1808 : i32
            %get3A_1810 = arith.index_cast %add3A_1809 : i32 to index
            %get3A_1811 = arith.constant 0 : index
            %get3A_1812 = tpu.vector_load %arg23[%get3A_1810, %get3A_1811] {strides = array<i32>} : memref<512x32xbf16, #tpu.memory_space<vmem>>, vector<32xbf16>,
            %bitcast3A_1813 = vector.bitcast %get3A_1812 : vector<32xbf16> to vector<16xi32>
            %shift_left3A_1814 = arith.constant 16 : i32
            %shift_left3A_1815 = vector.broadcast %shift_left3A_1814 : i32 to vector<16xi32>
            %shift_left3A_1816 = arith.shli %bitcast3A_1813, %shift_left3A_1815 : vector<16xi32>
            %bitcast3A_1817 = vector.bitcast %shift_left3A_1816 : vector<16xi32> to vector<16xf32>
            %and3A_1818 = arith.constant -65536 : i32
            %and3A_1819 = vector.broadcast %and3A_1818 : i32 to vector<16xi32>
            %and3A_1820 = arith.andi %bitcast3A_1813, %and3A_1819 : vector<16xi32>
            %bitcast3A_1821 = vector.bitcast %and3A_1820 : vector<16xi32> to vector<16xf32>
            %mul3A_1822 = arith.mulf %gather3A_1807, %bitcast3A_1817 : vector<16xf32>
            %add3A_1823 = arith.addf %add3A_1801, %mul3A_1822 : vector<16xf32>
            %mul3A_1824 = arith.mulf %gather3A_1807, %bitcast3A_1821 : vector<16xf32>
            %add3A_1825 = arith.addf %add3A_1803, %mul3A_1824 : vector<16xf32>
            %add3A_1826 = arith.constant 12 : i32
            %add3A_1827 = vector.broadcast %add3A_1826 : i32 to vector<16xi32>
            %add3A_1828 = arith.addi %broadcast_in_dim3A_510, %add3A_1827 : vector<16xi32>
            %gather3A_1829 = tpu.vector_load_idx %arg19[%add3A_1828] : memref<4096xf32, #tpu.memory_space<vmem>>[vector<16xi32>], vector<16xf32>,
            %add3A_1830 = arith.constant 12 : i32
            %add3A_1831 = arith.addi %add3A_504, %add3A_1830 : i32
            %get3A_1832 = arith.index_cast %add3A_1831 : i32 to index
            %get3A_1833 = arith.constant 0 : index
            %get3A_1834 = tpu.vector_load %arg23[%get3A_1832, %get3A_1833] {strides = array<i32>} : memref<512x32xbf16, #tpu.memory_space<vmem>>, vector<32xbf16>,
            %bitcast3A_1835 = vector.bitcast %get3A_1834 : vector<32xbf16> to vector<16xi32>
            %shift_left3A_1836 = arith.constant 16 : i32
            %shift_left3A_1837 = vector.broadcast %shift_left3A_1836 : i32 to vector<16xi32>
            %shift_left3A_1838 = arith.shli %bitcast3A_1835, %shift_left3A_1837 : vector<16xi32>
            %bitcast3A_1839 = vector.bitcast %shift_left3A_1838 : vector<16xi32> to vector<16xf32>
            %and3A_1840 = arith.constant -65536 : i32
            %and3A_1841 = vector.broadcast %and3A_1840 : i32 to vector<16xi32>
            %and3A_1842 = arith.andi %bitcast3A_1835, %and3A_1841 : vector<16xi32>
            %bitcast3A_1843 = vector.bitcast %and3A_1842 : vector<16xi32> to vector<16xf32>
            %mul3A_1844 = arith.mulf %gather3A_1829, %bitcast3A_1839 : vector<16xf32>
            %add3A_1845 = arith.addf %add3A_1823, %mul3A_1844 : vector<16xf32>
            %mul3A_1846 = arith.mulf %gather3A_1829, %bitcast3A_1843 : vector<16xf32>
            %add3A_1847 = arith.addf %add3A_1825, %mul3A_1846 : vector<16xf32>
            %add3A_1848 = arith.constant 13 : i32
            %add3A_1849 = vector.broadcast %add3A_1848 : i32 to vector<16xi32>
            %add3A_1850 = arith.addi %broadcast_in_dim3A_510, %add3A_1849 : vector<16xi32>
            %gather3A_1851 = tpu.vector_load_idx %arg19[%add3A_1850] : memref<4096xf32, #tpu.memory_space<vmem>>[vector<16xi32>], vector<16xf32>,
            %add3A_1852 = arith.constant 13 : i32
            %add3A_1853 = arith.addi %add3A_504, %add3A_1852 : i32
            %get3A_1854 = arith.index_cast %add3A_1853 : i32 to index
            %get3A_1855 = arith.constant 0 : index
            %get3A_1856 = tpu.vector_load %arg23[%get3A_1854, %get3A_1855] {strides = array<i32>} : memref<512x32xbf16, #tpu.memory_space<vmem>>, vector<32xbf16>,
            %bitcast3A_1857 = vector.bitcast %get3A_1856 : vector<32xbf16> to vector<16xi32>
            %shift_left3A_1858 = arith.constant 16 : i32
            %shift_left3A_1859 = vector.broadcast %shift_left3A_1858 : i32 to vector<16xi32>
            %shift_left3A_1860 = arith.shli %bitcast3A_1857, %shift_left3A_1859 : vector<16xi32>
            %bitcast3A_1861 = vector.bitcast %shift_left3A_1860 : vector<16xi32> to vector<16xf32>
            %and3A_1862 = arith.constant -65536 : i32
            %and3A_1863 = vector.broadcast %and3A_1862 : i32 to vector<16xi32>
            %and3A_1864 = arith.andi %bitcast3A_1857, %and3A_1863 : vector<16xi32>
            %bitcast3A_1865 = vector.bitcast %and3A_1864 : vector<16xi32> to vector<16xf32>
            %mul3A_1866 = arith.mulf %gather3A_1851, %bitcast3A_1861 : vector<16xf32>
            %add3A_1867 = arith.addf %add3A_1845, %mul3A_1866 : vector<16xf32>
            %mul3A_1868 = arith.mulf %gather3A_1851, %bitcast3A_1865 : vector<16xf32>
            %add3A_1869 = arith.addf %add3A_1847, %mul3A_1868 : vector<16xf32>
            %add3A_1870 = arith.constant 14 : i32
            %add3A_1871 = vector.broadcast %add3A_1870 : i32 to vector<16xi32>
            %add3A_1872 = arith.addi %broadcast_in_dim3A_510, %add3A_1871 : vector<16xi32>
            %gather3A_1873 = tpu.vector_load_idx %arg19[%add3A_1872] : memref<4096xf32, #tpu.memory_space<vmem>>[vector<16xi32>], vector<16xf32>,
            %add3A_1874 = arith.constant 14 : i32
            %add3A_1875 = arith.addi %add3A_504, %add3A_1874 : i32
            %get3A_1876 = arith.index_cast %add3A_1875 : i32 to index
            %get3A_1877 = arith.constant 0 : index
            %get3A_1878 = tpu.vector_load %arg23[%get3A_1876, %get3A_1877] {strides = array<i32>} : memref<512x32xbf16, #tpu.memory_space<vmem>>, vector<32xbf16>,
            %bitcast3A_1879 = vector.bitcast %get3A_1878 : vector<32xbf16> to vector<16xi32>
            %shift_left3A_1880 = arith.constant 16 : i32
            %shift_left3A_1881 = vector.broadcast %shift_left3A_1880 : i32 to vector<16xi32>
            %shift_left3A_1882 = arith.shli %bitcast3A_1879, %shift_left3A_1881 : vector<16xi32>
            %bitcast3A_1883 = vector.bitcast %shift_left3A_1882 : vector<16xi32> to vector<16xf32>
            %and3A_1884 = arith.constant -65536 : i32
            %and3A_1885 = vector.broadcast %and3A_1884 : i32 to vector<16xi32>
            %and3A_1886 = arith.andi %bitcast3A_1879, %and3A_1885 : vector<16xi32>
            %bitcast3A_1887 = vector.bitcast %and3A_1886 : vector<16xi32> to vector<16xf32>
            %mul3A_1888 = arith.mulf %gather3A_1873, %bitcast3A_1883 : vector<16xf32>
            %add3A_1889 = arith.addf %add3A_1867, %mul3A_1888 : vector<16xf32>
            %mul3A_1890 = arith.mulf %gather3A_1873, %bitcast3A_1887 : vector<16xf32>
            %add3A_1891 = arith.addf %add3A_1869, %mul3A_1890 : vector<16xf32>
            %add3A_1892 = arith.constant 15 : i32
            %add3A_1893 = vector.broadcast %add3A_1892 : i32 to vector<16xi32>
            %add3A_1894 = arith.addi %broadcast_in_dim3A_510, %add3A_1893 : vector<16xi32>
            %gather3A_1895 = tpu.vector_load_idx %arg19[%add3A_1894] : memref<4096xf32, #tpu.memory_space<vmem>>[vector<16xi32>], vector<16xf32>,
            %add3A_1896 = arith.constant 15 : i32
            %add3A_1897 = arith.addi %add3A_504, %add3A_1896 : i32
            %get3A_1898 = arith.index_cast %add3A_1897 : i32 to index
            %get3A_1899 = arith.constant 0 : index
            %get3A_1900 = tpu.vector_load %arg23[%get3A_1898, %get3A_1899] {strides = array<i32>} : memref<512x32xbf16, #tpu.memory_space<vmem>>, vector<32xbf16>,
            %bitcast3A_1901 = vector.bitcast %get3A_1900 : vector<32xbf16> to vector<16xi32>
            %shift_left3A_1902 = arith.constant 16 : i32
            %shift_left3A_1903 = vector.broadcast %shift_left3A_1902 : i32 to vector<16xi32>
            %shift_left3A_1904 = arith.shli %bitcast3A_1901, %shift_left3A_1903 : vector<16xi32>
            %bitcast3A_1905 = vector.bitcast %shift_left3A_1904 : vector<16xi32> to vector<16xf32>
            %and3A_1906 = arith.constant -65536 : i32
            %and3A_1907 = vector.broadcast %and3A_1906 : i32 to vector<16xi32>
            %and3A_1908 = arith.andi %bitcast3A_1901, %and3A_1907 : vector<16xi32>
            %bitcast3A_1909 = vector.bitcast %and3A_1908 : vector<16xi32> to vector<16xf32>
            %mul3A_1910 = arith.mulf %gather3A_1895, %bitcast3A_1905 : vector<16xf32>
            %add3A_1911 = arith.addf %add3A_1889, %mul3A_1910 : vector<16xf32>
            %mul3A_1912 = arith.mulf %gather3A_1895, %bitcast3A_1909 : vector<16xf32>
            %add3A_1913 = arith.addf %add3A_1891, %mul3A_1912 : vector<16xf32>
            %add3A_1914 = arith.addf %add3A_855, %add3A_1207 : vector<16xf32>
            %add3A_1915 = arith.addf %add3A_1559, %add3A_1911 : vector<16xf32>
            %add3A_1916 = arith.addf %add3A_1914, %add3A_1915 : vector<16xf32>
            %mul3A_1917 = arith.constant 32 : i32
            %mul3A_1918 = arith.muli %scan3A_483, %mul3A_1917 : i32
            %swap3A = arith.index_cast %add3A_474 : i32 to index
            %swap3A_1919 = arith.index_cast %mul3A_1918 : i32 to index
            %swap3A_1920 = tpu.vector_load %arg28[%swap3A, %swap3A_1919] {strides = array<i32>} : memref<32x256xf32, #tpu.memory_space<vmem>>, vector<16xf32>,
            tpu.vector_store %arg28[%swap3A, %swap3A_1919], %add3A_1916 {strides = array<i32>} : memref<32x256xf32, #tpu.memory_space<vmem>>, vector<16xf32>,
            %add3A_1921 = arith.addf %add3A_857, %add3A_1209 : vector<16xf32>
            %add3A_1922 = arith.addf %add3A_1561, %add3A_1913 : vector<16xf32>
            %add3A_1923 = arith.addf %add3A_1921, %add3A_1922 : vector<16xf32>
            %mul3A_1924 = arith.constant 32 : i32
            %mul3A_1925 = arith.muli %scan3A_483, %mul3A_1924 : i32
            %add3A_1926 = arith.constant 16 : i32
            %add3A_1927 = arith.addi %mul3A_1925, %add3A_1926 : i32
            %swap3A_1928 = arith.index_cast %add3A_474 : i32 to index
            %swap3A_1929 = arith.index_cast %add3A_1927 : i32 to index
            %swap3A_1930 = tpu.vector_load %arg28[%swap3A_1928, %swap3A_1929] {strides = array<i32>} : memref<32x256xf32, #tpu.memory_space<vmem>>, vector<16xf32>,
            tpu.vector_store %arg28[%swap3A_1928, %swap3A_1929], %add3A_1923 {strides = array<i32>} : memref<32x256xf32, #tpu.memory_space<vmem>>, vector<16xf32>,
            %scan3A_1931 = arith.constant 0 : i32
            scf.yield %scan3A_1931 : i32
          }
          %scan3A_481 = arith.constant 8 : i32
          %scan3A_482 = arith.constant 0 : i32
          scf.yield %scan3A_482 : i32
        }
        %scan3A_427 = arith.constant 4 : i32
        %lt3A = arith.constant 3 : i32
        %lt3A_428 = arith.cmpi slt, %scan3A_392, %lt3A : i32
        %convert_element_type3A = arith.extui %lt3A_428 : i1 to i32
        %cond3A = arith.constant 0 : i32
        %cond3A_429 = arith.cmpi ne, %convert_element_type3A, %cond3A : i32
        scf.if %cond3A_429 {
          %add3A_470 = arith.constant 2 : i32
          %add3A_471 = arith.addi %add3A_396, %add3A_470 : i32
          %mul3A_472 = arith.constant 4 : i32
          %mul3A_473 = arith.muli %add3A_471, %mul3A_472 : i32
          %add3A_474 = arith.constant 0 : i32
          %add3A_475 = arith.addi %mul3A_473, %add3A_474 : i32
          %dma_start3A_476 = arith.constant 0 : i32
          %dma_start3A_477 = arith.constant 0 : i32
          %dma_start3A_478 = tpu.memref_slice %arg20[%dma_start3A_476, %dma_start3A_477] : memref<512x32xbf16, #tpu.memory_space<vmem>> -> memref<128x32xbf16, #tpu.memory_space<vmem>>
          %dma_start3A_479 = arith.constant 0 : i32
          %dma_start3A_480 = tpu.memref_slice %arg12[%add3A_475, %dma_start3A_479] : memref<32x128xi32, #tpu.memory_space<vmem>> -> memref<1x128xi32, #tpu.memory_space<vmem>>
          %dma_start3A_481 = tpu.memref_squeeze %dma_start3A_480 : memref<1x128xi32, #tpu.memory_space<vmem>> -> memref<128xi32, #tpu.memory_space<vmem>>
          %dma_start3A_482 = arith.constant 0 : i32
          %dma_start3A_483 = arith.constant 0 : i32
          %dma_start3A_484 = tpu.memref_slice %arg2[%dma_start3A_482, %dma_start3A_483] : memref<174080x32xbf16, #tpu.memory_space<hbm>> -> memref<174080x32xbf16, #tpu.memory_space<hbm>>
          tpu.enqueue_indirect_dma source(%dma_start3A_484 : memref<174080x32xbf16, #tpu.memory_space<hbm>>) target(%dma_start3A_478 : memref<128x32xbf16, #tpu.memory_space<vmem>>) offsets(%dma_start3A_481 : memref<128xi32, #tpu.memory_space<vmem>>) semaphore(%arg30 : memref<!tpu.dma_semaphore, #tpu.memory_space<semaphore_mem>>)
          %mul3A_485 = arith.constant 4 : i32
          %mul3A_486 = arith.muli %add3A_471, %mul3A_485 : i32
          %add3A_487 = arith.constant 1 : i32
          %add3A_488 = arith.addi %mul3A_486, %add3A_487 : i32
          %dma_start3A_489 = arith.constant 128 : i32
          %dma_start3A_490 = arith.constant 0 : i32
          %dma_start3A_491 = tpu.memref_slice %arg20[%dma_start3A_489, %dma_start3A_490] : memref<512x32xbf16, #tpu.memory_space<vmem>> -> memref<128x32xbf16, #tpu.memory_space<vmem>>
          %dma_start3A_492 = arith.constant 0 : i32
          %dma_start3A_493 = tpu.memref_slice %arg12[%add3A_488, %dma_start3A_492] : memref<32x128xi32, #tpu.memory_space<vmem>> -> memref<1x128xi32, #tpu.memory_space<vmem>>
          %dma_start3A_494 = tpu.memref_squeeze %dma_start3A_493 : memref<1x128xi32, #tpu.memory_space<vmem>> -> memref<128xi32, #tpu.memory_space<vmem>>
          %dma_start3A_495 = arith.constant 0 : i32
          %dma_start3A_496 = arith.constant 0 : i32
          %dma_start3A_497 = tpu.memref_slice %arg2[%dma_start3A_495, %dma_start3A_496] : memref<174080x32xbf16, #tpu.memory_space<hbm>> -> memref<174080x32xbf16, #tpu.memory_space<hbm>>
          tpu.enqueue_indirect_dma source(%dma_start3A_497 : memref<174080x32xbf16, #tpu.memory_space<hbm>>) target(%dma_start3A_491 : memref<128x32xbf16, #tpu.memory_space<vmem>>) offsets(%dma_start3A_494 : memref<128xi32, #tpu.memory_space<vmem>>) semaphore(%arg30 : memref<!tpu.dma_semaphore, #tpu.memory_space<semaphore_mem>>)
          %mul3A_498 = arith.constant 4 : i32
          %mul3A_499 = arith.muli %add3A_471, %mul3A_498 : i32
          %add3A_500 = arith.constant 2 : i32
          %add3A_501 = arith.addi %mul3A_499, %add3A_500 : i32
          %dma_start3A_502 = arith.constant 256 : i32
          %dma_start3A_503 = arith.constant 0 : i32
          %dma_start3A_504 = tpu.memref_slice %arg20[%dma_start3A_502, %dma_start3A_503] : memref<512x32xbf16, #tpu.memory_space<vmem>> -> memref<128x32xbf16, #tpu.memory_space<vmem>>
          %dma_start3A_505 = arith.constant 0 : i32
          %dma_start3A_506 = tpu.memref_slice %arg12[%add3A_501, %dma_start3A_505] : memref<32x128xi32, #tpu.memory_space<vmem>> -> memref<1x128xi32, #tpu.memory_space<vmem>>
          %dma_start3A_507 = tpu.memref_squeeze %dma_start3A_506 : memref<1x128xi32, #tpu.memory_space<vmem>> -> memref<128xi32, #tpu.memory_space<vmem>>
          %dma_start3A_508 = arith.constant 0 : i32
          %dma_start3A_509 = arith.constant 0 : i32
          %dma_start3A_510 = tpu.memref_slice %arg2[%dma_start3A_508, %dma_start3A_509] : memref<174080x32xbf16, #tpu.memory_space<hbm>> -> memref<174080x32xbf16, #tpu.memory_space<hbm>>
          tpu.enqueue_indirect_dma source(%dma_start3A_510 : memref<174080x32xbf16, #tpu.memory_space<hbm>>) target(%dma_start3A_504 : memref<128x32xbf16, #tpu.memory_space<vmem>>) offsets(%dma_start3A_507 : memref<128xi32, #tpu.memory_space<vmem>>) semaphore(%arg30 : memref<!tpu.dma_semaphore, #tpu.memory_space<semaphore_mem>>)
          %mul3A_511 = arith.constant 4 : i32
          %mul3A_512 = arith.muli %add3A_471, %mul3A_511 : i32
          %add3A_513 = arith.constant 3 : i32
          %add3A_514 = arith.addi %mul3A_512, %add3A_513 : i32
          %dma_start3A_515 = arith.constant 384 : i32
          %dma_start3A_516 = arith.constant 0 : i32
          %dma_start3A_517 = tpu.memref_slice %arg20[%dma_start3A_515, %dma_start3A_516] : memref<512x32xbf16, #tpu.memory_space<vmem>> -> memref<128x32xbf16, #tpu.memory_space<vmem>>
          %dma_start3A_518 = arith.constant 0 : i32
          %dma_start3A_519 = tpu.memref_slice %arg12[%add3A_514, %dma_start3A_518] : memref<32x128xi32, #tpu.memory_space<vmem>> -> memref<1x128xi32, #tpu.memory_space<vmem>>
          %dma_start3A_520 = tpu.memref_squeeze %dma_start3A_519 : memref<1x128xi32, #tpu.memory_space<vmem>> -> memref<128xi32, #tpu.memory_space<vmem>>
          %dma_start3A_521 = arith.constant 0 : i32
          %dma_start3A_522 = arith.constant 0 : i32
          %dma_start3A_523 = tpu.memref_slice %arg2[%dma_start3A_521, %dma_start3A_522] : memref<174080x32xbf16, #tpu.memory_space<hbm>> -> memref<174080x32xbf16, #tpu.memory_space<hbm>>
          tpu.enqueue_indirect_dma source(%dma_start3A_523 : memref<174080x32xbf16, #tpu.memory_space<hbm>>) target(%dma_start3A_517 : memref<128x32xbf16, #tpu.memory_space<vmem>>) offsets(%dma_start3A_520 : memref<128xi32, #tpu.memory_space<vmem>>) semaphore(%arg30 : memref<!tpu.dma_semaphore, #tpu.memory_space<semaphore_mem>>)
          %mul3A_524 = arith.constant 4 : i32
          %mul3A_525 = arith.muli %add3A_471, %mul3A_524 : i32
          %add3A_526 = arith.constant 0 : i32
          %add3A_527 = arith.addi %mul3A_525, %add3A_526 : i32
          %dma_start3A_528 = arith.constant 0 : i32
          %dma_start3A_529 = arith.constant 0 : i32
          %dma_start3A_530 = tpu.memref_slice %arg21[%dma_start3A_528, %dma_start3A_529] : memref<512x32xbf16, #tpu.memory_space<vmem>> -> memref<128x32xbf16, #tpu.memory_space<vmem>>
          %dma_start3A_531 = arith.constant 0 : i32
          %dma_start3A_532 = tpu.memref_slice %arg13[%add3A_527, %dma_start3A_531] : memref<32x128xi32, #tpu.memory_space<vmem>> -> memref<1x128xi32, #tpu.memory_space<vmem>>
          %dma_start3A_533 = tpu.memref_squeeze %dma_start3A_532 : memref<1x128xi32, #tpu.memory_space<vmem>> -> memref<128xi32, #tpu.memory_space<vmem>>
          %dma_start3A_534 = arith.constant 0 : i32
          %dma_start3A_535 = arith.constant 0 : i32
          %dma_start3A_536 = tpu.memref_slice %arg2[%dma_start3A_534, %dma_start3A_535] : memref<174080x32xbf16, #tpu.memory_space<hbm>> -> memref<174080x32xbf16, #tpu.memory_space<hbm>>
          tpu.enqueue_indirect_dma source(%dma_start3A_536 : memref<174080x32xbf16, #tpu.memory_space<hbm>>) target(%dma_start3A_530 : memref<128x32xbf16, #tpu.memory_space<vmem>>) offsets(%dma_start3A_533 : memref<128xi32, #tpu.memory_space<vmem>>) semaphore(%arg30 : memref<!tpu.dma_semaphore, #tpu.memory_space<semaphore_mem>>)
          %mul3A_537 = arith.constant 4 : i32
          %mul3A_538 = arith.muli %add3A_471, %mul3A_537 : i32
          %add3A_539 = arith.constant 1 : i32
          %add3A_540 = arith.addi %mul3A_538, %add3A_539 : i32
          %dma_start3A_541 = arith.constant 128 : i32
          %dma_start3A_542 = arith.constant 0 : i32
          %dma_start3A_543 = tpu.memref_slice %arg21[%dma_start3A_541, %dma_start3A_542] : memref<512x32xbf16, #tpu.memory_space<vmem>> -> memref<128x32xbf16, #tpu.memory_space<vmem>>
          %dma_start3A_544 = arith.constant 0 : i32
          %dma_start3A_545 = tpu.memref_slice %arg13[%add3A_540, %dma_start3A_544] : memref<32x128xi32, #tpu.memory_space<vmem>> -> memref<1x128xi32, #tpu.memory_space<vmem>>
          %dma_start3A_546 = tpu.memref_squeeze %dma_start3A_545 : memref<1x128xi32, #tpu.memory_space<vmem>> -> memref<128xi32, #tpu.memory_space<vmem>>
          %dma_start3A_547 = arith.constant 0 : i32
          %dma_start3A_548 = arith.constant 0 : i32
          %dma_start3A_549 = tpu.memref_slice %arg2[%dma_start3A_547, %dma_start3A_548] : memref<174080x32xbf16, #tpu.memory_space<hbm>> -> memref<174080x32xbf16, #tpu.memory_space<hbm>>
          tpu.enqueue_indirect_dma source(%dma_start3A_549 : memref<174080x32xbf16, #tpu.memory_space<hbm>>) target(%dma_start3A_543 : memref<128x32xbf16, #tpu.memory_space<vmem>>) offsets(%dma_start3A_546 : memref<128xi32, #tpu.memory_space<vmem>>) semaphore(%arg30 : memref<!tpu.dma_semaphore, #tpu.memory_space<semaphore_mem>>)
          %mul3A_550 = arith.constant 4 : i32
          %mul3A_551 = arith.muli %add3A_471, %mul3A_550 : i32
          %add3A_552 = arith.constant 2 : i32
          %add3A_553 = arith.addi %mul3A_551, %add3A_552 : i32
          %dma_start3A_554 = arith.constant 256 : i32
          %dma_start3A_555 = arith.constant 0 : i32
          %dma_start3A_556 = tpu.memref_slice %arg21[%dma_start3A_554, %dma_start3A_555] : memref<512x32xbf16, #tpu.memory_space<vmem>> -> memref<128x32xbf16, #tpu.memory_space<vmem>>
          %dma_start3A_557 = arith.constant 0 : i32
          %dma_start3A_558 = tpu.memref_slice %arg13[%add3A_553, %dma_start3A_557] : memref<32x128xi32, #tpu.memory_space<vmem>> -> memref<1x128xi32, #tpu.memory_space<vmem>>
          %dma_start3A_559 = tpu.memref_squeeze %dma_start3A_558 : memref<1x128xi32, #tpu.memory_space<vmem>> -> memref<128xi32, #tpu.memory_space<vmem>>
          %dma_start3A_560 = arith.constant 0 : i32
          %dma_start3A_561 = arith.constant 0 : i32
          %dma_start3A_562 = tpu.memref_slice %arg2[%dma_start3A_560, %dma_start3A_561] : memref<174080x32xbf16, #tpu.memory_space<hbm>> -> memref<174080x32xbf16, #tpu.memory_space<hbm>>
          tpu.enqueue_indirect_dma source(%dma_start3A_562 : memref<174080x32xbf16, #tpu.memory_space<hbm>>) target(%dma_start3A_556 : memref<128x32xbf16, #tpu.memory_space<vmem>>) offsets(%dma_start3A_559 : memref<128xi32, #tpu.memory_space<vmem>>) semaphore(%arg30 : memref<!tpu.dma_semaphore, #tpu.memory_space<semaphore_mem>>)
          %mul3A_563 = arith.constant 4 : i32
          %mul3A_564 = arith.muli %add3A_471, %mul3A_563 : i32
          %add3A_565 = arith.constant 3 : i32
          %add3A_566 = arith.addi %mul3A_564, %add3A_565 : i32
          %dma_start3A_567 = arith.constant 384 : i32
          %dma_start3A_568 = arith.constant 0 : i32
          %dma_start3A_569 = tpu.memref_slice %arg21[%dma_start3A_567, %dma_start3A_568] : memref<512x32xbf16, #tpu.memory_space<vmem>> -> memref<128x32xbf16, #tpu.memory_space<vmem>>
          %dma_start3A_570 = arith.constant 0 : i32
          %dma_start3A_571 = tpu.memref_slice %arg13[%add3A_566, %dma_start3A_570] : memref<32x128xi32, #tpu.memory_space<vmem>> -> memref<1x128xi32, #tpu.memory_space<vmem>>
          %dma_start3A_572 = tpu.memref_squeeze %dma_start3A_571 : memref<1x128xi32, #tpu.memory_space<vmem>> -> memref<128xi32, #tpu.memory_space<vmem>>
          %dma_start3A_573 = arith.constant 0 : i32
          %dma_start3A_574 = arith.constant 0 : i32
          %dma_start3A_575 = tpu.memref_slice %arg2[%dma_start3A_573, %dma_start3A_574] : memref<174080x32xbf16, #tpu.memory_space<hbm>> -> memref<174080x32xbf16, #tpu.memory_space<hbm>>
          tpu.enqueue_indirect_dma source(%dma_start3A_575 : memref<174080x32xbf16, #tpu.memory_space<hbm>>) target(%dma_start3A_569 : memref<128x32xbf16, #tpu.memory_space<vmem>>) offsets(%dma_start3A_572 : memref<128xi32, #tpu.memory_space<vmem>>) semaphore(%arg30 : memref<!tpu.dma_semaphore, #tpu.memory_space<semaphore_mem>>)
          %mul3A_576 = arith.constant 4 : i32
          %mul3A_577 = arith.muli %add3A_471, %mul3A_576 : i32
          %add3A_578 = arith.constant 0 : i32
          %add3A_579 = arith.addi %mul3A_577, %add3A_578 : i32
          %dma_start3A_580 = arith.constant 0 : i32
          %dma_start3A_581 = arith.constant 0 : i32
          %dma_start3A_582 = tpu.memref_slice %arg22[%dma_start3A_580, %dma_start3A_581] : memref<512x32xbf16, #tpu.memory_space<vmem>> -> memref<128x32xbf16, #tpu.memory_space<vmem>>
          %dma_start3A_583 = arith.constant 0 : i32
          %dma_start3A_584 = tpu.memref_slice %arg14[%add3A_579, %dma_start3A_583] : memref<32x128xi32, #tpu.memory_space<vmem>> -> memref<1x128xi32, #tpu.memory_space<vmem>>
          %dma_start3A_585 = tpu.memref_squeeze %dma_start3A_584 : memref<1x128xi32, #tpu.memory_space<vmem>> -> memref<128xi32, #tpu.memory_space<vmem>>
          %dma_start3A_586 = arith.constant 0 : i32
          %dma_start3A_587 = arith.constant 0 : i32
          %dma_start3A_588 = tpu.memref_slice %arg2[%dma_start3A_586, %dma_start3A_587] : memref<174080x32xbf16, #tpu.memory_space<hbm>> -> memref<174080x32xbf16, #tpu.memory_space<hbm>>
          tpu.enqueue_indirect_dma source(%dma_start3A_588 : memref<174080x32xbf16, #tpu.memory_space<hbm>>) target(%dma_start3A_582 : memref<128x32xbf16, #tpu.memory_space<vmem>>) offsets(%dma_start3A_585 : memref<128xi32, #tpu.memory_space<vmem>>) semaphore(%arg30 : memref<!tpu.dma_semaphore, #tpu.memory_space<semaphore_mem>>)
          %mul3A_589 = arith.constant 4 : i32
          %mul3A_590 = arith.muli %add3A_471, %mul3A_589 : i32
          %add3A_591 = arith.constant 1 : i32
          %add3A_592 = arith.addi %mul3A_590, %add3A_591 : i32
          %dma_start3A_593 = arith.constant 128 : i32
          %dma_start3A_594 = arith.constant 0 : i32
          %dma_start3A_595 = tpu.memref_slice %arg22[%dma_start3A_593, %dma_start3A_594] : memref<512x32xbf16, #tpu.memory_space<vmem>> -> memref<128x32xbf16, #tpu.memory_space<vmem>>
          %dma_start3A_596 = arith.constant 0 : i32
          %dma_start3A_597 = tpu.memref_slice %arg14[%add3A_592, %dma_start3A_596] : memref<32x128xi32, #tpu.memory_space<vmem>> -> memref<1x128xi32, #tpu.memory_space<vmem>>
          %dma_start3A_598 = tpu.memref_squeeze %dma_start3A_597 : memref<1x128xi32, #tpu.memory_space<vmem>> -> memref<128xi32, #tpu.memory_space<vmem>>
          %dma_start3A_599 = arith.constant 0 : i32
          %dma_start3A_600 = arith.constant 0 : i32
          %dma_start3A_601 = tpu.memref_slice %arg2[%dma_start3A_599, %dma_start3A_600] : memref<174080x32xbf16, #tpu.memory_space<hbm>> -> memref<174080x32xbf16, #tpu.memory_space<hbm>>
          tpu.enqueue_indirect_dma source(%dma_start3A_601 : memref<174080x32xbf16, #tpu.memory_space<hbm>>) target(%dma_start3A_595 : memref<128x32xbf16, #tpu.memory_space<vmem>>) offsets(%dma_start3A_598 : memref<128xi32, #tpu.memory_space<vmem>>) semaphore(%arg30 : memref<!tpu.dma_semaphore, #tpu.memory_space<semaphore_mem>>)
          %mul3A_602 = arith.constant 4 : i32
          %mul3A_603 = arith.muli %add3A_471, %mul3A_602 : i32
          %add3A_604 = arith.constant 2 : i32
          %add3A_605 = arith.addi %mul3A_603, %add3A_604 : i32
          %dma_start3A_606 = arith.constant 256 : i32
          %dma_start3A_607 = arith.constant 0 : i32
          %dma_start3A_608 = tpu.memref_slice %arg22[%dma_start3A_606, %dma_start3A_607] : memref<512x32xbf16, #tpu.memory_space<vmem>> -> memref<128x32xbf16, #tpu.memory_space<vmem>>
          %dma_start3A_609 = arith.constant 0 : i32
          %dma_start3A_610 = tpu.memref_slice %arg14[%add3A_605, %dma_start3A_609] : memref<32x128xi32, #tpu.memory_space<vmem>> -> memref<1x128xi32, #tpu.memory_space<vmem>>
          %dma_start3A_611 = tpu.memref_squeeze %dma_start3A_610 : memref<1x128xi32, #tpu.memory_space<vmem>> -> memref<128xi32, #tpu.memory_space<vmem>>
          %dma_start3A_612 = arith.constant 0 : i32
          %dma_start3A_613 = arith.constant 0 : i32
          %dma_start3A_614 = tpu.memref_slice %arg2[%dma_start3A_612, %dma_start3A_613] : memref<174080x32xbf16, #tpu.memory_space<hbm>> -> memref<174080x32xbf16, #tpu.memory_space<hbm>>
          tpu.enqueue_indirect_dma source(%dma_start3A_614 : memref<174080x32xbf16, #tpu.memory_space<hbm>>) target(%dma_start3A_608 : memref<128x32xbf16, #tpu.memory_space<vmem>>) offsets(%dma_start3A_611 : memref<128xi32, #tpu.memory_space<vmem>>) semaphore(%arg30 : memref<!tpu.dma_semaphore, #tpu.memory_space<semaphore_mem>>)
          %mul3A_615 = arith.constant 4 : i32
          %mul3A_616 = arith.muli %add3A_471, %mul3A_615 : i32
          %add3A_617 = arith.constant 3 : i32
          %add3A_618 = arith.addi %mul3A_616, %add3A_617 : i32
          %dma_start3A_619 = arith.constant 384 : i32
          %dma_start3A_620 = arith.constant 0 : i32
          %dma_start3A_621 = tpu.memref_slice %arg22[%dma_start3A_619, %dma_start3A_620] : memref<512x32xbf16, #tpu.memory_space<vmem>> -> memref<128x32xbf16, #tpu.memory_space<vmem>>
          %dma_start3A_622 = arith.constant 0 : i32
          %dma_start3A_623 = tpu.memref_slice %arg14[%add3A_618, %dma_start3A_622] : memref<32x128xi32, #tpu.memory_space<vmem>> -> memref<1x128xi32, #tpu.memory_space<vmem>>
          %dma_start3A_624 = tpu.memref_squeeze %dma_start3A_623 : memref<1x128xi32, #tpu.memory_space<vmem>> -> memref<128xi32, #tpu.memory_space<vmem>>
          %dma_start3A_625 = arith.constant 0 : i32
          %dma_start3A_626 = arith.constant 0 : i32
          %dma_start3A_627 = tpu.memref_slice %arg2[%dma_start3A_625, %dma_start3A_626] : memref<174080x32xbf16, #tpu.memory_space<hbm>> -> memref<174080x32xbf16, #tpu.memory_space<hbm>>
          tpu.enqueue_indirect_dma source(%dma_start3A_627 : memref<174080x32xbf16, #tpu.memory_space<hbm>>) target(%dma_start3A_621 : memref<128x32xbf16, #tpu.memory_space<vmem>>) offsets(%dma_start3A_624 : memref<128xi32, #tpu.memory_space<vmem>>) semaphore(%arg30 : memref<!tpu.dma_semaphore, #tpu.memory_space<semaphore_mem>>)
          %mul3A_628 = arith.constant 4 : i32
          %mul3A_629 = arith.muli %add3A_471, %mul3A_628 : i32
          %add3A_630 = arith.constant 0 : i32
          %add3A_631 = arith.addi %mul3A_629, %add3A_630 : i32
          %dma_start3A_632 = arith.constant 0 : i32
          %dma_start3A_633 = arith.constant 0 : i32
          %dma_start3A_634 = tpu.memref_slice %arg23[%dma_start3A_632, %dma_start3A_633] : memref<512x32xbf16, #tpu.memory_space<vmem>> -> memref<128x32xbf16, #tpu.memory_space<vmem>>
          %dma_start3A_635 = arith.constant 0 : i32
          %dma_start3A_636 = tpu.memref_slice %arg15[%add3A_631, %dma_start3A_635] : memref<32x128xi32, #tpu.memory_space<vmem>> -> memref<1x128xi32, #tpu.memory_space<vmem>>
          %dma_start3A_637 = tpu.memref_squeeze %dma_start3A_636 : memref<1x128xi32, #tpu.memory_space<vmem>> -> memref<128xi32, #tpu.memory_space<vmem>>
          %dma_start3A_638 = arith.constant 0 : i32
          %dma_start3A_639 = arith.constant 0 : i32
          %dma_start3A_640 = tpu.memref_slice %arg2[%dma_start3A_638, %dma_start3A_639] : memref<174080x32xbf16, #tpu.memory_space<hbm>> -> memref<174080x32xbf16, #tpu.memory_space<hbm>>
          tpu.enqueue_indirect_dma source(%dma_start3A_640 : memref<174080x32xbf16, #tpu.memory_space<hbm>>) target(%dma_start3A_634 : memref<128x32xbf16, #tpu.memory_space<vmem>>) offsets(%dma_start3A_637 : memref<128xi32, #tpu.memory_space<vmem>>) semaphore(%arg30 : memref<!tpu.dma_semaphore, #tpu.memory_space<semaphore_mem>>)
          %mul3A_641 = arith.constant 4 : i32
          %mul3A_642 = arith.muli %add3A_471, %mul3A_641 : i32
          %add3A_643 = arith.constant 1 : i32
          %add3A_644 = arith.addi %mul3A_642, %add3A_643 : i32
          %dma_start3A_645 = arith.constant 128 : i32
          %dma_start3A_646 = arith.constant 0 : i32
          %dma_start3A_647 = tpu.memref_slice %arg23[%dma_start3A_645, %dma_start3A_646] : memref<512x32xbf16, #tpu.memory_space<vmem>> -> memref<128x32xbf16, #tpu.memory_space<vmem>>
          %dma_start3A_648 = arith.constant 0 : i32
          %dma_start3A_649 = tpu.memref_slice %arg15[%add3A_644, %dma_start3A_648] : memref<32x128xi32, #tpu.memory_space<vmem>> -> memref<1x128xi32, #tpu.memory_space<vmem>>
          %dma_start3A_650 = tpu.memref_squeeze %dma_start3A_649 : memref<1x128xi32, #tpu.memory_space<vmem>> -> memref<128xi32, #tpu.memory_space<vmem>>
          %dma_start3A_651 = arith.constant 0 : i32
          %dma_start3A_652 = arith.constant 0 : i32
          %dma_start3A_653 = tpu.memref_slice %arg2[%dma_start3A_651, %dma_start3A_652] : memref<174080x32xbf16, #tpu.memory_space<hbm>> -> memref<174080x32xbf16, #tpu.memory_space<hbm>>
          tpu.enqueue_indirect_dma source(%dma_start3A_653 : memref<174080x32xbf16, #tpu.memory_space<hbm>>) target(%dma_start3A_647 : memref<128x32xbf16, #tpu.memory_space<vmem>>) offsets(%dma_start3A_650 : memref<128xi32, #tpu.memory_space<vmem>>) semaphore(%arg30 : memref<!tpu.dma_semaphore, #tpu.memory_space<semaphore_mem>>)
          %mul3A_654 = arith.constant 4 : i32
          %mul3A_655 = arith.muli %add3A_471, %mul3A_654 : i32
          %add3A_656 = arith.constant 2 : i32
          %add3A_657 = arith.addi %mul3A_655, %add3A_656 : i32
          %dma_start3A_658 = arith.constant 256 : i32
          %dma_start3A_659 = arith.constant 0 : i32
          %dma_start3A_660 = tpu.memref_slice %arg23[%dma_start3A_658, %dma_start3A_659] : memref<512x32xbf16, #tpu.memory_space<vmem>> -> memref<128x32xbf16, #tpu.memory_space<vmem>>
          %dma_start3A_661 = arith.constant 0 : i32
          %dma_start3A_662 = tpu.memref_slice %arg15[%add3A_657, %dma_start3A_661] : memref<32x128xi32, #tpu.memory_space<vmem>> -> memref<1x128xi32, #tpu.memory_space<vmem>>
          %dma_start3A_663 = tpu.memref_squeeze %dma_start3A_662 : memref<1x128xi32, #tpu.memory_space<vmem>> -> memref<128xi32, #tpu.memory_space<vmem>>
          %dma_start3A_664 = arith.constant 0 : i32
          %dma_start3A_665 = arith.constant 0 : i32
          %dma_start3A_666 = tpu.memref_slice %arg2[%dma_start3A_664, %dma_start3A_665] : memref<174080x32xbf16, #tpu.memory_space<hbm>> -> memref<174080x32xbf16, #tpu.memory_space<hbm>>
          tpu.enqueue_indirect_dma source(%dma_start3A_666 : memref<174080x32xbf16, #tpu.memory_space<hbm>>) target(%dma_start3A_660 : memref<128x32xbf16, #tpu.memory_space<vmem>>) offsets(%dma_start3A_663 : memref<128xi32, #tpu.memory_space<vmem>>) semaphore(%arg30 : memref<!tpu.dma_semaphore, #tpu.memory_space<semaphore_mem>>)
          %mul3A_667 = arith.constant 4 : i32
          %mul3A_668 = arith.muli %add3A_471, %mul3A_667 : i32
          %add3A_669 = arith.constant 3 : i32
          %add3A_670 = arith.addi %mul3A_668, %add3A_669 : i32
          %dma_start3A_671 = arith.constant 384 : i32
          %dma_start3A_672 = arith.constant 0 : i32
          %dma_start3A_673 = tpu.memref_slice %arg23[%dma_start3A_671, %dma_start3A_672] : memref<512x32xbf16, #tpu.memory_space<vmem>> -> memref<128x32xbf16, #tpu.memory_space<vmem>>
          %dma_start3A_674 = arith.constant 0 : i32
          %dma_start3A_675 = tpu.memref_slice %arg15[%add3A_670, %dma_start3A_674] : memref<32x128xi32, #tpu.memory_space<vmem>> -> memref<1x128xi32, #tpu.memory_space<vmem>>
          %dma_start3A_676 = tpu.memref_squeeze %dma_start3A_675 : memref<1x128xi32, #tpu.memory_space<vmem>> -> memref<128xi32, #tpu.memory_space<vmem>>
          %dma_start3A_677 = arith.constant 0 : i32
          %dma_start3A_678 = arith.constant 0 : i32
          %dma_start3A_679 = tpu.memref_slice %arg2[%dma_start3A_677, %dma_start3A_678] : memref<174080x32xbf16, #tpu.memory_space<hbm>> -> memref<174080x32xbf16, #tpu.memory_space<hbm>>
          tpu.enqueue_indirect_dma source(%dma_start3A_679 : memref<174080x32xbf16, #tpu.memory_space<hbm>>) target(%dma_start3A_673 : memref<128x32xbf16, #tpu.memory_space<vmem>>) offsets(%dma_start3A_676 : memref<128xi32, #tpu.memory_space<vmem>>) semaphore(%arg30 : memref<!tpu.dma_semaphore, #tpu.memory_space<semaphore_mem>>)
        } else {
        }
        %mul3A_430 = arith.constant 2 : i32
        %mul3A_431 = arith.muli %scan3A_392, %mul3A_430 : i32
        %add3A_432 = arith.constant 1 : i32
        %add3A_433 = arith.addi %mul3A_431, %add3A_432 : i32
        %dma_wait3A_434 = arith.constant 0 : i32
        %dma_wait3A_435 = arith.constant 0 : i32
        %dma_wait3A_436 = tpu.memref_slice %arg2[%dma_wait3A_434, %dma_wait3A_435] : memref<174080x32xbf16, #tpu.memory_space<hbm>> -> memref<512x32xbf16, #tpu.memory_space<hbm>>
        %dma_wait3A_437 = arith.constant 0 : i32
        %dma_wait3A_438 = arith.constant 0 : i32
        %dma_wait3A_439 = tpu.memref_slice %arg2[%dma_wait3A_437, %dma_wait3A_438] : memref<174080x32xbf16, #tpu.memory_space<hbm>> -> memref<512x32xbf16, #tpu.memory_space<hbm>>
        tpu.wait_dma2 semaphore(%arg31 : memref<!tpu.dma_semaphore, #tpu.memory_space<semaphore_mem>>) src(%dma_wait3A_439 : memref<512x32xbf16, #tpu.memory_space<hbm>>) dst(%arg24 : memref<512x32xbf16, #tpu.memory_space<vmem>>)
        %dma_wait3A_440 = arith.constant 0 : i32
        %dma_wait3A_441 = arith.constant 0 : i32
        %dma_wait3A_442 = tpu.memref_slice %arg2[%dma_wait3A_440, %dma_wait3A_441] : memref<174080x32xbf16, #tpu.memory_space<hbm>> -> memref<512x32xbf16, #tpu.memory_space<hbm>>
        %dma_wait3A_443 = arith.constant 0 : i32
        %dma_wait3A_444 = arith.constant 0 : i32
        %dma_wait3A_445 = tpu.memref_slice %arg2[%dma_wait3A_443, %dma_wait3A_444] : memref<174080x32xbf16, #tpu.memory_space<hbm>> -> memref<512x32xbf16, #tpu.memory_space<hbm>>
        tpu.wait_dma2 semaphore(%arg31 : memref<!tpu.dma_semaphore, #tpu.memory_space<semaphore_mem>>) src(%dma_wait3A_445 : memref<512x32xbf16, #tpu.memory_space<hbm>>) dst(%arg25 : memref<512x32xbf16, #tpu.memory_space<vmem>>)
        %dma_wait3A_446 = arith.constant 0 : i32
        %dma_wait3A_447 = arith.constant 0 : i32
        %dma_wait3A_448 = tpu.memref_slice %arg2[%dma_wait3A_446, %dma_wait3A_447] : memref<174080x32xbf16, #tpu.memory_space<hbm>> -> memref<512x32xbf16, #tpu.memory_space<hbm>>
        %dma_wait3A_449 = arith.constant 0 : i32
        %dma_wait3A_450 = arith.constant 0 : i32
        %dma_wait3A_451 = tpu.memref_slice %arg2[%dma_wait3A_449, %dma_wait3A_450] : memref<174080x32xbf16, #tpu.memory_space<hbm>> -> memref<512x32xbf16, #tpu.memory_space<hbm>>
        tpu.wait_dma2 semaphore(%arg31 : memref<!tpu.dma_semaphore, #tpu.memory_space<semaphore_mem>>) src(%dma_wait3A_451 : memref<512x32xbf16, #tpu.memory_space<hbm>>) dst(%arg26 : memref<512x32xbf16, #tpu.memory_space<vmem>>)
        %dma_wait3A_452 = arith.constant 0 : i32
        %dma_wait3A_453 = arith.constant 0 : i32
        %dma_wait3A_454 = tpu.memref_slice %arg2[%dma_wait3A_452, %dma_wait3A_453] : memref<174080x32xbf16, #tpu.memory_space<hbm>> -> memref<512x32xbf16, #tpu.memory_space<hbm>>
        %dma_wait3A_455 = arith.constant 0 : i32
        %dma_wait3A_456 = arith.constant 0 : i32
        %dma_wait3A_457 = tpu.memref_slice %arg2[%dma_wait3A_455, %dma_wait3A_456] : memref<174080x32xbf16, #tpu.memory_space<hbm>> -> memref<512x32xbf16, #tpu.memory_space<hbm>>
        tpu.wait_dma2 semaphore(%arg31 : memref<!tpu.dma_semaphore, #tpu.memory_space<semaphore_mem>>) src(%dma_wait3A_457 : memref<512x32xbf16, #tpu.memory_space<hbm>>) dst(%arg27 : memref<512x32xbf16, #tpu.memory_space<vmem>>)
        %scan3A_458 = arith.constant 0 : i32
        %scan3A_459 = arith.constant 0 : i32
        %scan3A_460 = arith.constant 4 : i32
        %scan3A_461 = arith.addi %scan3A_459, %scan3A_460 : i32
        %scan3A_462 = arith.constant 1 : i32
        %scan3A_463 = scf.for %scan3A_470 = %scan3A_459 to %scan3A_461 step %scan3A_462 iter_args(%scan3A_471 = %scan3A_458) -> (i32)  : i32 {
          %mul3A_472 = arith.constant 4 : i32
          %mul3A_473 = arith.muli %add3A_433, %mul3A_472 : i32
          %add3A_474 = arith.addi %mul3A_473, %scan3A_470 : i32
          %scan3A_475 = arith.constant 0 : i32
          %scan3A_476 = arith.constant 0 : i32
          %scan3A_477 = arith.constant 8 : i32
          %scan3A_478 = arith.addi %scan3A_476, %scan3A_477 : i32
          %scan3A_479 = arith.constant 1 : i32
          %scan3A_480 = scf.for %scan3A_483 = %scan3A_476 to %scan3A_478 step %scan3A_479 iter_args(%scan3A_484 = %scan3A_475) -> (i32)  : i32 {
            %broadcast_in_dim3A = arith.constant 0.000000e+00 : f32
            %broadcast_in_dim3A_485 = vector.broadcast %broadcast_in_dim3A : f32 to vector<16xf32>
            %broadcast_in_dim3A_486 = arith.constant 0.000000e+00 : f32
            %broadcast_in_dim3A_487 = vector.broadcast %broadcast_in_dim3A_486 : f32 to vector<16xf32>
            %broadcast_in_dim3A_488 = arith.constant 0.000000e+00 : f32
            %broadcast_in_dim3A_489 = vector.broadcast %broadcast_in_dim3A_488 : f32 to vector<16xf32>
            %broadcast_in_dim3A_490 = arith.constant 0.000000e+00 : f32
            %broadcast_in_dim3A_491 = vector.broadcast %broadcast_in_dim3A_490 : f32 to vector<16xf32>
            %broadcast_in_dim3A_492 = arith.constant 0.000000e+00 : f32
            %broadcast_in_dim3A_493 = vector.broadcast %broadcast_in_dim3A_492 : f32 to vector<16xf32>
            %broadcast_in_dim3A_494 = arith.constant 0.000000e+00 : f32
            %broadcast_in_dim3A_495 = vector.broadcast %broadcast_in_dim3A_494 : f32 to vector<16xf32>
            %broadcast_in_dim3A_496 = arith.constant 0.000000e+00 : f32
            %broadcast_in_dim3A_497 = vector.broadcast %broadcast_in_dim3A_496 : f32 to vector<16xf32>
            %broadcast_in_dim3A_498 = arith.constant 0.000000e+00 : f32
            %broadcast_in_dim3A_499 = vector.broadcast %broadcast_in_dim3A_498 : f32 to vector<16xf32>
            %mul3A_500 = arith.constant 128 : i32
            %mul3A_501 = arith.muli %scan3A_470, %mul3A_500 : i32
            %mul3A_502 = arith.constant 16 : i32
            %mul3A_503 = arith.muli %scan3A_483, %mul3A_502 : i32
            %add3A_504 = arith.addi %mul3A_501, %mul3A_503 : i32
            %mul3A_505 = arith.constant 128 : i32
            %mul3A_506 = arith.muli %add3A_474, %mul3A_505 : i32
            %mul3A_507 = arith.constant 16 : i32
            %mul3A_508 = arith.muli %scan3A_483, %mul3A_507 : i32
            %add3A_509 = arith.addi %mul3A_506, %mul3A_508 : i32
            %broadcast_in_dim3A_510 = vector.broadcast %add3A_509 : i32 to vector<16xi32>
            %add3A_511 = arith.constant 0 : i32
            %add3A_512 = vector.broadcast %add3A_511 : i32 to vector<16xi32>
            %add3A_513 = arith.addi %broadcast_in_dim3A_510, %add3A_512 : vector<16xi32>
            %gather3A = tpu.vector_load_idx %arg16[%add3A_513] : memref<4096xf32, #tpu.memory_space<vmem>>[vector<16xi32>], vector<16xf32>,
            %add3A_514 = arith.constant 0 : i32
            %add3A_515 = arith.addi %add3A_504, %add3A_514 : i32
            %get3A = arith.index_cast %add3A_515 : i32 to index
            %get3A_516 = arith.constant 0 : index
            %get3A_517 = tpu.vector_load %arg24[%get3A, %get3A_516] {strides = array<i32>} : memref<512x32xbf16, #tpu.memory_space<vmem>>, vector<32xbf16>,
            %bitcast3A = vector.bitcast %get3A_517 : vector<32xbf16> to vector<16xi32>
            %shift_left3A = arith.constant 16 : i32
            %shift_left3A_518 = vector.broadcast %shift_left3A : i32 to vector<16xi32>
            %shift_left3A_519 = arith.shli %bitcast3A, %shift_left3A_518 : vector<16xi32>
            %bitcast3A_520 = vector.bitcast %shift_left3A_519 : vector<16xi32> to vector<16xf32>
            %and3A = arith.constant -65536 : i32
            %and3A_521 = vector.broadcast %and3A : i32 to vector<16xi32>
            %and3A_522 = arith.andi %bitcast3A, %and3A_521 : vector<16xi32>
            %bitcast3A_523 = vector.bitcast %and3A_522 : vector<16xi32> to vector<16xf32>
            %mul3A_524 = arith.mulf %gather3A, %bitcast3A_520 : vector<16xf32>
            %add3A_525 = arith.addf %broadcast_in_dim3A_485, %mul3A_524 : vector<16xf32>
            %mul3A_526 = arith.mulf %gather3A, %bitcast3A_523 : vector<16xf32>
            %add3A_527 = arith.addf %broadcast_in_dim3A_493, %mul3A_526 : vector<16xf32>
            %add3A_528 = arith.constant 1 : i32
            %add3A_529 = vector.broadcast %add3A_528 : i32 to vector<16xi32>
            %add3A_530 = arith.addi %broadcast_in_dim3A_510, %add3A_529 : vector<16xi32>
            %gather3A_531 = tpu.vector_load_idx %arg16[%add3A_530] : memref<4096xf32, #tpu.memory_space<vmem>>[vector<16xi32>], vector<16xf32>,
            %add3A_532 = arith.constant 1 : i32
            %add3A_533 = arith.addi %add3A_504, %add3A_532 : i32
            %get3A_534 = arith.index_cast %add3A_533 : i32 to index
            %get3A_535 = arith.constant 0 : index
            %get3A_536 = tpu.vector_load %arg24[%get3A_534, %get3A_535] {strides = array<i32>} : memref<512x32xbf16, #tpu.memory_space<vmem>>, vector<32xbf16>,
            %bitcast3A_537 = vector.bitcast %get3A_536 : vector<32xbf16> to vector<16xi32>
            %shift_left3A_538 = arith.constant 16 : i32
            %shift_left3A_539 = vector.broadcast %shift_left3A_538 : i32 to vector<16xi32>
            %shift_left3A_540 = arith.shli %bitcast3A_537, %shift_left3A_539 : vector<16xi32>
            %bitcast3A_541 = vector.bitcast %shift_left3A_540 : vector<16xi32> to vector<16xf32>
            %and3A_542 = arith.constant -65536 : i32
            %and3A_543 = vector.broadcast %and3A_542 : i32 to vector<16xi32>
            %and3A_544 = arith.andi %bitcast3A_537, %and3A_543 : vector<16xi32>
            %bitcast3A_545 = vector.bitcast %and3A_544 : vector<16xi32> to vector<16xf32>
            %mul3A_546 = arith.mulf %gather3A_531, %bitcast3A_541 : vector<16xf32>
            %add3A_547 = arith.addf %add3A_525, %mul3A_546 : vector<16xf32>
            %mul3A_548 = arith.mulf %gather3A_531, %bitcast3A_545 : vector<16xf32>
            %add3A_549 = arith.addf %add3A_527, %mul3A_548 : vector<16xf32>
            %add3A_550 = arith.constant 2 : i32
            %add3A_551 = vector.broadcast %add3A_550 : i32 to vector<16xi32>
            %add3A_552 = arith.addi %broadcast_in_dim3A_510, %add3A_551 : vector<16xi32>
            %gather3A_553 = tpu.vector_load_idx %arg16[%add3A_552] : memref<4096xf32, #tpu.memory_space<vmem>>[vector<16xi32>], vector<16xf32>,
            %add3A_554 = arith.constant 2 : i32
            %add3A_555 = arith.addi %add3A_504, %add3A_554 : i32
            %get3A_556 = arith.index_cast %add3A_555 : i32 to index
            %get3A_557 = arith.constant 0 : index
            %get3A_558 = tpu.vector_load %arg24[%get3A_556, %get3A_557] {strides = array<i32>} : memref<512x32xbf16, #tpu.memory_space<vmem>>, vector<32xbf16>,
            %bitcast3A_559 = vector.bitcast %get3A_558 : vector<32xbf16> to vector<16xi32>
            %shift_left3A_560 = arith.constant 16 : i32
            %shift_left3A_561 = vector.broadcast %shift_left3A_560 : i32 to vector<16xi32>
            %shift_left3A_562 = arith.shli %bitcast3A_559, %shift_left3A_561 : vector<16xi32>
            %bitcast3A_563 = vector.bitcast %shift_left3A_562 : vector<16xi32> to vector<16xf32>
            %and3A_564 = arith.constant -65536 : i32
            %and3A_565 = vector.broadcast %and3A_564 : i32 to vector<16xi32>
            %and3A_566 = arith.andi %bitcast3A_559, %and3A_565 : vector<16xi32>
            %bitcast3A_567 = vector.bitcast %and3A_566 : vector<16xi32> to vector<16xf32>
            %mul3A_568 = arith.mulf %gather3A_553, %bitcast3A_563 : vector<16xf32>
            %add3A_569 = arith.addf %add3A_547, %mul3A_568 : vector<16xf32>
            %mul3A_570 = arith.mulf %gather3A_553, %bitcast3A_567 : vector<16xf32>
            %add3A_571 = arith.addf %add3A_549, %mul3A_570 : vector<16xf32>
            %add3A_572 = arith.constant 3 : i32
            %add3A_573 = vector.broadcast %add3A_572 : i32 to vector<16xi32>
            %add3A_574 = arith.addi %broadcast_in_dim3A_510, %add3A_573 : vector<16xi32>
            %gather3A_575 = tpu.vector_load_idx %arg16[%add3A_574] : memref<4096xf32, #tpu.memory_space<vmem>>[vector<16xi32>], vector<16xf32>,
            %add3A_576 = arith.constant 3 : i32
            %add3A_577 = arith.addi %add3A_504, %add3A_576 : i32
            %get3A_578 = arith.index_cast %add3A_577 : i32 to index
            %get3A_579 = arith.constant 0 : index
            %get3A_580 = tpu.vector_load %arg24[%get3A_578, %get3A_579] {strides = array<i32>} : memref<512x32xbf16, #tpu.memory_space<vmem>>, vector<32xbf16>,
            %bitcast3A_581 = vector.bitcast %get3A_580 : vector<32xbf16> to vector<16xi32>
            %shift_left3A_582 = arith.constant 16 : i32
            %shift_left3A_583 = vector.broadcast %shift_left3A_582 : i32 to vector<16xi32>
            %shift_left3A_584 = arith.shli %bitcast3A_581, %shift_left3A_583 : vector<16xi32>
            %bitcast3A_585 = vector.bitcast %shift_left3A_584 : vector<16xi32> to vector<16xf32>
            %and3A_586 = arith.constant -65536 : i32
            %and3A_587 = vector.broadcast %and3A_586 : i32 to vector<16xi32>
            %and3A_588 = arith.andi %bitcast3A_581, %and3A_587 : vector<16xi32>
            %bitcast3A_589 = vector.bitcast %and3A_588 : vector<16xi32> to vector<16xf32>
            %mul3A_590 = arith.mulf %gather3A_575, %bitcast3A_585 : vector<16xf32>
            %add3A_591 = arith.addf %add3A_569, %mul3A_590 : vector<16xf32>
            %mul3A_592 = arith.mulf %gather3A_575, %bitcast3A_589 : vector<16xf32>
            %add3A_593 = arith.addf %add3A_571, %mul3A_592 : vector<16xf32>
            %add3A_594 = arith.constant 4 : i32
            %add3A_595 = vector.broadcast %add3A_594 : i32 to vector<16xi32>
            %add3A_596 = arith.addi %broadcast_in_dim3A_510, %add3A_595 : vector<16xi32>
            %gather3A_597 = tpu.vector_load_idx %arg16[%add3A_596] : memref<4096xf32, #tpu.memory_space<vmem>>[vector<16xi32>], vector<16xf32>,
            %add3A_598 = arith.constant 4 : i32
            %add3A_599 = arith.addi %add3A_504, %add3A_598 : i32
            %get3A_600 = arith.index_cast %add3A_599 : i32 to index
            %get3A_601 = arith.constant 0 : index
            %get3A_602 = tpu.vector_load %arg24[%get3A_600, %get3A_601] {strides = array<i32>} : memref<512x32xbf16, #tpu.memory_space<vmem>>, vector<32xbf16>,
            %bitcast3A_603 = vector.bitcast %get3A_602 : vector<32xbf16> to vector<16xi32>
            %shift_left3A_604 = arith.constant 16 : i32
            %shift_left3A_605 = vector.broadcast %shift_left3A_604 : i32 to vector<16xi32>
            %shift_left3A_606 = arith.shli %bitcast3A_603, %shift_left3A_605 : vector<16xi32>
            %bitcast3A_607 = vector.bitcast %shift_left3A_606 : vector<16xi32> to vector<16xf32>
            %and3A_608 = arith.constant -65536 : i32
            %and3A_609 = vector.broadcast %and3A_608 : i32 to vector<16xi32>
            %and3A_610 = arith.andi %bitcast3A_603, %and3A_609 : vector<16xi32>
            %bitcast3A_611 = vector.bitcast %and3A_610 : vector<16xi32> to vector<16xf32>
            %mul3A_612 = arith.mulf %gather3A_597, %bitcast3A_607 : vector<16xf32>
            %add3A_613 = arith.addf %add3A_591, %mul3A_612 : vector<16xf32>
            %mul3A_614 = arith.mulf %gather3A_597, %bitcast3A_611 : vector<16xf32>
            %add3A_615 = arith.addf %add3A_593, %mul3A_614 : vector<16xf32>
            %add3A_616 = arith.constant 5 : i32
            %add3A_617 = vector.broadcast %add3A_616 : i32 to vector<16xi32>
            %add3A_618 = arith.addi %broadcast_in_dim3A_510, %add3A_617 : vector<16xi32>
            %gather3A_619 = tpu.vector_load_idx %arg16[%add3A_618] : memref<4096xf32, #tpu.memory_space<vmem>>[vector<16xi32>], vector<16xf32>,
            %add3A_620 = arith.constant 5 : i32
            %add3A_621 = arith.addi %add3A_504, %add3A_620 : i32
            %get3A_622 = arith.index_cast %add3A_621 : i32 to index
            %get3A_623 = arith.constant 0 : index
            %get3A_624 = tpu.vector_load %arg24[%get3A_622, %get3A_623] {strides = array<i32>} : memref<512x32xbf16, #tpu.memory_space<vmem>>, vector<32xbf16>,
            %bitcast3A_625 = vector.bitcast %get3A_624 : vector<32xbf16> to vector<16xi32>
            %shift_left3A_626 = arith.constant 16 : i32
            %shift_left3A_627 = vector.broadcast %shift_left3A_626 : i32 to vector<16xi32>
            %shift_left3A_628 = arith.shli %bitcast3A_625, %shift_left3A_627 : vector<16xi32>
            %bitcast3A_629 = vector.bitcast %shift_left3A_628 : vector<16xi32> to vector<16xf32>
            %and3A_630 = arith.constant -65536 : i32
            %and3A_631 = vector.broadcast %and3A_630 : i32 to vector<16xi32>
            %and3A_632 = arith.andi %bitcast3A_625, %and3A_631 : vector<16xi32>
            %bitcast3A_633 = vector.bitcast %and3A_632 : vector<16xi32> to vector<16xf32>
            %mul3A_634 = arith.mulf %gather3A_619, %bitcast3A_629 : vector<16xf32>
            %add3A_635 = arith.addf %add3A_613, %mul3A_634 : vector<16xf32>
            %mul3A_636 = arith.mulf %gather3A_619, %bitcast3A_633 : vector<16xf32>
            %add3A_637 = arith.addf %add3A_615, %mul3A_636 : vector<16xf32>
            %add3A_638 = arith.constant 6 : i32
            %add3A_639 = vector.broadcast %add3A_638 : i32 to vector<16xi32>
            %add3A_640 = arith.addi %broadcast_in_dim3A_510, %add3A_639 : vector<16xi32>
            %gather3A_641 = tpu.vector_load_idx %arg16[%add3A_640] : memref<4096xf32, #tpu.memory_space<vmem>>[vector<16xi32>], vector<16xf32>,
            %add3A_642 = arith.constant 6 : i32
            %add3A_643 = arith.addi %add3A_504, %add3A_642 : i32
            %get3A_644 = arith.index_cast %add3A_643 : i32 to index
            %get3A_645 = arith.constant 0 : index
            %get3A_646 = tpu.vector_load %arg24[%get3A_644, %get3A_645] {strides = array<i32>} : memref<512x32xbf16, #tpu.memory_space<vmem>>, vector<32xbf16>,
            %bitcast3A_647 = vector.bitcast %get3A_646 : vector<32xbf16> to vector<16xi32>
            %shift_left3A_648 = arith.constant 16 : i32
            %shift_left3A_649 = vector.broadcast %shift_left3A_648 : i32 to vector<16xi32>
            %shift_left3A_650 = arith.shli %bitcast3A_647, %shift_left3A_649 : vector<16xi32>
            %bitcast3A_651 = vector.bitcast %shift_left3A_650 : vector<16xi32> to vector<16xf32>
            %and3A_652 = arith.constant -65536 : i32
            %and3A_653 = vector.broadcast %and3A_652 : i32 to vector<16xi32>
            %and3A_654 = arith.andi %bitcast3A_647, %and3A_653 : vector<16xi32>
            %bitcast3A_655 = vector.bitcast %and3A_654 : vector<16xi32> to vector<16xf32>
            %mul3A_656 = arith.mulf %gather3A_641, %bitcast3A_651 : vector<16xf32>
            %add3A_657 = arith.addf %add3A_635, %mul3A_656 : vector<16xf32>
            %mul3A_658 = arith.mulf %gather3A_641, %bitcast3A_655 : vector<16xf32>
            %add3A_659 = arith.addf %add3A_637, %mul3A_658 : vector<16xf32>
            %add3A_660 = arith.constant 7 : i32
            %add3A_661 = vector.broadcast %add3A_660 : i32 to vector<16xi32>
            %add3A_662 = arith.addi %broadcast_in_dim3A_510, %add3A_661 : vector<16xi32>
            %gather3A_663 = tpu.vector_load_idx %arg16[%add3A_662] : memref<4096xf32, #tpu.memory_space<vmem>>[vector<16xi32>], vector<16xf32>,
            %add3A_664 = arith.constant 7 : i32
            %add3A_665 = arith.addi %add3A_504, %add3A_664 : i32
            %get3A_666 = arith.index_cast %add3A_665 : i32 to index
            %get3A_667 = arith.constant 0 : index
            %get3A_668 = tpu.vector_load %arg24[%get3A_666, %get3A_667] {strides = array<i32>} : memref<512x32xbf16, #tpu.memory_space<vmem>>, vector<32xbf16>,
            %bitcast3A_669 = vector.bitcast %get3A_668 : vector<32xbf16> to vector<16xi32>
            %shift_left3A_670 = arith.constant 16 : i32
            %shift_left3A_671 = vector.broadcast %shift_left3A_670 : i32 to vector<16xi32>
            %shift_left3A_672 = arith.shli %bitcast3A_669, %shift_left3A_671 : vector<16xi32>
            %bitcast3A_673 = vector.bitcast %shift_left3A_672 : vector<16xi32> to vector<16xf32>
            %and3A_674 = arith.constant -65536 : i32
            %and3A_675 = vector.broadcast %and3A_674 : i32 to vector<16xi32>
            %and3A_676 = arith.andi %bitcast3A_669, %and3A_675 : vector<16xi32>
            %bitcast3A_677 = vector.bitcast %and3A_676 : vector<16xi32> to vector<16xf32>
            %mul3A_678 = arith.mulf %gather3A_663, %bitcast3A_673 : vector<16xf32>
            %add3A_679 = arith.addf %add3A_657, %mul3A_678 : vector<16xf32>
            %mul3A_680 = arith.mulf %gather3A_663, %bitcast3A_677 : vector<16xf32>
            %add3A_681 = arith.addf %add3A_659, %mul3A_680 : vector<16xf32>
            %add3A_682 = arith.constant 8 : i32
            %add3A_683 = vector.broadcast %add3A_682 : i32 to vector<16xi32>
            %add3A_684 = arith.addi %broadcast_in_dim3A_510, %add3A_683 : vector<16xi32>
            %gather3A_685 = tpu.vector_load_idx %arg16[%add3A_684] : memref<4096xf32, #tpu.memory_space<vmem>>[vector<16xi32>], vector<16xf32>,
            %add3A_686 = arith.constant 8 : i32
            %add3A_687 = arith.addi %add3A_504, %add3A_686 : i32
            %get3A_688 = arith.index_cast %add3A_687 : i32 to index
            %get3A_689 = arith.constant 0 : index
            %get3A_690 = tpu.vector_load %arg24[%get3A_688, %get3A_689] {strides = array<i32>} : memref<512x32xbf16, #tpu.memory_space<vmem>>, vector<32xbf16>,
            %bitcast3A_691 = vector.bitcast %get3A_690 : vector<32xbf16> to vector<16xi32>
            %shift_left3A_692 = arith.constant 16 : i32
            %shift_left3A_693 = vector.broadcast %shift_left3A_692 : i32 to vector<16xi32>
            %shift_left3A_694 = arith.shli %bitcast3A_691, %shift_left3A_693 : vector<16xi32>
            %bitcast3A_695 = vector.bitcast %shift_left3A_694 : vector<16xi32> to vector<16xf32>
            %and3A_696 = arith.constant -65536 : i32
            %and3A_697 = vector.broadcast %and3A_696 : i32 to vector<16xi32>
            %and3A_698 = arith.andi %bitcast3A_691, %and3A_697 : vector<16xi32>
            %bitcast3A_699 = vector.bitcast %and3A_698 : vector<16xi32> to vector<16xf32>
            %mul3A_700 = arith.mulf %gather3A_685, %bitcast3A_695 : vector<16xf32>
            %add3A_701 = arith.addf %add3A_679, %mul3A_700 : vector<16xf32>
            %mul3A_702 = arith.mulf %gather3A_685, %bitcast3A_699 : vector<16xf32>
            %add3A_703 = arith.addf %add3A_681, %mul3A_702 : vector<16xf32>
            %add3A_704 = arith.constant 9 : i32
            %add3A_705 = vector.broadcast %add3A_704 : i32 to vector<16xi32>
            %add3A_706 = arith.addi %broadcast_in_dim3A_510, %add3A_705 : vector<16xi32>
            %gather3A_707 = tpu.vector_load_idx %arg16[%add3A_706] : memref<4096xf32, #tpu.memory_space<vmem>>[vector<16xi32>], vector<16xf32>,
            %add3A_708 = arith.constant 9 : i32
            %add3A_709 = arith.addi %add3A_504, %add3A_708 : i32
            %get3A_710 = arith.index_cast %add3A_709 : i32 to index
            %get3A_711 = arith.constant 0 : index
            %get3A_712 = tpu.vector_load %arg24[%get3A_710, %get3A_711] {strides = array<i32>} : memref<512x32xbf16, #tpu.memory_space<vmem>>, vector<32xbf16>,
            %bitcast3A_713 = vector.bitcast %get3A_712 : vector<32xbf16> to vector<16xi32>
            %shift_left3A_714 = arith.constant 16 : i32
            %shift_left3A_715 = vector.broadcast %shift_left3A_714 : i32 to vector<16xi32>
            %shift_left3A_716 = arith.shli %bitcast3A_713, %shift_left3A_715 : vector<16xi32>
            %bitcast3A_717 = vector.bitcast %shift_left3A_716 : vector<16xi32> to vector<16xf32>
            %and3A_718 = arith.constant -65536 : i32
            %and3A_719 = vector.broadcast %and3A_718 : i32 to vector<16xi32>
            %and3A_720 = arith.andi %bitcast3A_713, %and3A_719 : vector<16xi32>
            %bitcast3A_721 = vector.bitcast %and3A_720 : vector<16xi32> to vector<16xf32>
            %mul3A_722 = arith.mulf %gather3A_707, %bitcast3A_717 : vector<16xf32>
            %add3A_723 = arith.addf %add3A_701, %mul3A_722 : vector<16xf32>
            %mul3A_724 = arith.mulf %gather3A_707, %bitcast3A_721 : vector<16xf32>
            %add3A_725 = arith.addf %add3A_703, %mul3A_724 : vector<16xf32>
            %add3A_726 = arith.constant 10 : i32
            %add3A_727 = vector.broadcast %add3A_726 : i32 to vector<16xi32>
            %add3A_728 = arith.addi %broadcast_in_dim3A_510, %add3A_727 : vector<16xi32>
            %gather3A_729 = tpu.vector_load_idx %arg16[%add3A_728] : memref<4096xf32, #tpu.memory_space<vmem>>[vector<16xi32>], vector<16xf32>,
            %add3A_730 = arith.constant 10 : i32
            %add3A_731 = arith.addi %add3A_504, %add3A_730 : i32
            %get3A_732 = arith.index_cast %add3A_731 : i32 to index
            %get3A_733 = arith.constant 0 : index
            %get3A_734 = tpu.vector_load %arg24[%get3A_732, %get3A_733] {strides = array<i32>} : memref<512x32xbf16, #tpu.memory_space<vmem>>, vector<32xbf16>,
            %bitcast3A_735 = vector.bitcast %get3A_734 : vector<32xbf16> to vector<16xi32>
            %shift_left3A_736 = arith.constant 16 : i32
            %shift_left3A_737 = vector.broadcast %shift_left3A_736 : i32 to vector<16xi32>
            %shift_left3A_738 = arith.shli %bitcast3A_735, %shift_left3A_737 : vector<16xi32>
            %bitcast3A_739 = vector.bitcast %shift_left3A_738 : vector<16xi32> to vector<16xf32>
            %and3A_740 = arith.constant -65536 : i32
            %and3A_741 = vector.broadcast %and3A_740 : i32 to vector<16xi32>
            %and3A_742 = arith.andi %bitcast3A_735, %and3A_741 : vector<16xi32>
            %bitcast3A_743 = vector.bitcast %and3A_742 : vector<16xi32> to vector<16xf32>
            %mul3A_744 = arith.mulf %gather3A_729, %bitcast3A_739 : vector<16xf32>
            %add3A_745 = arith.addf %add3A_723, %mul3A_744 : vector<16xf32>
            %mul3A_746 = arith.mulf %gather3A_729, %bitcast3A_743 : vector<16xf32>
            %add3A_747 = arith.addf %add3A_725, %mul3A_746 : vector<16xf32>
            %add3A_748 = arith.constant 11 : i32
            %add3A_749 = vector.broadcast %add3A_748 : i32 to vector<16xi32>
            %add3A_750 = arith.addi %broadcast_in_dim3A_510, %add3A_749 : vector<16xi32>
            %gather3A_751 = tpu.vector_load_idx %arg16[%add3A_750] : memref<4096xf32, #tpu.memory_space<vmem>>[vector<16xi32>], vector<16xf32>,
            %add3A_752 = arith.constant 11 : i32
            %add3A_753 = arith.addi %add3A_504, %add3A_752 : i32
            %get3A_754 = arith.index_cast %add3A_753 : i32 to index
            %get3A_755 = arith.constant 0 : index
            %get3A_756 = tpu.vector_load %arg24[%get3A_754, %get3A_755] {strides = array<i32>} : memref<512x32xbf16, #tpu.memory_space<vmem>>, vector<32xbf16>,
            %bitcast3A_757 = vector.bitcast %get3A_756 : vector<32xbf16> to vector<16xi32>
            %shift_left3A_758 = arith.constant 16 : i32
            %shift_left3A_759 = vector.broadcast %shift_left3A_758 : i32 to vector<16xi32>
            %shift_left3A_760 = arith.shli %bitcast3A_757, %shift_left3A_759 : vector<16xi32>
            %bitcast3A_761 = vector.bitcast %shift_left3A_760 : vector<16xi32> to vector<16xf32>
            %and3A_762 = arith.constant -65536 : i32
            %and3A_763 = vector.broadcast %and3A_762 : i32 to vector<16xi32>
            %and3A_764 = arith.andi %bitcast3A_757, %and3A_763 : vector<16xi32>
            %bitcast3A_765 = vector.bitcast %and3A_764 : vector<16xi32> to vector<16xf32>
            %mul3A_766 = arith.mulf %gather3A_751, %bitcast3A_761 : vector<16xf32>
            %add3A_767 = arith.addf %add3A_745, %mul3A_766 : vector<16xf32>
            %mul3A_768 = arith.mulf %gather3A_751, %bitcast3A_765 : vector<16xf32>
            %add3A_769 = arith.addf %add3A_747, %mul3A_768 : vector<16xf32>
            %add3A_770 = arith.constant 12 : i32
            %add3A_771 = vector.broadcast %add3A_770 : i32 to vector<16xi32>
            %add3A_772 = arith.addi %broadcast_in_dim3A_510, %add3A_771 : vector<16xi32>
            %gather3A_773 = tpu.vector_load_idx %arg16[%add3A_772] : memref<4096xf32, #tpu.memory_space<vmem>>[vector<16xi32>], vector<16xf32>,
            %add3A_774 = arith.constant 12 : i32
            %add3A_775 = arith.addi %add3A_504, %add3A_774 : i32
            %get3A_776 = arith.index_cast %add3A_775 : i32 to index
            %get3A_777 = arith.constant 0 : index
            %get3A_778 = tpu.vector_load %arg24[%get3A_776, %get3A_777] {strides = array<i32>} : memref<512x32xbf16, #tpu.memory_space<vmem>>, vector<32xbf16>,
            %bitcast3A_779 = vector.bitcast %get3A_778 : vector<32xbf16> to vector<16xi32>
            %shift_left3A_780 = arith.constant 16 : i32
            %shift_left3A_781 = vector.broadcast %shift_left3A_780 : i32 to vector<16xi32>
            %shift_left3A_782 = arith.shli %bitcast3A_779, %shift_left3A_781 : vector<16xi32>
            %bitcast3A_783 = vector.bitcast %shift_left3A_782 : vector<16xi32> to vector<16xf32>
            %and3A_784 = arith.constant -65536 : i32
            %and3A_785 = vector.broadcast %and3A_784 : i32 to vector<16xi32>
            %and3A_786 = arith.andi %bitcast3A_779, %and3A_785 : vector<16xi32>
            %bitcast3A_787 = vector.bitcast %and3A_786 : vector<16xi32> to vector<16xf32>
            %mul3A_788 = arith.mulf %gather3A_773, %bitcast3A_783 : vector<16xf32>
            %add3A_789 = arith.addf %add3A_767, %mul3A_788 : vector<16xf32>
            %mul3A_790 = arith.mulf %gather3A_773, %bitcast3A_787 : vector<16xf32>
            %add3A_791 = arith.addf %add3A_769, %mul3A_790 : vector<16xf32>
            %add3A_792 = arith.constant 13 : i32
            %add3A_793 = vector.broadcast %add3A_792 : i32 to vector<16xi32>
            %add3A_794 = arith.addi %broadcast_in_dim3A_510, %add3A_793 : vector<16xi32>
            %gather3A_795 = tpu.vector_load_idx %arg16[%add3A_794] : memref<4096xf32, #tpu.memory_space<vmem>>[vector<16xi32>], vector<16xf32>,
            %add3A_796 = arith.constant 13 : i32
            %add3A_797 = arith.addi %add3A_504, %add3A_796 : i32
            %get3A_798 = arith.index_cast %add3A_797 : i32 to index
            %get3A_799 = arith.constant 0 : index
            %get3A_800 = tpu.vector_load %arg24[%get3A_798, %get3A_799] {strides = array<i32>} : memref<512x32xbf16, #tpu.memory_space<vmem>>, vector<32xbf16>,
            %bitcast3A_801 = vector.bitcast %get3A_800 : vector<32xbf16> to vector<16xi32>
            %shift_left3A_802 = arith.constant 16 : i32
            %shift_left3A_803 = vector.broadcast %shift_left3A_802 : i32 to vector<16xi32>
            %shift_left3A_804 = arith.shli %bitcast3A_801, %shift_left3A_803 : vector<16xi32>
            %bitcast3A_805 = vector.bitcast %shift_left3A_804 : vector<16xi32> to vector<16xf32>
            %and3A_806 = arith.constant -65536 : i32
            %and3A_807 = vector.broadcast %and3A_806 : i32 to vector<16xi32>
            %and3A_808 = arith.andi %bitcast3A_801, %and3A_807 : vector<16xi32>
            %bitcast3A_809 = vector.bitcast %and3A_808 : vector<16xi32> to vector<16xf32>
            %mul3A_810 = arith.mulf %gather3A_795, %bitcast3A_805 : vector<16xf32>
            %add3A_811 = arith.addf %add3A_789, %mul3A_810 : vector<16xf32>
            %mul3A_812 = arith.mulf %gather3A_795, %bitcast3A_809 : vector<16xf32>
            %add3A_813 = arith.addf %add3A_791, %mul3A_812 : vector<16xf32>
            %add3A_814 = arith.constant 14 : i32
            %add3A_815 = vector.broadcast %add3A_814 : i32 to vector<16xi32>
            %add3A_816 = arith.addi %broadcast_in_dim3A_510, %add3A_815 : vector<16xi32>
            %gather3A_817 = tpu.vector_load_idx %arg16[%add3A_816] : memref<4096xf32, #tpu.memory_space<vmem>>[vector<16xi32>], vector<16xf32>,
            %add3A_818 = arith.constant 14 : i32
            %add3A_819 = arith.addi %add3A_504, %add3A_818 : i32
            %get3A_820 = arith.index_cast %add3A_819 : i32 to index
            %get3A_821 = arith.constant 0 : index
            %get3A_822 = tpu.vector_load %arg24[%get3A_820, %get3A_821] {strides = array<i32>} : memref<512x32xbf16, #tpu.memory_space<vmem>>, vector<32xbf16>,
            %bitcast3A_823 = vector.bitcast %get3A_822 : vector<32xbf16> to vector<16xi32>
            %shift_left3A_824 = arith.constant 16 : i32
            %shift_left3A_825 = vector.broadcast %shift_left3A_824 : i32 to vector<16xi32>
            %shift_left3A_826 = arith.shli %bitcast3A_823, %shift_left3A_825 : vector<16xi32>
            %bitcast3A_827 = vector.bitcast %shift_left3A_826 : vector<16xi32> to vector<16xf32>
            %and3A_828 = arith.constant -65536 : i32
            %and3A_829 = vector.broadcast %and3A_828 : i32 to vector<16xi32>
            %and3A_830 = arith.andi %bitcast3A_823, %and3A_829 : vector<16xi32>
            %bitcast3A_831 = vector.bitcast %and3A_830 : vector<16xi32> to vector<16xf32>
            %mul3A_832 = arith.mulf %gather3A_817, %bitcast3A_827 : vector<16xf32>
            %add3A_833 = arith.addf %add3A_811, %mul3A_832 : vector<16xf32>
            %mul3A_834 = arith.mulf %gather3A_817, %bitcast3A_831 : vector<16xf32>
            %add3A_835 = arith.addf %add3A_813, %mul3A_834 : vector<16xf32>
            %add3A_836 = arith.constant 15 : i32
            %add3A_837 = vector.broadcast %add3A_836 : i32 to vector<16xi32>
            %add3A_838 = arith.addi %broadcast_in_dim3A_510, %add3A_837 : vector<16xi32>
            %gather3A_839 = tpu.vector_load_idx %arg16[%add3A_838] : memref<4096xf32, #tpu.memory_space<vmem>>[vector<16xi32>], vector<16xf32>,
            %add3A_840 = arith.constant 15 : i32
            %add3A_841 = arith.addi %add3A_504, %add3A_840 : i32
            %get3A_842 = arith.index_cast %add3A_841 : i32 to index
            %get3A_843 = arith.constant 0 : index
            %get3A_844 = tpu.vector_load %arg24[%get3A_842, %get3A_843] {strides = array<i32>} : memref<512x32xbf16, #tpu.memory_space<vmem>>, vector<32xbf16>,
            %bitcast3A_845 = vector.bitcast %get3A_844 : vector<32xbf16> to vector<16xi32>
            %shift_left3A_846 = arith.constant 16 : i32
            %shift_left3A_847 = vector.broadcast %shift_left3A_846 : i32 to vector<16xi32>
            %shift_left3A_848 = arith.shli %bitcast3A_845, %shift_left3A_847 : vector<16xi32>
            %bitcast3A_849 = vector.bitcast %shift_left3A_848 : vector<16xi32> to vector<16xf32>
            %and3A_850 = arith.constant -65536 : i32
            %and3A_851 = vector.broadcast %and3A_850 : i32 to vector<16xi32>
            %and3A_852 = arith.andi %bitcast3A_845, %and3A_851 : vector<16xi32>
            %bitcast3A_853 = vector.bitcast %and3A_852 : vector<16xi32> to vector<16xf32>
            %mul3A_854 = arith.mulf %gather3A_839, %bitcast3A_849 : vector<16xf32>
            %add3A_855 = arith.addf %add3A_833, %mul3A_854 : vector<16xf32>
            %mul3A_856 = arith.mulf %gather3A_839, %bitcast3A_853 : vector<16xf32>
            %add3A_857 = arith.addf %add3A_835, %mul3A_856 : vector<16xf32>
            %add3A_858 = arith.constant 0 : i32
            %add3A_859 = vector.broadcast %add3A_858 : i32 to vector<16xi32>
            %add3A_860 = arith.addi %broadcast_in_dim3A_510, %add3A_859 : vector<16xi32>
            %gather3A_861 = tpu.vector_load_idx %arg17[%add3A_860] : memref<4096xf32, #tpu.memory_space<vmem>>[vector<16xi32>], vector<16xf32>,
            %add3A_862 = arith.constant 0 : i32
            %add3A_863 = arith.addi %add3A_504, %add3A_862 : i32
            %get3A_864 = arith.index_cast %add3A_863 : i32 to index
            %get3A_865 = arith.constant 0 : index
            %get3A_866 = tpu.vector_load %arg25[%get3A_864, %get3A_865] {strides = array<i32>} : memref<512x32xbf16, #tpu.memory_space<vmem>>, vector<32xbf16>,
            %bitcast3A_867 = vector.bitcast %get3A_866 : vector<32xbf16> to vector<16xi32>
            %shift_left3A_868 = arith.constant 16 : i32
            %shift_left3A_869 = vector.broadcast %shift_left3A_868 : i32 to vector<16xi32>
            %shift_left3A_870 = arith.shli %bitcast3A_867, %shift_left3A_869 : vector<16xi32>
            %bitcast3A_871 = vector.bitcast %shift_left3A_870 : vector<16xi32> to vector<16xf32>
            %and3A_872 = arith.constant -65536 : i32
            %and3A_873 = vector.broadcast %and3A_872 : i32 to vector<16xi32>
            %and3A_874 = arith.andi %bitcast3A_867, %and3A_873 : vector<16xi32>
            %bitcast3A_875 = vector.bitcast %and3A_874 : vector<16xi32> to vector<16xf32>
            %mul3A_876 = arith.mulf %gather3A_861, %bitcast3A_871 : vector<16xf32>
            %add3A_877 = arith.addf %broadcast_in_dim3A_487, %mul3A_876 : vector<16xf32>
            %mul3A_878 = arith.mulf %gather3A_861, %bitcast3A_875 : vector<16xf32>
            %add3A_879 = arith.addf %broadcast_in_dim3A_495, %mul3A_878 : vector<16xf32>
            %add3A_880 = arith.constant 1 : i32
            %add3A_881 = vector.broadcast %add3A_880 : i32 to vector<16xi32>
            %add3A_882 = arith.addi %broadcast_in_dim3A_510, %add3A_881 : vector<16xi32>
            %gather3A_883 = tpu.vector_load_idx %arg17[%add3A_882] : memref<4096xf32, #tpu.memory_space<vmem>>[vector<16xi32>], vector<16xf32>,
            %add3A_884 = arith.constant 1 : i32
            %add3A_885 = arith.addi %add3A_504, %add3A_884 : i32
            %get3A_886 = arith.index_cast %add3A_885 : i32 to index
            %get3A_887 = arith.constant 0 : index
            %get3A_888 = tpu.vector_load %arg25[%get3A_886, %get3A_887] {strides = array<i32>} : memref<512x32xbf16, #tpu.memory_space<vmem>>, vector<32xbf16>,
            %bitcast3A_889 = vector.bitcast %get3A_888 : vector<32xbf16> to vector<16xi32>
            %shift_left3A_890 = arith.constant 16 : i32
            %shift_left3A_891 = vector.broadcast %shift_left3A_890 : i32 to vector<16xi32>
            %shift_left3A_892 = arith.shli %bitcast3A_889, %shift_left3A_891 : vector<16xi32>
            %bitcast3A_893 = vector.bitcast %shift_left3A_892 : vector<16xi32> to vector<16xf32>
            %and3A_894 = arith.constant -65536 : i32
            %and3A_895 = vector.broadcast %and3A_894 : i32 to vector<16xi32>
            %and3A_896 = arith.andi %bitcast3A_889, %and3A_895 : vector<16xi32>
            %bitcast3A_897 = vector.bitcast %and3A_896 : vector<16xi32> to vector<16xf32>
            %mul3A_898 = arith.mulf %gather3A_883, %bitcast3A_893 : vector<16xf32>
            %add3A_899 = arith.addf %add3A_877, %mul3A_898 : vector<16xf32>
            %mul3A_900 = arith.mulf %gather3A_883, %bitcast3A_897 : vector<16xf32>
            %add3A_901 = arith.addf %add3A_879, %mul3A_900 : vector<16xf32>
            %add3A_902 = arith.constant 2 : i32
            %add3A_903 = vector.broadcast %add3A_902 : i32 to vector<16xi32>
            %add3A_904 = arith.addi %broadcast_in_dim3A_510, %add3A_903 : vector<16xi32>
            %gather3A_905 = tpu.vector_load_idx %arg17[%add3A_904] : memref<4096xf32, #tpu.memory_space<vmem>>[vector<16xi32>], vector<16xf32>,
            %add3A_906 = arith.constant 2 : i32
            %add3A_907 = arith.addi %add3A_504, %add3A_906 : i32
            %get3A_908 = arith.index_cast %add3A_907 : i32 to index
            %get3A_909 = arith.constant 0 : index
            %get3A_910 = tpu.vector_load %arg25[%get3A_908, %get3A_909] {strides = array<i32>} : memref<512x32xbf16, #tpu.memory_space<vmem>>, vector<32xbf16>,
            %bitcast3A_911 = vector.bitcast %get3A_910 : vector<32xbf16> to vector<16xi32>
            %shift_left3A_912 = arith.constant 16 : i32
            %shift_left3A_913 = vector.broadcast %shift_left3A_912 : i32 to vector<16xi32>
            %shift_left3A_914 = arith.shli %bitcast3A_911, %shift_left3A_913 : vector<16xi32>
            %bitcast3A_915 = vector.bitcast %shift_left3A_914 : vector<16xi32> to vector<16xf32>
            %and3A_916 = arith.constant -65536 : i32
            %and3A_917 = vector.broadcast %and3A_916 : i32 to vector<16xi32>
            %and3A_918 = arith.andi %bitcast3A_911, %and3A_917 : vector<16xi32>
            %bitcast3A_919 = vector.bitcast %and3A_918 : vector<16xi32> to vector<16xf32>
            %mul3A_920 = arith.mulf %gather3A_905, %bitcast3A_915 : vector<16xf32>
            %add3A_921 = arith.addf %add3A_899, %mul3A_920 : vector<16xf32>
            %mul3A_922 = arith.mulf %gather3A_905, %bitcast3A_919 : vector<16xf32>
            %add3A_923 = arith.addf %add3A_901, %mul3A_922 : vector<16xf32>
            %add3A_924 = arith.constant 3 : i32
            %add3A_925 = vector.broadcast %add3A_924 : i32 to vector<16xi32>
            %add3A_926 = arith.addi %broadcast_in_dim3A_510, %add3A_925 : vector<16xi32>
            %gather3A_927 = tpu.vector_load_idx %arg17[%add3A_926] : memref<4096xf32, #tpu.memory_space<vmem>>[vector<16xi32>], vector<16xf32>,
            %add3A_928 = arith.constant 3 : i32
            %add3A_929 = arith.addi %add3A_504, %add3A_928 : i32
            %get3A_930 = arith.index_cast %add3A_929 : i32 to index
            %get3A_931 = arith.constant 0 : index
            %get3A_932 = tpu.vector_load %arg25[%get3A_930, %get3A_931] {strides = array<i32>} : memref<512x32xbf16, #tpu.memory_space<vmem>>, vector<32xbf16>,
            %bitcast3A_933 = vector.bitcast %get3A_932 : vector<32xbf16> to vector<16xi32>
            %shift_left3A_934 = arith.constant 16 : i32
            %shift_left3A_935 = vector.broadcast %shift_left3A_934 : i32 to vector<16xi32>
            %shift_left3A_936 = arith.shli %bitcast3A_933, %shift_left3A_935 : vector<16xi32>
            %bitcast3A_937 = vector.bitcast %shift_left3A_936 : vector<16xi32> to vector<16xf32>
            %and3A_938 = arith.constant -65536 : i32
            %and3A_939 = vector.broadcast %and3A_938 : i32 to vector<16xi32>
            %and3A_940 = arith.andi %bitcast3A_933, %and3A_939 : vector<16xi32>
            %bitcast3A_941 = vector.bitcast %and3A_940 : vector<16xi32> to vector<16xf32>
            %mul3A_942 = arith.mulf %gather3A_927, %bitcast3A_937 : vector<16xf32>
            %add3A_943 = arith.addf %add3A_921, %mul3A_942 : vector<16xf32>
            %mul3A_944 = arith.mulf %gather3A_927, %bitcast3A_941 : vector<16xf32>
            %add3A_945 = arith.addf %add3A_923, %mul3A_944 : vector<16xf32>
            %add3A_946 = arith.constant 4 : i32
            %add3A_947 = vector.broadcast %add3A_946 : i32 to vector<16xi32>
            %add3A_948 = arith.addi %broadcast_in_dim3A_510, %add3A_947 : vector<16xi32>
            %gather3A_949 = tpu.vector_load_idx %arg17[%add3A_948] : memref<4096xf32, #tpu.memory_space<vmem>>[vector<16xi32>], vector<16xf32>,
            %add3A_950 = arith.constant 4 : i32
            %add3A_951 = arith.addi %add3A_504, %add3A_950 : i32
            %get3A_952 = arith.index_cast %add3A_951 : i32 to index
            %get3A_953 = arith.constant 0 : index
            %get3A_954 = tpu.vector_load %arg25[%get3A_952, %get3A_953] {strides = array<i32>} : memref<512x32xbf16, #tpu.memory_space<vmem>>, vector<32xbf16>,
            %bitcast3A_955 = vector.bitcast %get3A_954 : vector<32xbf16> to vector<16xi32>
            %shift_left3A_956 = arith.constant 16 : i32
            %shift_left3A_957 = vector.broadcast %shift_left3A_956 : i32 to vector<16xi32>
            %shift_left3A_958 = arith.shli %bitcast3A_955, %shift_left3A_957 : vector<16xi32>
            %bitcast3A_959 = vector.bitcast %shift_left3A_958 : vector<16xi32> to vector<16xf32>
            %and3A_960 = arith.constant -65536 : i32
            %and3A_961 = vector.broadcast %and3A_960 : i32 to vector<16xi32>
            %and3A_962 = arith.andi %bitcast3A_955, %and3A_961 : vector<16xi32>
            %bitcast3A_963 = vector.bitcast %and3A_962 : vector<16xi32> to vector<16xf32>
            %mul3A_964 = arith.mulf %gather3A_949, %bitcast3A_959 : vector<16xf32>
            %add3A_965 = arith.addf %add3A_943, %mul3A_964 : vector<16xf32>
            %mul3A_966 = arith.mulf %gather3A_949, %bitcast3A_963 : vector<16xf32>
            %add3A_967 = arith.addf %add3A_945, %mul3A_966 : vector<16xf32>
            %add3A_968 = arith.constant 5 : i32
            %add3A_969 = vector.broadcast %add3A_968 : i32 to vector<16xi32>
            %add3A_970 = arith.addi %broadcast_in_dim3A_510, %add3A_969 : vector<16xi32>
            %gather3A_971 = tpu.vector_load_idx %arg17[%add3A_970] : memref<4096xf32, #tpu.memory_space<vmem>>[vector<16xi32>], vector<16xf32>,
            %add3A_972 = arith.constant 5 : i32
            %add3A_973 = arith.addi %add3A_504, %add3A_972 : i32
            %get3A_974 = arith.index_cast %add3A_973 : i32 to index
            %get3A_975 = arith.constant 0 : index
            %get3A_976 = tpu.vector_load %arg25[%get3A_974, %get3A_975] {strides = array<i32>} : memref<512x32xbf16, #tpu.memory_space<vmem>>, vector<32xbf16>,
            %bitcast3A_977 = vector.bitcast %get3A_976 : vector<32xbf16> to vector<16xi32>
            %shift_left3A_978 = arith.constant 16 : i32
            %shift_left3A_979 = vector.broadcast %shift_left3A_978 : i32 to vector<16xi32>
            %shift_left3A_980 = arith.shli %bitcast3A_977, %shift_left3A_979 : vector<16xi32>
            %bitcast3A_981 = vector.bitcast %shift_left3A_980 : vector<16xi32> to vector<16xf32>
            %and3A_982 = arith.constant -65536 : i32
            %and3A_983 = vector.broadcast %and3A_982 : i32 to vector<16xi32>
            %and3A_984 = arith.andi %bitcast3A_977, %and3A_983 : vector<16xi32>
            %bitcast3A_985 = vector.bitcast %and3A_984 : vector<16xi32> to vector<16xf32>
            %mul3A_986 = arith.mulf %gather3A_971, %bitcast3A_981 : vector<16xf32>
            %add3A_987 = arith.addf %add3A_965, %mul3A_986 : vector<16xf32>
            %mul3A_988 = arith.mulf %gather3A_971, %bitcast3A_985 : vector<16xf32>
            %add3A_989 = arith.addf %add3A_967, %mul3A_988 : vector<16xf32>
            %add3A_990 = arith.constant 6 : i32
            %add3A_991 = vector.broadcast %add3A_990 : i32 to vector<16xi32>
            %add3A_992 = arith.addi %broadcast_in_dim3A_510, %add3A_991 : vector<16xi32>
            %gather3A_993 = tpu.vector_load_idx %arg17[%add3A_992] : memref<4096xf32, #tpu.memory_space<vmem>>[vector<16xi32>], vector<16xf32>,
            %add3A_994 = arith.constant 6 : i32
            %add3A_995 = arith.addi %add3A_504, %add3A_994 : i32
            %get3A_996 = arith.index_cast %add3A_995 : i32 to index
            %get3A_997 = arith.constant 0 : index
            %get3A_998 = tpu.vector_load %arg25[%get3A_996, %get3A_997] {strides = array<i32>} : memref<512x32xbf16, #tpu.memory_space<vmem>>, vector<32xbf16>,
            %bitcast3A_999 = vector.bitcast %get3A_998 : vector<32xbf16> to vector<16xi32>
            %shift_left3A_1000 = arith.constant 16 : i32
            %shift_left3A_1001 = vector.broadcast %shift_left3A_1000 : i32 to vector<16xi32>
            %shift_left3A_1002 = arith.shli %bitcast3A_999, %shift_left3A_1001 : vector<16xi32>
            %bitcast3A_1003 = vector.bitcast %shift_left3A_1002 : vector<16xi32> to vector<16xf32>
            %and3A_1004 = arith.constant -65536 : i32
            %and3A_1005 = vector.broadcast %and3A_1004 : i32 to vector<16xi32>
            %and3A_1006 = arith.andi %bitcast3A_999, %and3A_1005 : vector<16xi32>
            %bitcast3A_1007 = vector.bitcast %and3A_1006 : vector<16xi32> to vector<16xf32>
            %mul3A_1008 = arith.mulf %gather3A_993, %bitcast3A_1003 : vector<16xf32>
            %add3A_1009 = arith.addf %add3A_987, %mul3A_1008 : vector<16xf32>
            %mul3A_1010 = arith.mulf %gather3A_993, %bitcast3A_1007 : vector<16xf32>
            %add3A_1011 = arith.addf %add3A_989, %mul3A_1010 : vector<16xf32>
            %add3A_1012 = arith.constant 7 : i32
            %add3A_1013 = vector.broadcast %add3A_1012 : i32 to vector<16xi32>
            %add3A_1014 = arith.addi %broadcast_in_dim3A_510, %add3A_1013 : vector<16xi32>
            %gather3A_1015 = tpu.vector_load_idx %arg17[%add3A_1014] : memref<4096xf32, #tpu.memory_space<vmem>>[vector<16xi32>], vector<16xf32>,
            %add3A_1016 = arith.constant 7 : i32
            %add3A_1017 = arith.addi %add3A_504, %add3A_1016 : i32
            %get3A_1018 = arith.index_cast %add3A_1017 : i32 to index
            %get3A_1019 = arith.constant 0 : index
            %get3A_1020 = tpu.vector_load %arg25[%get3A_1018, %get3A_1019] {strides = array<i32>} : memref<512x32xbf16, #tpu.memory_space<vmem>>, vector<32xbf16>,
            %bitcast3A_1021 = vector.bitcast %get3A_1020 : vector<32xbf16> to vector<16xi32>
            %shift_left3A_1022 = arith.constant 16 : i32
            %shift_left3A_1023 = vector.broadcast %shift_left3A_1022 : i32 to vector<16xi32>
            %shift_left3A_1024 = arith.shli %bitcast3A_1021, %shift_left3A_1023 : vector<16xi32>
            %bitcast3A_1025 = vector.bitcast %shift_left3A_1024 : vector<16xi32> to vector<16xf32>
            %and3A_1026 = arith.constant -65536 : i32
            %and3A_1027 = vector.broadcast %and3A_1026 : i32 to vector<16xi32>
            %and3A_1028 = arith.andi %bitcast3A_1021, %and3A_1027 : vector<16xi32>
            %bitcast3A_1029 = vector.bitcast %and3A_1028 : vector<16xi32> to vector<16xf32>
            %mul3A_1030 = arith.mulf %gather3A_1015, %bitcast3A_1025 : vector<16xf32>
            %add3A_1031 = arith.addf %add3A_1009, %mul3A_1030 : vector<16xf32>
            %mul3A_1032 = arith.mulf %gather3A_1015, %bitcast3A_1029 : vector<16xf32>
            %add3A_1033 = arith.addf %add3A_1011, %mul3A_1032 : vector<16xf32>
            %add3A_1034 = arith.constant 8 : i32
            %add3A_1035 = vector.broadcast %add3A_1034 : i32 to vector<16xi32>
            %add3A_1036 = arith.addi %broadcast_in_dim3A_510, %add3A_1035 : vector<16xi32>
            %gather3A_1037 = tpu.vector_load_idx %arg17[%add3A_1036] : memref<4096xf32, #tpu.memory_space<vmem>>[vector<16xi32>], vector<16xf32>,
            %add3A_1038 = arith.constant 8 : i32
            %add3A_1039 = arith.addi %add3A_504, %add3A_1038 : i32
            %get3A_1040 = arith.index_cast %add3A_1039 : i32 to index
            %get3A_1041 = arith.constant 0 : index
            %get3A_1042 = tpu.vector_load %arg25[%get3A_1040, %get3A_1041] {strides = array<i32>} : memref<512x32xbf16, #tpu.memory_space<vmem>>, vector<32xbf16>,
            %bitcast3A_1043 = vector.bitcast %get3A_1042 : vector<32xbf16> to vector<16xi32>
            %shift_left3A_1044 = arith.constant 16 : i32
            %shift_left3A_1045 = vector.broadcast %shift_left3A_1044 : i32 to vector<16xi32>
            %shift_left3A_1046 = arith.shli %bitcast3A_1043, %shift_left3A_1045 : vector<16xi32>
            %bitcast3A_1047 = vector.bitcast %shift_left3A_1046 : vector<16xi32> to vector<16xf32>
            %and3A_1048 = arith.constant -65536 : i32
            %and3A_1049 = vector.broadcast %and3A_1048 : i32 to vector<16xi32>
            %and3A_1050 = arith.andi %bitcast3A_1043, %and3A_1049 : vector<16xi32>
            %bitcast3A_1051 = vector.bitcast %and3A_1050 : vector<16xi32> to vector<16xf32>
            %mul3A_1052 = arith.mulf %gather3A_1037, %bitcast3A_1047 : vector<16xf32>
            %add3A_1053 = arith.addf %add3A_1031, %mul3A_1052 : vector<16xf32>
            %mul3A_1054 = arith.mulf %gather3A_1037, %bitcast3A_1051 : vector<16xf32>
            %add3A_1055 = arith.addf %add3A_1033, %mul3A_1054 : vector<16xf32>
            %add3A_1056 = arith.constant 9 : i32
            %add3A_1057 = vector.broadcast %add3A_1056 : i32 to vector<16xi32>
            %add3A_1058 = arith.addi %broadcast_in_dim3A_510, %add3A_1057 : vector<16xi32>
            %gather3A_1059 = tpu.vector_load_idx %arg17[%add3A_1058] : memref<4096xf32, #tpu.memory_space<vmem>>[vector<16xi32>], vector<16xf32>,
            %add3A_1060 = arith.constant 9 : i32
            %add3A_1061 = arith.addi %add3A_504, %add3A_1060 : i32
            %get3A_1062 = arith.index_cast %add3A_1061 : i32 to index
            %get3A_1063 = arith.constant 0 : index
            %get3A_1064 = tpu.vector_load %arg25[%get3A_1062, %get3A_1063] {strides = array<i32>} : memref<512x32xbf16, #tpu.memory_space<vmem>>, vector<32xbf16>,
            %bitcast3A_1065 = vector.bitcast %get3A_1064 : vector<32xbf16> to vector<16xi32>
            %shift_left3A_1066 = arith.constant 16 : i32
            %shift_left3A_1067 = vector.broadcast %shift_left3A_1066 : i32 to vector<16xi32>
            %shift_left3A_1068 = arith.shli %bitcast3A_1065, %shift_left3A_1067 : vector<16xi32>
            %bitcast3A_1069 = vector.bitcast %shift_left3A_1068 : vector<16xi32> to vector<16xf32>
            %and3A_1070 = arith.constant -65536 : i32
            %and3A_1071 = vector.broadcast %and3A_1070 : i32 to vector<16xi32>
            %and3A_1072 = arith.andi %bitcast3A_1065, %and3A_1071 : vector<16xi32>
            %bitcast3A_1073 = vector.bitcast %and3A_1072 : vector<16xi32> to vector<16xf32>
            %mul3A_1074 = arith.mulf %gather3A_1059, %bitcast3A_1069 : vector<16xf32>
            %add3A_1075 = arith.addf %add3A_1053, %mul3A_1074 : vector<16xf32>
            %mul3A_1076 = arith.mulf %gather3A_1059, %bitcast3A_1073 : vector<16xf32>
            %add3A_1077 = arith.addf %add3A_1055, %mul3A_1076 : vector<16xf32>
            %add3A_1078 = arith.constant 10 : i32
            %add3A_1079 = vector.broadcast %add3A_1078 : i32 to vector<16xi32>
            %add3A_1080 = arith.addi %broadcast_in_dim3A_510, %add3A_1079 : vector<16xi32>
            %gather3A_1081 = tpu.vector_load_idx %arg17[%add3A_1080] : memref<4096xf32, #tpu.memory_space<vmem>>[vector<16xi32>], vector<16xf32>,
            %add3A_1082 = arith.constant 10 : i32
            %add3A_1083 = arith.addi %add3A_504, %add3A_1082 : i32
            %get3A_1084 = arith.index_cast %add3A_1083 : i32 to index
            %get3A_1085 = arith.constant 0 : index
            %get3A_1086 = tpu.vector_load %arg25[%get3A_1084, %get3A_1085] {strides = array<i32>} : memref<512x32xbf16, #tpu.memory_space<vmem>>, vector<32xbf16>,
            %bitcast3A_1087 = vector.bitcast %get3A_1086 : vector<32xbf16> to vector<16xi32>
            %shift_left3A_1088 = arith.constant 16 : i32
            %shift_left3A_1089 = vector.broadcast %shift_left3A_1088 : i32 to vector<16xi32>
            %shift_left3A_1090 = arith.shli %bitcast3A_1087, %shift_left3A_1089 : vector<16xi32>
            %bitcast3A_1091 = vector.bitcast %shift_left3A_1090 : vector<16xi32> to vector<16xf32>
            %and3A_1092 = arith.constant -65536 : i32
            %and3A_1093 = vector.broadcast %and3A_1092 : i32 to vector<16xi32>
            %and3A_1094 = arith.andi %bitcast3A_1087, %and3A_1093 : vector<16xi32>
            %bitcast3A_1095 = vector.bitcast %and3A_1094 : vector<16xi32> to vector<16xf32>
            %mul3A_1096 = arith.mulf %gather3A_1081, %bitcast3A_1091 : vector<16xf32>
            %add3A_1097 = arith.addf %add3A_1075, %mul3A_1096 : vector<16xf32>
            %mul3A_1098 = arith.mulf %gather3A_1081, %bitcast3A_1095 : vector<16xf32>
            %add3A_1099 = arith.addf %add3A_1077, %mul3A_1098 : vector<16xf32>
            %add3A_1100 = arith.constant 11 : i32
            %add3A_1101 = vector.broadcast %add3A_1100 : i32 to vector<16xi32>
            %add3A_1102 = arith.addi %broadcast_in_dim3A_510, %add3A_1101 : vector<16xi32>
            %gather3A_1103 = tpu.vector_load_idx %arg17[%add3A_1102] : memref<4096xf32, #tpu.memory_space<vmem>>[vector<16xi32>], vector<16xf32>,
            %add3A_1104 = arith.constant 11 : i32
            %add3A_1105 = arith.addi %add3A_504, %add3A_1104 : i32
            %get3A_1106 = arith.index_cast %add3A_1105 : i32 to index
            %get3A_1107 = arith.constant 0 : index
            %get3A_1108 = tpu.vector_load %arg25[%get3A_1106, %get3A_1107] {strides = array<i32>} : memref<512x32xbf16, #tpu.memory_space<vmem>>, vector<32xbf16>,
            %bitcast3A_1109 = vector.bitcast %get3A_1108 : vector<32xbf16> to vector<16xi32>
            %shift_left3A_1110 = arith.constant 16 : i32
            %shift_left3A_1111 = vector.broadcast %shift_left3A_1110 : i32 to vector<16xi32>
            %shift_left3A_1112 = arith.shli %bitcast3A_1109, %shift_left3A_1111 : vector<16xi32>
            %bitcast3A_1113 = vector.bitcast %shift_left3A_1112 : vector<16xi32> to vector<16xf32>
            %and3A_1114 = arith.constant -65536 : i32
            %and3A_1115 = vector.broadcast %and3A_1114 : i32 to vector<16xi32>
            %and3A_1116 = arith.andi %bitcast3A_1109, %and3A_1115 : vector<16xi32>
            %bitcast3A_1117 = vector.bitcast %and3A_1116 : vector<16xi32> to vector<16xf32>
            %mul3A_1118 = arith.mulf %gather3A_1103, %bitcast3A_1113 : vector<16xf32>
            %add3A_1119 = arith.addf %add3A_1097, %mul3A_1118 : vector<16xf32>
            %mul3A_1120 = arith.mulf %gather3A_1103, %bitcast3A_1117 : vector<16xf32>
            %add3A_1121 = arith.addf %add3A_1099, %mul3A_1120 : vector<16xf32>
            %add3A_1122 = arith.constant 12 : i32
            %add3A_1123 = vector.broadcast %add3A_1122 : i32 to vector<16xi32>
            %add3A_1124 = arith.addi %broadcast_in_dim3A_510, %add3A_1123 : vector<16xi32>
            %gather3A_1125 = tpu.vector_load_idx %arg17[%add3A_1124] : memref<4096xf32, #tpu.memory_space<vmem>>[vector<16xi32>], vector<16xf32>,
            %add3A_1126 = arith.constant 12 : i32
            %add3A_1127 = arith.addi %add3A_504, %add3A_1126 : i32
            %get3A_1128 = arith.index_cast %add3A_1127 : i32 to index
            %get3A_1129 = arith.constant 0 : index
            %get3A_1130 = tpu.vector_load %arg25[%get3A_1128, %get3A_1129] {strides = array<i32>} : memref<512x32xbf16, #tpu.memory_space<vmem>>, vector<32xbf16>,
            %bitcast3A_1131 = vector.bitcast %get3A_1130 : vector<32xbf16> to vector<16xi32>
            %shift_left3A_1132 = arith.constant 16 : i32
            %shift_left3A_1133 = vector.broadcast %shift_left3A_1132 : i32 to vector<16xi32>
            %shift_left3A_1134 = arith.shli %bitcast3A_1131, %shift_left3A_1133 : vector<16xi32>
            %bitcast3A_1135 = vector.bitcast %shift_left3A_1134 : vector<16xi32> to vector<16xf32>
            %and3A_1136 = arith.constant -65536 : i32
            %and3A_1137 = vector.broadcast %and3A_1136 : i32 to vector<16xi32>
            %and3A_1138 = arith.andi %bitcast3A_1131, %and3A_1137 : vector<16xi32>
            %bitcast3A_1139 = vector.bitcast %and3A_1138 : vector<16xi32> to vector<16xf32>
            %mul3A_1140 = arith.mulf %gather3A_1125, %bitcast3A_1135 : vector<16xf32>
            %add3A_1141 = arith.addf %add3A_1119, %mul3A_1140 : vector<16xf32>
            %mul3A_1142 = arith.mulf %gather3A_1125, %bitcast3A_1139 : vector<16xf32>
            %add3A_1143 = arith.addf %add3A_1121, %mul3A_1142 : vector<16xf32>
            %add3A_1144 = arith.constant 13 : i32
            %add3A_1145 = vector.broadcast %add3A_1144 : i32 to vector<16xi32>
            %add3A_1146 = arith.addi %broadcast_in_dim3A_510, %add3A_1145 : vector<16xi32>
            %gather3A_1147 = tpu.vector_load_idx %arg17[%add3A_1146] : memref<4096xf32, #tpu.memory_space<vmem>>[vector<16xi32>], vector<16xf32>,
            %add3A_1148 = arith.constant 13 : i32
            %add3A_1149 = arith.addi %add3A_504, %add3A_1148 : i32
            %get3A_1150 = arith.index_cast %add3A_1149 : i32 to index
            %get3A_1151 = arith.constant 0 : index
            %get3A_1152 = tpu.vector_load %arg25[%get3A_1150, %get3A_1151] {strides = array<i32>} : memref<512x32xbf16, #tpu.memory_space<vmem>>, vector<32xbf16>,
            %bitcast3A_1153 = vector.bitcast %get3A_1152 : vector<32xbf16> to vector<16xi32>
            %shift_left3A_1154 = arith.constant 16 : i32
            %shift_left3A_1155 = vector.broadcast %shift_left3A_1154 : i32 to vector<16xi32>
            %shift_left3A_1156 = arith.shli %bitcast3A_1153, %shift_left3A_1155 : vector<16xi32>
            %bitcast3A_1157 = vector.bitcast %shift_left3A_1156 : vector<16xi32> to vector<16xf32>
            %and3A_1158 = arith.constant -65536 : i32
            %and3A_1159 = vector.broadcast %and3A_1158 : i32 to vector<16xi32>
            %and3A_1160 = arith.andi %bitcast3A_1153, %and3A_1159 : vector<16xi32>
            %bitcast3A_1161 = vector.bitcast %and3A_1160 : vector<16xi32> to vector<16xf32>
            %mul3A_1162 = arith.mulf %gather3A_1147, %bitcast3A_1157 : vector<16xf32>
            %add3A_1163 = arith.addf %add3A_1141, %mul3A_1162 : vector<16xf32>
            %mul3A_1164 = arith.mulf %gather3A_1147, %bitcast3A_1161 : vector<16xf32>
            %add3A_1165 = arith.addf %add3A_1143, %mul3A_1164 : vector<16xf32>
            %add3A_1166 = arith.constant 14 : i32
            %add3A_1167 = vector.broadcast %add3A_1166 : i32 to vector<16xi32>
            %add3A_1168 = arith.addi %broadcast_in_dim3A_510, %add3A_1167 : vector<16xi32>
            %gather3A_1169 = tpu.vector_load_idx %arg17[%add3A_1168] : memref<4096xf32, #tpu.memory_space<vmem>>[vector<16xi32>], vector<16xf32>,
            %add3A_1170 = arith.constant 14 : i32
            %add3A_1171 = arith.addi %add3A_504, %add3A_1170 : i32
            %get3A_1172 = arith.index_cast %add3A_1171 : i32 to index
            %get3A_1173 = arith.constant 0 : index
            %get3A_1174 = tpu.vector_load %arg25[%get3A_1172, %get3A_1173] {strides = array<i32>} : memref<512x32xbf16, #tpu.memory_space<vmem>>, vector<32xbf16>,
            %bitcast3A_1175 = vector.bitcast %get3A_1174 : vector<32xbf16> to vector<16xi32>
            %shift_left3A_1176 = arith.constant 16 : i32
            %shift_left3A_1177 = vector.broadcast %shift_left3A_1176 : i32 to vector<16xi32>
            %shift_left3A_1178 = arith.shli %bitcast3A_1175, %shift_left3A_1177 : vector<16xi32>
            %bitcast3A_1179 = vector.bitcast %shift_left3A_1178 : vector<16xi32> to vector<16xf32>
            %and3A_1180 = arith.constant -65536 : i32
            %and3A_1181 = vector.broadcast %and3A_1180 : i32 to vector<16xi32>
            %and3A_1182 = arith.andi %bitcast3A_1175, %and3A_1181 : vector<16xi32>
            %bitcast3A_1183 = vector.bitcast %and3A_1182 : vector<16xi32> to vector<16xf32>
            %mul3A_1184 = arith.mulf %gather3A_1169, %bitcast3A_1179 : vector<16xf32>
            %add3A_1185 = arith.addf %add3A_1163, %mul3A_1184 : vector<16xf32>
            %mul3A_1186 = arith.mulf %gather3A_1169, %bitcast3A_1183 : vector<16xf32>
            %add3A_1187 = arith.addf %add3A_1165, %mul3A_1186 : vector<16xf32>
            %add3A_1188 = arith.constant 15 : i32
            %add3A_1189 = vector.broadcast %add3A_1188 : i32 to vector<16xi32>
            %add3A_1190 = arith.addi %broadcast_in_dim3A_510, %add3A_1189 : vector<16xi32>
            %gather3A_1191 = tpu.vector_load_idx %arg17[%add3A_1190] : memref<4096xf32, #tpu.memory_space<vmem>>[vector<16xi32>], vector<16xf32>,
            %add3A_1192 = arith.constant 15 : i32
            %add3A_1193 = arith.addi %add3A_504, %add3A_1192 : i32
            %get3A_1194 = arith.index_cast %add3A_1193 : i32 to index
            %get3A_1195 = arith.constant 0 : index
            %get3A_1196 = tpu.vector_load %arg25[%get3A_1194, %get3A_1195] {strides = array<i32>} : memref<512x32xbf16, #tpu.memory_space<vmem>>, vector<32xbf16>,
            %bitcast3A_1197 = vector.bitcast %get3A_1196 : vector<32xbf16> to vector<16xi32>
            %shift_left3A_1198 = arith.constant 16 : i32
            %shift_left3A_1199 = vector.broadcast %shift_left3A_1198 : i32 to vector<16xi32>
            %shift_left3A_1200 = arith.shli %bitcast3A_1197, %shift_left3A_1199 : vector<16xi32>
            %bitcast3A_1201 = vector.bitcast %shift_left3A_1200 : vector<16xi32> to vector<16xf32>
            %and3A_1202 = arith.constant -65536 : i32
            %and3A_1203 = vector.broadcast %and3A_1202 : i32 to vector<16xi32>
            %and3A_1204 = arith.andi %bitcast3A_1197, %and3A_1203 : vector<16xi32>
            %bitcast3A_1205 = vector.bitcast %and3A_1204 : vector<16xi32> to vector<16xf32>
            %mul3A_1206 = arith.mulf %gather3A_1191, %bitcast3A_1201 : vector<16xf32>
            %add3A_1207 = arith.addf %add3A_1185, %mul3A_1206 : vector<16xf32>
            %mul3A_1208 = arith.mulf %gather3A_1191, %bitcast3A_1205 : vector<16xf32>
            %add3A_1209 = arith.addf %add3A_1187, %mul3A_1208 : vector<16xf32>
            %add3A_1210 = arith.constant 0 : i32
            %add3A_1211 = vector.broadcast %add3A_1210 : i32 to vector<16xi32>
            %add3A_1212 = arith.addi %broadcast_in_dim3A_510, %add3A_1211 : vector<16xi32>
            %gather3A_1213 = tpu.vector_load_idx %arg18[%add3A_1212] : memref<4096xf32, #tpu.memory_space<vmem>>[vector<16xi32>], vector<16xf32>,
            %add3A_1214 = arith.constant 0 : i32
            %add3A_1215 = arith.addi %add3A_504, %add3A_1214 : i32
            %get3A_1216 = arith.index_cast %add3A_1215 : i32 to index
            %get3A_1217 = arith.constant 0 : index
            %get3A_1218 = tpu.vector_load %arg26[%get3A_1216, %get3A_1217] {strides = array<i32>} : memref<512x32xbf16, #tpu.memory_space<vmem>>, vector<32xbf16>,
            %bitcast3A_1219 = vector.bitcast %get3A_1218 : vector<32xbf16> to vector<16xi32>
            %shift_left3A_1220 = arith.constant 16 : i32
            %shift_left3A_1221 = vector.broadcast %shift_left3A_1220 : i32 to vector<16xi32>
            %shift_left3A_1222 = arith.shli %bitcast3A_1219, %shift_left3A_1221 : vector<16xi32>
            %bitcast3A_1223 = vector.bitcast %shift_left3A_1222 : vector<16xi32> to vector<16xf32>
            %and3A_1224 = arith.constant -65536 : i32
            %and3A_1225 = vector.broadcast %and3A_1224 : i32 to vector<16xi32>
            %and3A_1226 = arith.andi %bitcast3A_1219, %and3A_1225 : vector<16xi32>
            %bitcast3A_1227 = vector.bitcast %and3A_1226 : vector<16xi32> to vector<16xf32>
            %mul3A_1228 = arith.mulf %gather3A_1213, %bitcast3A_1223 : vector<16xf32>
            %add3A_1229 = arith.addf %broadcast_in_dim3A_489, %mul3A_1228 : vector<16xf32>
            %mul3A_1230 = arith.mulf %gather3A_1213, %bitcast3A_1227 : vector<16xf32>
            %add3A_1231 = arith.addf %broadcast_in_dim3A_497, %mul3A_1230 : vector<16xf32>
            %add3A_1232 = arith.constant 1 : i32
            %add3A_1233 = vector.broadcast %add3A_1232 : i32 to vector<16xi32>
            %add3A_1234 = arith.addi %broadcast_in_dim3A_510, %add3A_1233 : vector<16xi32>
            %gather3A_1235 = tpu.vector_load_idx %arg18[%add3A_1234] : memref<4096xf32, #tpu.memory_space<vmem>>[vector<16xi32>], vector<16xf32>,
            %add3A_1236 = arith.constant 1 : i32
            %add3A_1237 = arith.addi %add3A_504, %add3A_1236 : i32
            %get3A_1238 = arith.index_cast %add3A_1237 : i32 to index
            %get3A_1239 = arith.constant 0 : index
            %get3A_1240 = tpu.vector_load %arg26[%get3A_1238, %get3A_1239] {strides = array<i32>} : memref<512x32xbf16, #tpu.memory_space<vmem>>, vector<32xbf16>,
            %bitcast3A_1241 = vector.bitcast %get3A_1240 : vector<32xbf16> to vector<16xi32>
            %shift_left3A_1242 = arith.constant 16 : i32
            %shift_left3A_1243 = vector.broadcast %shift_left3A_1242 : i32 to vector<16xi32>
            %shift_left3A_1244 = arith.shli %bitcast3A_1241, %shift_left3A_1243 : vector<16xi32>
            %bitcast3A_1245 = vector.bitcast %shift_left3A_1244 : vector<16xi32> to vector<16xf32>
            %and3A_1246 = arith.constant -65536 : i32
            %and3A_1247 = vector.broadcast %and3A_1246 : i32 to vector<16xi32>
            %and3A_1248 = arith.andi %bitcast3A_1241, %and3A_1247 : vector<16xi32>
            %bitcast3A_1249 = vector.bitcast %and3A_1248 : vector<16xi32> to vector<16xf32>
            %mul3A_1250 = arith.mulf %gather3A_1235, %bitcast3A_1245 : vector<16xf32>
            %add3A_1251 = arith.addf %add3A_1229, %mul3A_1250 : vector<16xf32>
            %mul3A_1252 = arith.mulf %gather3A_1235, %bitcast3A_1249 : vector<16xf32>
            %add3A_1253 = arith.addf %add3A_1231, %mul3A_1252 : vector<16xf32>
            %add3A_1254 = arith.constant 2 : i32
            %add3A_1255 = vector.broadcast %add3A_1254 : i32 to vector<16xi32>
            %add3A_1256 = arith.addi %broadcast_in_dim3A_510, %add3A_1255 : vector<16xi32>
            %gather3A_1257 = tpu.vector_load_idx %arg18[%add3A_1256] : memref<4096xf32, #tpu.memory_space<vmem>>[vector<16xi32>], vector<16xf32>,
            %add3A_1258 = arith.constant 2 : i32
            %add3A_1259 = arith.addi %add3A_504, %add3A_1258 : i32
            %get3A_1260 = arith.index_cast %add3A_1259 : i32 to index
            %get3A_1261 = arith.constant 0 : index
            %get3A_1262 = tpu.vector_load %arg26[%get3A_1260, %get3A_1261] {strides = array<i32>} : memref<512x32xbf16, #tpu.memory_space<vmem>>, vector<32xbf16>,
            %bitcast3A_1263 = vector.bitcast %get3A_1262 : vector<32xbf16> to vector<16xi32>
            %shift_left3A_1264 = arith.constant 16 : i32
            %shift_left3A_1265 = vector.broadcast %shift_left3A_1264 : i32 to vector<16xi32>
            %shift_left3A_1266 = arith.shli %bitcast3A_1263, %shift_left3A_1265 : vector<16xi32>
            %bitcast3A_1267 = vector.bitcast %shift_left3A_1266 : vector<16xi32> to vector<16xf32>
            %and3A_1268 = arith.constant -65536 : i32
            %and3A_1269 = vector.broadcast %and3A_1268 : i32 to vector<16xi32>
            %and3A_1270 = arith.andi %bitcast3A_1263, %and3A_1269 : vector<16xi32>
            %bitcast3A_1271 = vector.bitcast %and3A_1270 : vector<16xi32> to vector<16xf32>
            %mul3A_1272 = arith.mulf %gather3A_1257, %bitcast3A_1267 : vector<16xf32>
            %add3A_1273 = arith.addf %add3A_1251, %mul3A_1272 : vector<16xf32>
            %mul3A_1274 = arith.mulf %gather3A_1257, %bitcast3A_1271 : vector<16xf32>
            %add3A_1275 = arith.addf %add3A_1253, %mul3A_1274 : vector<16xf32>
            %add3A_1276 = arith.constant 3 : i32
            %add3A_1277 = vector.broadcast %add3A_1276 : i32 to vector<16xi32>
            %add3A_1278 = arith.addi %broadcast_in_dim3A_510, %add3A_1277 : vector<16xi32>
            %gather3A_1279 = tpu.vector_load_idx %arg18[%add3A_1278] : memref<4096xf32, #tpu.memory_space<vmem>>[vector<16xi32>], vector<16xf32>,
            %add3A_1280 = arith.constant 3 : i32
            %add3A_1281 = arith.addi %add3A_504, %add3A_1280 : i32
            %get3A_1282 = arith.index_cast %add3A_1281 : i32 to index
            %get3A_1283 = arith.constant 0 : index
            %get3A_1284 = tpu.vector_load %arg26[%get3A_1282, %get3A_1283] {strides = array<i32>} : memref<512x32xbf16, #tpu.memory_space<vmem>>, vector<32xbf16>,
            %bitcast3A_1285 = vector.bitcast %get3A_1284 : vector<32xbf16> to vector<16xi32>
            %shift_left3A_1286 = arith.constant 16 : i32
            %shift_left3A_1287 = vector.broadcast %shift_left3A_1286 : i32 to vector<16xi32>
            %shift_left3A_1288 = arith.shli %bitcast3A_1285, %shift_left3A_1287 : vector<16xi32>
            %bitcast3A_1289 = vector.bitcast %shift_left3A_1288 : vector<16xi32> to vector<16xf32>
            %and3A_1290 = arith.constant -65536 : i32
            %and3A_1291 = vector.broadcast %and3A_1290 : i32 to vector<16xi32>
            %and3A_1292 = arith.andi %bitcast3A_1285, %and3A_1291 : vector<16xi32>
            %bitcast3A_1293 = vector.bitcast %and3A_1292 : vector<16xi32> to vector<16xf32>
            %mul3A_1294 = arith.mulf %gather3A_1279, %bitcast3A_1289 : vector<16xf32>
            %add3A_1295 = arith.addf %add3A_1273, %mul3A_1294 : vector<16xf32>
            %mul3A_1296 = arith.mulf %gather3A_1279, %bitcast3A_1293 : vector<16xf32>
            %add3A_1297 = arith.addf %add3A_1275, %mul3A_1296 : vector<16xf32>
            %add3A_1298 = arith.constant 4 : i32
            %add3A_1299 = vector.broadcast %add3A_1298 : i32 to vector<16xi32>
            %add3A_1300 = arith.addi %broadcast_in_dim3A_510, %add3A_1299 : vector<16xi32>
            %gather3A_1301 = tpu.vector_load_idx %arg18[%add3A_1300] : memref<4096xf32, #tpu.memory_space<vmem>>[vector<16xi32>], vector<16xf32>,
            %add3A_1302 = arith.constant 4 : i32
            %add3A_1303 = arith.addi %add3A_504, %add3A_1302 : i32
            %get3A_1304 = arith.index_cast %add3A_1303 : i32 to index
            %get3A_1305 = arith.constant 0 : index
            %get3A_1306 = tpu.vector_load %arg26[%get3A_1304, %get3A_1305] {strides = array<i32>} : memref<512x32xbf16, #tpu.memory_space<vmem>>, vector<32xbf16>,
            %bitcast3A_1307 = vector.bitcast %get3A_1306 : vector<32xbf16> to vector<16xi32>
            %shift_left3A_1308 = arith.constant 16 : i32
            %shift_left3A_1309 = vector.broadcast %shift_left3A_1308 : i32 to vector<16xi32>
            %shift_left3A_1310 = arith.shli %bitcast3A_1307, %shift_left3A_1309 : vector<16xi32>
            %bitcast3A_1311 = vector.bitcast %shift_left3A_1310 : vector<16xi32> to vector<16xf32>
            %and3A_1312 = arith.constant -65536 : i32
            %and3A_1313 = vector.broadcast %and3A_1312 : i32 to vector<16xi32>
            %and3A_1314 = arith.andi %bitcast3A_1307, %and3A_1313 : vector<16xi32>
            %bitcast3A_1315 = vector.bitcast %and3A_1314 : vector<16xi32> to vector<16xf32>
            %mul3A_1316 = arith.mulf %gather3A_1301, %bitcast3A_1311 : vector<16xf32>
            %add3A_1317 = arith.addf %add3A_1295, %mul3A_1316 : vector<16xf32>
            %mul3A_1318 = arith.mulf %gather3A_1301, %bitcast3A_1315 : vector<16xf32>
            %add3A_1319 = arith.addf %add3A_1297, %mul3A_1318 : vector<16xf32>
            %add3A_1320 = arith.constant 5 : i32
            %add3A_1321 = vector.broadcast %add3A_1320 : i32 to vector<16xi32>
            %add3A_1322 = arith.addi %broadcast_in_dim3A_510, %add3A_1321 : vector<16xi32>
            %gather3A_1323 = tpu.vector_load_idx %arg18[%add3A_1322] : memref<4096xf32, #tpu.memory_space<vmem>>[vector<16xi32>], vector<16xf32>,
            %add3A_1324 = arith.constant 5 : i32
            %add3A_1325 = arith.addi %add3A_504, %add3A_1324 : i32
            %get3A_1326 = arith.index_cast %add3A_1325 : i32 to index
            %get3A_1327 = arith.constant 0 : index
            %get3A_1328 = tpu.vector_load %arg26[%get3A_1326, %get3A_1327] {strides = array<i32>} : memref<512x32xbf16, #tpu.memory_space<vmem>>, vector<32xbf16>,
            %bitcast3A_1329 = vector.bitcast %get3A_1328 : vector<32xbf16> to vector<16xi32>
            %shift_left3A_1330 = arith.constant 16 : i32
            %shift_left3A_1331 = vector.broadcast %shift_left3A_1330 : i32 to vector<16xi32>
            %shift_left3A_1332 = arith.shli %bitcast3A_1329, %shift_left3A_1331 : vector<16xi32>
            %bitcast3A_1333 = vector.bitcast %shift_left3A_1332 : vector<16xi32> to vector<16xf32>
            %and3A_1334 = arith.constant -65536 : i32
            %and3A_1335 = vector.broadcast %and3A_1334 : i32 to vector<16xi32>
            %and3A_1336 = arith.andi %bitcast3A_1329, %and3A_1335 : vector<16xi32>
            %bitcast3A_1337 = vector.bitcast %and3A_1336 : vector<16xi32> to vector<16xf32>
            %mul3A_1338 = arith.mulf %gather3A_1323, %bitcast3A_1333 : vector<16xf32>
            %add3A_1339 = arith.addf %add3A_1317, %mul3A_1338 : vector<16xf32>
            %mul3A_1340 = arith.mulf %gather3A_1323, %bitcast3A_1337 : vector<16xf32>
            %add3A_1341 = arith.addf %add3A_1319, %mul3A_1340 : vector<16xf32>
            %add3A_1342 = arith.constant 6 : i32
            %add3A_1343 = vector.broadcast %add3A_1342 : i32 to vector<16xi32>
            %add3A_1344 = arith.addi %broadcast_in_dim3A_510, %add3A_1343 : vector<16xi32>
            %gather3A_1345 = tpu.vector_load_idx %arg18[%add3A_1344] : memref<4096xf32, #tpu.memory_space<vmem>>[vector<16xi32>], vector<16xf32>,
            %add3A_1346 = arith.constant 6 : i32
            %add3A_1347 = arith.addi %add3A_504, %add3A_1346 : i32
            %get3A_1348 = arith.index_cast %add3A_1347 : i32 to index
            %get3A_1349 = arith.constant 0 : index
            %get3A_1350 = tpu.vector_load %arg26[%get3A_1348, %get3A_1349] {strides = array<i32>} : memref<512x32xbf16, #tpu.memory_space<vmem>>, vector<32xbf16>,
            %bitcast3A_1351 = vector.bitcast %get3A_1350 : vector<32xbf16> to vector<16xi32>
            %shift_left3A_1352 = arith.constant 16 : i32
            %shift_left3A_1353 = vector.broadcast %shift_left3A_1352 : i32 to vector<16xi32>
            %shift_left3A_1354 = arith.shli %bitcast3A_1351, %shift_left3A_1353 : vector<16xi32>
            %bitcast3A_1355 = vector.bitcast %shift_left3A_1354 : vector<16xi32> to vector<16xf32>
            %and3A_1356 = arith.constant -65536 : i32
            %and3A_1357 = vector.broadcast %and3A_1356 : i32 to vector<16xi32>
            %and3A_1358 = arith.andi %bitcast3A_1351, %and3A_1357 : vector<16xi32>
            %bitcast3A_1359 = vector.bitcast %and3A_1358 : vector<16xi32> to vector<16xf32>
            %mul3A_1360 = arith.mulf %gather3A_1345, %bitcast3A_1355 : vector<16xf32>
            %add3A_1361 = arith.addf %add3A_1339, %mul3A_1360 : vector<16xf32>
            %mul3A_1362 = arith.mulf %gather3A_1345, %bitcast3A_1359 : vector<16xf32>
            %add3A_1363 = arith.addf %add3A_1341, %mul3A_1362 : vector<16xf32>
            %add3A_1364 = arith.constant 7 : i32
            %add3A_1365 = vector.broadcast %add3A_1364 : i32 to vector<16xi32>
            %add3A_1366 = arith.addi %broadcast_in_dim3A_510, %add3A_1365 : vector<16xi32>
            %gather3A_1367 = tpu.vector_load_idx %arg18[%add3A_1366] : memref<4096xf32, #tpu.memory_space<vmem>>[vector<16xi32>], vector<16xf32>,
            %add3A_1368 = arith.constant 7 : i32
            %add3A_1369 = arith.addi %add3A_504, %add3A_1368 : i32
            %get3A_1370 = arith.index_cast %add3A_1369 : i32 to index
            %get3A_1371 = arith.constant 0 : index
            %get3A_1372 = tpu.vector_load %arg26[%get3A_1370, %get3A_1371] {strides = array<i32>} : memref<512x32xbf16, #tpu.memory_space<vmem>>, vector<32xbf16>,
            %bitcast3A_1373 = vector.bitcast %get3A_1372 : vector<32xbf16> to vector<16xi32>
            %shift_left3A_1374 = arith.constant 16 : i32
            %shift_left3A_1375 = vector.broadcast %shift_left3A_1374 : i32 to vector<16xi32>
            %shift_left3A_1376 = arith.shli %bitcast3A_1373, %shift_left3A_1375 : vector<16xi32>
            %bitcast3A_1377 = vector.bitcast %shift_left3A_1376 : vector<16xi32> to vector<16xf32>
            %and3A_1378 = arith.constant -65536 : i32
            %and3A_1379 = vector.broadcast %and3A_1378 : i32 to vector<16xi32>
            %and3A_1380 = arith.andi %bitcast3A_1373, %and3A_1379 : vector<16xi32>
            %bitcast3A_1381 = vector.bitcast %and3A_1380 : vector<16xi32> to vector<16xf32>
            %mul3A_1382 = arith.mulf %gather3A_1367, %bitcast3A_1377 : vector<16xf32>
            %add3A_1383 = arith.addf %add3A_1361, %mul3A_1382 : vector<16xf32>
            %mul3A_1384 = arith.mulf %gather3A_1367, %bitcast3A_1381 : vector<16xf32>
            %add3A_1385 = arith.addf %add3A_1363, %mul3A_1384 : vector<16xf32>
            %add3A_1386 = arith.constant 8 : i32
            %add3A_1387 = vector.broadcast %add3A_1386 : i32 to vector<16xi32>
            %add3A_1388 = arith.addi %broadcast_in_dim3A_510, %add3A_1387 : vector<16xi32>
            %gather3A_1389 = tpu.vector_load_idx %arg18[%add3A_1388] : memref<4096xf32, #tpu.memory_space<vmem>>[vector<16xi32>], vector<16xf32>,
            %add3A_1390 = arith.constant 8 : i32
            %add3A_1391 = arith.addi %add3A_504, %add3A_1390 : i32
            %get3A_1392 = arith.index_cast %add3A_1391 : i32 to index
            %get3A_1393 = arith.constant 0 : index
            %get3A_1394 = tpu.vector_load %arg26[%get3A_1392, %get3A_1393] {strides = array<i32>} : memref<512x32xbf16, #tpu.memory_space<vmem>>, vector<32xbf16>,
            %bitcast3A_1395 = vector.bitcast %get3A_1394 : vector<32xbf16> to vector<16xi32>
            %shift_left3A_1396 = arith.constant 16 : i32
            %shift_left3A_1397 = vector.broadcast %shift_left3A_1396 : i32 to vector<16xi32>
            %shift_left3A_1398 = arith.shli %bitcast3A_1395, %shift_left3A_1397 : vector<16xi32>
            %bitcast3A_1399 = vector.bitcast %shift_left3A_1398 : vector<16xi32> to vector<16xf32>
            %and3A_1400 = arith.constant -65536 : i32
            %and3A_1401 = vector.broadcast %and3A_1400 : i32 to vector<16xi32>
            %and3A_1402 = arith.andi %bitcast3A_1395, %and3A_1401 : vector<16xi32>
            %bitcast3A_1403 = vector.bitcast %and3A_1402 : vector<16xi32> to vector<16xf32>
            %mul3A_1404 = arith.mulf %gather3A_1389, %bitcast3A_1399 : vector<16xf32>
            %add3A_1405 = arith.addf %add3A_1383, %mul3A_1404 : vector<16xf32>
            %mul3A_1406 = arith.mulf %gather3A_1389, %bitcast3A_1403 : vector<16xf32>
            %add3A_1407 = arith.addf %add3A_1385, %mul3A_1406 : vector<16xf32>
            %add3A_1408 = arith.constant 9 : i32
            %add3A_1409 = vector.broadcast %add3A_1408 : i32 to vector<16xi32>
            %add3A_1410 = arith.addi %broadcast_in_dim3A_510, %add3A_1409 : vector<16xi32>
            %gather3A_1411 = tpu.vector_load_idx %arg18[%add3A_1410] : memref<4096xf32, #tpu.memory_space<vmem>>[vector<16xi32>], vector<16xf32>,
            %add3A_1412 = arith.constant 9 : i32
            %add3A_1413 = arith.addi %add3A_504, %add3A_1412 : i32
            %get3A_1414 = arith.index_cast %add3A_1413 : i32 to index
            %get3A_1415 = arith.constant 0 : index
            %get3A_1416 = tpu.vector_load %arg26[%get3A_1414, %get3A_1415] {strides = array<i32>} : memref<512x32xbf16, #tpu.memory_space<vmem>>, vector<32xbf16>,
            %bitcast3A_1417 = vector.bitcast %get3A_1416 : vector<32xbf16> to vector<16xi32>
            %shift_left3A_1418 = arith.constant 16 : i32
            %shift_left3A_1419 = vector.broadcast %shift_left3A_1418 : i32 to vector<16xi32>
            %shift_left3A_1420 = arith.shli %bitcast3A_1417, %shift_left3A_1419 : vector<16xi32>
            %bitcast3A_1421 = vector.bitcast %shift_left3A_1420 : vector<16xi32> to vector<16xf32>
            %and3A_1422 = arith.constant -65536 : i32
            %and3A_1423 = vector.broadcast %and3A_1422 : i32 to vector<16xi32>
            %and3A_1424 = arith.andi %bitcast3A_1417, %and3A_1423 : vector<16xi32>
            %bitcast3A_1425 = vector.bitcast %and3A_1424 : vector<16xi32> to vector<16xf32>
            %mul3A_1426 = arith.mulf %gather3A_1411, %bitcast3A_1421 : vector<16xf32>
            %add3A_1427 = arith.addf %add3A_1405, %mul3A_1426 : vector<16xf32>
            %mul3A_1428 = arith.mulf %gather3A_1411, %bitcast3A_1425 : vector<16xf32>
            %add3A_1429 = arith.addf %add3A_1407, %mul3A_1428 : vector<16xf32>
            %add3A_1430 = arith.constant 10 : i32
            %add3A_1431 = vector.broadcast %add3A_1430 : i32 to vector<16xi32>
            %add3A_1432 = arith.addi %broadcast_in_dim3A_510, %add3A_1431 : vector<16xi32>
            %gather3A_1433 = tpu.vector_load_idx %arg18[%add3A_1432] : memref<4096xf32, #tpu.memory_space<vmem>>[vector<16xi32>], vector<16xf32>,
            %add3A_1434 = arith.constant 10 : i32
            %add3A_1435 = arith.addi %add3A_504, %add3A_1434 : i32
            %get3A_1436 = arith.index_cast %add3A_1435 : i32 to index
            %get3A_1437 = arith.constant 0 : index
            %get3A_1438 = tpu.vector_load %arg26[%get3A_1436, %get3A_1437] {strides = array<i32>} : memref<512x32xbf16, #tpu.memory_space<vmem>>, vector<32xbf16>,
            %bitcast3A_1439 = vector.bitcast %get3A_1438 : vector<32xbf16> to vector<16xi32>
            %shift_left3A_1440 = arith.constant 16 : i32
            %shift_left3A_1441 = vector.broadcast %shift_left3A_1440 : i32 to vector<16xi32>
            %shift_left3A_1442 = arith.shli %bitcast3A_1439, %shift_left3A_1441 : vector<16xi32>
            %bitcast3A_1443 = vector.bitcast %shift_left3A_1442 : vector<16xi32> to vector<16xf32>
            %and3A_1444 = arith.constant -65536 : i32
            %and3A_1445 = vector.broadcast %and3A_1444 : i32 to vector<16xi32>
            %and3A_1446 = arith.andi %bitcast3A_1439, %and3A_1445 : vector<16xi32>
            %bitcast3A_1447 = vector.bitcast %and3A_1446 : vector<16xi32> to vector<16xf32>
            %mul3A_1448 = arith.mulf %gather3A_1433, %bitcast3A_1443 : vector<16xf32>
            %add3A_1449 = arith.addf %add3A_1427, %mul3A_1448 : vector<16xf32>
            %mul3A_1450 = arith.mulf %gather3A_1433, %bitcast3A_1447 : vector<16xf32>
            %add3A_1451 = arith.addf %add3A_1429, %mul3A_1450 : vector<16xf32>
            %add3A_1452 = arith.constant 11 : i32
            %add3A_1453 = vector.broadcast %add3A_1452 : i32 to vector<16xi32>
            %add3A_1454 = arith.addi %broadcast_in_dim3A_510, %add3A_1453 : vector<16xi32>
            %gather3A_1455 = tpu.vector_load_idx %arg18[%add3A_1454] : memref<4096xf32, #tpu.memory_space<vmem>>[vector<16xi32>], vector<16xf32>,
            %add3A_1456 = arith.constant 11 : i32
            %add3A_1457 = arith.addi %add3A_504, %add3A_1456 : i32
            %get3A_1458 = arith.index_cast %add3A_1457 : i32 to index
            %get3A_1459 = arith.constant 0 : index
            %get3A_1460 = tpu.vector_load %arg26[%get3A_1458, %get3A_1459] {strides = array<i32>} : memref<512x32xbf16, #tpu.memory_space<vmem>>, vector<32xbf16>,
            %bitcast3A_1461 = vector.bitcast %get3A_1460 : vector<32xbf16> to vector<16xi32>
            %shift_left3A_1462 = arith.constant 16 : i32
            %shift_left3A_1463 = vector.broadcast %shift_left3A_1462 : i32 to vector<16xi32>
            %shift_left3A_1464 = arith.shli %bitcast3A_1461, %shift_left3A_1463 : vector<16xi32>
            %bitcast3A_1465 = vector.bitcast %shift_left3A_1464 : vector<16xi32> to vector<16xf32>
            %and3A_1466 = arith.constant -65536 : i32
            %and3A_1467 = vector.broadcast %and3A_1466 : i32 to vector<16xi32>
            %and3A_1468 = arith.andi %bitcast3A_1461, %and3A_1467 : vector<16xi32>
            %bitcast3A_1469 = vector.bitcast %and3A_1468 : vector<16xi32> to vector<16xf32>
            %mul3A_1470 = arith.mulf %gather3A_1455, %bitcast3A_1465 : vector<16xf32>
            %add3A_1471 = arith.addf %add3A_1449, %mul3A_1470 : vector<16xf32>
            %mul3A_1472 = arith.mulf %gather3A_1455, %bitcast3A_1469 : vector<16xf32>
            %add3A_1473 = arith.addf %add3A_1451, %mul3A_1472 : vector<16xf32>
            %add3A_1474 = arith.constant 12 : i32
            %add3A_1475 = vector.broadcast %add3A_1474 : i32 to vector<16xi32>
            %add3A_1476 = arith.addi %broadcast_in_dim3A_510, %add3A_1475 : vector<16xi32>
            %gather3A_1477 = tpu.vector_load_idx %arg18[%add3A_1476] : memref<4096xf32, #tpu.memory_space<vmem>>[vector<16xi32>], vector<16xf32>,
            %add3A_1478 = arith.constant 12 : i32
            %add3A_1479 = arith.addi %add3A_504, %add3A_1478 : i32
            %get3A_1480 = arith.index_cast %add3A_1479 : i32 to index
            %get3A_1481 = arith.constant 0 : index
            %get3A_1482 = tpu.vector_load %arg26[%get3A_1480, %get3A_1481] {strides = array<i32>} : memref<512x32xbf16, #tpu.memory_space<vmem>>, vector<32xbf16>,
            %bitcast3A_1483 = vector.bitcast %get3A_1482 : vector<32xbf16> to vector<16xi32>
            %shift_left3A_1484 = arith.constant 16 : i32
            %shift_left3A_1485 = vector.broadcast %shift_left3A_1484 : i32 to vector<16xi32>
            %shift_left3A_1486 = arith.shli %bitcast3A_1483, %shift_left3A_1485 : vector<16xi32>
            %bitcast3A_1487 = vector.bitcast %shift_left3A_1486 : vector<16xi32> to vector<16xf32>
            %and3A_1488 = arith.constant -65536 : i32
            %and3A_1489 = vector.broadcast %and3A_1488 : i32 to vector<16xi32>
            %and3A_1490 = arith.andi %bitcast3A_1483, %and3A_1489 : vector<16xi32>
            %bitcast3A_1491 = vector.bitcast %and3A_1490 : vector<16xi32> to vector<16xf32>
            %mul3A_1492 = arith.mulf %gather3A_1477, %bitcast3A_1487 : vector<16xf32>
            %add3A_1493 = arith.addf %add3A_1471, %mul3A_1492 : vector<16xf32>
            %mul3A_1494 = arith.mulf %gather3A_1477, %bitcast3A_1491 : vector<16xf32>
            %add3A_1495 = arith.addf %add3A_1473, %mul3A_1494 : vector<16xf32>
            %add3A_1496 = arith.constant 13 : i32
            %add3A_1497 = vector.broadcast %add3A_1496 : i32 to vector<16xi32>
            %add3A_1498 = arith.addi %broadcast_in_dim3A_510, %add3A_1497 : vector<16xi32>
            %gather3A_1499 = tpu.vector_load_idx %arg18[%add3A_1498] : memref<4096xf32, #tpu.memory_space<vmem>>[vector<16xi32>], vector<16xf32>,
            %add3A_1500 = arith.constant 13 : i32
            %add3A_1501 = arith.addi %add3A_504, %add3A_1500 : i32
            %get3A_1502 = arith.index_cast %add3A_1501 : i32 to index
            %get3A_1503 = arith.constant 0 : index
            %get3A_1504 = tpu.vector_load %arg26[%get3A_1502, %get3A_1503] {strides = array<i32>} : memref<512x32xbf16, #tpu.memory_space<vmem>>, vector<32xbf16>,
            %bitcast3A_1505 = vector.bitcast %get3A_1504 : vector<32xbf16> to vector<16xi32>
            %shift_left3A_1506 = arith.constant 16 : i32
            %shift_left3A_1507 = vector.broadcast %shift_left3A_1506 : i32 to vector<16xi32>
            %shift_left3A_1508 = arith.shli %bitcast3A_1505, %shift_left3A_1507 : vector<16xi32>
            %bitcast3A_1509 = vector.bitcast %shift_left3A_1508 : vector<16xi32> to vector<16xf32>
            %and3A_1510 = arith.constant -65536 : i32
            %and3A_1511 = vector.broadcast %and3A_1510 : i32 to vector<16xi32>
            %and3A_1512 = arith.andi %bitcast3A_1505, %and3A_1511 : vector<16xi32>
            %bitcast3A_1513 = vector.bitcast %and3A_1512 : vector<16xi32> to vector<16xf32>
            %mul3A_1514 = arith.mulf %gather3A_1499, %bitcast3A_1509 : vector<16xf32>
            %add3A_1515 = arith.addf %add3A_1493, %mul3A_1514 : vector<16xf32>
            %mul3A_1516 = arith.mulf %gather3A_1499, %bitcast3A_1513 : vector<16xf32>
            %add3A_1517 = arith.addf %add3A_1495, %mul3A_1516 : vector<16xf32>
            %add3A_1518 = arith.constant 14 : i32
            %add3A_1519 = vector.broadcast %add3A_1518 : i32 to vector<16xi32>
            %add3A_1520 = arith.addi %broadcast_in_dim3A_510, %add3A_1519 : vector<16xi32>
            %gather3A_1521 = tpu.vector_load_idx %arg18[%add3A_1520] : memref<4096xf32, #tpu.memory_space<vmem>>[vector<16xi32>], vector<16xf32>,
            %add3A_1522 = arith.constant 14 : i32
            %add3A_1523 = arith.addi %add3A_504, %add3A_1522 : i32
            %get3A_1524 = arith.index_cast %add3A_1523 : i32 to index
            %get3A_1525 = arith.constant 0 : index
            %get3A_1526 = tpu.vector_load %arg26[%get3A_1524, %get3A_1525] {strides = array<i32>} : memref<512x32xbf16, #tpu.memory_space<vmem>>, vector<32xbf16>,
            %bitcast3A_1527 = vector.bitcast %get3A_1526 : vector<32xbf16> to vector<16xi32>
            %shift_left3A_1528 = arith.constant 16 : i32
            %shift_left3A_1529 = vector.broadcast %shift_left3A_1528 : i32 to vector<16xi32>
            %shift_left3A_1530 = arith.shli %bitcast3A_1527, %shift_left3A_1529 : vector<16xi32>
            %bitcast3A_1531 = vector.bitcast %shift_left3A_1530 : vector<16xi32> to vector<16xf32>
            %and3A_1532 = arith.constant -65536 : i32
            %and3A_1533 = vector.broadcast %and3A_1532 : i32 to vector<16xi32>
            %and3A_1534 = arith.andi %bitcast3A_1527, %and3A_1533 : vector<16xi32>
            %bitcast3A_1535 = vector.bitcast %and3A_1534 : vector<16xi32> to vector<16xf32>
            %mul3A_1536 = arith.mulf %gather3A_1521, %bitcast3A_1531 : vector<16xf32>
            %add3A_1537 = arith.addf %add3A_1515, %mul3A_1536 : vector<16xf32>
            %mul3A_1538 = arith.mulf %gather3A_1521, %bitcast3A_1535 : vector<16xf32>
            %add3A_1539 = arith.addf %add3A_1517, %mul3A_1538 : vector<16xf32>
            %add3A_1540 = arith.constant 15 : i32
            %add3A_1541 = vector.broadcast %add3A_1540 : i32 to vector<16xi32>
            %add3A_1542 = arith.addi %broadcast_in_dim3A_510, %add3A_1541 : vector<16xi32>
            %gather3A_1543 = tpu.vector_load_idx %arg18[%add3A_1542] : memref<4096xf32, #tpu.memory_space<vmem>>[vector<16xi32>], vector<16xf32>,
            %add3A_1544 = arith.constant 15 : i32
            %add3A_1545 = arith.addi %add3A_504, %add3A_1544 : i32
            %get3A_1546 = arith.index_cast %add3A_1545 : i32 to index
            %get3A_1547 = arith.constant 0 : index
            %get3A_1548 = tpu.vector_load %arg26[%get3A_1546, %get3A_1547] {strides = array<i32>} : memref<512x32xbf16, #tpu.memory_space<vmem>>, vector<32xbf16>,
            %bitcast3A_1549 = vector.bitcast %get3A_1548 : vector<32xbf16> to vector<16xi32>
            %shift_left3A_1550 = arith.constant 16 : i32
            %shift_left3A_1551 = vector.broadcast %shift_left3A_1550 : i32 to vector<16xi32>
            %shift_left3A_1552 = arith.shli %bitcast3A_1549, %shift_left3A_1551 : vector<16xi32>
            %bitcast3A_1553 = vector.bitcast %shift_left3A_1552 : vector<16xi32> to vector<16xf32>
            %and3A_1554 = arith.constant -65536 : i32
            %and3A_1555 = vector.broadcast %and3A_1554 : i32 to vector<16xi32>
            %and3A_1556 = arith.andi %bitcast3A_1549, %and3A_1555 : vector<16xi32>
            %bitcast3A_1557 = vector.bitcast %and3A_1556 : vector<16xi32> to vector<16xf32>
            %mul3A_1558 = arith.mulf %gather3A_1543, %bitcast3A_1553 : vector<16xf32>
            %add3A_1559 = arith.addf %add3A_1537, %mul3A_1558 : vector<16xf32>
            %mul3A_1560 = arith.mulf %gather3A_1543, %bitcast3A_1557 : vector<16xf32>
            %add3A_1561 = arith.addf %add3A_1539, %mul3A_1560 : vector<16xf32>
            %add3A_1562 = arith.constant 0 : i32
            %add3A_1563 = vector.broadcast %add3A_1562 : i32 to vector<16xi32>
            %add3A_1564 = arith.addi %broadcast_in_dim3A_510, %add3A_1563 : vector<16xi32>
            %gather3A_1565 = tpu.vector_load_idx %arg19[%add3A_1564] : memref<4096xf32, #tpu.memory_space<vmem>>[vector<16xi32>], vector<16xf32>,
            %add3A_1566 = arith.constant 0 : i32
            %add3A_1567 = arith.addi %add3A_504, %add3A_1566 : i32
            %get3A_1568 = arith.index_cast %add3A_1567 : i32 to index
            %get3A_1569 = arith.constant 0 : index
            %get3A_1570 = tpu.vector_load %arg27[%get3A_1568, %get3A_1569] {strides = array<i32>} : memref<512x32xbf16, #tpu.memory_space<vmem>>, vector<32xbf16>,
            %bitcast3A_1571 = vector.bitcast %get3A_1570 : vector<32xbf16> to vector<16xi32>
            %shift_left3A_1572 = arith.constant 16 : i32
            %shift_left3A_1573 = vector.broadcast %shift_left3A_1572 : i32 to vector<16xi32>
            %shift_left3A_1574 = arith.shli %bitcast3A_1571, %shift_left3A_1573 : vector<16xi32>
            %bitcast3A_1575 = vector.bitcast %shift_left3A_1574 : vector<16xi32> to vector<16xf32>
            %and3A_1576 = arith.constant -65536 : i32
            %and3A_1577 = vector.broadcast %and3A_1576 : i32 to vector<16xi32>
            %and3A_1578 = arith.andi %bitcast3A_1571, %and3A_1577 : vector<16xi32>
            %bitcast3A_1579 = vector.bitcast %and3A_1578 : vector<16xi32> to vector<16xf32>
            %mul3A_1580 = arith.mulf %gather3A_1565, %bitcast3A_1575 : vector<16xf32>
            %add3A_1581 = arith.addf %broadcast_in_dim3A_491, %mul3A_1580 : vector<16xf32>
            %mul3A_1582 = arith.mulf %gather3A_1565, %bitcast3A_1579 : vector<16xf32>
            %add3A_1583 = arith.addf %broadcast_in_dim3A_499, %mul3A_1582 : vector<16xf32>
            %add3A_1584 = arith.constant 1 : i32
            %add3A_1585 = vector.broadcast %add3A_1584 : i32 to vector<16xi32>
            %add3A_1586 = arith.addi %broadcast_in_dim3A_510, %add3A_1585 : vector<16xi32>
            %gather3A_1587 = tpu.vector_load_idx %arg19[%add3A_1586] : memref<4096xf32, #tpu.memory_space<vmem>>[vector<16xi32>], vector<16xf32>,
            %add3A_1588 = arith.constant 1 : i32
            %add3A_1589 = arith.addi %add3A_504, %add3A_1588 : i32
            %get3A_1590 = arith.index_cast %add3A_1589 : i32 to index
            %get3A_1591 = arith.constant 0 : index
            %get3A_1592 = tpu.vector_load %arg27[%get3A_1590, %get3A_1591] {strides = array<i32>} : memref<512x32xbf16, #tpu.memory_space<vmem>>, vector<32xbf16>,
            %bitcast3A_1593 = vector.bitcast %get3A_1592 : vector<32xbf16> to vector<16xi32>
            %shift_left3A_1594 = arith.constant 16 : i32
            %shift_left3A_1595 = vector.broadcast %shift_left3A_1594 : i32 to vector<16xi32>
            %shift_left3A_1596 = arith.shli %bitcast3A_1593, %shift_left3A_1595 : vector<16xi32>
            %bitcast3A_1597 = vector.bitcast %shift_left3A_1596 : vector<16xi32> to vector<16xf32>
            %and3A_1598 = arith.constant -65536 : i32
            %and3A_1599 = vector.broadcast %and3A_1598 : i32 to vector<16xi32>
            %and3A_1600 = arith.andi %bitcast3A_1593, %and3A_1599 : vector<16xi32>
            %bitcast3A_1601 = vector.bitcast %and3A_1600 : vector<16xi32> to vector<16xf32>
            %mul3A_1602 = arith.mulf %gather3A_1587, %bitcast3A_1597 : vector<16xf32>
            %add3A_1603 = arith.addf %add3A_1581, %mul3A_1602 : vector<16xf32>
            %mul3A_1604 = arith.mulf %gather3A_1587, %bitcast3A_1601 : vector<16xf32>
            %add3A_1605 = arith.addf %add3A_1583, %mul3A_1604 : vector<16xf32>
            %add3A_1606 = arith.constant 2 : i32
            %add3A_1607 = vector.broadcast %add3A_1606 : i32 to vector<16xi32>
            %add3A_1608 = arith.addi %broadcast_in_dim3A_510, %add3A_1607 : vector<16xi32>
            %gather3A_1609 = tpu.vector_load_idx %arg19[%add3A_1608] : memref<4096xf32, #tpu.memory_space<vmem>>[vector<16xi32>], vector<16xf32>,
            %add3A_1610 = arith.constant 2 : i32
            %add3A_1611 = arith.addi %add3A_504, %add3A_1610 : i32
            %get3A_1612 = arith.index_cast %add3A_1611 : i32 to index
            %get3A_1613 = arith.constant 0 : index
            %get3A_1614 = tpu.vector_load %arg27[%get3A_1612, %get3A_1613] {strides = array<i32>} : memref<512x32xbf16, #tpu.memory_space<vmem>>, vector<32xbf16>,
            %bitcast3A_1615 = vector.bitcast %get3A_1614 : vector<32xbf16> to vector<16xi32>
            %shift_left3A_1616 = arith.constant 16 : i32
            %shift_left3A_1617 = vector.broadcast %shift_left3A_1616 : i32 to vector<16xi32>
            %shift_left3A_1618 = arith.shli %bitcast3A_1615, %shift_left3A_1617 : vector<16xi32>
            %bitcast3A_1619 = vector.bitcast %shift_left3A_1618 : vector<16xi32> to vector<16xf32>
            %and3A_1620 = arith.constant -65536 : i32
            %and3A_1621 = vector.broadcast %and3A_1620 : i32 to vector<16xi32>
            %and3A_1622 = arith.andi %bitcast3A_1615, %and3A_1621 : vector<16xi32>
            %bitcast3A_1623 = vector.bitcast %and3A_1622 : vector<16xi32> to vector<16xf32>
            %mul3A_1624 = arith.mulf %gather3A_1609, %bitcast3A_1619 : vector<16xf32>
            %add3A_1625 = arith.addf %add3A_1603, %mul3A_1624 : vector<16xf32>
            %mul3A_1626 = arith.mulf %gather3A_1609, %bitcast3A_1623 : vector<16xf32>
            %add3A_1627 = arith.addf %add3A_1605, %mul3A_1626 : vector<16xf32>
            %add3A_1628 = arith.constant 3 : i32
            %add3A_1629 = vector.broadcast %add3A_1628 : i32 to vector<16xi32>
            %add3A_1630 = arith.addi %broadcast_in_dim3A_510, %add3A_1629 : vector<16xi32>
            %gather3A_1631 = tpu.vector_load_idx %arg19[%add3A_1630] : memref<4096xf32, #tpu.memory_space<vmem>>[vector<16xi32>], vector<16xf32>,
            %add3A_1632 = arith.constant 3 : i32
            %add3A_1633 = arith.addi %add3A_504, %add3A_1632 : i32
            %get3A_1634 = arith.index_cast %add3A_1633 : i32 to index
            %get3A_1635 = arith.constant 0 : index
            %get3A_1636 = tpu.vector_load %arg27[%get3A_1634, %get3A_1635] {strides = array<i32>} : memref<512x32xbf16, #tpu.memory_space<vmem>>, vector<32xbf16>,
            %bitcast3A_1637 = vector.bitcast %get3A_1636 : vector<32xbf16> to vector<16xi32>
            %shift_left3A_1638 = arith.constant 16 : i32
            %shift_left3A_1639 = vector.broadcast %shift_left3A_1638 : i32 to vector<16xi32>
            %shift_left3A_1640 = arith.shli %bitcast3A_1637, %shift_left3A_1639 : vector<16xi32>
            %bitcast3A_1641 = vector.bitcast %shift_left3A_1640 : vector<16xi32> to vector<16xf32>
            %and3A_1642 = arith.constant -65536 : i32
            %and3A_1643 = vector.broadcast %and3A_1642 : i32 to vector<16xi32>
            %and3A_1644 = arith.andi %bitcast3A_1637, %and3A_1643 : vector<16xi32>
            %bitcast3A_1645 = vector.bitcast %and3A_1644 : vector<16xi32> to vector<16xf32>
            %mul3A_1646 = arith.mulf %gather3A_1631, %bitcast3A_1641 : vector<16xf32>
            %add3A_1647 = arith.addf %add3A_1625, %mul3A_1646 : vector<16xf32>
            %mul3A_1648 = arith.mulf %gather3A_1631, %bitcast3A_1645 : vector<16xf32>
            %add3A_1649 = arith.addf %add3A_1627, %mul3A_1648 : vector<16xf32>
            %add3A_1650 = arith.constant 4 : i32
            %add3A_1651 = vector.broadcast %add3A_1650 : i32 to vector<16xi32>
            %add3A_1652 = arith.addi %broadcast_in_dim3A_510, %add3A_1651 : vector<16xi32>
            %gather3A_1653 = tpu.vector_load_idx %arg19[%add3A_1652] : memref<4096xf32, #tpu.memory_space<vmem>>[vector<16xi32>], vector<16xf32>,
            %add3A_1654 = arith.constant 4 : i32
            %add3A_1655 = arith.addi %add3A_504, %add3A_1654 : i32
            %get3A_1656 = arith.index_cast %add3A_1655 : i32 to index
            %get3A_1657 = arith.constant 0 : index
            %get3A_1658 = tpu.vector_load %arg27[%get3A_1656, %get3A_1657] {strides = array<i32>} : memref<512x32xbf16, #tpu.memory_space<vmem>>, vector<32xbf16>,
            %bitcast3A_1659 = vector.bitcast %get3A_1658 : vector<32xbf16> to vector<16xi32>
            %shift_left3A_1660 = arith.constant 16 : i32
            %shift_left3A_1661 = vector.broadcast %shift_left3A_1660 : i32 to vector<16xi32>
            %shift_left3A_1662 = arith.shli %bitcast3A_1659, %shift_left3A_1661 : vector<16xi32>
            %bitcast3A_1663 = vector.bitcast %shift_left3A_1662 : vector<16xi32> to vector<16xf32>
            %and3A_1664 = arith.constant -65536 : i32
            %and3A_1665 = vector.broadcast %and3A_1664 : i32 to vector<16xi32>
            %and3A_1666 = arith.andi %bitcast3A_1659, %and3A_1665 : vector<16xi32>
            %bitcast3A_1667 = vector.bitcast %and3A_1666 : vector<16xi32> to vector<16xf32>
            %mul3A_1668 = arith.mulf %gather3A_1653, %bitcast3A_1663 : vector<16xf32>
            %add3A_1669 = arith.addf %add3A_1647, %mul3A_1668 : vector<16xf32>
            %mul3A_1670 = arith.mulf %gather3A_1653, %bitcast3A_1667 : vector<16xf32>
            %add3A_1671 = arith.addf %add3A_1649, %mul3A_1670 : vector<16xf32>
            %add3A_1672 = arith.constant 5 : i32
            %add3A_1673 = vector.broadcast %add3A_1672 : i32 to vector<16xi32>
            %add3A_1674 = arith.addi %broadcast_in_dim3A_510, %add3A_1673 : vector<16xi32>
            %gather3A_1675 = tpu.vector_load_idx %arg19[%add3A_1674] : memref<4096xf32, #tpu.memory_space<vmem>>[vector<16xi32>], vector<16xf32>,
            %add3A_1676 = arith.constant 5 : i32
            %add3A_1677 = arith.addi %add3A_504, %add3A_1676 : i32
            %get3A_1678 = arith.index_cast %add3A_1677 : i32 to index
            %get3A_1679 = arith.constant 0 : index
            %get3A_1680 = tpu.vector_load %arg27[%get3A_1678, %get3A_1679] {strides = array<i32>} : memref<512x32xbf16, #tpu.memory_space<vmem>>, vector<32xbf16>,
            %bitcast3A_1681 = vector.bitcast %get3A_1680 : vector<32xbf16> to vector<16xi32>
            %shift_left3A_1682 = arith.constant 16 : i32
            %shift_left3A_1683 = vector.broadcast %shift_left3A_1682 : i32 to vector<16xi32>
            %shift_left3A_1684 = arith.shli %bitcast3A_1681, %shift_left3A_1683 : vector<16xi32>
            %bitcast3A_1685 = vector.bitcast %shift_left3A_1684 : vector<16xi32> to vector<16xf32>
            %and3A_1686 = arith.constant -65536 : i32
            %and3A_1687 = vector.broadcast %and3A_1686 : i32 to vector<16xi32>
            %and3A_1688 = arith.andi %bitcast3A_1681, %and3A_1687 : vector<16xi32>
            %bitcast3A_1689 = vector.bitcast %and3A_1688 : vector<16xi32> to vector<16xf32>
            %mul3A_1690 = arith.mulf %gather3A_1675, %bitcast3A_1685 : vector<16xf32>
            %add3A_1691 = arith.addf %add3A_1669, %mul3A_1690 : vector<16xf32>
            %mul3A_1692 = arith.mulf %gather3A_1675, %bitcast3A_1689 : vector<16xf32>
            %add3A_1693 = arith.addf %add3A_1671, %mul3A_1692 : vector<16xf32>
            %add3A_1694 = arith.constant 6 : i32
            %add3A_1695 = vector.broadcast %add3A_1694 : i32 to vector<16xi32>
            %add3A_1696 = arith.addi %broadcast_in_dim3A_510, %add3A_1695 : vector<16xi32>
            %gather3A_1697 = tpu.vector_load_idx %arg19[%add3A_1696] : memref<4096xf32, #tpu.memory_space<vmem>>[vector<16xi32>], vector<16xf32>,
            %add3A_1698 = arith.constant 6 : i32
            %add3A_1699 = arith.addi %add3A_504, %add3A_1698 : i32
            %get3A_1700 = arith.index_cast %add3A_1699 : i32 to index
            %get3A_1701 = arith.constant 0 : index
            %get3A_1702 = tpu.vector_load %arg27[%get3A_1700, %get3A_1701] {strides = array<i32>} : memref<512x32xbf16, #tpu.memory_space<vmem>>, vector<32xbf16>,
            %bitcast3A_1703 = vector.bitcast %get3A_1702 : vector<32xbf16> to vector<16xi32>
            %shift_left3A_1704 = arith.constant 16 : i32
            %shift_left3A_1705 = vector.broadcast %shift_left3A_1704 : i32 to vector<16xi32>
            %shift_left3A_1706 = arith.shli %bitcast3A_1703, %shift_left3A_1705 : vector<16xi32>
            %bitcast3A_1707 = vector.bitcast %shift_left3A_1706 : vector<16xi32> to vector<16xf32>
            %and3A_1708 = arith.constant -65536 : i32
            %and3A_1709 = vector.broadcast %and3A_1708 : i32 to vector<16xi32>
            %and3A_1710 = arith.andi %bitcast3A_1703, %and3A_1709 : vector<16xi32>
            %bitcast3A_1711 = vector.bitcast %and3A_1710 : vector<16xi32> to vector<16xf32>
            %mul3A_1712 = arith.mulf %gather3A_1697, %bitcast3A_1707 : vector<16xf32>
            %add3A_1713 = arith.addf %add3A_1691, %mul3A_1712 : vector<16xf32>
            %mul3A_1714 = arith.mulf %gather3A_1697, %bitcast3A_1711 : vector<16xf32>
            %add3A_1715 = arith.addf %add3A_1693, %mul3A_1714 : vector<16xf32>
            %add3A_1716 = arith.constant 7 : i32
            %add3A_1717 = vector.broadcast %add3A_1716 : i32 to vector<16xi32>
            %add3A_1718 = arith.addi %broadcast_in_dim3A_510, %add3A_1717 : vector<16xi32>
            %gather3A_1719 = tpu.vector_load_idx %arg19[%add3A_1718] : memref<4096xf32, #tpu.memory_space<vmem>>[vector<16xi32>], vector<16xf32>,
            %add3A_1720 = arith.constant 7 : i32
            %add3A_1721 = arith.addi %add3A_504, %add3A_1720 : i32
            %get3A_1722 = arith.index_cast %add3A_1721 : i32 to index
            %get3A_1723 = arith.constant 0 : index
            %get3A_1724 = tpu.vector_load %arg27[%get3A_1722, %get3A_1723] {strides = array<i32>} : memref<512x32xbf16, #tpu.memory_space<vmem>>, vector<32xbf16>,
            %bitcast3A_1725 = vector.bitcast %get3A_1724 : vector<32xbf16> to vector<16xi32>
            %shift_left3A_1726 = arith.constant 16 : i32
            %shift_left3A_1727 = vector.broadcast %shift_left3A_1726 : i32 to vector<16xi32>
            %shift_left3A_1728 = arith.shli %bitcast3A_1725, %shift_left3A_1727 : vector<16xi32>
            %bitcast3A_1729 = vector.bitcast %shift_left3A_1728 : vector<16xi32> to vector<16xf32>
            %and3A_1730 = arith.constant -65536 : i32
            %and3A_1731 = vector.broadcast %and3A_1730 : i32 to vector<16xi32>
            %and3A_1732 = arith.andi %bitcast3A_1725, %and3A_1731 : vector<16xi32>
            %bitcast3A_1733 = vector.bitcast %and3A_1732 : vector<16xi32> to vector<16xf32>
            %mul3A_1734 = arith.mulf %gather3A_1719, %bitcast3A_1729 : vector<16xf32>
            %add3A_1735 = arith.addf %add3A_1713, %mul3A_1734 : vector<16xf32>
            %mul3A_1736 = arith.mulf %gather3A_1719, %bitcast3A_1733 : vector<16xf32>
            %add3A_1737 = arith.addf %add3A_1715, %mul3A_1736 : vector<16xf32>
            %add3A_1738 = arith.constant 8 : i32
            %add3A_1739 = vector.broadcast %add3A_1738 : i32 to vector<16xi32>
            %add3A_1740 = arith.addi %broadcast_in_dim3A_510, %add3A_1739 : vector<16xi32>
            %gather3A_1741 = tpu.vector_load_idx %arg19[%add3A_1740] : memref<4096xf32, #tpu.memory_space<vmem>>[vector<16xi32>], vector<16xf32>,
            %add3A_1742 = arith.constant 8 : i32
            %add3A_1743 = arith.addi %add3A_504, %add3A_1742 : i32
            %get3A_1744 = arith.index_cast %add3A_1743 : i32 to index
            %get3A_1745 = arith.constant 0 : index
            %get3A_1746 = tpu.vector_load %arg27[%get3A_1744, %get3A_1745] {strides = array<i32>} : memref<512x32xbf16, #tpu.memory_space<vmem>>, vector<32xbf16>,
            %bitcast3A_1747 = vector.bitcast %get3A_1746 : vector<32xbf16> to vector<16xi32>
            %shift_left3A_1748 = arith.constant 16 : i32
            %shift_left3A_1749 = vector.broadcast %shift_left3A_1748 : i32 to vector<16xi32>
            %shift_left3A_1750 = arith.shli %bitcast3A_1747, %shift_left3A_1749 : vector<16xi32>
            %bitcast3A_1751 = vector.bitcast %shift_left3A_1750 : vector<16xi32> to vector<16xf32>
            %and3A_1752 = arith.constant -65536 : i32
            %and3A_1753 = vector.broadcast %and3A_1752 : i32 to vector<16xi32>
            %and3A_1754 = arith.andi %bitcast3A_1747, %and3A_1753 : vector<16xi32>
            %bitcast3A_1755 = vector.bitcast %and3A_1754 : vector<16xi32> to vector<16xf32>
            %mul3A_1756 = arith.mulf %gather3A_1741, %bitcast3A_1751 : vector<16xf32>
            %add3A_1757 = arith.addf %add3A_1735, %mul3A_1756 : vector<16xf32>
            %mul3A_1758 = arith.mulf %gather3A_1741, %bitcast3A_1755 : vector<16xf32>
            %add3A_1759 = arith.addf %add3A_1737, %mul3A_1758 : vector<16xf32>
            %add3A_1760 = arith.constant 9 : i32
            %add3A_1761 = vector.broadcast %add3A_1760 : i32 to vector<16xi32>
            %add3A_1762 = arith.addi %broadcast_in_dim3A_510, %add3A_1761 : vector<16xi32>
            %gather3A_1763 = tpu.vector_load_idx %arg19[%add3A_1762] : memref<4096xf32, #tpu.memory_space<vmem>>[vector<16xi32>], vector<16xf32>,
            %add3A_1764 = arith.constant 9 : i32
            %add3A_1765 = arith.addi %add3A_504, %add3A_1764 : i32
            %get3A_1766 = arith.index_cast %add3A_1765 : i32 to index
            %get3A_1767 = arith.constant 0 : index
            %get3A_1768 = tpu.vector_load %arg27[%get3A_1766, %get3A_1767] {strides = array<i32>} : memref<512x32xbf16, #tpu.memory_space<vmem>>, vector<32xbf16>,
            %bitcast3A_1769 = vector.bitcast %get3A_1768 : vector<32xbf16> to vector<16xi32>
            %shift_left3A_1770 = arith.constant 16 : i32
            %shift_left3A_1771 = vector.broadcast %shift_left3A_1770 : i32 to vector<16xi32>
            %shift_left3A_1772 = arith.shli %bitcast3A_1769, %shift_left3A_1771 : vector<16xi32>
            %bitcast3A_1773 = vector.bitcast %shift_left3A_1772 : vector<16xi32> to vector<16xf32>
            %and3A_1774 = arith.constant -65536 : i32
            %and3A_1775 = vector.broadcast %and3A_1774 : i32 to vector<16xi32>
            %and3A_1776 = arith.andi %bitcast3A_1769, %and3A_1775 : vector<16xi32>
            %bitcast3A_1777 = vector.bitcast %and3A_1776 : vector<16xi32> to vector<16xf32>
            %mul3A_1778 = arith.mulf %gather3A_1763, %bitcast3A_1773 : vector<16xf32>
            %add3A_1779 = arith.addf %add3A_1757, %mul3A_1778 : vector<16xf32>
            %mul3A_1780 = arith.mulf %gather3A_1763, %bitcast3A_1777 : vector<16xf32>
            %add3A_1781 = arith.addf %add3A_1759, %mul3A_1780 : vector<16xf32>
            %add3A_1782 = arith.constant 10 : i32
            %add3A_1783 = vector.broadcast %add3A_1782 : i32 to vector<16xi32>
            %add3A_1784 = arith.addi %broadcast_in_dim3A_510, %add3A_1783 : vector<16xi32>
            %gather3A_1785 = tpu.vector_load_idx %arg19[%add3A_1784] : memref<4096xf32, #tpu.memory_space<vmem>>[vector<16xi32>], vector<16xf32>,
            %add3A_1786 = arith.constant 10 : i32
            %add3A_1787 = arith.addi %add3A_504, %add3A_1786 : i32
            %get3A_1788 = arith.index_cast %add3A_1787 : i32 to index
            %get3A_1789 = arith.constant 0 : index
            %get3A_1790 = tpu.vector_load %arg27[%get3A_1788, %get3A_1789] {strides = array<i32>} : memref<512x32xbf16, #tpu.memory_space<vmem>>, vector<32xbf16>,
            %bitcast3A_1791 = vector.bitcast %get3A_1790 : vector<32xbf16> to vector<16xi32>
            %shift_left3A_1792 = arith.constant 16 : i32
            %shift_left3A_1793 = vector.broadcast %shift_left3A_1792 : i32 to vector<16xi32>
            %shift_left3A_1794 = arith.shli %bitcast3A_1791, %shift_left3A_1793 : vector<16xi32>
            %bitcast3A_1795 = vector.bitcast %shift_left3A_1794 : vector<16xi32> to vector<16xf32>
            %and3A_1796 = arith.constant -65536 : i32
            %and3A_1797 = vector.broadcast %and3A_1796 : i32 to vector<16xi32>
            %and3A_1798 = arith.andi %bitcast3A_1791, %and3A_1797 : vector<16xi32>
            %bitcast3A_1799 = vector.bitcast %and3A_1798 : vector<16xi32> to vector<16xf32>
            %mul3A_1800 = arith.mulf %gather3A_1785, %bitcast3A_1795 : vector<16xf32>
            %add3A_1801 = arith.addf %add3A_1779, %mul3A_1800 : vector<16xf32>
            %mul3A_1802 = arith.mulf %gather3A_1785, %bitcast3A_1799 : vector<16xf32>
            %add3A_1803 = arith.addf %add3A_1781, %mul3A_1802 : vector<16xf32>
            %add3A_1804 = arith.constant 11 : i32
            %add3A_1805 = vector.broadcast %add3A_1804 : i32 to vector<16xi32>
            %add3A_1806 = arith.addi %broadcast_in_dim3A_510, %add3A_1805 : vector<16xi32>
            %gather3A_1807 = tpu.vector_load_idx %arg19[%add3A_1806] : memref<4096xf32, #tpu.memory_space<vmem>>[vector<16xi32>], vector<16xf32>,
            %add3A_1808 = arith.constant 11 : i32
            %add3A_1809 = arith.addi %add3A_504, %add3A_1808 : i32
            %get3A_1810 = arith.index_cast %add3A_1809 : i32 to index
            %get3A_1811 = arith.constant 0 : index
            %get3A_1812 = tpu.vector_load %arg27[%get3A_1810, %get3A_1811] {strides = array<i32>} : memref<512x32xbf16, #tpu.memory_space<vmem>>, vector<32xbf16>,
            %bitcast3A_1813 = vector.bitcast %get3A_1812 : vector<32xbf16> to vector<16xi32>
            %shift_left3A_1814 = arith.constant 16 : i32
            %shift_left3A_1815 = vector.broadcast %shift_left3A_1814 : i32 to vector<16xi32>
            %shift_left3A_1816 = arith.shli %bitcast3A_1813, %shift_left3A_1815 : vector<16xi32>
            %bitcast3A_1817 = vector.bitcast %shift_left3A_1816 : vector<16xi32> to vector<16xf32>
            %and3A_1818 = arith.constant -65536 : i32
            %and3A_1819 = vector.broadcast %and3A_1818 : i32 to vector<16xi32>
            %and3A_1820 = arith.andi %bitcast3A_1813, %and3A_1819 : vector<16xi32>
            %bitcast3A_1821 = vector.bitcast %and3A_1820 : vector<16xi32> to vector<16xf32>
            %mul3A_1822 = arith.mulf %gather3A_1807, %bitcast3A_1817 : vector<16xf32>
            %add3A_1823 = arith.addf %add3A_1801, %mul3A_1822 : vector<16xf32>
            %mul3A_1824 = arith.mulf %gather3A_1807, %bitcast3A_1821 : vector<16xf32>
            %add3A_1825 = arith.addf %add3A_1803, %mul3A_1824 : vector<16xf32>
            %add3A_1826 = arith.constant 12 : i32
            %add3A_1827 = vector.broadcast %add3A_1826 : i32 to vector<16xi32>
            %add3A_1828 = arith.addi %broadcast_in_dim3A_510, %add3A_1827 : vector<16xi32>
            %gather3A_1829 = tpu.vector_load_idx %arg19[%add3A_1828] : memref<4096xf32, #tpu.memory_space<vmem>>[vector<16xi32>], vector<16xf32>,
            %add3A_1830 = arith.constant 12 : i32
            %add3A_1831 = arith.addi %add3A_504, %add3A_1830 : i32
            %get3A_1832 = arith.index_cast %add3A_1831 : i32 to index
            %get3A_1833 = arith.constant 0 : index
            %get3A_1834 = tpu.vector_load %arg27[%get3A_1832, %get3A_1833] {strides = array<i32>} : memref<512x32xbf16, #tpu.memory_space<vmem>>, vector<32xbf16>,
            %bitcast3A_1835 = vector.bitcast %get3A_1834 : vector<32xbf16> to vector<16xi32>
            %shift_left3A_1836 = arith.constant 16 : i32
            %shift_left3A_1837 = vector.broadcast %shift_left3A_1836 : i32 to vector<16xi32>
            %shift_left3A_1838 = arith.shli %bitcast3A_1835, %shift_left3A_1837 : vector<16xi32>
            %bitcast3A_1839 = vector.bitcast %shift_left3A_1838 : vector<16xi32> to vector<16xf32>
            %and3A_1840 = arith.constant -65536 : i32
            %and3A_1841 = vector.broadcast %and3A_1840 : i32 to vector<16xi32>
            %and3A_1842 = arith.andi %bitcast3A_1835, %and3A_1841 : vector<16xi32>
            %bitcast3A_1843 = vector.bitcast %and3A_1842 : vector<16xi32> to vector<16xf32>
            %mul3A_1844 = arith.mulf %gather3A_1829, %bitcast3A_1839 : vector<16xf32>
            %add3A_1845 = arith.addf %add3A_1823, %mul3A_1844 : vector<16xf32>
            %mul3A_1846 = arith.mulf %gather3A_1829, %bitcast3A_1843 : vector<16xf32>
            %add3A_1847 = arith.addf %add3A_1825, %mul3A_1846 : vector<16xf32>
            %add3A_1848 = arith.constant 13 : i32
            %add3A_1849 = vector.broadcast %add3A_1848 : i32 to vector<16xi32>
            %add3A_1850 = arith.addi %broadcast_in_dim3A_510, %add3A_1849 : vector<16xi32>
            %gather3A_1851 = tpu.vector_load_idx %arg19[%add3A_1850] : memref<4096xf32, #tpu.memory_space<vmem>>[vector<16xi32>], vector<16xf32>,
            %add3A_1852 = arith.constant 13 : i32
            %add3A_1853 = arith.addi %add3A_504, %add3A_1852 : i32
            %get3A_1854 = arith.index_cast %add3A_1853 : i32 to index
            %get3A_1855 = arith.constant 0 : index
            %get3A_1856 = tpu.vector_load %arg27[%get3A_1854, %get3A_1855] {strides = array<i32>} : memref<512x32xbf16, #tpu.memory_space<vmem>>, vector<32xbf16>,
            %bitcast3A_1857 = vector.bitcast %get3A_1856 : vector<32xbf16> to vector<16xi32>
            %shift_left3A_1858 = arith.constant 16 : i32
            %shift_left3A_1859 = vector.broadcast %shift_left3A_1858 : i32 to vector<16xi32>
            %shift_left3A_1860 = arith.shli %bitcast3A_1857, %shift_left3A_1859 : vector<16xi32>
            %bitcast3A_1861 = vector.bitcast %shift_left3A_1860 : vector<16xi32> to vector<16xf32>
            %and3A_1862 = arith.constant -65536 : i32
            %and3A_1863 = vector.broadcast %and3A_1862 : i32 to vector<16xi32>
            %and3A_1864 = arith.andi %bitcast3A_1857, %and3A_1863 : vector<16xi32>
            %bitcast3A_1865 = vector.bitcast %and3A_1864 : vector<16xi32> to vector<16xf32>
            %mul3A_1866 = arith.mulf %gather3A_1851, %bitcast3A_1861 : vector<16xf32>
            %add3A_1867 = arith.addf %add3A_1845, %mul3A_1866 : vector<16xf32>
            %mul3A_1868 = arith.mulf %gather3A_1851, %bitcast3A_1865 : vector<16xf32>
            %add3A_1869 = arith.addf %add3A_1847, %mul3A_1868 : vector<16xf32>
            %add3A_1870 = arith.constant 14 : i32
            %add3A_1871 = vector.broadcast %add3A_1870 : i32 to vector<16xi32>
            %add3A_1872 = arith.addi %broadcast_in_dim3A_510, %add3A_1871 : vector<16xi32>
            %gather3A_1873 = tpu.vector_load_idx %arg19[%add3A_1872] : memref<4096xf32, #tpu.memory_space<vmem>>[vector<16xi32>], vector<16xf32>,
            %add3A_1874 = arith.constant 14 : i32
            %add3A_1875 = arith.addi %add3A_504, %add3A_1874 : i32
            %get3A_1876 = arith.index_cast %add3A_1875 : i32 to index
            %get3A_1877 = arith.constant 0 : index
            %get3A_1878 = tpu.vector_load %arg27[%get3A_1876, %get3A_1877] {strides = array<i32>} : memref<512x32xbf16, #tpu.memory_space<vmem>>, vector<32xbf16>,
            %bitcast3A_1879 = vector.bitcast %get3A_1878 : vector<32xbf16> to vector<16xi32>
            %shift_left3A_1880 = arith.constant 16 : i32
            %shift_left3A_1881 = vector.broadcast %shift_left3A_1880 : i32 to vector<16xi32>
            %shift_left3A_1882 = arith.shli %bitcast3A_1879, %shift_left3A_1881 : vector<16xi32>
            %bitcast3A_1883 = vector.bitcast %shift_left3A_1882 : vector<16xi32> to vector<16xf32>
            %and3A_1884 = arith.constant -65536 : i32
            %and3A_1885 = vector.broadcast %and3A_1884 : i32 to vector<16xi32>
            %and3A_1886 = arith.andi %bitcast3A_1879, %and3A_1885 : vector<16xi32>
            %bitcast3A_1887 = vector.bitcast %and3A_1886 : vector<16xi32> to vector<16xf32>
            %mul3A_1888 = arith.mulf %gather3A_1873, %bitcast3A_1883 : vector<16xf32>
            %add3A_1889 = arith.addf %add3A_1867, %mul3A_1888 : vector<16xf32>
            %mul3A_1890 = arith.mulf %gather3A_1873, %bitcast3A_1887 : vector<16xf32>
            %add3A_1891 = arith.addf %add3A_1869, %mul3A_1890 : vector<16xf32>
            %add3A_1892 = arith.constant 15 : i32
            %add3A_1893 = vector.broadcast %add3A_1892 : i32 to vector<16xi32>
            %add3A_1894 = arith.addi %broadcast_in_dim3A_510, %add3A_1893 : vector<16xi32>
            %gather3A_1895 = tpu.vector_load_idx %arg19[%add3A_1894] : memref<4096xf32, #tpu.memory_space<vmem>>[vector<16xi32>], vector<16xf32>,
            %add3A_1896 = arith.constant 15 : i32
            %add3A_1897 = arith.addi %add3A_504, %add3A_1896 : i32
            %get3A_1898 = arith.index_cast %add3A_1897 : i32 to index
            %get3A_1899 = arith.constant 0 : index
            %get3A_1900 = tpu.vector_load %arg27[%get3A_1898, %get3A_1899] {strides = array<i32>} : memref<512x32xbf16, #tpu.memory_space<vmem>>, vector<32xbf16>,
            %bitcast3A_1901 = vector.bitcast %get3A_1900 : vector<32xbf16> to vector<16xi32>
            %shift_left3A_1902 = arith.constant 16 : i32
            %shift_left3A_1903 = vector.broadcast %shift_left3A_1902 : i32 to vector<16xi32>
            %shift_left3A_1904 = arith.shli %bitcast3A_1901, %shift_left3A_1903 : vector<16xi32>
            %bitcast3A_1905 = vector.bitcast %shift_left3A_1904 : vector<16xi32> to vector<16xf32>
            %and3A_1906 = arith.constant -65536 : i32
            %and3A_1907 = vector.broadcast %and3A_1906 : i32 to vector<16xi32>
            %and3A_1908 = arith.andi %bitcast3A_1901, %and3A_1907 : vector<16xi32>
            %bitcast3A_1909 = vector.bitcast %and3A_1908 : vector<16xi32> to vector<16xf32>
            %mul3A_1910 = arith.mulf %gather3A_1895, %bitcast3A_1905 : vector<16xf32>
            %add3A_1911 = arith.addf %add3A_1889, %mul3A_1910 : vector<16xf32>
            %mul3A_1912 = arith.mulf %gather3A_1895, %bitcast3A_1909 : vector<16xf32>
            %add3A_1913 = arith.addf %add3A_1891, %mul3A_1912 : vector<16xf32>
            %add3A_1914 = arith.addf %add3A_855, %add3A_1207 : vector<16xf32>
            %add3A_1915 = arith.addf %add3A_1559, %add3A_1911 : vector<16xf32>
            %add3A_1916 = arith.addf %add3A_1914, %add3A_1915 : vector<16xf32>
            %mul3A_1917 = arith.constant 32 : i32
            %mul3A_1918 = arith.muli %scan3A_483, %mul3A_1917 : i32
            %swap3A = arith.index_cast %add3A_474 : i32 to index
            %swap3A_1919 = arith.index_cast %mul3A_1918 : i32 to index
            %swap3A_1920 = tpu.vector_load %arg28[%swap3A, %swap3A_1919] {strides = array<i32>} : memref<32x256xf32, #tpu.memory_space<vmem>>, vector<16xf32>,
            tpu.vector_store %arg28[%swap3A, %swap3A_1919], %add3A_1916 {strides = array<i32>} : memref<32x256xf32, #tpu.memory_space<vmem>>, vector<16xf32>,
            %add3A_1921 = arith.addf %add3A_857, %add3A_1209 : vector<16xf32>
            %add3A_1922 = arith.addf %add3A_1561, %add3A_1913 : vector<16xf32>
            %add3A_1923 = arith.addf %add3A_1921, %add3A_1922 : vector<16xf32>
            %mul3A_1924 = arith.constant 32 : i32
            %mul3A_1925 = arith.muli %scan3A_483, %mul3A_1924 : i32
            %add3A_1926 = arith.constant 16 : i32
            %add3A_1927 = arith.addi %mul3A_1925, %add3A_1926 : i32
            %swap3A_1928 = arith.index_cast %add3A_474 : i32 to index
            %swap3A_1929 = arith.index_cast %add3A_1927 : i32 to index
            %swap3A_1930 = tpu.vector_load %arg28[%swap3A_1928, %swap3A_1929] {strides = array<i32>} : memref<32x256xf32, #tpu.memory_space<vmem>>, vector<16xf32>,
            tpu.vector_store %arg28[%swap3A_1928, %swap3A_1929], %add3A_1923 {strides = array<i32>} : memref<32x256xf32, #tpu.memory_space<vmem>>, vector<16xf32>,
            %scan3A_1931 = arith.constant 0 : i32
            scf.yield %scan3A_1931 : i32
          }
          %scan3A_481 = arith.constant 8 : i32
          %scan3A_482 = arith.constant 0 : i32
          scf.yield %scan3A_482 : i32
        }
        %scan3A_464 = arith.constant 4 : i32
        %lt3A_465 = arith.constant 3 : i32
        %lt3A_466 = arith.cmpi slt, %scan3A_392, %lt3A_465 : i32
        %convert_element_type3A_467 = arith.extui %lt3A_466 : i1 to i32
        %cond3A_468 = arith.constant 0 : i32
        %cond3A_469 = arith.cmpi ne, %convert_element_type3A_467, %cond3A_468 : i32
        scf.if %cond3A_469 {
          %add3A_470 = arith.constant 2 : i32
          %add3A_471 = arith.addi %add3A_433, %add3A_470 : i32
          %mul3A_472 = arith.constant 4 : i32
          %mul3A_473 = arith.muli %add3A_471, %mul3A_472 : i32
          %add3A_474 = arith.constant 0 : i32
          %add3A_475 = arith.addi %mul3A_473, %add3A_474 : i32
          %dma_start3A_476 = arith.constant 0 : i32
          %dma_start3A_477 = arith.constant 0 : i32
          %dma_start3A_478 = tpu.memref_slice %arg24[%dma_start3A_476, %dma_start3A_477] : memref<512x32xbf16, #tpu.memory_space<vmem>> -> memref<128x32xbf16, #tpu.memory_space<vmem>>
          %dma_start3A_479 = arith.constant 0 : i32
          %dma_start3A_480 = tpu.memref_slice %arg12[%add3A_475, %dma_start3A_479] : memref<32x128xi32, #tpu.memory_space<vmem>> -> memref<1x128xi32, #tpu.memory_space<vmem>>
          %dma_start3A_481 = tpu.memref_squeeze %dma_start3A_480 : memref<1x128xi32, #tpu.memory_space<vmem>> -> memref<128xi32, #tpu.memory_space<vmem>>
          %dma_start3A_482 = arith.constant 0 : i32
          %dma_start3A_483 = arith.constant 0 : i32
          %dma_start3A_484 = tpu.memref_slice %arg2[%dma_start3A_482, %dma_start3A_483] : memref<174080x32xbf16, #tpu.memory_space<hbm>> -> memref<174080x32xbf16, #tpu.memory_space<hbm>>
          tpu.enqueue_indirect_dma source(%dma_start3A_484 : memref<174080x32xbf16, #tpu.memory_space<hbm>>) target(%dma_start3A_478 : memref<128x32xbf16, #tpu.memory_space<vmem>>) offsets(%dma_start3A_481 : memref<128xi32, #tpu.memory_space<vmem>>) semaphore(%arg31 : memref<!tpu.dma_semaphore, #tpu.memory_space<semaphore_mem>>)
          %mul3A_485 = arith.constant 4 : i32
          %mul3A_486 = arith.muli %add3A_471, %mul3A_485 : i32
          %add3A_487 = arith.constant 1 : i32
          %add3A_488 = arith.addi %mul3A_486, %add3A_487 : i32
          %dma_start3A_489 = arith.constant 128 : i32
          %dma_start3A_490 = arith.constant 0 : i32
          %dma_start3A_491 = tpu.memref_slice %arg24[%dma_start3A_489, %dma_start3A_490] : memref<512x32xbf16, #tpu.memory_space<vmem>> -> memref<128x32xbf16, #tpu.memory_space<vmem>>
          %dma_start3A_492 = arith.constant 0 : i32
          %dma_start3A_493 = tpu.memref_slice %arg12[%add3A_488, %dma_start3A_492] : memref<32x128xi32, #tpu.memory_space<vmem>> -> memref<1x128xi32, #tpu.memory_space<vmem>>
          %dma_start3A_494 = tpu.memref_squeeze %dma_start3A_493 : memref<1x128xi32, #tpu.memory_space<vmem>> -> memref<128xi32, #tpu.memory_space<vmem>>
          %dma_start3A_495 = arith.constant 0 : i32
          %dma_start3A_496 = arith.constant 0 : i32
          %dma_start3A_497 = tpu.memref_slice %arg2[%dma_start3A_495, %dma_start3A_496] : memref<174080x32xbf16, #tpu.memory_space<hbm>> -> memref<174080x32xbf16, #tpu.memory_space<hbm>>
          tpu.enqueue_indirect_dma source(%dma_start3A_497 : memref<174080x32xbf16, #tpu.memory_space<hbm>>) target(%dma_start3A_491 : memref<128x32xbf16, #tpu.memory_space<vmem>>) offsets(%dma_start3A_494 : memref<128xi32, #tpu.memory_space<vmem>>) semaphore(%arg31 : memref<!tpu.dma_semaphore, #tpu.memory_space<semaphore_mem>>)
          %mul3A_498 = arith.constant 4 : i32
          %mul3A_499 = arith.muli %add3A_471, %mul3A_498 : i32
          %add3A_500 = arith.constant 2 : i32
          %add3A_501 = arith.addi %mul3A_499, %add3A_500 : i32
          %dma_start3A_502 = arith.constant 256 : i32
          %dma_start3A_503 = arith.constant 0 : i32
          %dma_start3A_504 = tpu.memref_slice %arg24[%dma_start3A_502, %dma_start3A_503] : memref<512x32xbf16, #tpu.memory_space<vmem>> -> memref<128x32xbf16, #tpu.memory_space<vmem>>
          %dma_start3A_505 = arith.constant 0 : i32
          %dma_start3A_506 = tpu.memref_slice %arg12[%add3A_501, %dma_start3A_505] : memref<32x128xi32, #tpu.memory_space<vmem>> -> memref<1x128xi32, #tpu.memory_space<vmem>>
          %dma_start3A_507 = tpu.memref_squeeze %dma_start3A_506 : memref<1x128xi32, #tpu.memory_space<vmem>> -> memref<128xi32, #tpu.memory_space<vmem>>
          %dma_start3A_508 = arith.constant 0 : i32
          %dma_start3A_509 = arith.constant 0 : i32
          %dma_start3A_510 = tpu.memref_slice %arg2[%dma_start3A_508, %dma_start3A_509] : memref<174080x32xbf16, #tpu.memory_space<hbm>> -> memref<174080x32xbf16, #tpu.memory_space<hbm>>
          tpu.enqueue_indirect_dma source(%dma_start3A_510 : memref<174080x32xbf16, #tpu.memory_space<hbm>>) target(%dma_start3A_504 : memref<128x32xbf16, #tpu.memory_space<vmem>>) offsets(%dma_start3A_507 : memref<128xi32, #tpu.memory_space<vmem>>) semaphore(%arg31 : memref<!tpu.dma_semaphore, #tpu.memory_space<semaphore_mem>>)
          %mul3A_511 = arith.constant 4 : i32
          %mul3A_512 = arith.muli %add3A_471, %mul3A_511 : i32
          %add3A_513 = arith.constant 3 : i32
          %add3A_514 = arith.addi %mul3A_512, %add3A_513 : i32
          %dma_start3A_515 = arith.constant 384 : i32
          %dma_start3A_516 = arith.constant 0 : i32
          %dma_start3A_517 = tpu.memref_slice %arg24[%dma_start3A_515, %dma_start3A_516] : memref<512x32xbf16, #tpu.memory_space<vmem>> -> memref<128x32xbf16, #tpu.memory_space<vmem>>
          %dma_start3A_518 = arith.constant 0 : i32
          %dma_start3A_519 = tpu.memref_slice %arg12[%add3A_514, %dma_start3A_518] : memref<32x128xi32, #tpu.memory_space<vmem>> -> memref<1x128xi32, #tpu.memory_space<vmem>>
          %dma_start3A_520 = tpu.memref_squeeze %dma_start3A_519 : memref<1x128xi32, #tpu.memory_space<vmem>> -> memref<128xi32, #tpu.memory_space<vmem>>
          %dma_start3A_521 = arith.constant 0 : i32
          %dma_start3A_522 = arith.constant 0 : i32
          %dma_start3A_523 = tpu.memref_slice %arg2[%dma_start3A_521, %dma_start3A_522] : memref<174080x32xbf16, #tpu.memory_space<hbm>> -> memref<174080x32xbf16, #tpu.memory_space<hbm>>
          tpu.enqueue_indirect_dma source(%dma_start3A_523 : memref<174080x32xbf16, #tpu.memory_space<hbm>>) target(%dma_start3A_517 : memref<128x32xbf16, #tpu.memory_space<vmem>>) offsets(%dma_start3A_520 : memref<128xi32, #tpu.memory_space<vmem>>) semaphore(%arg31 : memref<!tpu.dma_semaphore, #tpu.memory_space<semaphore_mem>>)
          %mul3A_524 = arith.constant 4 : i32
          %mul3A_525 = arith.muli %add3A_471, %mul3A_524 : i32
          %add3A_526 = arith.constant 0 : i32
          %add3A_527 = arith.addi %mul3A_525, %add3A_526 : i32
          %dma_start3A_528 = arith.constant 0 : i32
          %dma_start3A_529 = arith.constant 0 : i32
          %dma_start3A_530 = tpu.memref_slice %arg25[%dma_start3A_528, %dma_start3A_529] : memref<512x32xbf16, #tpu.memory_space<vmem>> -> memref<128x32xbf16, #tpu.memory_space<vmem>>
          %dma_start3A_531 = arith.constant 0 : i32
          %dma_start3A_532 = tpu.memref_slice %arg13[%add3A_527, %dma_start3A_531] : memref<32x128xi32, #tpu.memory_space<vmem>> -> memref<1x128xi32, #tpu.memory_space<vmem>>
          %dma_start3A_533 = tpu.memref_squeeze %dma_start3A_532 : memref<1x128xi32, #tpu.memory_space<vmem>> -> memref<128xi32, #tpu.memory_space<vmem>>
          %dma_start3A_534 = arith.constant 0 : i32
          %dma_start3A_535 = arith.constant 0 : i32
          %dma_start3A_536 = tpu.memref_slice %arg2[%dma_start3A_534, %dma_start3A_535] : memref<174080x32xbf16, #tpu.memory_space<hbm>> -> memref<174080x32xbf16, #tpu.memory_space<hbm>>
          tpu.enqueue_indirect_dma source(%dma_start3A_536 : memref<174080x32xbf16, #tpu.memory_space<hbm>>) target(%dma_start3A_530 : memref<128x32xbf16, #tpu.memory_space<vmem>>) offsets(%dma_start3A_533 : memref<128xi32, #tpu.memory_space<vmem>>) semaphore(%arg31 : memref<!tpu.dma_semaphore, #tpu.memory_space<semaphore_mem>>)
          %mul3A_537 = arith.constant 4 : i32
          %mul3A_538 = arith.muli %add3A_471, %mul3A_537 : i32
          %add3A_539 = arith.constant 1 : i32
          %add3A_540 = arith.addi %mul3A_538, %add3A_539 : i32
          %dma_start3A_541 = arith.constant 128 : i32
          %dma_start3A_542 = arith.constant 0 : i32
          %dma_start3A_543 = tpu.memref_slice %arg25[%dma_start3A_541, %dma_start3A_542] : memref<512x32xbf16, #tpu.memory_space<vmem>> -> memref<128x32xbf16, #tpu.memory_space<vmem>>
          %dma_start3A_544 = arith.constant 0 : i32
          %dma_start3A_545 = tpu.memref_slice %arg13[%add3A_540, %dma_start3A_544] : memref<32x128xi32, #tpu.memory_space<vmem>> -> memref<1x128xi32, #tpu.memory_space<vmem>>
          %dma_start3A_546 = tpu.memref_squeeze %dma_start3A_545 : memref<1x128xi32, #tpu.memory_space<vmem>> -> memref<128xi32, #tpu.memory_space<vmem>>
          %dma_start3A_547 = arith.constant 0 : i32
          %dma_start3A_548 = arith.constant 0 : i32
          %dma_start3A_549 = tpu.memref_slice %arg2[%dma_start3A_547, %dma_start3A_548] : memref<174080x32xbf16, #tpu.memory_space<hbm>> -> memref<174080x32xbf16, #tpu.memory_space<hbm>>
          tpu.enqueue_indirect_dma source(%dma_start3A_549 : memref<174080x32xbf16, #tpu.memory_space<hbm>>) target(%dma_start3A_543 : memref<128x32xbf16, #tpu.memory_space<vmem>>) offsets(%dma_start3A_546 : memref<128xi32, #tpu.memory_space<vmem>>) semaphore(%arg31 : memref<!tpu.dma_semaphore, #tpu.memory_space<semaphore_mem>>)
          %mul3A_550 = arith.constant 4 : i32
          %mul3A_551 = arith.muli %add3A_471, %mul3A_550 : i32
          %add3A_552 = arith.constant 2 : i32
          %add3A_553 = arith.addi %mul3A_551, %add3A_552 : i32
          %dma_start3A_554 = arith.constant 256 : i32
          %dma_start3A_555 = arith.constant 0 : i32
          %dma_start3A_556 = tpu.memref_slice %arg25[%dma_start3A_554, %dma_start3A_555] : memref<512x32xbf16, #tpu.memory_space<vmem>> -> memref<128x32xbf16, #tpu.memory_space<vmem>>
          %dma_start3A_557 = arith.constant 0 : i32
          %dma_start3A_558 = tpu.memref_slice %arg13[%add3A_553, %dma_start3A_557] : memref<32x128xi32, #tpu.memory_space<vmem>> -> memref<1x128xi32, #tpu.memory_space<vmem>>
          %dma_start3A_559 = tpu.memref_squeeze %dma_start3A_558 : memref<1x128xi32, #tpu.memory_space<vmem>> -> memref<128xi32, #tpu.memory_space<vmem>>
          %dma_start3A_560 = arith.constant 0 : i32
          %dma_start3A_561 = arith.constant 0 : i32
          %dma_start3A_562 = tpu.memref_slice %arg2[%dma_start3A_560, %dma_start3A_561] : memref<174080x32xbf16, #tpu.memory_space<hbm>> -> memref<174080x32xbf16, #tpu.memory_space<hbm>>
          tpu.enqueue_indirect_dma source(%dma_start3A_562 : memref<174080x32xbf16, #tpu.memory_space<hbm>>) target(%dma_start3A_556 : memref<128x32xbf16, #tpu.memory_space<vmem>>) offsets(%dma_start3A_559 : memref<128xi32, #tpu.memory_space<vmem>>) semaphore(%arg31 : memref<!tpu.dma_semaphore, #tpu.memory_space<semaphore_mem>>)
          %mul3A_563 = arith.constant 4 : i32
          %mul3A_564 = arith.muli %add3A_471, %mul3A_563 : i32
          %add3A_565 = arith.constant 3 : i32
          %add3A_566 = arith.addi %mul3A_564, %add3A_565 : i32
          %dma_start3A_567 = arith.constant 384 : i32
          %dma_start3A_568 = arith.constant 0 : i32
          %dma_start3A_569 = tpu.memref_slice %arg25[%dma_start3A_567, %dma_start3A_568] : memref<512x32xbf16, #tpu.memory_space<vmem>> -> memref<128x32xbf16, #tpu.memory_space<vmem>>
          %dma_start3A_570 = arith.constant 0 : i32
          %dma_start3A_571 = tpu.memref_slice %arg13[%add3A_566, %dma_start3A_570] : memref<32x128xi32, #tpu.memory_space<vmem>> -> memref<1x128xi32, #tpu.memory_space<vmem>>
          %dma_start3A_572 = tpu.memref_squeeze %dma_start3A_571 : memref<1x128xi32, #tpu.memory_space<vmem>> -> memref<128xi32, #tpu.memory_space<vmem>>
          %dma_start3A_573 = arith.constant 0 : i32
          %dma_start3A_574 = arith.constant 0 : i32
          %dma_start3A_575 = tpu.memref_slice %arg2[%dma_start3A_573, %dma_start3A_574] : memref<174080x32xbf16, #tpu.memory_space<hbm>> -> memref<174080x32xbf16, #tpu.memory_space<hbm>>
          tpu.enqueue_indirect_dma source(%dma_start3A_575 : memref<174080x32xbf16, #tpu.memory_space<hbm>>) target(%dma_start3A_569 : memref<128x32xbf16, #tpu.memory_space<vmem>>) offsets(%dma_start3A_572 : memref<128xi32, #tpu.memory_space<vmem>>) semaphore(%arg31 : memref<!tpu.dma_semaphore, #tpu.memory_space<semaphore_mem>>)
          %mul3A_576 = arith.constant 4 : i32
          %mul3A_577 = arith.muli %add3A_471, %mul3A_576 : i32
          %add3A_578 = arith.constant 0 : i32
          %add3A_579 = arith.addi %mul3A_577, %add3A_578 : i32
          %dma_start3A_580 = arith.constant 0 : i32
          %dma_start3A_581 = arith.constant 0 : i32
          %dma_start3A_582 = tpu.memref_slice %arg26[%dma_start3A_580, %dma_start3A_581] : memref<512x32xbf16, #tpu.memory_space<vmem>> -> memref<128x32xbf16, #tpu.memory_space<vmem>>
          %dma_start3A_583 = arith.constant 0 : i32
          %dma_start3A_584 = tpu.memref_slice %arg14[%add3A_579, %dma_start3A_583] : memref<32x128xi32, #tpu.memory_space<vmem>> -> memref<1x128xi32, #tpu.memory_space<vmem>>
          %dma_start3A_585 = tpu.memref_squeeze %dma_start3A_584 : memref<1x128xi32, #tpu.memory_space<vmem>> -> memref<128xi32, #tpu.memory_space<vmem>>
          %dma_start3A_586 = arith.constant 0 : i32
          %dma_start3A_587 = arith.constant 0 : i32
          %dma_start3A_588 = tpu.memref_slice %arg2[%dma_start3A_586, %dma_start3A_587] : memref<174080x32xbf16, #tpu.memory_space<hbm>> -> memref<174080x32xbf16, #tpu.memory_space<hbm>>
          tpu.enqueue_indirect_dma source(%dma_start3A_588 : memref<174080x32xbf16, #tpu.memory_space<hbm>>) target(%dma_start3A_582 : memref<128x32xbf16, #tpu.memory_space<vmem>>) offsets(%dma_start3A_585 : memref<128xi32, #tpu.memory_space<vmem>>) semaphore(%arg31 : memref<!tpu.dma_semaphore, #tpu.memory_space<semaphore_mem>>)
          %mul3A_589 = arith.constant 4 : i32
          %mul3A_590 = arith.muli %add3A_471, %mul3A_589 : i32
          %add3A_591 = arith.constant 1 : i32
          %add3A_592 = arith.addi %mul3A_590, %add3A_591 : i32
          %dma_start3A_593 = arith.constant 128 : i32
          %dma_start3A_594 = arith.constant 0 : i32
          %dma_start3A_595 = tpu.memref_slice %arg26[%dma_start3A_593, %dma_start3A_594] : memref<512x32xbf16, #tpu.memory_space<vmem>> -> memref<128x32xbf16, #tpu.memory_space<vmem>>
          %dma_start3A_596 = arith.constant 0 : i32
          %dma_start3A_597 = tpu.memref_slice %arg14[%add3A_592, %dma_start3A_596] : memref<32x128xi32, #tpu.memory_space<vmem>> -> memref<1x128xi32, #tpu.memory_space<vmem>>
          %dma_start3A_598 = tpu.memref_squeeze %dma_start3A_597 : memref<1x128xi32, #tpu.memory_space<vmem>> -> memref<128xi32, #tpu.memory_space<vmem>>
          %dma_start3A_599 = arith.constant 0 : i32
          %dma_start3A_600 = arith.constant 0 : i32
          %dma_start3A_601 = tpu.memref_slice %arg2[%dma_start3A_599, %dma_start3A_600] : memref<174080x32xbf16, #tpu.memory_space<hbm>> -> memref<174080x32xbf16, #tpu.memory_space<hbm>>
          tpu.enqueue_indirect_dma source(%dma_start3A_601 : memref<174080x32xbf16, #tpu.memory_space<hbm>>) target(%dma_start3A_595 : memref<128x32xbf16, #tpu.memory_space<vmem>>) offsets(%dma_start3A_598 : memref<128xi32, #tpu.memory_space<vmem>>) semaphore(%arg31 : memref<!tpu.dma_semaphore, #tpu.memory_space<semaphore_mem>>)
          %mul3A_602 = arith.constant 4 : i32
          %mul3A_603 = arith.muli %add3A_471, %mul3A_602 : i32
          %add3A_604 = arith.constant 2 : i32
          %add3A_605 = arith.addi %mul3A_603, %add3A_604 : i32
          %dma_start3A_606 = arith.constant 256 : i32
          %dma_start3A_607 = arith.constant 0 : i32
          %dma_start3A_608 = tpu.memref_slice %arg26[%dma_start3A_606, %dma_start3A_607] : memref<512x32xbf16, #tpu.memory_space<vmem>> -> memref<128x32xbf16, #tpu.memory_space<vmem>>
          %dma_start3A_609 = arith.constant 0 : i32
          %dma_start3A_610 = tpu.memref_slice %arg14[%add3A_605, %dma_start3A_609] : memref<32x128xi32, #tpu.memory_space<vmem>> -> memref<1x128xi32, #tpu.memory_space<vmem>>
          %dma_start3A_611 = tpu.memref_squeeze %dma_start3A_610 : memref<1x128xi32, #tpu.memory_space<vmem>> -> memref<128xi32, #tpu.memory_space<vmem>>
          %dma_start3A_612 = arith.constant 0 : i32
          %dma_start3A_613 = arith.constant 0 : i32
          %dma_start3A_614 = tpu.memref_slice %arg2[%dma_start3A_612, %dma_start3A_613] : memref<174080x32xbf16, #tpu.memory_space<hbm>> -> memref<174080x32xbf16, #tpu.memory_space<hbm>>
          tpu.enqueue_indirect_dma source(%dma_start3A_614 : memref<174080x32xbf16, #tpu.memory_space<hbm>>) target(%dma_start3A_608 : memref<128x32xbf16, #tpu.memory_space<vmem>>) offsets(%dma_start3A_611 : memref<128xi32, #tpu.memory_space<vmem>>) semaphore(%arg31 : memref<!tpu.dma_semaphore, #tpu.memory_space<semaphore_mem>>)
          %mul3A_615 = arith.constant 4 : i32
          %mul3A_616 = arith.muli %add3A_471, %mul3A_615 : i32
          %add3A_617 = arith.constant 3 : i32
          %add3A_618 = arith.addi %mul3A_616, %add3A_617 : i32
          %dma_start3A_619 = arith.constant 384 : i32
          %dma_start3A_620 = arith.constant 0 : i32
          %dma_start3A_621 = tpu.memref_slice %arg26[%dma_start3A_619, %dma_start3A_620] : memref<512x32xbf16, #tpu.memory_space<vmem>> -> memref<128x32xbf16, #tpu.memory_space<vmem>>
          %dma_start3A_622 = arith.constant 0 : i32
          %dma_start3A_623 = tpu.memref_slice %arg14[%add3A_618, %dma_start3A_622] : memref<32x128xi32, #tpu.memory_space<vmem>> -> memref<1x128xi32, #tpu.memory_space<vmem>>
          %dma_start3A_624 = tpu.memref_squeeze %dma_start3A_623 : memref<1x128xi32, #tpu.memory_space<vmem>> -> memref<128xi32, #tpu.memory_space<vmem>>
          %dma_start3A_625 = arith.constant 0 : i32
          %dma_start3A_626 = arith.constant 0 : i32
          %dma_start3A_627 = tpu.memref_slice %arg2[%dma_start3A_625, %dma_start3A_626] : memref<174080x32xbf16, #tpu.memory_space<hbm>> -> memref<174080x32xbf16, #tpu.memory_space<hbm>>
          tpu.enqueue_indirect_dma source(%dma_start3A_627 : memref<174080x32xbf16, #tpu.memory_space<hbm>>) target(%dma_start3A_621 : memref<128x32xbf16, #tpu.memory_space<vmem>>) offsets(%dma_start3A_624 : memref<128xi32, #tpu.memory_space<vmem>>) semaphore(%arg31 : memref<!tpu.dma_semaphore, #tpu.memory_space<semaphore_mem>>)
          %mul3A_628 = arith.constant 4 : i32
          %mul3A_629 = arith.muli %add3A_471, %mul3A_628 : i32
          %add3A_630 = arith.constant 0 : i32
          %add3A_631 = arith.addi %mul3A_629, %add3A_630 : i32
          %dma_start3A_632 = arith.constant 0 : i32
          %dma_start3A_633 = arith.constant 0 : i32
          %dma_start3A_634 = tpu.memref_slice %arg27[%dma_start3A_632, %dma_start3A_633] : memref<512x32xbf16, #tpu.memory_space<vmem>> -> memref<128x32xbf16, #tpu.memory_space<vmem>>
          %dma_start3A_635 = arith.constant 0 : i32
          %dma_start3A_636 = tpu.memref_slice %arg15[%add3A_631, %dma_start3A_635] : memref<32x128xi32, #tpu.memory_space<vmem>> -> memref<1x128xi32, #tpu.memory_space<vmem>>
          %dma_start3A_637 = tpu.memref_squeeze %dma_start3A_636 : memref<1x128xi32, #tpu.memory_space<vmem>> -> memref<128xi32, #tpu.memory_space<vmem>>
          %dma_start3A_638 = arith.constant 0 : i32
          %dma_start3A_639 = arith.constant 0 : i32
          %dma_start3A_640 = tpu.memref_slice %arg2[%dma_start3A_638, %dma_start3A_639] : memref<174080x32xbf16, #tpu.memory_space<hbm>> -> memref<174080x32xbf16, #tpu.memory_space<hbm>>
          tpu.enqueue_indirect_dma source(%dma_start3A_640 : memref<174080x32xbf16, #tpu.memory_space<hbm>>) target(%dma_start3A_634 : memref<128x32xbf16, #tpu.memory_space<vmem>>) offsets(%dma_start3A_637 : memref<128xi32, #tpu.memory_space<vmem>>) semaphore(%arg31 : memref<!tpu.dma_semaphore, #tpu.memory_space<semaphore_mem>>)
          %mul3A_641 = arith.constant 4 : i32
          %mul3A_642 = arith.muli %add3A_471, %mul3A_641 : i32
          %add3A_643 = arith.constant 1 : i32
          %add3A_644 = arith.addi %mul3A_642, %add3A_643 : i32
          %dma_start3A_645 = arith.constant 128 : i32
          %dma_start3A_646 = arith.constant 0 : i32
          %dma_start3A_647 = tpu.memref_slice %arg27[%dma_start3A_645, %dma_start3A_646] : memref<512x32xbf16, #tpu.memory_space<vmem>> -> memref<128x32xbf16, #tpu.memory_space<vmem>>
          %dma_start3A_648 = arith.constant 0 : i32
          %dma_start3A_649 = tpu.memref_slice %arg15[%add3A_644, %dma_start3A_648] : memref<32x128xi32, #tpu.memory_space<vmem>> -> memref<1x128xi32, #tpu.memory_space<vmem>>
          %dma_start3A_650 = tpu.memref_squeeze %dma_start3A_649 : memref<1x128xi32, #tpu.memory_space<vmem>> -> memref<128xi32, #tpu.memory_space<vmem>>
          %dma_start3A_651 = arith.constant 0 : i32
          %dma_start3A_652 = arith.constant 0 : i32
          %dma_start3A_653 = tpu.memref_slice %arg2[%dma_start3A_651, %dma_start3A_652] : memref<174080x32xbf16, #tpu.memory_space<hbm>> -> memref<174080x32xbf16, #tpu.memory_space<hbm>>
          tpu.enqueue_indirect_dma source(%dma_start3A_653 : memref<174080x32xbf16, #tpu.memory_space<hbm>>) target(%dma_start3A_647 : memref<128x32xbf16, #tpu.memory_space<vmem>>) offsets(%dma_start3A_650 : memref<128xi32, #tpu.memory_space<vmem>>) semaphore(%arg31 : memref<!tpu.dma_semaphore, #tpu.memory_space<semaphore_mem>>)
          %mul3A_654 = arith.constant 4 : i32
          %mul3A_655 = arith.muli %add3A_471, %mul3A_654 : i32
          %add3A_656 = arith.constant 2 : i32
          %add3A_657 = arith.addi %mul3A_655, %add3A_656 : i32
          %dma_start3A_658 = arith.constant 256 : i32
          %dma_start3A_659 = arith.constant 0 : i32
          %dma_start3A_660 = tpu.memref_slice %arg27[%dma_start3A_658, %dma_start3A_659] : memref<512x32xbf16, #tpu.memory_space<vmem>> -> memref<128x32xbf16, #tpu.memory_space<vmem>>
          %dma_start3A_661 = arith.constant 0 : i32
          %dma_start3A_662 = tpu.memref_slice %arg15[%add3A_657, %dma_start3A_661] : memref<32x128xi32, #tpu.memory_space<vmem>> -> memref<1x128xi32, #tpu.memory_space<vmem>>
          %dma_start3A_663 = tpu.memref_squeeze %dma_start3A_662 : memref<1x128xi32, #tpu.memory_space<vmem>> -> memref<128xi32, #tpu.memory_space<vmem>>
          %dma_start3A_664 = arith.constant 0 : i32
          %dma_start3A_665 = arith.constant 0 : i32
          %dma_start3A_666 = tpu.memref_slice %arg2[%dma_start3A_664, %dma_start3A_665] : memref<174080x32xbf16, #tpu.memory_space<hbm>> -> memref<174080x32xbf16, #tpu.memory_space<hbm>>
          tpu.enqueue_indirect_dma source(%dma_start3A_666 : memref<174080x32xbf16, #tpu.memory_space<hbm>>) target(%dma_start3A_660 : memref<128x32xbf16, #tpu.memory_space<vmem>>) offsets(%dma_start3A_663 : memref<128xi32, #tpu.memory_space<vmem>>) semaphore(%arg31 : memref<!tpu.dma_semaphore, #tpu.memory_space<semaphore_mem>>)
          %mul3A_667 = arith.constant 4 : i32
          %mul3A_668 = arith.muli %add3A_471, %mul3A_667 : i32
          %add3A_669 = arith.constant 3 : i32
          %add3A_670 = arith.addi %mul3A_668, %add3A_669 : i32
          %dma_start3A_671 = arith.constant 384 : i32
          %dma_start3A_672 = arith.constant 0 : i32
          %dma_start3A_673 = tpu.memref_slice %arg27[%dma_start3A_671, %dma_start3A_672] : memref<512x32xbf16, #tpu.memory_space<vmem>> -> memref<128x32xbf16, #tpu.memory_space<vmem>>
          %dma_start3A_674 = arith.constant 0 : i32
          %dma_start3A_675 = tpu.memref_slice %arg15[%add3A_670, %dma_start3A_674] : memref<32x128xi32, #tpu.memory_space<vmem>> -> memref<1x128xi32, #tpu.memory_space<vmem>>
          %dma_start3A_676 = tpu.memref_squeeze %dma_start3A_675 : memref<1x128xi32, #tpu.memory_space<vmem>> -> memref<128xi32, #tpu.memory_space<vmem>>
          %dma_start3A_677 = arith.constant 0 : i32
          %dma_start3A_678 = arith.constant 0 : i32
          %dma_start3A_679 = tpu.memref_slice %arg2[%dma_start3A_677, %dma_start3A_678] : memref<174080x32xbf16, #tpu.memory_space<hbm>> -> memref<174080x32xbf16, #tpu.memory_space<hbm>>
          tpu.enqueue_indirect_dma source(%dma_start3A_679 : memref<174080x32xbf16, #tpu.memory_space<hbm>>) target(%dma_start3A_673 : memref<128x32xbf16, #tpu.memory_space<vmem>>) offsets(%dma_start3A_676 : memref<128xi32, #tpu.memory_space<vmem>>) semaphore(%arg31 : memref<!tpu.dma_semaphore, #tpu.memory_space<semaphore_mem>>)
        } else {
        }
      }
      %scan3A_391 = arith.constant 4 : i32
      "tpu.region"() ({
        %run_scoped3A = tpu.sem_alloc : memref<!tpu.dma_semaphore, #tpu.memory_space<semaphore_mem>>
        %dma_start3A_392 = arith.constant 0 : i32
        %dma_start3A_393 = tpu.memref_slice %arg11[%add3A_11, %dma_start3A_392] : memref<4096x256xf32, #tpu.memory_space<hbm>> -> memref<32x256xf32, #tpu.memory_space<hbm>>
        %dma_start3A_394 = arith.constant 0 : i32
        %dma_start3A_395 = tpu.memref_slice %arg11[%add3A_11, %dma_start3A_394] : memref<4096x256xf32, #tpu.memory_space<hbm>> -> memref<32x256xf32, #tpu.memory_space<hbm>>
        tpu.enqueue_dma source(%arg28 : memref<32x256xf32, #tpu.memory_space<vmem>>) target(%dma_start3A_395 : memref<32x256xf32, #tpu.memory_space<hbm>>) target_semaphore(%run_scoped3A : memref<!tpu.dma_semaphore, #tpu.memory_space<semaphore_mem>>)
        %dma_wait3A_396 = arith.constant 0 : i32
        %dma_wait3A_397 = tpu.memref_slice %arg11[%add3A_11, %dma_wait3A_396] : memref<4096x256xf32, #tpu.memory_space<hbm>> -> memref<32x256xf32, #tpu.memory_space<hbm>>
        %dma_wait3A_398 = arith.constant 0 : i32
        %dma_wait3A_399 = tpu.memref_slice %arg11[%add3A_11, %dma_wait3A_398] : memref<4096x256xf32, #tpu.memory_space<hbm>> -> memref<32x256xf32, #tpu.memory_space<hbm>>
        tpu.wait_dma2 semaphore(%run_scoped3A : memref<!tpu.dma_semaphore, #tpu.memory_space<semaphore_mem>>) src(%arg28 : memref<32x256xf32, #tpu.memory_space<vmem>>) dst(%dma_wait3A_399 : memref<32x256xf32, #tpu.memory_space<hbm>>)
        tpu.yield
      }) : () -> ()
    }
    %scan3A_5 = arith.constant 4 : i32
    return
  }
}

module attributes {stable_mosaic.version = 14 : i64} {
  func.func @_mm_body(%arg0: i32, %arg1: memref<2176x256xf32, #tpu.memory_space<vmem>>, %arg2: memref<256x256xf32, #tpu.memory_space<vmem>>, %arg3: memref<1x256xf32, #tpu.memory_space<vmem>>, %arg4: memref<2176x256xbf16, #tpu.memory_space<vmem>>) attributes {dimension_semantics = [#tpu.dimension_semantics<arbitrary>], iteration_bounds = array<i64: 10>, scalar_prefetch = 0 : i64, scratch_operands = 0 : i64, tpu.core_type = #tpu.core_type<tc>, window_params = [{transform_indices = @transform_0, window_bounds = array<i64: 2176, 256>}, {pipeline_mode = #tpu.pipeline_mode<synchronous>, transform_indices = @transform_1, window_bounds = array<i64: 256, 256>}, {pipeline_mode = #tpu.pipeline_mode<synchronous>, transform_indices = @transform_2, window_bounds = array<i64: 1, 256>}, {transform_indices = @transform_3, window_bounds = array<i64: 2176, 256>}]} {
    %get3A = arith.constant 0 : index
    %get3A_0 = arith.constant 0 : index
    %get3A_1 = vector.load %arg1[%get3A, %get3A_0] : memref<2176x256xf32, #tpu.memory_space<vmem>>, vector<2176x256xf32>
    %get3A_2 = arith.constant 0 : index
    %get3A_3 = arith.constant 0 : index
    %get3A_4 = vector.load %arg2[%get3A_2, %get3A_3] : memref<256x256xf32, #tpu.memory_space<vmem>>, vector<256x256xf32>
    %dot_general3A = arith.constant dense<0.000000e+00> : vector<2176x256xf32>
    %dot_general3A_5 = tpu.matmul %get3A_1, %get3A_4, %dot_general3A {dimension_numbers = #tpu.dot_dimension_numbers<[1], [0], [0], [1], [0, 0, 1, 1], [], []>, transpose_lhs_hint = false} : vector<2176x256xf32>, vector<256x256xf32>, vector<2176x256xf32> -> vector<2176x256xf32>
    %get3A_6 = arith.constant 0 : index
    %get3A_7 = arith.constant 0 : index
    %get3A_8 = vector.load %arg3[%get3A_6, %get3A_7] : memref<1x256xf32, #tpu.memory_space<vmem>>, vector<1x256xf32>
    %add3A = vector.broadcast %get3A_8 : vector<1x256xf32> to vector<2176x256xf32>
    %add3A_9 = arith.addf %dot_general3A_5, %add3A : vector<2176x256xf32>
    %convert_element_type3A = arith.truncf %add3A_9 : vector<2176x256xf32> to vector<2176x256xbf16>
    %swap3A = arith.constant 0 : index
    %swap3A_10 = arith.constant 0 : index
    %swap3A_11 = vector.load %arg4[%swap3A, %swap3A_10] : memref<2176x256xbf16, #tpu.memory_space<vmem>>, vector<2176x256xbf16>
    tpu.vector_store %arg4[%swap3A, %swap3A_10], %convert_element_type3A {strides = array<i32>} : memref<2176x256xbf16, #tpu.memory_space<vmem>>, vector<2176x256xbf16>,
    return
  }
  func.func @transform_0(%arg0: i32) -> (i32, i32) {
    %c0_i32 = arith.constant 0 : i32
    %c0_i32_0 = arith.constant 0 : i32
    return %arg0, %c0_i32 : i32, i32
  }
  func.func @transform_1(%arg0: i32) -> (i32, i32) {
    %c0_i32 = arith.constant 0 : i32
    %c0_i32_0 = arith.constant 0 : i32
    %c0_i32_1 = arith.constant 0 : i32
    return %c0_i32, %c0_i32_0 : i32, i32
  }
  func.func @transform_2(%arg0: i32) -> (i32, i32) {
    %c0_i32 = arith.constant 0 : i32
    %c0_i32_0 = arith.constant 0 : i32
    %c0_i32_1 = arith.constant 0 : i32
    return %c0_i32, %c0_i32_0 : i32, i32
  }
  func.func @transform_3(%arg0: i32) -> (i32, i32) {
    %c0_i32 = arith.constant 0 : i32
    %c0_i32_0 = arith.constant 0 : i32
    return %arg0, %c0_i32 : i32, i32
  }
}

module attributes {stable_mosaic.version = 14 : i64} {
  func.func @_prep_body(%arg0: i32, %arg1: memref<512x256xf32, #tpu.memory_space<vmem>>, %arg2: memref<512x8xf32, #tpu.memory_space<vmem>>, %arg3: memref<256x256xf32, #tpu.memory_space<vmem>>, %arg4: memref<1x256xf32, #tpu.memory_space<vmem>>, %arg5: memref<256x128xf32, #tpu.memory_space<vmem>>, %arg6: memref<1x128xf32, #tpu.memory_space<vmem>>, %arg7: memref<128x128xf32, #tpu.memory_space<vmem>>, %arg8: memref<8x128xf32, #tpu.memory_space<vmem>>, %arg9: memref<8x128xf32, #tpu.memory_space<vmem>>, %arg10: memref<8x128xf32, #tpu.memory_space<vmem>>, %arg11: memref<512x128xi32, #tpu.memory_space<vmem>>, %arg12: memref<512x128xi32, #tpu.memory_space<vmem>>, %arg13: memref<512x128xi32, #tpu.memory_space<vmem>>, %arg14: memref<512x128xi32, #tpu.memory_space<vmem>>, %arg15: memref<512x128xf32, #tpu.memory_space<vmem>>, %arg16: memref<512x128xf32, #tpu.memory_space<vmem>>, %arg17: memref<512x128xf32, #tpu.memory_space<vmem>>, %arg18: memref<512x128xf32, #tpu.memory_space<vmem>>) attributes {dimension_semantics = [#tpu.dimension_semantics<arbitrary>], iteration_bounds = array<i64: 8>, scalar_prefetch = 0 : i64, scratch_operands = 0 : i64, tpu.core_type = #tpu.core_type<tc>, window_params = [{transform_indices = @transform_0, window_bounds = array<i64: 512, 256>}, {transform_indices = @transform_1, window_bounds = array<i64: 512, 8>}, {pipeline_mode = #tpu.pipeline_mode<synchronous>, transform_indices = @transform_2, window_bounds = array<i64: 256, 256>}, {pipeline_mode = #tpu.pipeline_mode<synchronous>, transform_indices = @transform_3, window_bounds = array<i64: 1, 256>}, {pipeline_mode = #tpu.pipeline_mode<synchronous>, transform_indices = @transform_4, window_bounds = array<i64: 256, 128>}, {pipeline_mode = #tpu.pipeline_mode<synchronous>, transform_indices = @transform_5, window_bounds = array<i64: 1, 128>}, {pipeline_mode = #tpu.pipeline_mode<synchronous>, transform_indices = @transform_6, window_bounds = array<i64: 128, 128>}, {pipeline_mode = #tpu.pipeline_mode<synchronous>, transform_indices = @transform_7, window_bounds = array<i64: 8, 128>}, {pipeline_mode = #tpu.pipeline_mode<synchronous>, transform_indices = @transform_8, window_bounds = array<i64: 8, 128>}, {pipeline_mode = #tpu.pipeline_mode<synchronous>, transform_indices = @transform_9, window_bounds = array<i64: 8, 128>}, {transform_indices = @transform_10, window_bounds = array<i64: 512, 128>}, {transform_indices = @transform_11, window_bounds = array<i64: 512, 128>}, {transform_indices = @transform_12, window_bounds = array<i64: 512, 128>}, {transform_indices = @transform_13, window_bounds = array<i64: 512, 128>}, {transform_indices = @transform_14, window_bounds = array<i64: 512, 128>}, {transform_indices = @transform_15, window_bounds = array<i64: 512, 128>}, {transform_indices = @transform_16, window_bounds = array<i64: 512, 128>}, {transform_indices = @transform_17, window_bounds = array<i64: 512, 128>}]} {
    %get3A = arith.constant 0 : index
    %get3A_0 = arith.constant 0 : index
    %get3A_1 = vector.load %arg1[%get3A, %get3A_0] : memref<512x256xf32, #tpu.memory_space<vmem>>, vector<512x256xf32>
    %get3A_2 = arith.constant 0 : index
    %get3A_3 = arith.constant 0 : index
    %get3A_4 = vector.load %arg3[%get3A_2, %get3A_3] : memref<256x256xf32, #tpu.memory_space<vmem>>, vector<256x256xf32>
    %dot_general3A = arith.constant dense<0.000000e+00> : vector<512x256xf32>
    %dot_general3A_5 = tpu.matmul %get3A_1, %get3A_4, %dot_general3A {dimension_numbers = #tpu.dot_dimension_numbers<[1], [0], [0], [1], [0, 0, 1, 1], [], []>, precision = #tpu.contract_precision<fp32>, transpose_lhs_hint = false} : vector<512x256xf32>, vector<256x256xf32>, vector<512x256xf32> -> vector<512x256xf32>
    %get3A_6 = arith.constant 0 : index
    %get3A_7 = arith.constant 0 : index
    %get3A_8 = vector.load %arg4[%get3A_6, %get3A_7] : memref<1x256xf32, #tpu.memory_space<vmem>>, vector<1x256xf32>
    %add3A = vector.broadcast %get3A_8 : vector<1x256xf32> to vector<512x256xf32>
    %add3A_9 = arith.addf %dot_general3A_5, %add3A : vector<512x256xf32>
    %slice3A = vector.extract_strided_slice %add3A_9 {offsets = [0, 0], sizes = [512, 128], strides = [1, 1]} : vector<512x256xf32> to vector<512x128xf32>
    %slice3A_10 = vector.extract_strided_slice %add3A_9 {offsets = [0, 128], sizes = [512, 128], strides = [1, 1]} : vector<512x256xf32> to vector<512x128xf32>
    %get3A_11 = arith.constant 0 : index
    %get3A_12 = arith.constant 0 : index
    %get3A_13 = vector.load %arg5[%get3A_11, %get3A_12] : memref<256x128xf32, #tpu.memory_space<vmem>>, vector<256x128xf32>
    %dot_general3A_14 = arith.constant dense<0.000000e+00> : vector<512x128xf32>
    %dot_general3A_15 = tpu.matmul %get3A_1, %get3A_13, %dot_general3A_14 {dimension_numbers = #tpu.dot_dimension_numbers<[1], [0], [0], [1], [0, 0, 1, 1], [], []>, precision = #tpu.contract_precision<fp32>, transpose_lhs_hint = false} : vector<512x256xf32>, vector<256x128xf32>, vector<512x128xf32> -> vector<512x128xf32>
    %get3A_16 = arith.constant 0 : index
    %get3A_17 = arith.constant 0 : index
    %get3A_18 = vector.load %arg6[%get3A_16, %get3A_17] : memref<1x128xf32, #tpu.memory_space<vmem>>, vector<1x128xf32>
    %add3A_19 = vector.broadcast %get3A_18 : vector<1x128xf32> to vector<512x128xf32>
    %add3A_20 = arith.addf %dot_general3A_15, %add3A_19 : vector<512x128xf32>
    %exp3A = math.exp %add3A_20 : vector<512x128xf32>
    %get3A_21 = arith.constant 0 : index
    %get3A_22 = arith.constant 0 : index
    %get3A_23 = vector.load %arg7[%get3A_21, %get3A_22] : memref<128x128xf32, #tpu.memory_space<vmem>>, vector<128x128xf32>
    %dot_general3A_24 = arith.constant dense<0.000000e+00> : vector<512x128xf32>
    %dot_general3A_25 = tpu.matmul %exp3A, %get3A_23, %dot_general3A_24 {dimension_numbers = #tpu.dot_dimension_numbers<[1], [0], [0], [1], [0, 0, 1, 1], [], []>, precision = #tpu.contract_precision<fp32>, transpose_lhs_hint = false} : vector<512x128xf32>, vector<128x128xf32>, vector<512x128xf32> -> vector<512x128xf32>
    %div3A = arith.divf %exp3A, %dot_general3A_25 : vector<512x128xf32>
    %get3A_26 = arith.constant 0 : index
    %get3A_27 = arith.constant 0 : index
    %get3A_28 = vector.load %arg2[%get3A_26, %get3A_27] : memref<512x8xf32, #tpu.memory_space<vmem>>, vector<512x8xf32>
    %get3A_29 = arith.constant 0 : index
    %get3A_30 = arith.constant 0 : index
    %get3A_31 = vector.load %arg8[%get3A_29, %get3A_30] : memref<8x128xf32, #tpu.memory_space<vmem>>, vector<8x128xf32>
    %dot_general3A_32 = arith.constant dense<0.000000e+00> : vector<512x128xf32>
    %dot_general3A_33 = tpu.matmul %get3A_28, %get3A_31, %dot_general3A_32 {dimension_numbers = #tpu.dot_dimension_numbers<[1], [0], [0], [1], [0, 0, 1, 1], [], []>, precision = #tpu.contract_precision<fp32>, transpose_lhs_hint = false} : vector<512x8xf32>, vector<8x128xf32>, vector<512x128xf32> -> vector<512x128xf32>
    %get3A_34 = arith.constant 0 : index
    %get3A_35 = arith.constant 0 : index
    %get3A_36 = vector.load %arg9[%get3A_34, %get3A_35] : memref<8x128xf32, #tpu.memory_space<vmem>>, vector<8x128xf32>
    %dot_general3A_37 = arith.constant dense<0.000000e+00> : vector<512x128xf32>
    %dot_general3A_38 = tpu.matmul %get3A_28, %get3A_36, %dot_general3A_37 {dimension_numbers = #tpu.dot_dimension_numbers<[1], [0], [0], [1], [0, 0, 1, 1], [], []>, precision = #tpu.contract_precision<fp32>, transpose_lhs_hint = false} : vector<512x8xf32>, vector<8x128xf32>, vector<512x128xf32> -> vector<512x128xf32>
    %get3A_39 = arith.constant 0 : index
    %get3A_40 = arith.constant 0 : index
    %get3A_41 = vector.load %arg10[%get3A_39, %get3A_40] : memref<8x128xf32, #tpu.memory_space<vmem>>, vector<8x128xf32>
    %slice3A_42 = vector.extract_strided_slice %get3A_41 {offsets = [0, 0], sizes = [1, 128], strides = [1, 1]} : vector<8x128xf32> to vector<1x128xf32>
    %slice3A_43 = vector.extract_strided_slice %get3A_41 {offsets = [1, 0], sizes = [1, 128], strides = [1, 1]} : vector<8x128xf32> to vector<1x128xf32>
    %slice3A_44 = vector.extract_strided_slice %get3A_41 {offsets = [2, 0], sizes = [1, 128], strides = [1, 1]} : vector<8x128xf32> to vector<1x128xf32>
    %slice3A_45 = vector.extract_strided_slice %get3A_41 {offsets = [3, 0], sizes = [1, 128], strides = [1, 1]} : vector<8x128xf32> to vector<1x128xf32>
    %slice3A_46 = vector.extract_strided_slice %get3A_41 {offsets = [4, 0], sizes = [1, 128], strides = [1, 1]} : vector<8x128xf32> to vector<1x128xf32>
    %slice3A_47 = vector.extract_strided_slice %get3A_41 {offsets = [5, 0], sizes = [1, 128], strides = [1, 1]} : vector<8x128xf32> to vector<1x128xf32>
    %slice3A_48 = vector.extract_strided_slice %get3A_41 {offsets = [6, 0], sizes = [1, 128], strides = [1, 1]} : vector<8x128xf32> to vector<1x128xf32>
    %slice3A_49 = vector.extract_strided_slice %get3A_41 {offsets = [7, 0], sizes = [1, 128], strides = [1, 1]} : vector<8x128xf32> to vector<1x128xf32>
    %mul3A = vector.broadcast %slice3A_44 : vector<1x128xf32> to vector<512x128xf32>
    %mul3A_50 = arith.mulf %slice3A, %mul3A : vector<512x128xf32>
    %add3A_51 = arith.addf %dot_general3A_33, %mul3A_50 : vector<512x128xf32>
    %mul3A_52 = vector.broadcast %slice3A_42 : vector<1x128xf32> to vector<512x128xf32>
    %mul3A_53 = arith.mulf %add3A_51, %mul3A_52 : vector<512x128xf32>
    %sub3A = arith.constant 5.000000e-01 : f32
    %sub3A_54 = vector.broadcast %sub3A : f32 to vector<512x128xf32>
    %sub3A_55 = arith.subf %mul3A_53, %sub3A_54 : vector<512x128xf32>
    %mul3A_56 = vector.broadcast %slice3A_45 : vector<1x128xf32> to vector<512x128xf32>
    %mul3A_57 = arith.mulf %slice3A_10, %mul3A_56 : vector<512x128xf32>
    %add3A_58 = arith.addf %dot_general3A_38, %mul3A_57 : vector<512x128xf32>
    %mul3A_59 = vector.broadcast %slice3A_43 : vector<1x128xf32> to vector<512x128xf32>
    %mul3A_60 = arith.mulf %add3A_58, %mul3A_59 : vector<512x128xf32>
    %sub3A_61 = arith.constant 5.000000e-01 : f32
    %sub3A_62 = vector.broadcast %sub3A_61 : f32 to vector<512x128xf32>
    %sub3A_63 = arith.subf %mul3A_60, %sub3A_62 : vector<512x128xf32>
    %floor3A = math.floor %sub3A_55 : vector<512x128xf32>
    %floor3A_64 = math.floor %sub3A_63 : vector<512x128xf32>
    %sub3A_65 = arith.subf %sub3A_55, %floor3A : vector<512x128xf32>
    %sub3A_66 = arith.subf %sub3A_63, %floor3A_64 : vector<512x128xf32>
    %sub3A_67 = arith.constant 1.000000e+00 : f32
    %sub3A_68 = vector.broadcast %sub3A_67 : f32 to vector<512x128xf32>
    %sub3A_69 = arith.subf %sub3A_68, %sub3A_65 : vector<512x128xf32>
    %sub3A_70 = arith.constant 1.000000e+00 : f32
    %sub3A_71 = vector.broadcast %sub3A_70 : f32 to vector<512x128xf32>
    %sub3A_72 = arith.subf %sub3A_71, %sub3A_66 : vector<512x128xf32>
    %jit3A = arith.constant 2 : i32
    %div3A_73 = arith.divsi %arg0, %jit3A : i32
    %sign3A = arith.constant 0 : i32
    %sign3A_74 = arith.cmpi sgt, %arg0, %sign3A : i32
    %sign3A_75 = arith.extui %sign3A_74 : i1 to i32
    %sign3A_76 = arith.constant 0 : i32
    %sign3A_77 = arith.cmpi slt, %arg0, %sign3A_76 : i32
    %sign3A_78 = arith.extui %sign3A_77 : i1 to i32
    %sign3A_79 = arith.subi %sign3A_75, %sign3A_78 : i32
    %sign3A_80 = arith.constant 0 : i32
    %sign3A_81 = arith.cmpi sgt, %jit3A, %sign3A_80 : i32
    %sign3A_82 = arith.extui %sign3A_81 : i1 to i32
    %sign3A_83 = arith.constant 0 : i32
    %sign3A_84 = arith.cmpi slt, %jit3A, %sign3A_83 : i32
    %sign3A_85 = arith.extui %sign3A_84 : i1 to i32
    %sign3A_86 = arith.subi %sign3A_82, %sign3A_85 : i32
    %ne3A = arith.cmpi ne, %sign3A_79, %sign3A_86 : i32
    %rem3A = arith.remsi %arg0, %jit3A : i32
    %ne3A_87 = arith.constant 0 : i32
    %ne3A_88 = arith.cmpi ne, %rem3A, %ne3A_87 : i32
    %and3A = arith.andi %ne3A, %ne3A_88 : i1
    %sub3A_89 = arith.constant 1 : i32
    %sub3A_90 = arith.subi %div3A_73, %sub3A_89 : i32
    %select_n3A = arith.select %and3A, %sub3A_90, %div3A_73 : i32
    %mul3A_91 = arith.constant 43520 : i32
    %mul3A_92 = arith.muli %select_n3A, %mul3A_91 : i32
    %convert_element_type3A = arith.sitofp %mul3A_92 : i32 to f32
    %mul3A_93 = arith.mulf %sub3A_69, %sub3A_72 : vector<512x128xf32>
    %mul3A_94 = arith.mulf %sub3A_65, %sub3A_72 : vector<512x128xf32>
    %mul3A_95 = arith.mulf %sub3A_69, %sub3A_66 : vector<512x128xf32>
    %mul3A_96 = arith.mulf %sub3A_65, %sub3A_66 : vector<512x128xf32>
    %add3A_97 = arith.constant 0.000000e+00 : f32
    %add3A_98 = vector.broadcast %add3A_97 : f32 to vector<512x128xf32>
    %add3A_99 = arith.addf %floor3A, %add3A_98 : vector<512x128xf32>
    %add3A_100 = arith.constant 0.000000e+00 : f32
    %add3A_101 = vector.broadcast %add3A_100 : f32 to vector<512x128xf32>
    %add3A_102 = arith.addf %floor3A_64, %add3A_101 : vector<512x128xf32>
    %ge3A = arith.constant 0.000000e+00 : f32
    %ge3A_103 = vector.broadcast %ge3A : f32 to vector<512x128xf32>
    %ge3A_104 = arith.cmpf oge, %add3A_99, %ge3A_103 : vector<512x128xf32>
    %le3A = vector.broadcast %slice3A_48 : vector<1x128xf32> to vector<512x128xf32>
    %le3A_105 = arith.cmpf ole, %add3A_99, %le3A : vector<512x128xf32>
    %and3A_106 = arith.andi %ge3A_104, %le3A_105 : vector<512x128xi1>
    %ge3A_107 = arith.constant 0.000000e+00 : f32
    %ge3A_108 = vector.broadcast %ge3A_107 : f32 to vector<512x128xf32>
    %ge3A_109 = arith.cmpf oge, %add3A_102, %ge3A_108 : vector<512x128xf32>
    %and3A_110 = arith.andi %and3A_106, %ge3A_109 : vector<512x128xi1>
    %le3A_111 = vector.broadcast %slice3A_49 : vector<1x128xf32> to vector<512x128xf32>
    %le3A_112 = arith.cmpf ole, %add3A_102, %le3A_111 : vector<512x128xf32>
    %and3A_113 = arith.andi %and3A_110, %le3A_112 : vector<512x128xi1>
    %jit3A_114 = arith.constant 0.000000e+00 : f32
    %max3A = vector.broadcast %jit3A_114 : f32 to vector<512x128xf32>
    %max3A_115 = arith.maximumf %max3A, %add3A_99 : vector<512x128xf32>
    %min3A = vector.broadcast %slice3A_48 : vector<1x128xf32> to vector<512x128xf32>
    %min3A_116 = arith.minimumf %min3A, %max3A_115 : vector<512x128xf32>
    %jit3A_117 = arith.constant 0.000000e+00 : f32
    %max3A_118 = vector.broadcast %jit3A_117 : f32 to vector<512x128xf32>
    %max3A_119 = arith.maximumf %max3A_118, %add3A_102 : vector<512x128xf32>
    %min3A_120 = vector.broadcast %slice3A_49 : vector<1x128xf32> to vector<512x128xf32>
    %min3A_121 = arith.minimumf %min3A_120, %max3A_119 : vector<512x128xf32>
    %mul3A_122 = vector.broadcast %slice3A_42 : vector<1x128xf32> to vector<512x128xf32>
    %mul3A_123 = arith.mulf %min3A_121, %mul3A_122 : vector<512x128xf32>
    %add3A_124 = vector.broadcast %slice3A_46 : vector<1x128xf32> to vector<512x128xf32>
    %add3A_125 = arith.addf %add3A_124, %mul3A_123 : vector<512x128xf32>
    %add3A_126 = arith.addf %add3A_125, %min3A_116 : vector<512x128xf32>
    %mul3A_127 = arith.constant 8.000000e+00 : f32
    %mul3A_128 = vector.broadcast %mul3A_127 : f32 to vector<512x128xf32>
    %mul3A_129 = arith.mulf %add3A_126, %mul3A_128 : vector<512x128xf32>
    %add3A_130 = vector.broadcast %convert_element_type3A : f32 to vector<512x128xf32>
    %add3A_131 = arith.addf %add3A_130, %mul3A_129 : vector<512x128xf32>
    %add3A_132 = vector.broadcast %slice3A_47 : vector<1x128xf32> to vector<512x128xf32>
    %add3A_133 = arith.addf %add3A_131, %add3A_132 : vector<512x128xf32>
    %convert_element_type3A_134 = arith.fptosi %add3A_133 : vector<512x128xf32> to vector<512x128xi32>
    %swap3A = arith.constant 0 : index
    %swap3A_135 = arith.constant 0 : index
    %swap3A_136 = vector.load %arg11[%swap3A, %swap3A_135] : memref<512x128xi32, #tpu.memory_space<vmem>>, vector<512x128xi32>
    tpu.vector_store %arg11[%swap3A, %swap3A_135], %convert_element_type3A_134 {strides = array<i32>} : memref<512x128xi32, #tpu.memory_space<vmem>>, vector<512x128xi32>,
    %mul3A_137 = arith.mulf %div3A, %mul3A_93 : vector<512x128xf32>
    %convert_element_type3A_138 = arith.extui %and3A_113 : vector<512x128xi1> to vector<512x128xi32>
    %convert_element_type3A_139 = arith.sitofp %convert_element_type3A_138 : vector<512x128xi32> to vector<512x128xf32>
    %mul3A_140 = arith.mulf %mul3A_137, %convert_element_type3A_139 : vector<512x128xf32>
    %swap3A_141 = arith.constant 0 : index
    %swap3A_142 = arith.constant 0 : index
    %swap3A_143 = vector.load %arg15[%swap3A_141, %swap3A_142] : memref<512x128xf32, #tpu.memory_space<vmem>>, vector<512x128xf32>
    tpu.vector_store %arg15[%swap3A_141, %swap3A_142], %mul3A_140 {strides = array<i32>} : memref<512x128xf32, #tpu.memory_space<vmem>>, vector<512x128xf32>,
    %add3A_144 = arith.constant 1.000000e+00 : f32
    %add3A_145 = vector.broadcast %add3A_144 : f32 to vector<512x128xf32>
    %add3A_146 = arith.addf %floor3A, %add3A_145 : vector<512x128xf32>
    %add3A_147 = arith.constant 0.000000e+00 : f32
    %add3A_148 = vector.broadcast %add3A_147 : f32 to vector<512x128xf32>
    %add3A_149 = arith.addf %floor3A_64, %add3A_148 : vector<512x128xf32>
    %ge3A_150 = arith.constant 0.000000e+00 : f32
    %ge3A_151 = vector.broadcast %ge3A_150 : f32 to vector<512x128xf32>
    %ge3A_152 = arith.cmpf oge, %add3A_146, %ge3A_151 : vector<512x128xf32>
    %le3A_153 = vector.broadcast %slice3A_48 : vector<1x128xf32> to vector<512x128xf32>
    %le3A_154 = arith.cmpf ole, %add3A_146, %le3A_153 : vector<512x128xf32>
    %and3A_155 = arith.andi %ge3A_152, %le3A_154 : vector<512x128xi1>
    %ge3A_156 = arith.constant 0.000000e+00 : f32
    %ge3A_157 = vector.broadcast %ge3A_156 : f32 to vector<512x128xf32>
    %ge3A_158 = arith.cmpf oge, %add3A_149, %ge3A_157 : vector<512x128xf32>
    %and3A_159 = arith.andi %and3A_155, %ge3A_158 : vector<512x128xi1>
    %le3A_160 = vector.broadcast %slice3A_49 : vector<1x128xf32> to vector<512x128xf32>
    %le3A_161 = arith.cmpf ole, %add3A_149, %le3A_160 : vector<512x128xf32>
    %and3A_162 = arith.andi %and3A_159, %le3A_161 : vector<512x128xi1>
    %jit3A_163 = arith.constant 0.000000e+00 : f32
    %max3A_164 = vector.broadcast %jit3A_163 : f32 to vector<512x128xf32>
    %max3A_165 = arith.maximumf %max3A_164, %add3A_146 : vector<512x128xf32>
    %min3A_166 = vector.broadcast %slice3A_48 : vector<1x128xf32> to vector<512x128xf32>
    %min3A_167 = arith.minimumf %min3A_166, %max3A_165 : vector<512x128xf32>
    %jit3A_168 = arith.constant 0.000000e+00 : f32
    %max3A_169 = vector.broadcast %jit3A_168 : f32 to vector<512x128xf32>
    %max3A_170 = arith.maximumf %max3A_169, %add3A_149 : vector<512x128xf32>
    %min3A_171 = vector.broadcast %slice3A_49 : vector<1x128xf32> to vector<512x128xf32>
    %min3A_172 = arith.minimumf %min3A_171, %max3A_170 : vector<512x128xf32>
    %mul3A_173 = vector.broadcast %slice3A_42 : vector<1x128xf32> to vector<512x128xf32>
    %mul3A_174 = arith.mulf %min3A_172, %mul3A_173 : vector<512x128xf32>
    %add3A_175 = vector.broadcast %slice3A_46 : vector<1x128xf32> to vector<512x128xf32>
    %add3A_176 = arith.addf %add3A_175, %mul3A_174 : vector<512x128xf32>
    %add3A_177 = arith.addf %add3A_176, %min3A_167 : vector<512x128xf32>
    %mul3A_178 = arith.constant 8.000000e+00 : f32
    %mul3A_179 = vector.broadcast %mul3A_178 : f32 to vector<512x128xf32>
    %mul3A_180 = arith.mulf %add3A_177, %mul3A_179 : vector<512x128xf32>
    %add3A_181 = vector.broadcast %convert_element_type3A : f32 to vector<512x128xf32>
    %add3A_182 = arith.addf %add3A_181, %mul3A_180 : vector<512x128xf32>
    %add3A_183 = vector.broadcast %slice3A_47 : vector<1x128xf32> to vector<512x128xf32>
    %add3A_184 = arith.addf %add3A_182, %add3A_183 : vector<512x128xf32>
    %convert_element_type3A_185 = arith.fptosi %add3A_184 : vector<512x128xf32> to vector<512x128xi32>
    %swap3A_186 = arith.constant 0 : index
    %swap3A_187 = arith.constant 0 : index
    %swap3A_188 = vector.load %arg12[%swap3A_186, %swap3A_187] : memref<512x128xi32, #tpu.memory_space<vmem>>, vector<512x128xi32>
    tpu.vector_store %arg12[%swap3A_186, %swap3A_187], %convert_element_type3A_185 {strides = array<i32>} : memref<512x128xi32, #tpu.memory_space<vmem>>, vector<512x128xi32>,
    %mul3A_189 = arith.mulf %div3A, %mul3A_94 : vector<512x128xf32>
    %convert_element_type3A_190 = arith.extui %and3A_162 : vector<512x128xi1> to vector<512x128xi32>
    %convert_element_type3A_191 = arith.sitofp %convert_element_type3A_190 : vector<512x128xi32> to vector<512x128xf32>
    %mul3A_192 = arith.mulf %mul3A_189, %convert_element_type3A_191 : vector<512x128xf32>
    %swap3A_193 = arith.constant 0 : index
    %swap3A_194 = arith.constant 0 : index
    %swap3A_195 = vector.load %arg16[%swap3A_193, %swap3A_194] : memref<512x128xf32, #tpu.memory_space<vmem>>, vector<512x128xf32>
    tpu.vector_store %arg16[%swap3A_193, %swap3A_194], %mul3A_192 {strides = array<i32>} : memref<512x128xf32, #tpu.memory_space<vmem>>, vector<512x128xf32>,
    %add3A_196 = arith.constant 0.000000e+00 : f32
    %add3A_197 = vector.broadcast %add3A_196 : f32 to vector<512x128xf32>
    %add3A_198 = arith.addf %floor3A, %add3A_197 : vector<512x128xf32>
    %add3A_199 = arith.constant 1.000000e+00 : f32
    %add3A_200 = vector.broadcast %add3A_199 : f32 to vector<512x128xf32>
    %add3A_201 = arith.addf %floor3A_64, %add3A_200 : vector<512x128xf32>
    %ge3A_202 = arith.constant 0.000000e+00 : f32
    %ge3A_203 = vector.broadcast %ge3A_202 : f32 to vector<512x128xf32>
    %ge3A_204 = arith.cmpf oge, %add3A_198, %ge3A_203 : vector<512x128xf32>
    %le3A_205 = vector.broadcast %slice3A_48 : vector<1x128xf32> to vector<512x128xf32>
    %le3A_206 = arith.cmpf ole, %add3A_198, %le3A_205 : vector<512x128xf32>
    %and3A_207 = arith.andi %ge3A_204, %le3A_206 : vector<512x128xi1>
    %ge3A_208 = arith.constant 0.000000e+00 : f32
    %ge3A_209 = vector.broadcast %ge3A_208 : f32 to vector<512x128xf32>
    %ge3A_210 = arith.cmpf oge, %add3A_201, %ge3A_209 : vector<512x128xf32>
    %and3A_211 = arith.andi %and3A_207, %ge3A_210 : vector<512x128xi1>
    %le3A_212 = vector.broadcast %slice3A_49 : vector<1x128xf32> to vector<512x128xf32>
    %le3A_213 = arith.cmpf ole, %add3A_201, %le3A_212 : vector<512x128xf32>
    %and3A_214 = arith.andi %and3A_211, %le3A_213 : vector<512x128xi1>
    %jit3A_215 = arith.constant 0.000000e+00 : f32
    %max3A_216 = vector.broadcast %jit3A_215 : f32 to vector<512x128xf32>
    %max3A_217 = arith.maximumf %max3A_216, %add3A_198 : vector<512x128xf32>
    %min3A_218 = vector.broadcast %slice3A_48 : vector<1x128xf32> to vector<512x128xf32>
    %min3A_219 = arith.minimumf %min3A_218, %max3A_217 : vector<512x128xf32>
    %jit3A_220 = arith.constant 0.000000e+00 : f32
    %max3A_221 = vector.broadcast %jit3A_220 : f32 to vector<512x128xf32>
    %max3A_222 = arith.maximumf %max3A_221, %add3A_201 : vector<512x128xf32>
    %min3A_223 = vector.broadcast %slice3A_49 : vector<1x128xf32> to vector<512x128xf32>
    %min3A_224 = arith.minimumf %min3A_223, %max3A_222 : vector<512x128xf32>
    %mul3A_225 = vector.broadcast %slice3A_42 : vector<1x128xf32> to vector<512x128xf32>
    %mul3A_226 = arith.mulf %min3A_224, %mul3A_225 : vector<512x128xf32>
    %add3A_227 = vector.broadcast %slice3A_46 : vector<1x128xf32> to vector<512x128xf32>
    %add3A_228 = arith.addf %add3A_227, %mul3A_226 : vector<512x128xf32>
    %add3A_229 = arith.addf %add3A_228, %min3A_219 : vector<512x128xf32>
    %mul3A_230 = arith.constant 8.000000e+00 : f32
    %mul3A_231 = vector.broadcast %mul3A_230 : f32 to vector<512x128xf32>
    %mul3A_232 = arith.mulf %add3A_229, %mul3A_231 : vector<512x128xf32>
    %add3A_233 = vector.broadcast %convert_element_type3A : f32 to vector<512x128xf32>
    %add3A_234 = arith.addf %add3A_233, %mul3A_232 : vector<512x128xf32>
    %add3A_235 = vector.broadcast %slice3A_47 : vector<1x128xf32> to vector<512x128xf32>
    %add3A_236 = arith.addf %add3A_234, %add3A_235 : vector<512x128xf32>
    %convert_element_type3A_237 = arith.fptosi %add3A_236 : vector<512x128xf32> to vector<512x128xi32>
    %swap3A_238 = arith.constant 0 : index
    %swap3A_239 = arith.constant 0 : index
    %swap3A_240 = vector.load %arg13[%swap3A_238, %swap3A_239] : memref<512x128xi32, #tpu.memory_space<vmem>>, vector<512x128xi32>
    tpu.vector_store %arg13[%swap3A_238, %swap3A_239], %convert_element_type3A_237 {strides = array<i32>} : memref<512x128xi32, #tpu.memory_space<vmem>>, vector<512x128xi32>,
    %mul3A_241 = arith.mulf %div3A, %mul3A_95 : vector<512x128xf32>
    %convert_element_type3A_242 = arith.extui %and3A_214 : vector<512x128xi1> to vector<512x128xi32>
    %convert_element_type3A_243 = arith.sitofp %convert_element_type3A_242 : vector<512x128xi32> to vector<512x128xf32>
    %mul3A_244 = arith.mulf %mul3A_241, %convert_element_type3A_243 : vector<512x128xf32>
    %swap3A_245 = arith.constant 0 : index
    %swap3A_246 = arith.constant 0 : index
    %swap3A_247 = vector.load %arg17[%swap3A_245, %swap3A_246] : memref<512x128xf32, #tpu.memory_space<vmem>>, vector<512x128xf32>
    tpu.vector_store %arg17[%swap3A_245, %swap3A_246], %mul3A_244 {strides = array<i32>} : memref<512x128xf32, #tpu.memory_space<vmem>>, vector<512x128xf32>,
    %add3A_248 = arith.constant 1.000000e+00 : f32
    %add3A_249 = vector.broadcast %add3A_248 : f32 to vector<512x128xf32>
    %add3A_250 = arith.addf %floor3A, %add3A_249 : vector<512x128xf32>
    %add3A_251 = arith.constant 1.000000e+00 : f32
    %add3A_252 = vector.broadcast %add3A_251 : f32 to vector<512x128xf32>
    %add3A_253 = arith.addf %floor3A_64, %add3A_252 : vector<512x128xf32>
    %ge3A_254 = arith.constant 0.000000e+00 : f32
    %ge3A_255 = vector.broadcast %ge3A_254 : f32 to vector<512x128xf32>
    %ge3A_256 = arith.cmpf oge, %add3A_250, %ge3A_255 : vector<512x128xf32>
    %le3A_257 = vector.broadcast %slice3A_48 : vector<1x128xf32> to vector<512x128xf32>
    %le3A_258 = arith.cmpf ole, %add3A_250, %le3A_257 : vector<512x128xf32>
    %and3A_259 = arith.andi %ge3A_256, %le3A_258 : vector<512x128xi1>
    %ge3A_260 = arith.constant 0.000000e+00 : f32
    %ge3A_261 = vector.broadcast %ge3A_260 : f32 to vector<512x128xf32>
    %ge3A_262 = arith.cmpf oge, %add3A_253, %ge3A_261 : vector<512x128xf32>
    %and3A_263 = arith.andi %and3A_259, %ge3A_262 : vector<512x128xi1>
    %le3A_264 = vector.broadcast %slice3A_49 : vector<1x128xf32> to vector<512x128xf32>
    %le3A_265 = arith.cmpf ole, %add3A_253, %le3A_264 : vector<512x128xf32>
    %and3A_266 = arith.andi %and3A_263, %le3A_265 : vector<512x128xi1>
    %jit3A_267 = arith.constant 0.000000e+00 : f32
    %max3A_268 = vector.broadcast %jit3A_267 : f32 to vector<512x128xf32>
    %max3A_269 = arith.maximumf %max3A_268, %add3A_250 : vector<512x128xf32>
    %min3A_270 = vector.broadcast %slice3A_48 : vector<1x128xf32> to vector<512x128xf32>
    %min3A_271 = arith.minimumf %min3A_270, %max3A_269 : vector<512x128xf32>
    %jit3A_272 = arith.constant 0.000000e+00 : f32
    %max3A_273 = vector.broadcast %jit3A_272 : f32 to vector<512x128xf32>
    %max3A_274 = arith.maximumf %max3A_273, %add3A_253 : vector<512x128xf32>
    %min3A_275 = vector.broadcast %slice3A_49 : vector<1x128xf32> to vector<512x128xf32>
    %min3A_276 = arith.minimumf %min3A_275, %max3A_274 : vector<512x128xf32>
    %mul3A_277 = vector.broadcast %slice3A_42 : vector<1x128xf32> to vector<512x128xf32>
    %mul3A_278 = arith.mulf %min3A_276, %mul3A_277 : vector<512x128xf32>
    %add3A_279 = vector.broadcast %slice3A_46 : vector<1x128xf32> to vector<512x128xf32>
    %add3A_280 = arith.addf %add3A_279, %mul3A_278 : vector<512x128xf32>
    %add3A_281 = arith.addf %add3A_280, %min3A_271 : vector<512x128xf32>
    %mul3A_282 = arith.constant 8.000000e+00 : f32
    %mul3A_283 = vector.broadcast %mul3A_282 : f32 to vector<512x128xf32>
    %mul3A_284 = arith.mulf %add3A_281, %mul3A_283 : vector<512x128xf32>
    %add3A_285 = vector.broadcast %convert_element_type3A : f32 to vector<512x128xf32>
    %add3A_286 = arith.addf %add3A_285, %mul3A_284 : vector<512x128xf32>
    %add3A_287 = vector.broadcast %slice3A_47 : vector<1x128xf32> to vector<512x128xf32>
    %add3A_288 = arith.addf %add3A_286, %add3A_287 : vector<512x128xf32>
    %convert_element_type3A_289 = arith.fptosi %add3A_288 : vector<512x128xf32> to vector<512x128xi32>
    %swap3A_290 = arith.constant 0 : index
    %swap3A_291 = arith.constant 0 : index
    %swap3A_292 = vector.load %arg14[%swap3A_290, %swap3A_291] : memref<512x128xi32, #tpu.memory_space<vmem>>, vector<512x128xi32>
    tpu.vector_store %arg14[%swap3A_290, %swap3A_291], %convert_element_type3A_289 {strides = array<i32>} : memref<512x128xi32, #tpu.memory_space<vmem>>, vector<512x128xi32>,
    %mul3A_293 = arith.mulf %div3A, %mul3A_96 : vector<512x128xf32>
    %convert_element_type3A_294 = arith.extui %and3A_266 : vector<512x128xi1> to vector<512x128xi32>
    %convert_element_type3A_295 = arith.sitofp %convert_element_type3A_294 : vector<512x128xi32> to vector<512x128xf32>
    %mul3A_296 = arith.mulf %mul3A_293, %convert_element_type3A_295 : vector<512x128xf32>
    %swap3A_297 = arith.constant 0 : index
    %swap3A_298 = arith.constant 0 : index
    %swap3A_299 = vector.load %arg18[%swap3A_297, %swap3A_298] : memref<512x128xf32, #tpu.memory_space<vmem>>, vector<512x128xf32>
    tpu.vector_store %arg18[%swap3A_297, %swap3A_298], %mul3A_296 {strides = array<i32>} : memref<512x128xf32, #tpu.memory_space<vmem>>, vector<512x128xf32>,
    return
  }
  func.func @transform_0(%arg0: i32) -> (i32, i32) {
    %c0_i32 = arith.constant 0 : i32
    %c0_i32_0 = arith.constant 0 : i32
    return %arg0, %c0_i32 : i32, i32
  }
  func.func @transform_1(%arg0: i32) -> (i32, i32) {
    %c0_i32 = arith.constant 0 : i32
    %c0_i32_0 = arith.constant 0 : i32
    return %arg0, %c0_i32 : i32, i32
  }
  func.func @transform_2(%arg0: i32) -> (i32, i32) {
    %c0_i32 = arith.constant 0 : i32
    %c0_i32_0 = arith.constant 0 : i32
    %c0_i32_1 = arith.constant 0 : i32
    return %c0_i32, %c0_i32_0 : i32, i32
  }
  func.func @transform_3(%arg0: i32) -> (i32, i32) {
    %c0_i32 = arith.constant 0 : i32
    %c0_i32_0 = arith.constant 0 : i32
    %c0_i32_1 = arith.constant 0 : i32
    return %c0_i32, %c0_i32_0 : i32, i32
  }
  func.func @transform_4(%arg0: i32) -> (i32, i32) {
    %c0_i32 = arith.constant 0 : i32
    %c0_i32_0 = arith.constant 0 : i32
    %c0_i32_1 = arith.constant 0 : i32
    return %c0_i32, %c0_i32_0 : i32, i32
  }
  func.func @transform_5(%arg0: i32) -> (i32, i32) {
    %c0_i32 = arith.constant 0 : i32
    %c0_i32_0 = arith.constant 0 : i32
    %c0_i32_1 = arith.constant 0 : i32
    return %c0_i32, %c0_i32_0 : i32, i32
  }
  func.func @transform_6(%arg0: i32) -> (i32, i32) {
    %c0_i32 = arith.constant 0 : i32
    %c0_i32_0 = arith.constant 0 : i32
    %c0_i32_1 = arith.constant 0 : i32
    return %c0_i32, %c0_i32_0 : i32, i32
  }
  func.func @transform_7(%arg0: i32) -> (i32, i32) {
    %c0_i32 = arith.constant 0 : i32
    %c0_i32_0 = arith.constant 0 : i32
    %c0_i32_1 = arith.constant 0 : i32
    return %c0_i32, %c0_i32_0 : i32, i32
  }
  func.func @transform_8(%arg0: i32) -> (i32, i32) {
    %c0_i32 = arith.constant 0 : i32
    %c0_i32_0 = arith.constant 0 : i32
    %c0_i32_1 = arith.constant 0 : i32
    return %c0_i32, %c0_i32_0 : i32, i32
  }
  func.func @transform_9(%arg0: i32) -> (i32, i32) {
    %c0_i32 = arith.constant 0 : i32
    %c0_i32_0 = arith.constant 0 : i32
    %c0_i32_1 = arith.constant 0 : i32
    return %c0_i32, %c0_i32_0 : i32, i32
  }
  func.func @transform_10(%arg0: i32) -> (i32, i32) {
    %c0_i32 = arith.constant 0 : i32
    %c0_i32_0 = arith.constant 0 : i32
    return %arg0, %c0_i32 : i32, i32
  }
  func.func @transform_11(%arg0: i32) -> (i32, i32) {
    %c0_i32 = arith.constant 0 : i32
    %c0_i32_0 = arith.constant 0 : i32
    return %arg0, %c0_i32 : i32, i32
  }
  func.func @transform_12(%arg0: i32) -> (i32, i32) {
    %c0_i32 = arith.constant 0 : i32
    %c0_i32_0 = arith.constant 0 : i32
    return %arg0, %c0_i32 : i32, i32
  }
  func.func @transform_13(%arg0: i32) -> (i32, i32) {
    %c0_i32 = arith.constant 0 : i32
    %c0_i32_0 = arith.constant 0 : i32
    return %arg0, %c0_i32 : i32, i32
  }
  func.func @transform_14(%arg0: i32) -> (i32, i32) {
    %c0_i32 = arith.constant 0 : i32
    %c0_i32_0 = arith.constant 0 : i32
    return %arg0, %c0_i32 : i32, i32
  }
  func.func @transform_15(%arg0: i32) -> (i32, i32) {
    %c0_i32 = arith.constant 0 : i32
    %c0_i32_0 = arith.constant 0 : i32
    return %arg0, %c0_i32 : i32, i32
  }
  func.func @transform_16(%arg0: i32) -> (i32, i32) {
    %c0_i32 = arith.constant 0 : i32
    %c0_i32_0 = arith.constant 0 : i32
    return %arg0, %c0_i32 : i32, i32
  }
  func.func @transform_17(%arg0: i32) -> (i32, i32) {
    %c0_i32 = arith.constant 0 : i32
    %c0_i32_0 = arith.constant 0 : i32
    return %arg0, %c0_i32 : i32, i32
  }
}

module attributes {stable_mosaic.version = 14 : i64} {
  func.func @_mm_body(%arg0: i32, %arg1: memref<512x256xf32, #tpu.memory_space<vmem>>, %arg2: memref<256x256xf32, #tpu.memory_space<vmem>>, %arg3: memref<1x256xf32, #tpu.memory_space<vmem>>, %arg4: memref<512x256xf32, #tpu.memory_space<vmem>>) attributes {dimension_semantics = [#tpu.dimension_semantics<arbitrary>], iteration_bounds = array<i64: 8>, scalar_prefetch = 0 : i64, scratch_operands = 0 : i64, tpu.core_type = #tpu.core_type<tc>, window_params = [{transform_indices = @transform_0, window_bounds = array<i64: 512, 256>}, {pipeline_mode = #tpu.pipeline_mode<synchronous>, transform_indices = @transform_1, window_bounds = array<i64: 256, 256>}, {pipeline_mode = #tpu.pipeline_mode<synchronous>, transform_indices = @transform_2, window_bounds = array<i64: 1, 256>}, {transform_indices = @transform_3, window_bounds = array<i64: 512, 256>}]} {
    %get3A = arith.constant 0 : index
    %get3A_0 = arith.constant 0 : index
    %get3A_1 = vector.load %arg1[%get3A, %get3A_0] : memref<512x256xf32, #tpu.memory_space<vmem>>, vector<512x256xf32>
    %get3A_2 = arith.constant 0 : index
    %get3A_3 = arith.constant 0 : index
    %get3A_4 = vector.load %arg2[%get3A_2, %get3A_3] : memref<256x256xf32, #tpu.memory_space<vmem>>, vector<256x256xf32>
    %dot_general3A = arith.constant dense<0.000000e+00> : vector<512x256xf32>
    %dot_general3A_5 = tpu.matmul %get3A_1, %get3A_4, %dot_general3A {dimension_numbers = #tpu.dot_dimension_numbers<[1], [0], [0], [1], [0, 0, 1, 1], [], []>, transpose_lhs_hint = false} : vector<512x256xf32>, vector<256x256xf32>, vector<512x256xf32> -> vector<512x256xf32>
    %get3A_6 = arith.constant 0 : index
    %get3A_7 = arith.constant 0 : index
    %get3A_8 = vector.load %arg3[%get3A_6, %get3A_7] : memref<1x256xf32, #tpu.memory_space<vmem>>, vector<1x256xf32>
    %add3A = vector.broadcast %get3A_8 : vector<1x256xf32> to vector<512x256xf32>
    %add3A_9 = arith.addf %dot_general3A_5, %add3A : vector<512x256xf32>
    %swap3A = arith.constant 0 : index
    %swap3A_10 = arith.constant 0 : index
    %swap3A_11 = vector.load %arg4[%swap3A, %swap3A_10] : memref<512x256xf32, #tpu.memory_space<vmem>>, vector<512x256xf32>
    tpu.vector_store %arg4[%swap3A, %swap3A_10], %add3A_9 {strides = array<i32>} : memref<512x256xf32, #tpu.memory_space<vmem>>, vector<512x256xf32>,
    return
  }
  func.func @transform_0(%arg0: i32) -> (i32, i32) {
    %c0_i32 = arith.constant 0 : i32
    %c0_i32_0 = arith.constant 0 : i32
    return %arg0, %c0_i32 : i32, i32
  }
  func.func @transform_1(%arg0: i32) -> (i32, i32) {
    %c0_i32 = arith.constant 0 : i32
    %c0_i32_0 = arith.constant 0 : i32
    %c0_i32_1 = arith.constant 0 : i32
    return %c0_i32, %c0_i32_0 : i32, i32
  }
  func.func @transform_2(%arg0: i32) -> (i32, i32) {
    %c0_i32 = arith.constant 0 : i32
    %c0_i32_0 = arith.constant 0 : i32
    %c0_i32_1 = arith.constant 0 : i32
    return %c0_i32, %c0_i32_0 : i32, i32
  }
  func.func @transform_3(%arg0: i32) -> (i32, i32) {
    %c0_i32 = arith.constant 0 : i32
    %c0_i32_0 = arith.constant 0 : i32
    return %arg0, %c0_i32 : i32, i32
  }
}

</mosaic_0001>

<sc_bundles>
// kernel: kernel.6.cloned.1.call-start
scs
__scs_entry_jumppad:
0x0: {  	(pc) =	sbr.rel $0x88, $3  }
0x1: {  	(tag) =	ssettag $0x0;
	lr =	simm.s32 $0x1  }
0x2: {  	[smem:$0x3F96] =	sst lr;
	_ =	strace $0xD0000000  }
0x3: {  	_ = 	snop  }
0x4: {  	_ = 	snop  }
0x5: {  	_ = 	snop  }
0x6: {  	_ = 	snop  }
0x7: {  	_ = 	snop  }
__scs_overlays_trampoline_lowered:
0x8: {  	[smem:$0x3FA5] =	sst s0  }
0x9: {  	[smem:$0x3FA6] =	sst s1  }
0xa: {  	[smem:$0x3FA7] =	sst s2  }
0xb: {  	[smem:$0x3FA8] =	sst s3  }
0xc: {  	[smem:$0x3FA9] =	sst s4  }
0xd: {  	[smem:$0x3FAA] =	sst s5  }
0xe: {  	[smem:$0x3FAB] =	sst s6  }
0xf: {  	[smem:$0x3FAC] =	sst s7  }
0x10: {  	[smem:$0x3FAD] =	sst s8  }
0x11: {  	[smem:$0x3FAE] =	sst s9;
	s0 =	simm.s32 @!p0 $0x0  }
0x12: {  	s1 =	sld [smem:$0x3F94];
	s0 =	simm.s32 @p0 $0x1  }
0x13: {  	[smem:$0x3FAF] =	sst s0;
	s0 =	simm.s32 @!p1 $0x0  }
0x14: {  	s2 =	sld [smem:$0x3F93];
	s0 =	simm.s32 @p1 $0x1  }
0x15: {  	[smem:$0x3FB0] =	sst s0;
	s0 =	simm.s32 @!p2 $0x0  }
0x16: {  	s3 =	sld [smem:$0x3FDB];
	s0 =	simm.s32 @p2 $0x1  }
0x17: {  	s4 =	simm.s32 $0x1BF5;
	[smem:$0x3FB2] =	sst s0  }
0x18: {  	s0 =	sld [smem:$0x3F95];
	_ =	swait.ge [sflag:s4], $0x0  }
0x19: {  	s7 =	sld [smem:$0x3F96]  }
0x1a: {  	s8 =	sadd.s32 $0xFFFFE003, lr  }
0x1b: {  	s9 =	sadd.s32 $0xFFFFFEF7, lr;
	s5 =	simm.s32 $0xFFFFFFFF;
	p2 =	slt.u32 s8, $0xFFFFF086  }
0x1c: {  	p1 =	slt.u32 s9, $0xF7A;
	s5 =	simm.s32 @!p2 $0x0  }
0x1d: {  	s5 =	simm.s32 @p1 $0x1;
	p0 =	seq.s32 s7, s2  }
0x1e: {  	s7 =	smul.u32 @!p0 $0xF7A, s2;
	p2 =	seq.s32 @!p0 s5, $0x0  }
0x1f: {  	s9 =	smul.u32 $0xF7A, s1;
	s8 =	simm.s32 @!p0 $0x1BF5;
	p2 =	por !p2, p0  }
0x20: {  	[sflag:s8] =	ssyncset.s32 @!p0 $0xFFFFF086;
	s6 =	sadd.s32 @!p0 s3, s7;
	s7 =	simm.s32 @!p0 $0x108  }
0x21: {  	s3 =	sadd.s32 s3, s9;
	s6 =	sadd.s32 @!p0 $0x88, s6;
	s7 =	simm.s32 @p2 $0x1082  }
0x22: {  	[simem:s7], [sflag:s8] =	dma.local @!p0 [hbm:s6], $0xF7A  }
0x23: {  	s9 =	sor.u32 $0xD0000000, s2;
	s6 =	simm.s32 $0x108;
	_ =	swait.ge @!p0 [sflag:s8], $0x0  }
0x24: {  	s3 =	sadd.s32 $0x88, s3;
	s6 =	simm.s32 @!p1 $0x1082;
	[sflag:s4] =	ssyncset.s32 $0xFFFFF086  }
0x25: {  	[simem:s6], [sflag:s4] =	dma.local [hbm:s3], $0xF7A  }
0x26: {  	[smem:$0x3F96] =	sst s1;
	(tag) =	ssettag s2;
	_ =	strace s9  }
0x27: {  	s1 =	sld [smem:$0x3FA6]  }
0x28: {  	s2 =	sld [smem:$0x3FA7]  }
0x29: {  	s4 =	sld [smem:$0x3FA9]  }
0x2a: {  	p0 =	seq.s32 s5, $0x0;
	s5 =	sld [smem:$0x3FAA]  }
0x2b: {  	s6 =	sld [smem:$0x3FAB]  }
0x2c: {  	s7 =	sld [smem:$0x3FAC]  }
0x2d: {  	s3 =	simm.s32 $0x108;
	s8 =	sld [smem:$0x3FAD]  }
0x2e: {  	s3 =	simm.s32 @!p0 $0x1082;
	s9 =	sld [smem:$0x3FAE]  }
0x2f: {  	lr =	sadd.s32 s0, s3;
	s0 =	sld [smem:$0x3FA5]  }
0x30: {  	s3 =	sld [smem:$0x3FA8]  }
0x31: {  	[smem:$0x3FB1] =	sst s10  }
0x32: {  	s10 =	sld [smem:$0x3FAF];
	_ =	sdelay $0x3  }
0x33: {  	p0 =	seq.s32 s10, $0x1;
	s10 =	sld [smem:$0x3FB1];
	_ =	sdelay $0x3  }
0x34: {  	[smem:$0x3FB1] =	sst s10  }
0x35: {  	s10 =	sld [smem:$0x3FB0];
	_ =	sdelay $0x3  }
0x36: {  	p1 =	seq.s32 s10, $0x1;
	s10 =	sld [smem:$0x3FB1];
	_ =	sdelay $0x3  }
0x37: {  	[smem:$0x3FB1] =	sst s10  }
0x38: {  	s10 =	sld [smem:$0x3FB2]  }
0x39: {  	_ = 	snop;
	(pc) =	sbr.ind lr, $3  }
0x3a: {  	_ = 	snop  }
0x3b: {  	_ = 	snop  }
0x3c: {  	p2 =	seq.s32 s10, $0x1;
	s10 =	sld [smem:$0x3FB1]  }
0x3d: {  	_ =	shalt  }
0x3e: {  	_ =	shalt  }
0x3f: {  	_ =	shalt  }
0x40: {  	_ =	shalt  }
0x41: {  	_ =	shalt  }
0x42: {  	_ =	shalt  }
0x43: {  	_ =	shalt  }
0x44: {  	_ =	shalt  }
0x45: {  	_ =	shalt  }
0x46: {  	_ =	shalt  }
0x47: {  	_ =	shalt  }
0x48: {  	_ =	shalt  }
0x49: {  	_ =	shalt  }
0x4a: {  	_ =	shalt  }
0x4b: {  	_ =	shalt  }
0x4c: {  	_ =	shalt  }
0x4d: {  	_ =	shalt  }
0x4e: {  	_ =	shalt  }
0x4f: {  	_ =	shalt  }
0x50: {  	_ =	shalt  }
0x51: {  	_ =	shalt  }
0x52: {  	_ =	shalt  }
0x53: {  	_ =	shalt  }
0x54: {  	_ =	shalt  }
0x55: {  	_ =	shalt  }
0x56: {  	_ =	shalt  }
0x57: {  	_ =	shalt  }
0x58: {  	_ =	shalt  }
0x59: {  	_ =	shalt  }
0x5a: {  	_ =	shalt  }
0x5b: {  	_ =	shalt  }
0x5c: {  	_ =	shalt  }
0x5d: {  	_ =	shalt  }
0x5e: {  	_ =	shalt  }
0x5f: {  	_ =	shalt  }
0x60: {  	_ =	shalt  }
0x61: {  	_ =	shalt  }
0x62: {  	_ =	shalt  }
0x63: {  	_ =	shalt  }
0x64: {  	_ =	shalt  }
0x65: {  	_ =	shalt  }
0x66: {  	_ =	shalt  }
0x67: {  	_ =	shalt  }
0x68: {  	_ =	shalt  }
0x69: {  	_ =	shalt  }
0x6a: {  	_ =	shalt  }
0x6b: {  	_ =	shalt  }
0x6c: {  	_ =	shalt  }
0x6d: {  	_ =	shalt  }
0x6e: {  	_ =	shalt  }
0x6f: {  	_ =	shalt  }
0x70: {  	_ =	shalt  }
0x71: {  	_ =	shalt  }
0x72: {  	_ =	shalt  }
0x73: {  	_ =	shalt  }
0x74: {  	_ =	shalt  }
0x75: {  	_ =	shalt  }
0x76: {  	_ =	shalt  }
0x77: {  	_ =	shalt  }
0x78: {  	_ =	shalt  }
0x79: {  	_ =	shalt  }
0x7a: {  	_ =	shalt  }
0x7b: {  	_ =	shalt  }
0x7c: {  	_ =	shalt  }
0x7d: {  	_ =	shalt  }
0x7e: {  	_ =	shalt  }
0x7f: {  	_ =	shalt  }
0x80: {  	_ =	shalt  }
0x81: {  	_ =	shalt  }
0x82: {  	_ =	shalt  }
0x83: {  	_ =	shalt  }
0x84: {  	_ =	shalt  }
0x85: {  	_ =	shalt  }
0x86: {  	_ =	shalt  }
0x87: {  	_ =	shalt  }
.Lfunc_end0:
.L_simem_size_0:
called_computation_lowered:
.L_overlay_start_0:
0x88: {  	s2 =	sld [smem:$0x3FD9]  }
0x89: {  	s3 =	sld [smem:$0x3FFE];
	_ =	sdelay $0x1  }
0x8a: {  	s1 =	srdreg.scid  }
0x8b: {  	s0 =	sand.u32 $0x1, s1  }
0x8c: {  	s17 =	sshll.u32 s0, $0xA;
	s2 =	sadd.s32 s3, s2  }
0x8d: {  	s2 =	sadd.s32 s2, s17  }
0x8e: {  	[smem:$0x3FBD] =	sst s2  }
0x8f: {  	_ = 	snop  }
0x90: {  	s2 =	sld [smem:$0x3FD0];
	(tm) =	ssettm $0x1  }
0x91: {  	s18 =	sld [smem:$0x3FFB];
	_ =	sdelay $0x3  }
0x92: {  	_ =	strace s18  }
0x93: {  	s3 =	sld [smem:$0x3FFC];
	_ =	sdelay $0x3  }
0x94: {  	_ =	strace s3  }
0x95: {  	s3 =	sld [smem:$0x3FFD];
	_ =	sdelay $0x3  }
0x96: {  	_ =	strace s3  }
0x97: {  	_ =	strace $0x8FFFFFFF  }
0x98: {  	s19 =	sld [smem:$0x3FDB];
	_ =	sdelay $0x1  }
0x99: {  	s4 =	simm.s32 $_scs_section_size  }
0x9a: {  	s5 =	simm.s32 $_size__tile_overlayer_lowered;
	s6 =	simm.s32 $_tile_overlayer_lowered  }
0x9b: {  	s22 =	simm.s32 $0x1BFF;
	s21 =	sshll.u32 s6, $0x1;
	s3 =	sadd.s32 s4, s19  }
0x9c: {  	s7 =	simm.s32 $0x0;
	s20 =	sshll.u32 s5, $0x1;
	s5 =	sadd.s32 s21, s3  }
0x9d: {  	[timem:s7], [sflag:s22] =	dma.local [hbm:s5], s20  }
0x9e: {  	_ =	swait.ge [sflag:s22], s20  }
0x9f: {  	s4 =	ssub.s32 $0x0, s20;
	[sflag:s22] =	ssyncset.done $0x0  }
0xa0: {  	[sflag:s22] =	ssyncadd.s32 s4;
	_ =	sdelay $0x1  }
0xa1: {  	s23 =	simm.s32 $0x1B8B  }
0xa2: {  	_ =	swait.ge [sflag:s23], $0x1  }
0xa3: {  	[sflag:s23] =	ssyncset.done $0x0  }
0xa4: {  	s25 =	simm.s32 $0x1B8E;
	s24 =	sld [smem:$0x3FFE];
	[sflag:s23] =	ssyncadd.s32 $0xFFFFFFFF  }
0xa5: {  	s26 =	simm.s32 $execute0_lowered;
	[smem:$0x3FD2] =	sst s25  }
0xa6: {  	s5 =	sshll.u32 s26, $0x1;
	_ =	strace $0x80000046;
	[dreg:$0x1] =	wrdreg $0xFFFFFFFF  }
0xa7: {  	s28 =	simm.s32 $_size_execute0_lowered;
	s3 =	sadd.s32 s3, s5;
	[dreg:$0x0] =	wrdreg $0x0  }
0xa8: {  	s5 =	sshll.u32 s28, $0x1;
	[dreg:$0x2] =	wrdreg s3  }
0xa9: {  	[dreg:$0x3] =	wrdreg s5  }
0xaa: {  	[dreg:$0x4] =	wrdreg $0xC0  }
0xab: {  	_ =	task [dreg:s7], $0x5FFFF  }
0xac: {  	[dreg:$0x1] =	wrdreg $0xFFFFFFFF  }
0xad: {  	[dreg:$0x0] =	wrdreg $0x60  }
0xae: {  	[dreg:$0x2] =	wrdreg s24  }
0xaf: {  	[dreg:$0x3] =	wrdreg s2  }
0xb0: {  	[dreg:$0x4] =	wrdreg $0x9  }
0xb1: {  	_ =	task.clear_ibuf [dreg:s7], $0x5FFFF;
	_ =	strace $0x90000046  }
0xb2: {  	s29 =	simm.s32 $0x9;
	_ =	strace $0x80000048  }
0xb3: {  	_ =	swait.ge [sflag:s29], $0x1  }
0xb4: {  	[sflag:s29] =	ssyncadd.s32 $0xFFFFFFFF  }
0xb5: {  	_ =	strace $0x90000048  }
0xb6: {  	_ =	sfence  }
0xb7: {  	s30 =	sld [smem:$0x0];
	_ =	sdelay $0x2  }
0xb8: {  	s31 =	sshll.u32 s1, $0xD;
	s1 =	sshrl.u32 s1, $0x2  }
0xb9: {  	s3 =	sand.u32 $0x4000, s31;
	s1 =	sadd.s32 s1, s30  }
0xba: {  	s0 =	sor.u32 s3, s0;
	s1 =	sshll.u32 s1, $0x11  }
0xbb: {  	s0 =	sor.u32 s1, s0  }
0xbc: {  	s0 =	sadd.s32 $0x8F2B, s0  }
0xbd: {  	[sflag:s0] =	ssyncadd.remote.s32 $0x1  }
0xbe: {  	_ =	sfence.sel $0xFFFF  }
0xbf: {  	[dreg:$0x0] =	wrdreg $0xFFFFFFFF;
	(pc) =	sbr.abs _section_cstart, $3  }
0xc0: {  	[dreg:$0x1] =	wrdreg $0xFFFFFFFF  }
0xc1: {  	_ =	task.clear_ibuf [dreg:s7], $0x2FFFF;
	_ =	strace $0x9FFFFFFF  }
0xc2: {  	(tm) =	ssettm $0x7FFFFFFF  }
0xc3: {  	_ =	shalt  }
tec
execute0_lowered:
.L_overlay_start_1:
0x0: {  	(tag) =	ssettag $0x1  }
0x1: {  	s0 =	rddreg [dreg:$0x0]  }
0x2: {  	s1 =	simm.s32 $0x0;
	s21 =	srdreg.scid;
	s5 =	stileid.u32  }
0x3: {  	s15 =	simm.s32 $0x4000;
	s17 =	simm.s32 $0x5000;
	s31 =	simm.s32 $0x14800  }
0x4: {  	s6 =	simm.s32 $0x17000;
	s7 =	simm.s32 $0x17800;
	s9 =	simm.s32 $0x2  }
0x5: {  	s10 =	simm.s32 $0x3;
	[smem:$0x7FF] =	sst s1;
	s19 =	sadd.s32 $0x57A00, s0  }
0x6: {  	s20 =	sadd.s32 $0x67A00, s0;
	_ =	strace $0x80000047;
	[dreg:$0x3] =	wrdreg s19  }
0x7: {  	s3 =	sadd.s32 $0x2A00, s0;
	s2 =	sadd.s32 $0x77A00, s0;
	[dreg:$0x4] =	wrdreg s20  }
0x8: {  	s22 =	sadd.s32 $0x87A00, s0;
	s1 =	sand.u32 $0x1, s21;
	[dreg:$0x5] =	wrdreg s2  }
0x9: {  	s23 =	sadd.s32 $0x97A00, s0;
	s24 =	sadd.s32 $0xA7A00, s0;
	[dreg:$0x6] =	wrdreg s22  }
0xa: {  	s4 =	sadd.s32 $0xB7A00, s0;
	s28 =	sshll.u32 s5, $0x8;
	[dreg:$0x7] =	wrdreg s23  }
0xb: {  	s0 =	sadd.s32 $0xC7A00, s0;
	s21 =	simm.s32 $0x7000;
	[dreg:$0x8] =	wrdreg s24  }
0xc: {  	s5 =	simm.s32 $0x16800;
	s25 =	ssub.s32 $0x2, s1;
	[dreg:$0x9] =	wrdreg s4  }
.Ltmp0:
0xd: {  	s1 =	sshll.u32 s1, $0x7;
	[dreg:$0xa] =	wrdreg s0;
	(pc) =	sbr.rel .LBB2_1-.Ltmp0, $4  }
0xe: {  	s19 =	simm.s32 $0x6000;
	s23 =	simm.s32 $0x80;
	s26 =	sshrl.u32 s25, $0x1  }
0xf: {  	s4 =	simm.s32 $0x16000;
	s29 =	sor.u32 s1, s28;
	s2 =	ssub.s32 s25, s26  }
0x10: {  	s1 =	simm.s32 $0x15800;
	[dreg:$0xb] =	wrdreg s29;
	s30 =	smax.u32 s2, $0x1  }
0x11: {  	s26 =	simm.s32 $0x15000;
	s2 =	simm.s32 $0x0;
	[dreg:$0xc] =	wrdreg s30  }
.LBB2_14:
0x12: {  	s2 =	rddreg [dreg:$0xd]  }
0x13: {  	s0 =	rddreg [dreg:$0xc];
	s2 =	sadd.s32 $0x1, s2  }
0x14: {  	p0 =	sne.s32 s2, s0  }
.Ltmp1:
0x15: {  	_ = 	snop;
	(pc) =	sbr.rel @!p0 .LBB2_15-.Ltmp1, $1  }
0x16: {  	_ =	sdelay $0x3  }
.LBB2_1:
.Ltmp2:
0x17: {  	(pc) =	sbr.rel .LBB2_2-.Ltmp2, $2  }
0x18: {  	_ =	sdelay $0x2  }
0x19: {  	[dreg:$0xd] =	wrdreg s2;
	s2 =	simm.s32 $0x0  }
.LBB2_13:
0x1a: {  	s0 =	rddreg [dreg:$0xf]  }
0x1b: {  	s2 =	rddreg [dreg:$0x1];
	s28 =	simm.s32 $0x0;
	s0 =	sshll.u32 s0, $0x5  }
0x1c: {  	s8 =	simm.s32 $0x18000;
	s29 =	simm.s32 $0x4;
	s0 =	sadd.s32 s2, s0  }
0x1d: {  	[hbm4b:s0+s28] =	stream.linear.scatter [tilespmem:s8], [sflag:$0x4], $0x2000, $0x38;
	[tilespmem:$0x1A000] =	vst v63  }
0x1e: {  	_ =	swait.ge [sflag:s29], $0x2000  }
0x1f: {  	s30 =	rddreg [dreg:$0xe]  }
0x20: {  	s2 =	sadd.s32 $0x1, s30  }
0x21: {  	p0 =	sne.s32 s2, $0x4  }
.Ltmp3:
0x22: {  	_ = 	snop;
	(pc) =	sbr.rel @!p0 .LBB2_14-.Ltmp3, $3  }
0x23: {  	_ =	sdelay $0x1  }
0x24: {  	[sflag:s29] =	ssyncset.done $0x0  }
0x25: {  	[sflag:s29] =	ssyncadd.s32 $0xFFFFE000  }
.LBB2_2:
0x26: {  	[dreg:$0xe] =	wrdreg s2  }
0x27: {  	s0 =	sshll.u32 s2, $0x5;
	s22 =	rddreg [dreg:$0xb]  }
0x28: {  	s24 =	rddreg [dreg:$0x3];
	s0 =	sadd.s32 s22, s0  }
0x29: {  	[dreg:$0xf] =	wrdreg s0;
	s0 =	sshll.u32 s0, $0x4  }
0x2a: {  	s8 =	simm.s32 $0x0;
	s25 =	rddreg [dreg:$0x7];
	s2 =	sadd.s32 s24, s0  }
0x2b: {  	[tilespmem:s8], [sflag:$0x1] =	stream.linear.gather [hbm4b:s2+s8], $0x1000, $0x38;
	[tilespmem:$0x1A000] =	vst v63  }
0x2c: {  	s28 =	rddreg [dreg:$0x4];
	s2 =	sadd.s32 s25, s0  }
0x2d: {  	[tilespmem:s15], [sflag:$0x1] =	stream.linear.gather [hbm4b:s2+s8], $0x1000, $0x38;
	[tilespmem:$0x1A000] =	vst v63  }
0x2e: {  	s11 =	simm.s32 $0x1000;
	s30 =	rddreg [dreg:$0x8];
	s2 =	sadd.s32 s28, s0  }
0x2f: {  	[tilespmem:s11], [sflag:$0x1] =	stream.linear.gather [hbm4b:s2+s8], $0x1000, $0x38;
	[tilespmem:$0x1A000] =	vst v63  }
0x30: {  	s12 =	rddreg [dreg:$0x5];
	s2 =	sadd.s32 s30, s0  }
0x31: {  	[tilespmem:s17], [sflag:$0x1] =	stream.linear.gather [hbm4b:s2+s8], $0x1000, $0x38;
	[tilespmem:$0x1A000] =	vst v63  }
0x32: {  	s13 =	rddreg [dreg:$0x9];
	s2 =	sadd.s32 s12, s0;
	s12 =	simm.s32 $0x2000  }
0x33: {  	[tilespmem:s12], [sflag:$0x1] =	stream.linear.gather [hbm4b:s2+s8], $0x1000, $0x38;
	[tilespmem:$0x1A000] =	vst v63  }
0x34: {  	s14 =	rddreg [dreg:$0x6];
	s2 =	sadd.s32 s13, s0  }
0x35: {  	[tilespmem:s19], [sflag:$0x1] =	stream.linear.gather [hbm4b:s2+s8], $0x1000, $0x38;
	[tilespmem:$0x1A000] =	vst v63  }
0x36: {  	s16 =	rddreg [dreg:$0xa];
	s13 =	simm.s32 $0x3000;
	s2 =	sadd.s32 s14, s0  }
0x37: {  	[tilespmem:s13], [sflag:$0x1] =	stream.linear.gather [hbm4b:s2+s8], $0x1000, $0x38;
	[tilespmem:$0x1A000] =	vst v63  }
0x38: {  	s18 =	simm.s32 $0x1;
	s0 =	sadd.s32 s16, s0  }
0x39: {  	[tilespmem:s21], [sflag:$0x1] =	stream.linear.gather [hbm4b:s0+s8], $0x1000, $0x38;
	[tilespmem:$0x1A000] =	vst v63  }
0x3a: {  	_ =	swait.ge [sflag:s18], $0x1000  }
0x3b: {  	[sflag:s18] =	ssyncset.done $0x0  }
0x3c: {  	[sflag:s18] =	ssyncadd.s32 $0xFFFFF000  }
0x3d: {  	_ =	swait.ge [sflag:s18], $0x1000  }
0x3e: {  	[sflag:s18] =	ssyncset.done $0x0  }
0x3f: {  	[sflag:s18] =	ssyncadd.s32 $0xFFFFF000  }
0x40: {  	_ =	swait.ge [sflag:s18], $0x1000  }
0x41: {  	[sflag:s18] =	ssyncset.done $0x0  }
0x42: {  	[sflag:s18] =	ssyncadd.s32 $0xFFFFF000  }
0x43: {  	_ =	swait.ge [sflag:s18], $0x1000  }
0x44: {  	[sflag:s18] =	ssyncset.done $0x0  }
0x45: {  	[sflag:s18] =	ssyncadd.s32 $0xFFFFF000  }
0x46: {  	_ =	swait.ge [sflag:s18], $0x1000  }
0x47: {  	[sflag:s18] =	ssyncset.done $0x0  }
0x48: {  	[sflag:s18] =	ssyncadd.s32 $0xFFFFF000  }
0x49: {  	_ =	swait.ge [sflag:s18], $0x1000  }
0x4a: {  	[sflag:s18] =	ssyncset.done $0x0  }
0x4b: {  	[sflag:s18] =	ssyncadd.s32 $0xFFFFF000  }
0x4c: {  	_ =	swait.ge [sflag:s18], $0x1000  }
0x4d: {  	[sflag:s18] =	ssyncset.done $0x0  }
0x4e: {  	[sflag:s18] =	ssyncadd.s32 $0xFFFFF000  }
0x4f: {  	_ =	swait.ge [sflag:s18], $0x1000  }
0x50: {  	[sflag:s18] =	ssyncset.done $0x0  }
0x51: {  	s20 =	simm.s32 $0x8000;
	[sflag:s18] =	ssyncadd.s32 $0xFFFFF000  }
0x52: {  	[tilespmem:s20], [sflag:$0x2] =	stream.indirect.gather [hbm4b:s3+s23], $0x10, s8, s23, $0xb8;
	[tilespmem:$0x1A000] =	vst v63  }
0x53: {  	s22 =	simm.s32 $0x8800  }
0x54: {  	[tilespmem:s22], [sflag:$0x2] =	stream.indirect.gather [hbm4b:s3+s23], $0x10, s23, s23, $0xb8;
	[tilespmem:$0x1A000] =	vst v63  }
0x55: {  	s24 =	simm.s32 $0x100;
	s25 =	simm.s32 $0x9000  }
0x56: {  	[tilespmem:s25], [sflag:$0x2] =	stream.indirect.gather [hbm4b:s3+s23], $0x10, s24, s23, $0xb8;
	[tilespmem:$0x1A000] =	vst v63  }
0x57: {  	s28 =	simm.s32 $0x180;
	s30 =	simm.s32 $0x9800  }
0x58: {  	[tilespmem:s30], [sflag:$0x2] =	stream.indirect.gather [hbm4b:s3+s23], $0x10, s28, s23, $0xb8;
	[tilespmem:$0x1A000] =	vst v63  }
0x59: {  	s2 =	simm.s32 $0xA000  }
0x5a: {  	[tilespmem:s2], [sflag:$0x2] =	stream.indirect.gather [hbm4b:s3+s23], $0x10, s11, s23, $0xb8;
	[tilespmem:$0x1A000] =	vst v63  }
0x5b: {  	s14 =	simm.s32 $0x1080;
	s16 =	simm.s32 $0xA800  }
0x5c: {  	[tilespmem:s16], [sflag:$0x2] =	stream.indirect.gather [hbm4b:s3+s23], $0x10, s14, s23, $0xb8;
	[tilespmem:$0x1A000] =	vst v63  }
0x5d: {  	s18 =	simm.s32 $0x1100;
	s20 =	simm.s32 $0xB000  }
0x5e: {  	[tilespmem:s20], [sflag:$0x2] =	stream.indirect.gather [hbm4b:s3+s23], $0x10, s18, s23, $0xb8;
	[tilespmem:$0x1A000] =	vst v63  }
0x5f: {  	s22 =	simm.s32 $0x1180;
	s24 =	simm.s32 $0xB800  }
0x60: {  	[tilespmem:s24], [sflag:$0x2] =	stream.indirect.gather [hbm4b:s3+s23], $0x10, s22, s23, $0xb8;
	[tilespmem:$0x1A000] =	vst v63  }
0x61: {  	s25 =	simm.s32 $0xC000  }
0x62: {  	[tilespmem:s25], [sflag:$0x2] =	stream.indirect.gather [hbm4b:s3+s23], $0x10, s12, s23, $0xb8;
	[tilespmem:$0x1A000] =	vst v63  }
0x63: {  	s28 =	simm.s32 $0x2080;
	s30 =	simm.s32 $0xC800  }
0x64: {  	[tilespmem:s30], [sflag:$0x2] =	stream.indirect.gather [hbm4b:s3+s23], $0x10, s28, s23, $0xb8;
	[tilespmem:$0x1A000] =	vst v63  }
0x65: {  	s2 =	simm.s32 $0x2100;
	s11 =	simm.s32 $0xD000  }
0x66: {  	[tilespmem:s11], [sflag:$0x2] =	stream.indirect.gather [hbm4b:s3+s23], $0x10, s2, s23, $0xb8;
	[tilespmem:$0x1A000] =	vst v63  }
0x67: {  	s14 =	simm.s32 $0xD800;
	s12 =	simm.s32 $0x2180  }
0x68: {  	[tilespmem:s14], [sflag:$0x2] =	stream.indirect.gather [hbm4b:s3+s23], $0x10, s12, s23, $0xb8;
	[tilespmem:$0x1A000] =	vst v63  }
0x69: {  	s16 =	simm.s32 $0xE000  }
0x6a: {  	[tilespmem:s16], [sflag:$0x2] =	stream.indirect.gather [hbm4b:s3+s23], $0x10, s13, s23, $0xb8;
	[tilespmem:$0x1A000] =	vst v63  }
0x6b: {  	s18 =	simm.s32 $0x3080;
	s20 =	simm.s32 $0xE800  }
0x6c: {  	[tilespmem:s20], [sflag:$0x2] =	stream.indirect.gather [hbm4b:s3+s23], $0x10, s18, s23, $0xb8;
	[tilespmem:$0x1A000] =	vst v63  }
0x6d: {  	s22 =	simm.s32 $0x3100;
	s24 =	simm.s32 $0xF000  }
0x6e: {  	[tilespmem:s24], [sflag:$0x2] =	stream.indirect.gather [hbm4b:s3+s23], $0x10, s22, s23, $0xb8;
	[tilespmem:$0x1A000] =	vst v63  }
0x6f: {  	s25 =	simm.s32 $0x3180;
	s28 =	simm.s32 $0xF800  }
0x70: {  	[tilespmem:s28], [sflag:$0x2] =	stream.indirect.gather [hbm4b:s3+s23], $0x10, s25, s23, $0xb8;
	[tilespmem:$0x1A000] =	vst v63  }
0x71: {  	s30 =	simm.s32 $0x10000;
	s18 =	simm.s32 $0x200  }
0x72: {  	[tilespmem:s30], [sflag:$0x3] =	stream.indirect.gather [hbm4b:s3+s23], $0x10, s18, s23, $0xb8;
	[tilespmem:$0x1A000] =	vst v63  }
0x73: {  	s2 =	simm.s32 $0x280;
	s11 =	simm.s32 $0x10800  }
0x74: {  	[tilespmem:s11], [sflag:$0x3] =	stream.indirect.gather [hbm4b:s3+s23], $0x10, s2, s23, $0xb8;
	[tilespmem:$0x1A000] =	vst v63  }
0x75: {  	s12 =	simm.s32 $0x300;
	s13 =	simm.s32 $0x11000  }
0x76: {  	[tilespmem:s13], [sflag:$0x3] =	stream.indirect.gather [hbm4b:s3+s23], $0x10, s12, s23, $0xb8;
	[tilespmem:$0x1A000] =	vst v63  }
0x77: {  	s14 =	simm.s32 $0x380;
	s16 =	simm.s32 $0x11800  }
0x78: {  	[tilespmem:s16], [sflag:$0x3] =	stream.indirect.gather [hbm4b:s3+s23], $0x10, s14, s23, $0xb8;
	[tilespmem:$0x1A000] =	vst v63  }
0x79: {  	s20 =	simm.s32 $0x1200;
	s22 =	simm.s32 $0x12000  }
0x7a: {  	[tilespmem:s22], [sflag:$0x3] =	stream.indirect.gather [hbm4b:s3+s23], $0x10, s20, s23, $0xb8;
	[tilespmem:$0x1A000] =	vst v63  }
0x7b: {  	s24 =	simm.s32 $0x1280;
	s25 =	simm.s32 $0x12800  }
0x7c: {  	[tilespmem:s25], [sflag:$0x3] =	stream.indirect.gather [hbm4b:s3+s23], $0x10, s24, s23, $0xb8;
	[tilespmem:$0x1A000] =	vst v63  }
0x7d: {  	s28 =	simm.s32 $0x1300;
	s30 =	simm.s32 $0x13000  }
0x7e: {  	[tilespmem:s30], [sflag:$0x3] =	stream.indirect.gather [hbm4b:s3+s23], $0x10, s28, s23, $0xb8;
	[tilespmem:$0x1A000] =	vst v63  }
0x7f: {  	s11 =	simm.s32 $0x1380;
	s12 =	simm.s32 $0x13800  }
0x80: {  	[tilespmem:s12], [sflag:$0x3] =	stream.indirect.gather [hbm4b:s3+s23], $0x10, s11, s23, $0xb8;
	[tilespmem:$0x1A000] =	vst v63  }
0x81: {  	s13 =	simm.s32 $0x2200;
	s14 =	simm.s32 $0x14000  }
0x82: {  	[tilespmem:s14], [sflag:$0x3] =	stream.indirect.gather [hbm4b:s3+s23], $0x10, s13, s23, $0xb8;
	[tilespmem:$0x1A000] =	vst v63  }
0x83: {  	s16 =	simm.s32 $0x2280  }
0x84: {  	[tilespmem:s31], [sflag:$0x3] =	stream.indirect.gather [hbm4b:s3+s23], $0x10, s16, s23, $0xb8;
	[tilespmem:$0x1A000] =	vst v63  }
0x85: {  	s20 =	simm.s32 $0x2300  }
0x86: {  	[tilespmem:s26], [sflag:$0x3] =	stream.indirect.gather [hbm4b:s3+s23], $0x10, s20, s23, $0xb8;
	[tilespmem:$0x1A000] =	vst v63  }
0x87: {  	s22 =	simm.s32 $0x2380  }
0x88: {  	[tilespmem:s1], [sflag:$0x3] =	stream.indirect.gather [hbm4b:s3+s23], $0x10, s22, s23, $0xb8;
	[tilespmem:$0x1A000] =	vst v63  }
0x89: {  	s24 =	simm.s32 $0x3200  }
0x8a: {  	[tilespmem:s4], [sflag:$0x3] =	stream.indirect.gather [hbm4b:s3+s23], $0x10, s24, s23, $0xb8;
	[tilespmem:$0x1A000] =	vst v63  }
0x8b: {  	s25 =	simm.s32 $0x3280  }
0x8c: {  	[tilespmem:s5], [sflag:$0x3] =	stream.indirect.gather [hbm4b:s3+s23], $0x10, s25, s23, $0xb8;
	[tilespmem:$0x1A000] =	vst v63  }
0x8d: {  	s29 =	simm.s32 $0x18010;
	s28 =	simm.s32 $0x3300  }
0x8e: {  	[tilespmem:s6], [sflag:$0x3] =	stream.indirect.gather [hbm4b:s3+s23], $0x10, s28, s23, $0xb8;
	[tilespmem:$0x1A000] =	vst v63  }
0x8f: {  	s30 =	simm.s32 $0x3380;
	s11 =	simm.s32 $0x18410;
	s13 =	simm.s32 $0x0  }
0x90: {  	[tilespmem:s7], [sflag:$0x3] =	stream.indirect.gather [hbm4b:s3+s23], $0x10, s30, s23, $0xb8;
	[tilespmem:$0x1A000] =	vst v63  }
.LBB2_3:
0x91: {  	_ =	swait.ge [sflag:s9], $0x2000  }
0x92: {  	[sflag:s9] =	ssyncset.done $0x0  }
0x93: {  	[sflag:s9] =	ssyncadd.s32 $0xFFFFE000  }
0x94: {  	_ =	swait.ge [sflag:s9], $0x2000  }
0x95: {  	[sflag:s9] =	ssyncset.done $0x0  }
0x96: {  	[sflag:s9] =	ssyncadd.s32 $0xFFFFE000  }
0x97: {  	_ =	swait.ge [sflag:s9], $0x2000  }
0x98: {  	[sflag:s9] =	ssyncset.done $0x0  }
0x99: {  	s12 =	simm.s32 $0xC080;
	[sflag:s9] =	ssyncadd.s32 $0xFFFFE000  }
0x9a: {  	s22 =	simm.s32 $0xA0F0;
	s28 =	simm.s32 $0x80F0;
	_ =	swait.ge [sflag:s9], $0x2000  }
0x9b: {  	s30 =	simm.s32 $0xE080;
	s0 =	smov.u32 s29;
	[sflag:s9] =	ssyncset.done $0x0  }
0x9c: {  	s14 =	smov.u32 s8;
	s2 =	simm.s32 $0x0;
	[sflag:s9] =	ssyncadd.s32 $0xFFFFE000  }
.LBB2_4:
0x9d: {  	v0 =	vmov s28;
	_ =	sdelay $0x2  }
0x9e: {  	s25 =	simm.s32 $0x0;
	v1 =	vmov s22;
	v2 =	vmov s12;
	v3 =	vmov s30;
	s20 =	smov.u32 s0;
	s16 =	smov.u32 s14  }
.LBB2_5:
0x9f: {  	s24 =	sshra.s32 s25, $0x2  }
0xa0: {  	v4 =	vld.idx.msk [tilespmem:v0+s24+$0xFFFFFF10 ss:$0x1], $0xffff  }
0xa1: {  	v6 =	vld.idx.msk [tilespmem:v0+s24+$0xFFFFFF20 ss:$0x1], $0xffff  }
0xa2: {  	v9 =	vld.idx.msk [tilespmem:v0+s24+$0xFFFFFF30 ss:$0x1], $0xffff  }
0xa3: {  	v19 =	vmov s16;
	v13 =	vld.idx.msk [tilespmem:v0+s24+$0xFFFFFF40 ss:$0x1], $0xffff  }
0xa4: {  	v18 =	vor.u32 $0x1, v19;
	v61 =	vld.idx.msk [tilespmem:v0+s24+$0xFFFFFF50 ss:$0x1], $0xffff  }
0xa5: {  	v17 =	vor.u32 $0x2, v19;
	v20 =	vld.idx.msk [tilespmem:v0+s24+$0xFFFFFF60 ss:$0x1], $0xffff  }
0xa6: {  	v15 =	vor.u32 $0x3, v19;
	v29 =	vld.idx.msk [tilespmem:v0+s24+$0xFFFFFF70 ss:$0x1], $0xffff  }
0xa7: {  	v23 =	vld.idx.msk [tilespmem:v0+s24+$0xFFFFFF80 ss:$0x1], $0xffff  }
0xa8: {  	v11 =	vor.u32 $0x4, v19;
	v12 =	vor.u32 $0x5, v19;
	v5 =	vld.idx.msk [tilespmem:v19+s15+$0x0], $0xffff  }
0xa9: {  	v16 =	vor.u32 $0x6, v19;
	v7 =	vld.idx.msk [tilespmem:v18+s15+$0x0], $0xffff;
	v8 =	vshll.u32 v4, $0x10;
	v4 =	vand.u32 $0xFFFF0000, v4  }
0xaa: {  	v10 =	vld.idx.msk [tilespmem:v17+s15+$0x0], $0xffff;
	v59 =	vshll.u32 v9, $0x10;
	v60 =	vand.u32 $0xFFFF0000, v9;
	v24 =	vshll.u32 v13, $0x10  }
0xab: {  	v14 =	vld.idx.msk [tilespmem:v15+s15+$0x0], $0xffff;
	v25 =	vand.u32 $0xFFFF0000, v13;
	v13 =	vor.u32 $0x7, v19;
	v28 =	vshll.u32 v61, $0x10  }
0xac: {  	v36 =	vld.idx.msk [tilespmem:v0+s24+$0xFFFFFF90 ss:$0x1], $0xffff;
	v9 =	vand.u32 $0xFFFF0000, v61;
	v30 =	vshll.u32 v20, $0x10;
	v32 =	vand.u32 $0xFFFF0000, v20  }
0xad: {  	v21 =	vld.idx.msk [tilespmem:v12+s15+$0x0], $0xffff;
	v8 =	vmul.f32 v8, v5;
	v4 =	vmul.f32 v4, v5;
	v5 =	vshll.u32 v6, $0x10  }
0xae: {  	v63 =	vld.idx.msk [tilespmem:v11+s15+$0x0], $0xffff;
	v35 =	vshll.u32 v29, $0x10;
	v6 =	vand.u32 $0xFFFF0000, v6;
	v5 =	vmul.f32 v5, v7  }
0xaf: {  	v22 =	vld.idx.msk [tilespmem:v16+s15+$0x0], $0xffff;
	v38 =	vshll.u32 v23, $0x10;
	v6 =	vmul.f32 v6, v7;
	v7 =	vmul.f32 v59, v10  }
0xb0: {  	v48 =	vld.idx.msk [tilespmem:v0+s24+$0xFFFFFFE0 ss:$0x1], $0xffff;
	v39 =	vand.u32 $0xFFFF0000, v23;
	v62 =	vmul.f32 v60, v10;
	v26 =	vmul.f32 v24, v14  }
0xb1: {  	v53 =	vld.idx.msk [tilespmem:v0+s24+$0xFFFFFFF0 ss:$0x1], $0xffff;
	v27 =	vmul.f32 v25, v14;
	v8 =	vadd.f32 $0.0e+00, v8;
	v4 =	vadd.f32 $0.0e+00, v4  }
0xb2: {  	v14 =	vor.u32 $0x8, v19;
	v10 =	vor.u32 $0x9, v19;
	v31 =	vmul.f32 v30, v21;
	v33 =	vld.idx.msk [tilespmem:v13+s15+$0x0], $0xffff  }
0xb3: {  	v58 =	vld.idx.msk [tilespmem:v0+s24+$0x0 ss:$0x1], $0xffff;
	v34 =	vmul.f32 v32, v21;
	v5 =	vadd.f32 v5, v8;
	v4 =	vadd.f32 v6, v4  }
0xb4: {  	v61 =	vld.idx.msk [tilespmem:v19+s17+$0x0], $0xffff;
	v24 =	vmul.f32 v35, v22;
	v8 =	vmul.f32 v9, v63;
	v9 =	vor.u32 $0xB, v19  }
0xb5: {  	v21 =	vand.u32 $0xFFFF0000, v36;
	v32 =	vld.idx.msk [tilespmem:v15+s17+$0x0], $0xffff;
	v5 =	vadd.f32 v7, v5;
	v4 =	vadd.f32 v62, v4  }
0xb6: {  	v60 =	vshll.u32 v48, $0x10;
	v6 =	vmul.f32 v28, v63;
	v28 =	vld.idx.msk [tilespmem:v0+s24+$0xFFFFFFB0 ss:$0x1], $0xffff;
	v7 =	vand.u32 $0xFFFF0000, v29  }
0xb7: {  	v25 =	vld.idx.msk [tilespmem:v14+s15+$0x0], $0xffff;
	v40 =	vmul.f32 v38, v33;
	v5 =	vadd.f32 v26, v5;
	v4 =	vadd.f32 v27, v4  }
0xb8: {  	v20 =	vmul.f32 v39, v33;
	v29 =	vld.idx.msk [tilespmem:v0+s24+$0xFFFFFFC0 ss:$0x1], $0xffff;
	v62 =	vand.u32 $0xFFFF0000, v48;
	v39 =	vand.u32 $0xFFFF0000, v53  }
0xb9: {  	v43 =	vld.idx.msk [tilespmem:v9+s15+$0x0], $0xffff;
	v5 =	vadd.f32 v6, v5;
	v4 =	vadd.f32 v8, v4;
	v8 =	vor.u32 $0xA, v19  }
0xba: {  	v63 =	vld.idx.msk [tilespmem:v1+s24+$0xFFFFFF10 ss:$0x1], $0xffff;
	v7 =	vmul.f32 v7, v22;
	v27 =	vshll.u32 v36, $0x10;
	v6 =	vor.u32 $0xC, v19  }
0xbb: {  	v46 =	vshll.u32 v28, $0x10;
	v5 =	vadd.f32 v31, v5;
	v4 =	vadd.f32 v34, v4;
	v31 =	vld.idx.msk [tilespmem:v0+s24+$0xFFFFFFD0 ss:$0x1], $0xffff  }
0xbc: {  	v26 =	vld.idx.msk [tilespmem:v0+s24+$0xFFFFFFA0 ss:$0x1], $0xffff;
	v28 =	vand.u32 $0xFFFF0000, v28;
	v42 =	vmul.f32 v27, v25;
	v21 =	vmul.f32 v21, v25  }
0xbd: {  	v37 =	vld.idx.msk [tilespmem:v10+s15+$0x0], $0xffff;
	v50 =	vshll.u32 v29, $0x10;
	v5 =	vadd.f32 v24, v5;
	v4 =	vadd.f32 v7, v4  }
0xbe: {  	v52 =	vand.u32 $0xFFFF0000, v29;
	v7 =	vor.u32 $0xD, v19;
	v24 =	vmul.f32 v50, v43;
	v41 =	vld.idx.msk [tilespmem:v8+s15+$0x0], $0xffff  }
0xbf: {  	v54 =	vmul.f32 v52, v43;
	v44 =	vld.idx.msk [tilespmem:v6+s15+$0x0], $0xffff;
	v5 =	vadd.f32 v40, v5;
	v20 =	vadd.f32 v20, v4  }
0xc0: {  	v38 =	vld.idx.msk [tilespmem:v18+s17+$0x0], $0xffff;
	v4 =	vor.u32 $0xE, v19;
	v55 =	vshll.u32 v31, $0x10;
	v57 =	vand.u32 $0xFFFF0000, v31  }
0xc1: {  	v40 =	vld.idx.msk [tilespmem:v1+s24+$0xFFFFFF20 ss:$0x1], $0xffff;
	v23 =	vadd.f32 v42, v5;
	v5 =	vshll.u32 v26, $0x10;
	v26 =	vand.u32 $0xFFFF0000, v26  }
0xc2: {  	v43 =	vld.idx.msk [tilespmem:v17+s17+$0x0], $0xffff;
	v20 =	vadd.f32 v21, v20;
	v42 =	vshll.u32 v58, $0x10;
	v30 =	vmul.f32 v5, v37  }
0xc3: {  	v5 =	vor.u32 $0xF, v19;
	v45 =	vmul.f32 v26, v37;
	v47 =	vld.idx.msk [tilespmem:v7+s15+$0x0], $0xffff;
	v22 =	vmul.f32 v46, v41  }
0xc4: {  	v52 =	vld.idx.msk [tilespmem:v1+s24+$0xFFFFFF50 ss:$0x1], $0xffff;
	v37 =	vshll.u32 v53, $0x10;
	v49 =	vmul.f32 v28, v41;
	v59 =	vmul.f32 v57, v44  }
0xc5: {  	v46 =	vshll.u32 v63, $0x10;
	v23 =	vadd.f32 v30, v23;
	v20 =	vadd.f32 v45, v20;
	v51 =	vld.idx.msk [tilespmem:v4+s15+$0x0], $0xffff  }
0xc6: {  	v45 =	vld.idx.msk [tilespmem:v1+s24+$0xFFFFFF30 ss:$0x1], $0xffff;
	v48 =	vmul.f32 v46, v61;
	v50 =	vshll.u32 v40, $0x10;
	v29 =	vand.u32 $0xFFFF0000, v40  }
0xc7: {  	v26 =	vmul.f32 v29, v38;
	v22 =	vadd.f32 v22, v23;
	v20 =	vadd.f32 v49, v20;
	v49 =	vld.idx.msk [tilespmem:v1+s24+$0xFFFFFF40 ss:$0x1], $0xffff  }
0xc8: {  	v23 =	vmul.f32 v55, v44;
	v44 =	vand.u32 $0xFFFF0000, v58;
	v55 =	vld.idx.msk [tilespmem:v1+s24+$0xFFFFFF60 ss:$0x1], $0xffff;
	v36 =	vmul.f32 v62, v47  }
0xc9: {  	v58 =	vld.idx.msk [tilespmem:v1+s24+$0xFFFFFF70 ss:$0x1], $0xffff;
	v62 =	vand.u32 $0xFFFF0000, v52;
	v22 =	vadd.f32 v24, v22;
	v20 =	vadd.f32 v54, v20  }
0xca: {  	v56 =	vld.idx.msk [tilespmem:v5+s15+$0x0], $0xffff;
	v24 =	vmul.f32 v60, v47;
	v47 =	vand.u32 $0xFFFF0000, v63;
	v60 =	vshll.u32 v52, $0x10  }
0xcb: {  	v33 =	vld.idx.msk [tilespmem:v12+s17+$0x0], $0xffff;
	v41 =	vmul.f32 v39, v51;
	v53 =	vshll.u32 v45, $0x10;
	v22 =	vadd.f32 v23, v22  }
0xcc: {  	v57 =	vld.idx.msk [tilespmem:v16+s17+$0x0], $0xffff;
	v54 =	vand.u32 $0xFFFF0000, v45;
	v20 =	vadd.f32 v59, v20;
	v23 =	vmul.f32 v37, v51  }
0xcd: {  	v46 =	vld.idx.msk [tilespmem:v8+s17+$0x0], $0xffff;
	v29 =	vmul.f32 v53, v43;
	v27 =	vand.u32 $0xFFFF0000, v49;
	v22 =	vadd.f32 v24, v22  }
0xce: {  	v63 =	vld.idx.msk [tilespmem:v1+s24+$0xFFFFFF80 ss:$0x1], $0xffff;
	v35 =	vshll.u32 v55, $0x10;
	v37 =	vand.u32 $0xFFFF0000, v55;
	v20 =	vadd.f32 v36, v20  }
0xcf: {  	v51 =	vld.idx.msk [tilespmem:v11+s17+$0x0], $0xffff;
	v40 =	vshll.u32 v58, $0x10;
	v24 =	vmul.f32 v42, v56;
	v22 =	vadd.f32 v23, v22  }
0xd0: {  	v53 =	vld.idx.msk [tilespmem:v1+s24+$0xFFFFFFC0 ss:$0x1], $0xffff;
	v59 =	vmul.f32 v27, v32;
	v21 =	vadd.f32 v41, v20;
	v23 =	vmul.f32 v44, v56  }
0xd1: {  	v36 =	vld.idx.msk [tilespmem:v14+s17+$0x0], $0xffff;
	v25 =	vmul.f32 v35, v33;
	v20 =	vadd.f32 v24, v22;
	v22 =	vmul.f32 v47, v61  }
0xd2: {  	v21 =	vadd.f32 v23, v21;
	v24 =	vadd.f32 $0.0e+00, v48;
	v23 =	vmul.f32 v50, v38;
	v61 =	vld.idx.msk [tilespmem:v13+s17+$0x0], $0xffff  }
0xd3: {  	v39 =	vmul.f32 v37, v33;
	v42 =	vand.u32 $0xFFFF0000, v58;
	v38 =	vld.idx.msk [tilespmem:v1+s24+$0xFFFFFF90 ss:$0x1], $0xffff;
	v22 =	vadd.f32 $0.0e+00, v22  }
0xd4: {  	v45 =	vshll.u32 v63, $0x10;
	v56 =	vshll.u32 v49, $0x10;
	v48 =	vld.idx.msk [tilespmem:v1+s24+$0xFFFFFFB0 ss:$0x1], $0xffff;
	v23 =	vadd.f32 v23, v24  }
0xd5: {  	v58 =	vld.idx.msk [tilespmem:v1+s24+$0xFFFFFFD0 ss:$0x1], $0xffff;
	v44 =	vmul.f32 v42, v57;
	v24 =	vmul.f32 v54, v43;
	v22 =	vadd.f32 v26, v22  }
0xd6: {  	v47 =	vand.u32 $0xFFFF0000, v63;
	v63 =	vld.idx.msk [tilespmem:v1+s24+$0xFFFFFFE0 ss:$0x1], $0xffff;
	v23 =	vadd.f32 v29, v23;
	v26 =	vmul.f32 v56, v32  }
0xd7: {  	v37 =	vld.idx.msk [tilespmem:v4+s17+$0x0], $0xffff;
	v27 =	vmul.f32 v60, v51;
	v34 =	vmul.f32 v62, v51;
	v22 =	vadd.f32 v24, v22  }
0xd8: {  	v43 =	vld.idx.msk [tilespmem:v1+s24+$0xFFFFFFA0 ss:$0x1], $0xffff;
	v49 =	vmul.f32 v47, v61;
	v50 =	vshll.u32 v38, $0x10;
	v23 =	vadd.f32 v26, v23  }
0xd9: {  	v51 =	vld.idx.msk [tilespmem:v9+s17+$0x0], $0xffff;
	v52 =	vand.u32 $0xFFFF0000, v38;
	v60 =	vshll.u32 v48, $0x10;
	v22 =	vadd.f32 v59, v22  }
0xda: {  	v41 =	vld.idx.msk [tilespmem:v10+s17+$0x0], $0xffff;
	v62 =	vand.u32 $0xFFFF0000, v48;
	v38 =	vand.u32 $0xFFFF0000, v53;
	v23 =	vadd.f32 v27, v23  }
0xdb: {  	v56 =	vld.idx.msk [tilespmem:v6+s17+$0x0], $0xffff;
	v48 =	vand.u32 $0xFFFF0000, v63;
	v54 =	vmul.f32 v52, v36;
	v22 =	vadd.f32 v34, v22  }
0xdc: {  	v42 =	vld.idx.msk [tilespmem:v5+s17+$0x0], $0xffff;
	v35 =	vmul.f32 v62, v46;
	v27 =	vmul.f32 v40, v57;
	v23 =	vadd.f32 v25, v23  }
0xdd: {  	v55 =	vshll.u32 v43, $0x10;
	v25 =	vmul.f32 v45, v61;
	v61 =	vld.idx.msk [tilespmem:v7+s17+$0x0], $0xffff;
	v22 =	vadd.f32 v39, v22  }
0xde: {  	v47 =	vld.idx.msk [tilespmem:v19+s19+$0x0], $0xffff;
	v57 =	vand.u32 $0xFFFF0000, v43;
	v40 =	vmul.f32 v38, v51;
	v23 =	vadd.f32 v27, v23  }
0xdf: {  	v43 =	vand.u32 $0xFFFF0000, v58;
	v59 =	vmul.f32 v57, v41;
	v39 =	vld.idx.msk [tilespmem:v1+s24+$0xFFFFFFF0 ss:$0x1], $0xffff;
	v22 =	vadd.f32 v44, v22  }
0xe0: {  	v52 =	vld.idx.msk [tilespmem:v18+s19+$0x0], $0xffff;
	v45 =	vmul.f32 v43, v56;
	v27 =	vmul.f32 v50, v36;
	v23 =	vadd.f32 v25, v23  }
0xe1: {  	v36 =	vshll.u32 v53, $0x10;
	v25 =	vmul.f32 v55, v41;
	v44 =	vld.idx.msk [tilespmem:v1+s24+$0x0 ss:$0x1], $0xffff;
	v22 =	vadd.f32 v49, v22  }
0xe2: {  	v41 =	vshll.u32 v58, $0x10;
	v50 =	vmul.f32 v48, v61;
	v23 =	vadd.f32 v27, v23;
	v49 =	vld.idx.msk [tilespmem:v2+s24+$0xFFFFFF80 ss:$0x1], $0xffff  }
0xe3: {  	v48 =	vld.idx.msk [tilespmem:v2+s24+$0xFFFFFFE0 ss:$0x1], $0xffff;
	v27 =	vmul.f32 v60, v46;
	v46 =	vshll.u32 v63, $0x10;
	v22 =	vadd.f32 v54, v22  }
0xe4: {  	v53 =	vand.u32 $0xFFFF0000, v39;
	v23 =	vadd.f32 v25, v23;
	v25 =	vmul.f32 v36, v51;
	v54 =	vld.idx.msk [tilespmem:v2+s24+$0xFFFFFF90 ss:$0x1], $0xffff  }
0xe5: {  	v63 =	vld.idx.msk [tilespmem:v2+s24+$0xFFFFFFB0 ss:$0x1], $0xffff;
	v51 =	vshll.u32 v39, $0x10;
	v55 =	vmul.f32 v53, v37;
	v22 =	vadd.f32 v59, v22  }
0xe6: {  	v57 =	vld.idx.msk [tilespmem:v17+s19+$0x0], $0xffff;
	v58 =	vand.u32 $0xFFFF0000, v44;
	v23 =	vadd.f32 v27, v23;
	v27 =	vmul.f32 v41, v56  }
0xe7: {  	v34 =	vld.idx.msk [tilespmem:v15+s19+$0x0], $0xffff;
	v56 =	vshll.u32 v44, $0x10;
	v60 =	vshll.u32 v49, $0x10;
	v22 =	vadd.f32 v35, v22  }
0xe8: {  	v59 =	vld.idx.msk [tilespmem:v2+s24+$0xFFFFFFA0 ss:$0x1], $0xffff;
	v23 =	vadd.f32 v25, v23;
	v25 =	vmul.f32 v46, v61;
	v61 =	vand.u32 $0xFFFF0000, v49  }
0xe9: {  	v44 =	vld.idx.msk [tilespmem:v2+s24+$0xFFFFFFD0 ss:$0x1], $0xffff;
	v62 =	vmul.f32 v60, v47;
	v35 =	vmul.f32 v61, v47;
	v36 =	vshll.u32 v54, $0x10  }
0xea: {  	v39 =	vand.u32 $0xFFFF0000, v54;
	v47 =	vand.u32 $0xFFFF0000, v63;
	v61 =	vand.u32 $0xFFFF0000, v48  }
0xeb: {  	v46 =	vld.idx.msk [tilespmem:v16+s19+$0x0], $0xffff;
	v22 =	vadd.f32 v40, v22;
	v23 =	vadd.f32 v27, v23;
	v27 =	vmul.f32 v51, v37  }
0xec: {  	v53 =	vld.idx.msk [tilespmem:v2+s24+$0xFFFFFFF0 ss:$0x1], $0xffff;
	v38 =	vadd.f32 $0.0e+00, v62;
	v30 =	vmul.f32 v39, v52;
	v49 =	vmul.f32 v47, v34  }
0xed: {  	v40 =	vld.idx.msk [tilespmem:v2+s24+$0xFFFFFFC0 ss:$0x1], $0xffff;
	v41 =	vshll.u32 v59, $0x10;
	v22 =	vadd.f32 v45, v22;
	v23 =	vadd.f32 v25, v23  }
0xee: {  	v62 =	vld.idx.msk [tilespmem:v2+s24+$0x10 ss:$0x1], $0xffff;
	v54 =	vshll.u32 v44, $0x10;
	v25 =	vmul.f32 v56, v42;
	v43 =	vmul.f32 v41, v57  }
0xef: {  	v60 =	vld.idx.msk [tilespmem:v10+s19+$0x0], $0xffff;
	v45 =	vshll.u32 v63, $0x10;
	v22 =	vadd.f32 v50, v22;
	v23 =	vadd.f32 v27, v23  }
0xf0: {  	v37 =	vld.idx.msk [tilespmem:v11+s19+$0x0], $0xffff;
	v56 =	vand.u32 $0xFFFF0000, v44;
	v28 =	vmul.f32 v45, v34;
	v63 =	vmul.f32 v61, v46  }
0xf1: {  	v51 =	vld.idx.msk [tilespmem:v13+s19+$0x0], $0xffff;
	v24 =	vadd.f32 v55, v22;
	v22 =	vadd.f32 v25, v23;
	v25 =	vmul.f32 v36, v52  }
0xf2: {  	v39 =	vld.idx.msk [tilespmem:v2+s24+$0x20 ss:$0x1], $0xffff;
	v27 =	vmul.f32 v58, v42;
	v42 =	vand.u32 $0xFFFF0000, v59;
	v59 =	vshll.u32 v48, $0x10  }
0xf3: {  	v44 =	vld.idx.msk [tilespmem:v2+s24+$0x30 ss:$0x1], $0xffff;
	v50 =	vshll.u32 v40, $0x10;
	v48 =	vand.u32 $0xFFFF0000, v62;
	v25 =	vadd.f32 v25, v38  }
0xf4: {  	v52 =	vand.u32 $0xFFFF0000, v40;
	v23 =	vadd.f32 v27, v24;
	v24 =	vadd.f32 $0.0e+00, v35;
	v35 =	vld.idx.msk [tilespmem:v12+s19+$0x0], $0xffff  }
0xf5: {  	v29 =	vmul.f32 v50, v37;
	v27 =	vmul.f32 v42, v57;
	v57 =	vld.idx.msk [tilespmem:v2+s24+$0x0 ss:$0x1], $0xffff;
	v25 =	vadd.f32 v43, v25  }
0xf6: {  	v55 =	vld.idx.msk [tilespmem:v14+s19+$0x0], $0xffff;
	v36 =	vshll.u32 v53, $0x10;
	v50 =	vmul.f32 v48, v60;
	v24 =	vadd.f32 v30, v24  }
0xf7: {  	v26 =	vmul.f32 v52, v37;
	v37 =	vld.idx.msk [tilespmem:v8+s19+$0x0], $0xffff;
	v38 =	vand.u32 $0xFFFF0000, v53;
	v25 =	vadd.f32 v28, v25  }
0xf8: {  	v53 =	vand.u32 $0xFFFF0000, v39;
	v40 =	vmul.f32 v38, v51;
	v38 =	vld.idx.msk [tilespmem:v3+s24+$0xFFFFFF90 ss:$0x1], $0xffff;
	v24 =	vadd.f32 v27, v24  }
0xf9: {  	v27 =	vmul.f32 v54, v35;
	v58 =	vmul.f32 v56, v35;
	v54 =	vld.idx.msk [tilespmem:v2+s24+$0x50 ss:$0x1], $0xffff;
	v25 =	vadd.f32 v29, v25  }
0xfa: {  	v41 =	vshll.u32 v57, $0x10;
	v43 =	vand.u32 $0xFFFF0000, v57;
	v24 =	vadd.f32 v49, v24;
	v49 =	vld.idx.msk [tilespmem:v2+s24+$0x40 ss:$0x1], $0xffff  }
0xfb: {  	v56 =	vshll.u32 v44, $0x10;
	v29 =	vmul.f32 v59, v46;
	v59 =	vld.idx.msk [tilespmem:v2+s24+$0x60 ss:$0x1], $0xffff;
	v25 =	vadd.f32 v27, v25  }
0xfc: {  	v52 =	vld.idx.msk [tilespmem:v7+s19+$0x0], $0xffff;
	v45 =	vmul.f32 v43, v55;
	v46 =	vshll.u32 v62, $0x10;
	v24 =	vadd.f32 v26, v24  }
0xfd: {  	v57 =	vld.idx.msk [tilespmem:v4+s19+$0x0], $0xffff;
	v48 =	vand.u32 $0xFFFF0000, v38;
	v27 =	vmul.f32 v36, v51;
	v25 =	vadd.f32 v29, v25  }
0xfe: {  	v51 =	vshll.u32 v39, $0x10;
	v24 =	vadd.f32 v58, v24;
	v29 =	vmul.f32 v41, v55  }
0xff: {  	v47 =	vld.idx.msk [tilespmem:v6+s19+$0x0], $0xffff;
	v55 =	vmul.f32 v53, v37;
	v58 =	vand.u32 $0xFFFF0000, v44;
	v25 =	vadd.f32 v27, v25  }
0x100: {  	v42 =	vld.idx.msk [tilespmem:v9+s19+$0x0], $0xffff;
	v36 =	vshll.u32 v54, $0x10;
	v61 =	vand.u32 $0xFFFF0000, v49;
	v41 =	vand.u32 $0xFFFF0000, v59  }
0x101: {  	v24 =	vadd.f32 v63, v24;
	v27 =	vmul.f32 v46, v60;
	v63 =	vld.idx.msk [tilespmem:v3+s24+$0xFFFFFF80 ss:$0x1], $0xffff;
	v25 =	vadd.f32 v29, v25  }
0x102: {  	v28 =	vmul.f32 v36, v52;
	v60 =	vshll.u32 v49, $0x10;
	v43 =	vmul.f32 v41, v57;
	v46 =	vld.idx.msk [tilespmem:v3+s24+$0xFFFFFFB0 ss:$0x1], $0xffff  }
0x103: {  	v49 =	vld.idx.msk [tilespmem:v3+s24+$0xFFFFFFC0 ss:$0x1], $0xffff;
	v24 =	vadd.f32 v40, v24;
	v29 =	vmul.f32 v51, v37;
	v25 =	vadd.f32 v27, v25  }
0x104: {  	v62 =	vmul.f32 v60, v47;
	v37 =	vand.u32 $0xFFFF0000, v54;
	v40 =	vshll.u32 v59, $0x10  }
0x105: {  	v60 =	vld.idx.msk [tilespmem:v3+s24+$0xFFFFFFF0 ss:$0x1], $0xffff;
	v24 =	vadd.f32 v45, v24;
	v27 =	vmul.f32 v56, v42;
	v25 =	vadd.f32 v29, v25  }
0x106: {  	v19 =	vld.idx.msk [tilespmem:v19+s21+$0x0], $0xffff;
	v39 =	vmul.f32 v37, v52;
	v44 =	vshll.u32 v63, $0x10;
	v45 =	vand.u32 $0xFFFF0000, v63  }
0x107: {  	v24 =	vadd.f32 v50, v24;
	v29 =	vmul.f32 v58, v42;
	v42 =	vld.idx.msk [tilespmem:v3+s24+$0xFFFFFFA0 ss:$0x1], $0xffff;
	v25 =	vadd.f32 v27, v25  }
0x108: {  	v18 =	vld.idx.msk [tilespmem:v18+s21+$0x0], $0xffff;
	v53 =	vshll.u32 v46, $0x10;
	v54 =	vand.u32 $0xFFFF0000, v46;
	v56 =	vshll.u32 v49, $0x10  }
0x109: {  	v17 =	vld.idx.msk [tilespmem:v17+s21+$0x0], $0xffff;
	v58 =	vand.u32 $0xFFFF0000, v49;
	v26 =	vadd.f32 v55, v24;
	v25 =	vadd.f32 v62, v25  }
0x10a: {  	v15 =	vld.idx.msk [tilespmem:v15+s21+$0x0], $0xffff;
	v35 =	vshll.u32 v60, $0x10;
	v27 =	vmul.f32 v61, v47;
	v47 =	vshll.u32 v38, $0x10  }
0x10b: {  	v11 =	vld.idx.msk [tilespmem:v11+s21+$0x0], $0xffff;
	v26 =	vadd.f32 v29, v26;
	v25 =	vadd.f32 v28, v25;
	v28 =	vmul.f32 v44, v19  }
0x10c: {  	v52 =	vld.idx.msk [tilespmem:v3+s24+$0xFFFFFFD0 ss:$0x1], $0xffff;
	v29 =	vmul.f32 v40, v57;
	v50 =	vshll.u32 v42, $0x10;
	v19 =	vmul.f32 v45, v19  }
0x10d: {  	v34 =	vld.idx.msk [tilespmem:v3+s24+$0x10 ss:$0x1], $0xffff;
	v26 =	vadd.f32 v27, v26;
	v27 =	vmul.f32 v47, v18;
	v28 =	vadd.f32 $0.0e+00, v28  }
0x10e: {  	v37 =	vld.idx.msk [tilespmem:v3+s24+$0x20 ss:$0x1], $0xffff;
	v51 =	vand.u32 $0xFFFF0000, v42;
	v18 =	vmul.f32 v48, v18;
	v19 =	vadd.f32 $0.0e+00, v19  }
0x10f: {  	v63 =	vld.idx.msk [tilespmem:v3+s24+$0x0 ss:$0x1], $0xffff;
	v25 =	vadd.f32 v29, v25;
	v29 =	vmul.f32 v50, v17;
	v27 =	vadd.f32 v27, v28  }
0x110: {  	v12 =	vld.idx.msk [tilespmem:v12+s21+$0x0], $0xffff;
	v36 =	vand.u32 $0xFFFF0000, v60;
	v17 =	vmul.f32 v51, v17;
	v18 =	vadd.f32 v18, v19  }
0x111: {  	v55 =	vld.idx.msk [tilespmem:v3+s24+$0xFFFFFFE0 ss:$0x1], $0xffff;
	v59 =	vshll.u32 v52, $0x10;
	v19 =	vmul.f32 v53, v15;
	v27 =	vadd.f32 v29, v27  }
0x112: {  	v16 =	vld.idx.msk [tilespmem:v16+s21+$0x0], $0xffff;
	v61 =	vand.u32 $0xFFFF0000, v52;
	v15 =	vmul.f32 v54, v15;
	v17 =	vadd.f32 v17, v18  }
0x113: {  	v46 =	vand.u32 $0xFFFF0000, v37;
	v18 =	vmul.f32 v56, v11;
	v19 =	vadd.f32 v19, v27  }
0x114: {  	v13 =	vld.idx.msk [tilespmem:v13+s21+$0x0], $0xffff;
	v38 =	vshll.u32 v63, $0x10;
	v11 =	vmul.f32 v58, v11;
	v15 =	vadd.f32 v15, v17  }
0x115: {  	v14 =	vld.idx.msk [tilespmem:v14+s21+$0x0], $0xffff;
	v42 =	vshll.u32 v34, $0x10;
	v17 =	vmul.f32 v59, v12;
	v18 =	vadd.f32 v18, v19  }
0x116: {  	v57 =	vld.idx.msk [tilespmem:v2+s24+$0x70 ss:$0x1], $0xffff;
	v62 =	vshll.u32 v55, $0x10;
	v12 =	vmul.f32 v61, v12;
	v11 =	vadd.f32 v11, v15  }
0x117: {  	v32 =	vand.u32 $0xFFFF0000, v55;
	v15 =	vmul.f32 v62, v16;
	v17 =	vadd.f32 v17, v18  }
0x118: {  	v10 =	vld.idx.msk [tilespmem:v10+s21+$0x0], $0xffff;
	v45 =	vshll.u32 v37, $0x10;
	v16 =	vmul.f32 v32, v16;
	v11 =	vadd.f32 v12, v11  }
0x119: {  	v40 =	vld.idx.msk [tilespmem:v3+s24+$0x30 ss:$0x1], $0xffff;
	v26 =	vadd.f32 v39, v26;
	v15 =	vadd.f32 v15, v17;
	v17 =	vmul.f32 v35, v13  }
0x11a: {  	v8 =	vld.idx.msk [tilespmem:v8+s21+$0x0], $0xffff;
	v39 =	vand.u32 $0xFFFF0000, v63;
	v11 =	vadd.f32 v16, v11;
	v13 =	vmul.f32 v36, v13  }
0x11b: {  	v44 =	vld.idx.msk [tilespmem:v3+s24+$0x40 ss:$0x1], $0xffff;
	v33 =	vshll.u32 v57, $0x10;
	v16 =	vmul.f32 v38, v14;
	v15 =	vadd.f32 v17, v15  }
0x11c: {  	v9 =	vld.idx.msk [tilespmem:v9+s21+$0x0], $0xffff;
	v41 =	vmul.f32 v39, v14;
	v26 =	vadd.f32 v43, v26;
	v11 =	vadd.f32 v13, v11  }
0x11d: {  	v47 =	vld.idx.msk [tilespmem:v3+s24+$0x50 ss:$0x1], $0xffff;
	v43 =	vand.u32 $0xFFFF0000, v34;
	v14 =	vmul.f32 v42, v10;
	v15 =	vadd.f32 v16, v15  }
0x11e: {  	v6 =	vld.idx.msk [tilespmem:v6+s21+$0x0], $0xffff;
	v48 =	vshll.u32 v40, $0x10;
	v10 =	vmul.f32 v43, v10;
	v11 =	vadd.f32 v41, v11  }
0x11f: {  	v50 =	vld.idx.msk [tilespmem:v3+s24+$0x60 ss:$0x1], $0xffff;
	v49 =	vand.u32 $0xFFFF0000, v40;
	v13 =	vmul.f32 v45, v8;
	v14 =	vadd.f32 v14, v15  }
0x120: {  	v7 =	vld.idx.msk [tilespmem:v7+s21+$0x0], $0xffff;
	v51 =	vshll.u32 v44, $0x10;
	v8 =	vmul.f32 v46, v8;
	v10 =	vadd.f32 v10, v11  }
0x121: {  	v4 =	vld.idx.msk [tilespmem:v4+s21+$0x0], $0xffff;
	v52 =	vand.u32 $0xFFFF0000, v44;
	v11 =	vmul.f32 v48, v9;
	v13 =	vadd.f32 v13, v14  }
0x122: {  	v53 =	vld.idx.msk [tilespmem:v3+s24+$0x70 ss:$0x1], $0xffff;
	v54 =	vshll.u32 v47, $0x10;
	v9 =	vmul.f32 v49, v9;
	v8 =	vadd.f32 v8, v10  }
0x123: {  	v24 =	vld.idx.msk [tilespmem:v5+s19+$0x0], $0xffff;
	v55 =	vand.u32 $0xFFFF0000, v47;
	v10 =	vmul.f32 v51, v6;
	v11 =	vadd.f32 v11, v13  }
0x124: {  	v5 =	vld.idx.msk [tilespmem:v5+s21+$0x0], $0xffff;
	v56 =	vshll.u32 v50, $0x10;
	v6 =	vmul.f32 v52, v6;
	v8 =	vadd.f32 v9, v8  }
0x125: {  	v27 =	vand.u32 $0xFFFF0000, v57;
	v9 =	vmul.f32 v54, v7;
	v10 =	vadd.f32 v10, v11  }
0x126: {  	v57 =	vand.u32 $0xFFFF0000, v50;
	v7 =	vmul.f32 v55, v7;
	v6 =	vadd.f32 v6, v8  }
0x127: {  	v58 =	vshll.u32 v53, $0x10;
	v8 =	vmul.f32 v56, v4;
	v9 =	vadd.f32 v9, v10  }
0x128: {  	v59 =	vand.u32 $0xFFFF0000, v53;
	v4 =	vmul.f32 v57, v4;
	v6 =	vadd.f32 v7, v6  }
0x129: {  	v12 =	vmul.f32 v33, v24;
	v7 =	vmul.f32 v58, v5;
	v8 =	vadd.f32 v8, v9  }
0x12a: {  	v60 =	vmul.f32 v27, v24;
	v5 =	vmul.f32 v59, v5;
	v4 =	vadd.f32 v4, v6  }
0x12b: {  	v61 =	vadd.f32 v12, v25;
	v7 =	vadd.f32 v7, v8  }
0x12c: {  	v62 =	vadd.f32 v60, v26;
	v4 =	vadd.f32 v5, v4  }
0x12d: {  	p0 =	sne.s32 s25, $0x1C00;
	v5 =	vadd.f32 v22, v20;
	v6 =	vadd.f32 v7, v61  }
.Ltmp4:
0x12e: {  	v63 =	vadd.f32 v23, v21;
	v4 =	vadd.f32 v4, v62;
	(pc) =	sbr.rel @p0 .LBB2_5-.Ltmp4, $4  }
0x12f: {  	v5 =	vadd.f32 v6, v5  }
0x130: {  	v4 =	vadd.f32 v4, v63  }
0x131: {  	[tilespmem:s20+$0xFFFFFFF0] =	vst v5  }
0x132: {  	s16 =	sadd.s32 $0x10, s16;
	s25 =	sadd.s32 $0x400, s25;
	[tilespmem:s20+$0x0] =	vst v4;
	s20 =	sadd.s32 $0x20, s20  }
0x133: {  	s2 =	sadd.s32 $0x1, s2  }
0x134: {  	p0 =	sne.s32 s2, $0x4  }
.Ltmp5:
0x135: {  	_ = 	snop;
	(pc) =	sbr.rel @p0 .LBB2_4-.Ltmp5, $3  }
0x136: {  	_ =	sdelay $0x1  }
0x137: {  	s14 =	sadd.s32 $0x80, s14;
	s0 =	sadd.s32 $0x100, s0;
	s12 =	sadd.s32 $0x800, s12  }
0x138: {  	s22 =	sadd.s32 $0x800, s22;
	s28 =	sadd.s32 $0x800, s28;
	s30 =	sadd.s32 $0x800, s30  }
0x139: {  	p0 =	seq.s32 s13, $0x3  }
0x13a: {  	s0 =	sshll.u32 @!p0 s13, $0xA  }
0x13b: {  	s12 =	simm.s32 @!p0 $0x80;
	s14 =	simm.s32 @!p0 $0x8000;
	s2 =	sadd.s32 @!p0 $0x400, s0  }
0x13c: {  	[tilespmem:s14], [sflag:$0x2] =	stream.indirect.gather @!p0 [hbm4b:s3+s12], $0x10, s2, s12, $0xb8;
	[tilespmem:$0x1A000] =	vst v63  }
0x13d: {  	s2 =	sadd.s32 @!p0 $0x480, s0;
	s14 =	simm.s32 @!p0 $0x8800  }
0x13e: {  	[tilespmem:s14], [sflag:$0x2] =	stream.indirect.gather @!p0 [hbm4b:s3+s12], $0x10, s2, s12, $0xb8;
	[tilespmem:$0x1A000] =	vst v63  }
0x13f: {  	s2 =	sadd.s32 @!p0 $0x500, s0;
	s14 =	simm.s32 @!p0 $0x9000  }
0x140: {  	[tilespmem:s14], [sflag:$0x2] =	stream.indirect.gather @!p0 [hbm4b:s3+s12], $0x10, s2, s12, $0xb8;
	[tilespmem:$0x1A000] =	vst v63  }
0x141: {  	s2 =	sadd.s32 @!p0 $0x580, s0;
	s14 =	simm.s32 @!p0 $0x9800  }
0x142: {  	[tilespmem:s14], [sflag:$0x2] =	stream.indirect.gather @!p0 [hbm4b:s3+s12], $0x10, s2, s12, $0xb8;
	[tilespmem:$0x1A000] =	vst v63  }
0x143: {  	s2 =	sadd.s32 @!p0 $0x1400, s0;
	s14 =	simm.s32 @!p0 $0xA000  }
0x144: {  	[tilespmem:s14], [sflag:$0x2] =	stream.indirect.gather @!p0 [hbm4b:s3+s12], $0x10, s2, s12, $0xb8;
	[tilespmem:$0x1A000] =	vst v63  }
0x145: {  	s2 =	sadd.s32 @!p0 $0x1480, s0;
	s14 =	simm.s32 @!p0 $0xA800  }
0x146: {  	[tilespmem:s14], [sflag:$0x2] =	stream.indirect.gather @!p0 [hbm4b:s3+s12], $0x10, s2, s12, $0xb8;
	[tilespmem:$0x1A000] =	vst v63  }
0x147: {  	s2 =	sadd.s32 @!p0 $0x1500, s0;
	s14 =	simm.s32 @!p0 $0xB000  }
0x148: {  	[tilespmem:s14], [sflag:$0x2] =	stream.indirect.gather @!p0 [hbm4b:s3+s12], $0x10, s2, s12, $0xb8;
	[tilespmem:$0x1A000] =	vst v63  }
0x149: {  	s2 =	sadd.s32 @!p0 $0x1580, s0;
	s14 =	simm.s32 @!p0 $0xB800  }
0x14a: {  	[tilespmem:s14], [sflag:$0x2] =	stream.indirect.gather @!p0 [hbm4b:s3+s12], $0x10, s2, s12, $0xb8;
	[tilespmem:$0x1A000] =	vst v63  }
0x14b: {  	s2 =	sadd.s32 @!p0 $0x2400, s0;
	s14 =	simm.s32 @!p0 $0xC000  }
0x14c: {  	[tilespmem:s14], [sflag:$0x2] =	stream.indirect.gather @!p0 [hbm4b:s3+s12], $0x10, s2, s12, $0xb8;
	[tilespmem:$0x1A000] =	vst v63  }
0x14d: {  	s2 =	sadd.s32 @!p0 $0x2480, s0;
	s14 =	simm.s32 @!p0 $0xC800  }
0x14e: {  	[tilespmem:s14], [sflag:$0x2] =	stream.indirect.gather @!p0 [hbm4b:s3+s12], $0x10, s2, s12, $0xb8;
	[tilespmem:$0x1A000] =	vst v63  }
0x14f: {  	s2 =	sadd.s32 @!p0 $0x2500, s0;
	s14 =	simm.s32 @!p0 $0xD000  }
0x150: {  	[tilespmem:s14], [sflag:$0x2] =	stream.indirect.gather @!p0 [hbm4b:s3+s12], $0x10, s2, s12, $0xb8;
	[tilespmem:$0x1A000] =	vst v63  }
0x151: {  	s2 =	sadd.s32 @!p0 $0x2580, s0;
	s14 =	simm.s32 @!p0 $0xD800  }
0x152: {  	[tilespmem:s14], [sflag:$0x2] =	stream.indirect.gather @!p0 [hbm4b:s3+s12], $0x10, s2, s12, $0xb8;
	[tilespmem:$0x1A000] =	vst v63  }
0x153: {  	s2 =	sadd.s32 @!p0 $0x3400, s0;
	s14 =	simm.s32 @!p0 $0xE000  }
0x154: {  	[tilespmem:s14], [sflag:$0x2] =	stream.indirect.gather @!p0 [hbm4b:s3+s12], $0x10, s2, s12, $0xb8;
	[tilespmem:$0x1A000] =	vst v63  }
0x155: {  	s2 =	sadd.s32 @!p0 $0x3480, s0;
	s14 =	simm.s32 @!p0 $0xE800  }
0x156: {  	[tilespmem:s14], [sflag:$0x2] =	stream.indirect.gather @!p0 [hbm4b:s3+s12], $0x10, s2, s12, $0xb8;
	[tilespmem:$0x1A000] =	vst v63  }
0x157: {  	s2 =	sadd.s32 @!p0 $0x3500, s0;
	s14 =	simm.s32 @!p0 $0xF000  }
0x158: {  	[tilespmem:s14], [sflag:$0x2] =	stream.indirect.gather @!p0 [hbm4b:s3+s12], $0x10, s2, s12, $0xb8;
	[tilespmem:$0x1A000] =	vst v63  }
0x159: {  	s0 =	sadd.s32 @!p0 $0x3580, s0;
	s2 =	simm.s32 @!p0 $0xF800  }
0x15a: {  	[tilespmem:s2], [sflag:$0x2] =	stream.indirect.gather @!p0 [hbm4b:s3+s12], $0x10, s0, s12, $0xb8;
	[tilespmem:$0x1A000] =	vst v63  }
0x15b: {  	_ =	swait.ge [sflag:s10], $0x2000  }
0x15c: {  	[sflag:s10] =	ssyncset.done $0x0  }
0x15d: {  	[sflag:s10] =	ssyncadd.s32 $0xFFFFE000  }
0x15e: {  	_ =	swait.ge [sflag:s10], $0x2000  }
0x15f: {  	[sflag:s10] =	ssyncset.done $0x0  }
0x160: {  	[sflag:s10] =	ssyncadd.s32 $0xFFFFE000  }
0x161: {  	_ =	swait.ge [sflag:s10], $0x2000  }
0x162: {  	[sflag:s10] =	ssyncset.done $0x0  }
0x163: {  	s22 =	simm.s32 $0x14080;
	[sflag:s10] =	ssyncadd.s32 $0xFFFFE000  }
0x164: {  	s28 =	simm.s32 $0x120F0;
	s30 =	simm.s32 $0x100F0;
	_ =	swait.ge [sflag:s10], $0x2000  }
0x165: {  	s20 =	simm.s32 $0x16080;
	s16 =	smov.u32 s11;
	[sflag:s10] =	ssyncset.done $0x0  }
0x166: {  	s12 =	simm.s32 $0x0;
	s2 =	smov.u32 s18;
	[sflag:s10] =	ssyncadd.s32 $0xFFFFE000  }
.LBB2_8:
0x167: {  	v0 =	vmov s30;
	_ =	sdelay $0x2  }
0x168: {  	v1 =	vmov s28;
	v2 =	vmov s22;
	v3 =	vmov s20;
	s25 =	smov.u32 s16;
	s0 =	smov.u32 s2;
	s14 =	simm.s32 $0x0  }
.LBB2_9:
0x169: {  	s24 =	sshra.s32 s14, $0x2  }
0x16a: {  	v4 =	vld.idx.msk [tilespmem:v0+s24+$0xFFFFFF10 ss:$0x1], $0xffff  }
0x16b: {  	v6 =	vld.idx.msk [tilespmem:v0+s24+$0xFFFFFF20 ss:$0x1], $0xffff  }
0x16c: {  	v9 =	vld.idx.msk [tilespmem:v0+s24+$0xFFFFFF30 ss:$0x1], $0xffff  }
0x16d: {  	v19 =	vmov s0;
	v13 =	vld.idx.msk [tilespmem:v0+s24+$0xFFFFFF40 ss:$0x1], $0xffff  }
0x16e: {  	v18 =	vor.u32 $0x1, v19;
	v61 =	vld.idx.msk [tilespmem:v0+s24+$0xFFFFFF50 ss:$0x1], $0xffff  }
0x16f: {  	v17 =	vor.u32 $0x2, v19;
	v20 =	vld.idx.msk [tilespmem:v0+s24+$0xFFFFFF60 ss:$0x1], $0xffff  }
0x170: {  	v15 =	vor.u32 $0x3, v19;
	v29 =	vld.idx.msk [tilespmem:v0+s24+$0xFFFFFF70 ss:$0x1], $0xffff  }
0x171: {  	v23 =	vld.idx.msk [tilespmem:v0+s24+$0xFFFFFF80 ss:$0x1], $0xffff  }
0x172: {  	v11 =	vor.u32 $0x4, v19;
	v12 =	vor.u32 $0x5, v19;
	v5 =	vld.idx.msk [tilespmem:v19+s15+$0x0], $0xffff  }
0x173: {  	v16 =	vor.u32 $0x6, v19;
	v7 =	vld.idx.msk [tilespmem:v18+s15+$0x0], $0xffff;
	v8 =	vshll.u32 v4, $0x10;
	v4 =	vand.u32 $0xFFFF0000, v4  }
0x174: {  	v10 =	vld.idx.msk [tilespmem:v17+s15+$0x0], $0xffff;
	v59 =	vshll.u32 v9, $0x10;
	v60 =	vand.u32 $0xFFFF0000, v9;
	v24 =	vshll.u32 v13, $0x10  }
0x175: {  	v14 =	vld.idx.msk [tilespmem:v15+s15+$0x0], $0xffff;
	v25 =	vand.u32 $0xFFFF0000, v13;
	v13 =	vor.u32 $0x7, v19;
	v28 =	vshll.u32 v61, $0x10  }
0x176: {  	v36 =	vld.idx.msk [tilespmem:v0+s24+$0xFFFFFF90 ss:$0x1], $0xffff;
	v9 =	vand.u32 $0xFFFF0000, v61;
	v30 =	vshll.u32 v20, $0x10;
	v32 =	vand.u32 $0xFFFF0000, v20  }
0x177: {  	v21 =	vld.idx.msk [tilespmem:v12+s15+$0x0], $0xffff;
	v8 =	vmul.f32 v8, v5;
	v4 =	vmul.f32 v4, v5;
	v5 =	vshll.u32 v6, $0x10  }
0x178: {  	v63 =	vld.idx.msk [tilespmem:v11+s15+$0x0], $0xffff;
	v35 =	vshll.u32 v29, $0x10;
	v6 =	vand.u32 $0xFFFF0000, v6;
	v5 =	vmul.f32 v5, v7  }
0x179: {  	v22 =	vld.idx.msk [tilespmem:v16+s15+$0x0], $0xffff;
	v38 =	vshll.u32 v23, $0x10;
	v6 =	vmul.f32 v6, v7;
	v7 =	vmul.f32 v59, v10  }
0x17a: {  	v48 =	vld.idx.msk [tilespmem:v0+s24+$0xFFFFFFE0 ss:$0x1], $0xffff;
	v39 =	vand.u32 $0xFFFF0000, v23;
	v62 =	vmul.f32 v60, v10;
	v26 =	vmul.f32 v24, v14  }
0x17b: {  	v53 =	vld.idx.msk [tilespmem:v0+s24+$0xFFFFFFF0 ss:$0x1], $0xffff;
	v27 =	vmul.f32 v25, v14;
	v8 =	vadd.f32 $0.0e+00, v8;
	v4 =	vadd.f32 $0.0e+00, v4  }
0x17c: {  	v14 =	vor.u32 $0x8, v19;
	v10 =	vor.u32 $0x9, v19;
	v31 =	vmul.f32 v30, v21;
	v33 =	vld.idx.msk [tilespmem:v13+s15+$0x0], $0xffff  }
0x17d: {  	v58 =	vld.idx.msk [tilespmem:v0+s24+$0x0 ss:$0x1], $0xffff;
	v34 =	vmul.f32 v32, v21;
	v5 =	vadd.f32 v5, v8;
	v4 =	vadd.f32 v6, v4  }
0x17e: {  	v61 =	vld.idx.msk [tilespmem:v19+s17+$0x0], $0xffff;
	v24 =	vmul.f32 v35, v22;
	v8 =	vmul.f32 v9, v63;
	v9 =	vor.u32 $0xB, v19  }
0x17f: {  	v21 =	vand.u32 $0xFFFF0000, v36;
	v32 =	vld.idx.msk [tilespmem:v15+s17+$0x0], $0xffff;
	v5 =	vadd.f32 v7, v5;
	v4 =	vadd.f32 v62, v4  }
0x180: {  	v60 =	vshll.u32 v48, $0x10;
	v6 =	vmul.f32 v28, v63;
	v28 =	vld.idx.msk [tilespmem:v0+s24+$0xFFFFFFB0 ss:$0x1], $0xffff;
	v7 =	vand.u32 $0xFFFF0000, v29  }
0x181: {  	v25 =	vld.idx.msk [tilespmem:v14+s15+$0x0], $0xffff;
	v40 =	vmul.f32 v38, v33;
	v5 =	vadd.f32 v26, v5;
	v4 =	vadd.f32 v27, v4  }
0x182: {  	v20 =	vmul.f32 v39, v33;
	v29 =	vld.idx.msk [tilespmem:v0+s24+$0xFFFFFFC0 ss:$0x1], $0xffff;
	v62 =	vand.u32 $0xFFFF0000, v48;
	v39 =	vand.u32 $0xFFFF0000, v53  }
0x183: {  	v43 =	vld.idx.msk [tilespmem:v9+s15+$0x0], $0xffff;
	v5 =	vadd.f32 v6, v5;
	v4 =	vadd.f32 v8, v4;
	v8 =	vor.u32 $0xA, v19  }
0x184: {  	v63 =	vld.idx.msk [tilespmem:v1+s24+$0xFFFFFF10 ss:$0x1], $0xffff;
	v7 =	vmul.f32 v7, v22;
	v27 =	vshll.u32 v36, $0x10;
	v6 =	vor.u32 $0xC, v19  }
0x185: {  	v46 =	vshll.u32 v28, $0x10;
	v5 =	vadd.f32 v31, v5;
	v4 =	vadd.f32 v34, v4;
	v31 =	vld.idx.msk [tilespmem:v0+s24+$0xFFFFFFD0 ss:$0x1], $0xffff  }
0x186: {  	v26 =	vld.idx.msk [tilespmem:v0+s24+$0xFFFFFFA0 ss:$0x1], $0xffff;
	v28 =	vand.u32 $0xFFFF0000, v28;
	v42 =	vmul.f32 v27, v25;
	v21 =	vmul.f32 v21, v25  }
0x187: {  	v37 =	vld.idx.msk [tilespmem:v10+s15+$0x0], $0xffff;
	v50 =	vshll.u32 v29, $0x10;
	v5 =	vadd.f32 v24, v5;
	v4 =	vadd.f32 v7, v4  }
0x188: {  	v52 =	vand.u32 $0xFFFF0000, v29;
	v7 =	vor.u32 $0xD, v19;
	v24 =	vmul.f32 v50, v43;
	v41 =	vld.idx.msk [tilespmem:v8+s15+$0x0], $0xffff  }
0x189: {  	v54 =	vmul.f32 v52, v43;
	v44 =	vld.idx.msk [tilespmem:v6+s15+$0x0], $0xffff;
	v5 =	vadd.f32 v40, v5;
	v20 =	vadd.f32 v20, v4  }
0x18a: {  	v38 =	vld.idx.msk [tilespmem:v18+s17+$0x0], $0xffff;
	v4 =	vor.u32 $0xE, v19;
	v55 =	vshll.u32 v31, $0x10;
	v57 =	vand.u32 $0xFFFF0000, v31  }
0x18b: {  	v40 =	vld.idx.msk [tilespmem:v1+s24+$0xFFFFFF20 ss:$0x1], $0xffff;
	v23 =	vadd.f32 v42, v5;
	v5 =	vshll.u32 v26, $0x10;
	v26 =	vand.u32 $0xFFFF0000, v26  }
0x18c: {  	v43 =	vld.idx.msk [tilespmem:v17+s17+$0x0], $0xffff;
	v20 =	vadd.f32 v21, v20;
	v42 =	vshll.u32 v58, $0x10;
	v30 =	vmul.f32 v5, v37  }
0x18d: {  	v5 =	vor.u32 $0xF, v19;
	v45 =	vmul.f32 v26, v37;
	v47 =	vld.idx.msk [tilespmem:v7+s15+$0x0], $0xffff;
	v22 =	vmul.f32 v46, v41  }
0x18e: {  	v52 =	vld.idx.msk [tilespmem:v1+s24+$0xFFFFFF50 ss:$0x1], $0xffff;
	v37 =	vshll.u32 v53, $0x10;
	v49 =	vmul.f32 v28, v41;
	v59 =	vmul.f32 v57, v44  }
0x18f: {  	v46 =	vshll.u32 v63, $0x10;
	v23 =	vadd.f32 v30, v23;
	v20 =	vadd.f32 v45, v20;
	v51 =	vld.idx.msk [tilespmem:v4+s15+$0x0], $0xffff  }
0x190: {  	v45 =	vld.idx.msk [tilespmem:v1+s24+$0xFFFFFF30 ss:$0x1], $0xffff;
	v48 =	vmul.f32 v46, v61;
	v50 =	vshll.u32 v40, $0x10;
	v29 =	vand.u32 $0xFFFF0000, v40  }
0x191: {  	v26 =	vmul.f32 v29, v38;
	v22 =	vadd.f32 v22, v23;
	v20 =	vadd.f32 v49, v20;
	v49 =	vld.idx.msk [tilespmem:v1+s24+$0xFFFFFF40 ss:$0x1], $0xffff  }
0x192: {  	v23 =	vmul.f32 v55, v44;
	v44 =	vand.u32 $0xFFFF0000, v58;
	v55 =	vld.idx.msk [tilespmem:v1+s24+$0xFFFFFF60 ss:$0x1], $0xffff;
	v36 =	vmul.f32 v62, v47  }
0x193: {  	v58 =	vld.idx.msk [tilespmem:v1+s24+$0xFFFFFF70 ss:$0x1], $0xffff;
	v62 =	vand.u32 $0xFFFF0000, v52;
	v22 =	vadd.f32 v24, v22;
	v20 =	vadd.f32 v54, v20  }
0x194: {  	v56 =	vld.idx.msk [tilespmem:v5+s15+$0x0], $0xffff;
	v24 =	vmul.f32 v60, v47;
	v47 =	vand.u32 $0xFFFF0000, v63;
	v60 =	vshll.u32 v52, $0x10  }
0x195: {  	v33 =	vld.idx.msk [tilespmem:v12+s17+$0x0], $0xffff;
	v41 =	vmul.f32 v39, v51;
	v53 =	vshll.u32 v45, $0x10;
	v22 =	vadd.f32 v23, v22  }
0x196: {  	v57 =	vld.idx.msk [tilespmem:v16+s17+$0x0], $0xffff;
	v54 =	vand.u32 $0xFFFF0000, v45;
	v20 =	vadd.f32 v59, v20;
	v23 =	vmul.f32 v37, v51  }
0x197: {  	v46 =	vld.idx.msk [tilespmem:v8+s17+$0x0], $0xffff;
	v29 =	vmul.f32 v53, v43;
	v27 =	vand.u32 $0xFFFF0000, v49;
	v22 =	vadd.f32 v24, v22  }
0x198: {  	v63 =	vld.idx.msk [tilespmem:v1+s24+$0xFFFFFF80 ss:$0x1], $0xffff;
	v35 =	vshll.u32 v55, $0x10;
	v37 =	vand.u32 $0xFFFF0000, v55;
	v20 =	vadd.f32 v36, v20  }
0x199: {  	v51 =	vld.idx.msk [tilespmem:v11+s17+$0x0], $0xffff;
	v40 =	vshll.u32 v58, $0x10;
	v24 =	vmul.f32 v42, v56;
	v22 =	vadd.f32 v23, v22  }
0x19a: {  	v53 =	vld.idx.msk [tilespmem:v1+s24+$0xFFFFFFC0 ss:$0x1], $0xffff;
	v59 =	vmul.f32 v27, v32;
	v21 =	vadd.f32 v41, v20;
	v23 =	vmul.f32 v44, v56  }
0x19b: {  	v36 =	vld.idx.msk [tilespmem:v14+s17+$0x0], $0xffff;
	v25 =	vmul.f32 v35, v33;
	v20 =	vadd.f32 v24, v22;
	v22 =	vmul.f32 v47, v61  }
0x19c: {  	v21 =	vadd.f32 v23, v21;
	v24 =	vadd.f32 $0.0e+00, v48;
	v23 =	vmul.f32 v50, v38;
	v61 =	vld.idx.msk [tilespmem:v13+s17+$0x0], $0xffff  }
0x19d: {  	v39 =	vmul.f32 v37, v33;
	v42 =	vand.u32 $0xFFFF0000, v58;
	v38 =	vld.idx.msk [tilespmem:v1+s24+$0xFFFFFF90 ss:$0x1], $0xffff;
	v22 =	vadd.f32 $0.0e+00, v22  }
0x19e: {  	v45 =	vshll.u32 v63, $0x10;
	v56 =	vshll.u32 v49, $0x10;
	v48 =	vld.idx.msk [tilespmem:v1+s24+$0xFFFFFFB0 ss:$0x1], $0xffff;
	v23 =	vadd.f32 v23, v24  }
0x19f: {  	v58 =	vld.idx.msk [tilespmem:v1+s24+$0xFFFFFFD0 ss:$0x1], $0xffff;
	v44 =	vmul.f32 v42, v57;
	v24 =	vmul.f32 v54, v43;
	v22 =	vadd.f32 v26, v22  }
0x1a0: {  	v47 =	vand.u32 $0xFFFF0000, v63;
	v63 =	vld.idx.msk [tilespmem:v1+s24+$0xFFFFFFE0 ss:$0x1], $0xffff;
	v23 =	vadd.f32 v29, v23;
	v26 =	vmul.f32 v56, v32  }
0x1a1: {  	v37 =	vld.idx.msk [tilespmem:v4+s17+$0x0], $0xffff;
	v27 =	vmul.f32 v60, v51;
	v34 =	vmul.f32 v62, v51;
	v22 =	vadd.f32 v24, v22  }
0x1a2: {  	v43 =	vld.idx.msk [tilespmem:v1+s24+$0xFFFFFFA0 ss:$0x1], $0xffff;
	v49 =	vmul.f32 v47, v61;
	v50 =	vshll.u32 v38, $0x10;
	v23 =	vadd.f32 v26, v23  }
0x1a3: {  	v51 =	vld.idx.msk [tilespmem:v9+s17+$0x0], $0xffff;
	v52 =	vand.u32 $0xFFFF0000, v38;
	v60 =	vshll.u32 v48, $0x10;
	v22 =	vadd.f32 v59, v22  }
0x1a4: {  	v41 =	vld.idx.msk [tilespmem:v10+s17+$0x0], $0xffff;
	v62 =	vand.u32 $0xFFFF0000, v48;
	v38 =	vand.u32 $0xFFFF0000, v53;
	v23 =	vadd.f32 v27, v23  }
0x1a5: {  	v56 =	vld.idx.msk [tilespmem:v6+s17+$0x0], $0xffff;
	v48 =	vand.u32 $0xFFFF0000, v63;
	v54 =	vmul.f32 v52, v36;
	v22 =	vadd.f32 v34, v22  }
0x1a6: {  	v42 =	vld.idx.msk [tilespmem:v5+s17+$0x0], $0xffff;
	v35 =	vmul.f32 v62, v46;
	v27 =	vmul.f32 v40, v57;
	v23 =	vadd.f32 v25, v23  }
0x1a7: {  	v55 =	vshll.u32 v43, $0x10;
	v25 =	vmul.f32 v45, v61;
	v61 =	vld.idx.msk [tilespmem:v7+s17+$0x0], $0xffff;
	v22 =	vadd.f32 v39, v22  }
0x1a8: {  	v47 =	vld.idx.msk [tilespmem:v19+s19+$0x0], $0xffff;
	v57 =	vand.u32 $0xFFFF0000, v43;
	v40 =	vmul.f32 v38, v51;
	v23 =	vadd.f32 v27, v23  }
0x1a9: {  	v43 =	vand.u32 $0xFFFF0000, v58;
	v59 =	vmul.f32 v57, v41;
	v39 =	vld.idx.msk [tilespmem:v1+s24+$0xFFFFFFF0 ss:$0x1], $0xffff;
	v22 =	vadd.f32 v44, v22  }
0x1aa: {  	v52 =	vld.idx.msk [tilespmem:v18+s19+$0x0], $0xffff;
	v45 =	vmul.f32 v43, v56;
	v27 =	vmul.f32 v50, v36;
	v23 =	vadd.f32 v25, v23  }
0x1ab: {  	v36 =	vshll.u32 v53, $0x10;
	v25 =	vmul.f32 v55, v41;
	v44 =	vld.idx.msk [tilespmem:v1+s24+$0x0 ss:$0x1], $0xffff;
	v22 =	vadd.f32 v49, v22  }
0x1ac: {  	v41 =	vshll.u32 v58, $0x10;
	v50 =	vmul.f32 v48, v61;
	v23 =	vadd.f32 v27, v23;
	v49 =	vld.idx.msk [tilespmem:v2+s24+$0xFFFFFF80 ss:$0x1], $0xffff  }
0x1ad: {  	v48 =	vld.idx.msk [tilespmem:v2+s24+$0xFFFFFFE0 ss:$0x1], $0xffff;
	v27 =	vmul.f32 v60, v46;
	v46 =	vshll.u32 v63, $0x10;
	v22 =	vadd.f32 v54, v22  }
0x1ae: {  	v53 =	vand.u32 $0xFFFF0000, v39;
	v23 =	vadd.f32 v25, v23;
	v25 =	vmul.f32 v36, v51;
	v54 =	vld.idx.msk [tilespmem:v2+s24+$0xFFFFFF90 ss:$0x1], $0xffff  }
0x1af: {  	v63 =	vld.idx.msk [tilespmem:v2+s24+$0xFFFFFFB0 ss:$0x1], $0xffff;
	v51 =	vshll.u32 v39, $0x10;
	v55 =	vmul.f32 v53, v37;
	v22 =	vadd.f32 v59, v22  }
0x1b0: {  	v57 =	vld.idx.msk [tilespmem:v17+s19+$0x0], $0xffff;
	v58 =	vand.u32 $0xFFFF0000, v44;
	v23 =	vadd.f32 v27, v23;
	v27 =	vmul.f32 v41, v56  }
0x1b1: {  	v34 =	vld.idx.msk [tilespmem:v15+s19+$0x0], $0xffff;
	v56 =	vshll.u32 v44, $0x10;
	v60 =	vshll.u32 v49, $0x10;
	v22 =	vadd.f32 v35, v22  }
0x1b2: {  	v59 =	vld.idx.msk [tilespmem:v2+s24+$0xFFFFFFA0 ss:$0x1], $0xffff;
	v23 =	vadd.f32 v25, v23;
	v25 =	vmul.f32 v46, v61;
	v61 =	vand.u32 $0xFFFF0000, v49  }
0x1b3: {  	v44 =	vld.idx.msk [tilespmem:v2+s24+$0xFFFFFFD0 ss:$0x1], $0xffff;
	v62 =	vmul.f32 v60, v47;
	v35 =	vmul.f32 v61, v47;
	v36 =	vshll.u32 v54, $0x10  }
0x1b4: {  	v39 =	vand.u32 $0xFFFF0000, v54;
	v47 =	vand.u32 $0xFFFF0000, v63;
	v61 =	vand.u32 $0xFFFF0000, v48  }
0x1b5: {  	v46 =	vld.idx.msk [tilespmem:v16+s19+$0x0], $0xffff;
	v22 =	vadd.f32 v40, v22;
	v23 =	vadd.f32 v27, v23;
	v27 =	vmul.f32 v51, v37  }
0x1b6: {  	v53 =	vld.idx.msk [tilespmem:v2+s24+$0xFFFFFFF0 ss:$0x1], $0xffff;
	v38 =	vadd.f32 $0.0e+00, v62;
	v30 =	vmul.f32 v39, v52;
	v49 =	vmul.f32 v47, v34  }
0x1b7: {  	v40 =	vld.idx.msk [tilespmem:v2+s24+$0xFFFFFFC0 ss:$0x1], $0xffff;
	v41 =	vshll.u32 v59, $0x10;
	v22 =	vadd.f32 v45, v22;
	v23 =	vadd.f32 v25, v23  }
0x1b8: {  	v62 =	vld.idx.msk [tilespmem:v2+s24+$0x10 ss:$0x1], $0xffff;
	v54 =	vshll.u32 v44, $0x10;
	v25 =	vmul.f32 v56, v42;
	v43 =	vmul.f32 v41, v57  }
0x1b9: {  	v60 =	vld.idx.msk [tilespmem:v10+s19+$0x0], $0xffff;
	v45 =	vshll.u32 v63, $0x10;
	v22 =	vadd.f32 v50, v22;
	v23 =	vadd.f32 v27, v23  }
0x1ba: {  	v37 =	vld.idx.msk [tilespmem:v11+s19+$0x0], $0xffff;
	v56 =	vand.u32 $0xFFFF0000, v44;
	v28 =	vmul.f32 v45, v34;
	v63 =	vmul.f32 v61, v46  }
0x1bb: {  	v51 =	vld.idx.msk [tilespmem:v13+s19+$0x0], $0xffff;
	v24 =	vadd.f32 v55, v22;
	v22 =	vadd.f32 v25, v23;
	v25 =	vmul.f32 v36, v52  }
0x1bc: {  	v39 =	vld.idx.msk [tilespmem:v2+s24+$0x20 ss:$0x1], $0xffff;
	v27 =	vmul.f32 v58, v42;
	v42 =	vand.u32 $0xFFFF0000, v59;
	v59 =	vshll.u32 v48, $0x10  }
0x1bd: {  	v44 =	vld.idx.msk [tilespmem:v2+s24+$0x30 ss:$0x1], $0xffff;
	v50 =	vshll.u32 v40, $0x10;
	v48 =	vand.u32 $0xFFFF0000, v62;
	v25 =	vadd.f32 v25, v38  }
0x1be: {  	v52 =	vand.u32 $0xFFFF0000, v40;
	v23 =	vadd.f32 v27, v24;
	v24 =	vadd.f32 $0.0e+00, v35;
	v35 =	vld.idx.msk [tilespmem:v12+s19+$0x0], $0xffff  }
0x1bf: {  	v29 =	vmul.f32 v50, v37;
	v27 =	vmul.f32 v42, v57;
	v57 =	vld.idx.msk [tilespmem:v2+s24+$0x0 ss:$0x1], $0xffff;
	v25 =	vadd.f32 v43, v25  }
0x1c0: {  	v55 =	vld.idx.msk [tilespmem:v14+s19+$0x0], $0xffff;
	v36 =	vshll.u32 v53, $0x10;
	v50 =	vmul.f32 v48, v60;
	v24 =	vadd.f32 v30, v24  }
0x1c1: {  	v26 =	vmul.f32 v52, v37;
	v37 =	vld.idx.msk [tilespmem:v8+s19+$0x0], $0xffff;
	v38 =	vand.u32 $0xFFFF0000, v53;
	v25 =	vadd.f32 v28, v25  }
0x1c2: {  	v53 =	vand.u32 $0xFFFF0000, v39;
	v40 =	vmul.f32 v38, v51;
	v38 =	vld.idx.msk [tilespmem:v3+s24+$0xFFFFFF90 ss:$0x1], $0xffff;
	v24 =	vadd.f32 v27, v24  }
0x1c3: {  	v27 =	vmul.f32 v54, v35;
	v58 =	vmul.f32 v56, v35;
	v54 =	vld.idx.msk [tilespmem:v2+s24+$0x50 ss:$0x1], $0xffff;
	v25 =	vadd.f32 v29, v25  }
0x1c4: {  	v41 =	vshll.u32 v57, $0x10;
	v43 =	vand.u32 $0xFFFF0000, v57;
	v24 =	vadd.f32 v49, v24;
	v49 =	vld.idx.msk [tilespmem:v2+s24+$0x40 ss:$0x1], $0xffff  }
0x1c5: {  	v56 =	vshll.u32 v44, $0x10;
	v29 =	vmul.f32 v59, v46;
	v59 =	vld.idx.msk [tilespmem:v2+s24+$0x60 ss:$0x1], $0xffff;
	v25 =	vadd.f32 v27, v25  }
0x1c6: {  	v52 =	vld.idx.msk [tilespmem:v7+s19+$0x0], $0xffff;
	v45 =	vmul.f32 v43, v55;
	v46 =	vshll.u32 v62, $0x10;
	v24 =	vadd.f32 v26, v24  }
0x1c7: {  	v57 =	vld.idx.msk [tilespmem:v4+s19+$0x0], $0xffff;
	v48 =	vand.u32 $0xFFFF0000, v38;
	v27 =	vmul.f32 v36, v51;
	v25 =	vadd.f32 v29, v25  }
0x1c8: {  	v51 =	vshll.u32 v39, $0x10;
	v24 =	vadd.f32 v58, v24;
	v29 =	vmul.f32 v41, v55  }
0x1c9: {  	v47 =	vld.idx.msk [tilespmem:v6+s19+$0x0], $0xffff;
	v55 =	vmul.f32 v53, v37;
	v58 =	vand.u32 $0xFFFF0000, v44;
	v25 =	vadd.f32 v27, v25  }
0x1ca: {  	v42 =	vld.idx.msk [tilespmem:v9+s19+$0x0], $0xffff;
	v36 =	vshll.u32 v54, $0x10;
	v61 =	vand.u32 $0xFFFF0000, v49;
	v41 =	vand.u32 $0xFFFF0000, v59  }
0x1cb: {  	v24 =	vadd.f32 v63, v24;
	v27 =	vmul.f32 v46, v60;
	v63 =	vld.idx.msk [tilespmem:v3+s24+$0xFFFFFF80 ss:$0x1], $0xffff;
	v25 =	vadd.f32 v29, v25  }
0x1cc: {  	v28 =	vmul.f32 v36, v52;
	v60 =	vshll.u32 v49, $0x10;
	v43 =	vmul.f32 v41, v57;
	v46 =	vld.idx.msk [tilespmem:v3+s24+$0xFFFFFFB0 ss:$0x1], $0xffff  }
0x1cd: {  	v49 =	vld.idx.msk [tilespmem:v3+s24+$0xFFFFFFC0 ss:$0x1], $0xffff;
	v24 =	vadd.f32 v40, v24;
	v29 =	vmul.f32 v51, v37;
	v25 =	vadd.f32 v27, v25  }
0x1ce: {  	v62 =	vmul.f32 v60, v47;
	v37 =	vand.u32 $0xFFFF0000, v54;
	v40 =	vshll.u32 v59, $0x10  }
0x1cf: {  	v60 =	vld.idx.msk [tilespmem:v3+s24+$0xFFFFFFF0 ss:$0x1], $0xffff;
	v24 =	vadd.f32 v45, v24;
	v27 =	vmul.f32 v56, v42;
	v25 =	vadd.f32 v29, v25  }
0x1d0: {  	v19 =	vld.idx.msk [tilespmem:v19+s21+$0x0], $0xffff;
	v39 =	vmul.f32 v37, v52;
	v44 =	vshll.u32 v63, $0x10;
	v45 =	vand.u32 $0xFFFF0000, v63  }
0x1d1: {  	v24 =	vadd.f32 v50, v24;
	v29 =	vmul.f32 v58, v42;
	v42 =	vld.idx.msk [tilespmem:v3+s24+$0xFFFFFFA0 ss:$0x1], $0xffff;
	v25 =	vadd.f32 v27, v25  }
0x1d2: {  	v18 =	vld.idx.msk [tilespmem:v18+s21+$0x0], $0xffff;
	v53 =	vshll.u32 v46, $0x10;
	v54 =	vand.u32 $0xFFFF0000, v46;
	v56 =	vshll.u32 v49, $0x10  }
0x1d3: {  	v17 =	vld.idx.msk [tilespmem:v17+s21+$0x0], $0xffff;
	v58 =	vand.u32 $0xFFFF0000, v49;
	v26 =	vadd.f32 v55, v24;
	v25 =	vadd.f32 v62, v25  }
0x1d4: {  	v15 =	vld.idx.msk [tilespmem:v15+s21+$0x0], $0xffff;
	v35 =	vshll.u32 v60, $0x10;
	v27 =	vmul.f32 v61, v47;
	v47 =	vshll.u32 v38, $0x10  }
0x1d5: {  	v11 =	vld.idx.msk [tilespmem:v11+s21+$0x0], $0xffff;
	v26 =	vadd.f32 v29, v26;
	v25 =	vadd.f32 v28, v25;
	v28 =	vmul.f32 v44, v19  }
0x1d6: {  	v52 =	vld.idx.msk [tilespmem:v3+s24+$0xFFFFFFD0 ss:$0x1], $0xffff;
	v29 =	vmul.f32 v40, v57;
	v50 =	vshll.u32 v42, $0x10;
	v19 =	vmul.f32 v45, v19  }
0x1d7: {  	v34 =	vld.idx.msk [tilespmem:v3+s24+$0x10 ss:$0x1], $0xffff;
	v26 =	vadd.f32 v27, v26;
	v27 =	vmul.f32 v47, v18;
	v28 =	vadd.f32 $0.0e+00, v28  }
0x1d8: {  	v37 =	vld.idx.msk [tilespmem:v3+s24+$0x20 ss:$0x1], $0xffff;
	v51 =	vand.u32 $0xFFFF0000, v42;
	v18 =	vmul.f32 v48, v18;
	v19 =	vadd.f32 $0.0e+00, v19  }
0x1d9: {  	v63 =	vld.idx.msk [tilespmem:v3+s24+$0x0 ss:$0x1], $0xffff;
	v25 =	vadd.f32 v29, v25;
	v29 =	vmul.f32 v50, v17;
	v27 =	vadd.f32 v27, v28  }
0x1da: {  	v12 =	vld.idx.msk [tilespmem:v12+s21+$0x0], $0xffff;
	v36 =	vand.u32 $0xFFFF0000, v60;
	v17 =	vmul.f32 v51, v17;
	v18 =	vadd.f32 v18, v19  }
0x1db: {  	v55 =	vld.idx.msk [tilespmem:v3+s24+$0xFFFFFFE0 ss:$0x1], $0xffff;
	v59 =	vshll.u32 v52, $0x10;
	v19 =	vmul.f32 v53, v15;
	v27 =	vadd.f32 v29, v27  }
0x1dc: {  	v16 =	vld.idx.msk [tilespmem:v16+s21+$0x0], $0xffff;
	v61 =	vand.u32 $0xFFFF0000, v52;
	v15 =	vmul.f32 v54, v15;
	v17 =	vadd.f32 v17, v18  }
0x1dd: {  	v46 =	vand.u32 $0xFFFF0000, v37;
	v18 =	vmul.f32 v56, v11;
	v19 =	vadd.f32 v19, v27  }
0x1de: {  	v13 =	vld.idx.msk [tilespmem:v13+s21+$0x0], $0xffff;
	v38 =	vshll.u32 v63, $0x10;
	v11 =	vmul.f32 v58, v11;
	v15 =	vadd.f32 v15, v17  }
0x1df: {  	v14 =	vld.idx.msk [tilespmem:v14+s21+$0x0], $0xffff;
	v42 =	vshll.u32 v34, $0x10;
	v17 =	vmul.f32 v59, v12;
	v18 =	vadd.f32 v18, v19  }
0x1e0: {  	v57 =	vld.idx.msk [tilespmem:v2+s24+$0x70 ss:$0x1], $0xffff;
	v62 =	vshll.u32 v55, $0x10;
	v12 =	vmul.f32 v61, v12;
	v11 =	vadd.f32 v11, v15  }
0x1e1: {  	v32 =	vand.u32 $0xFFFF0000, v55;
	v15 =	vmul.f32 v62, v16;
	v17 =	vadd.f32 v17, v18  }
0x1e2: {  	v10 =	vld.idx.msk [tilespmem:v10+s21+$0x0], $0xffff;
	v45 =	vshll.u32 v37, $0x10;
	v16 =	vmul.f32 v32, v16;
	v11 =	vadd.f32 v12, v11  }
0x1e3: {  	v40 =	vld.idx.msk [tilespmem:v3+s24+$0x30 ss:$0x1], $0xffff;
	v26 =	vadd.f32 v39, v26;
	v15 =	vadd.f32 v15, v17;
	v17 =	vmul.f32 v35, v13  }
0x1e4: {  	v8 =	vld.idx.msk [tilespmem:v8+s21+$0x0], $0xffff;
	v39 =	vand.u32 $0xFFFF0000, v63;
	v11 =	vadd.f32 v16, v11;
	v13 =	vmul.f32 v36, v13  }
0x1e5: {  	v44 =	vld.idx.msk [tilespmem:v3+s24+$0x40 ss:$0x1], $0xffff;
	v33 =	vshll.u32 v57, $0x10;
	v16 =	vmul.f32 v38, v14;
	v15 =	vadd.f32 v17, v15  }
0x1e6: {  	v9 =	vld.idx.msk [tilespmem:v9+s21+$0x0], $0xffff;
	v41 =	vmul.f32 v39, v14;
	v26 =	vadd.f32 v43, v26;
	v11 =	vadd.f32 v13, v11  }
0x1e7: {  	v47 =	vld.idx.msk [tilespmem:v3+s24+$0x50 ss:$0x1], $0xffff;
	v43 =	vand.u32 $0xFFFF0000, v34;
	v14 =	vmul.f32 v42, v10;
	v15 =	vadd.f32 v16, v15  }
0x1e8: {  	v6 =	vld.idx.msk [tilespmem:v6+s21+$0x0], $0xffff;
	v48 =	vshll.u32 v40, $0x10;
	v10 =	vmul.f32 v43, v10;
	v11 =	vadd.f32 v41, v11  }
0x1e9: {  	v50 =	vld.idx.msk [tilespmem:v3+s24+$0x60 ss:$0x1], $0xffff;
	v49 =	vand.u32 $0xFFFF0000, v40;
	v13 =	vmul.f32 v45, v8;
	v14 =	vadd.f32 v14, v15  }
0x1ea: {  	v7 =	vld.idx.msk [tilespmem:v7+s21+$0x0], $0xffff;
	v51 =	vshll.u32 v44, $0x10;
	v8 =	vmul.f32 v46, v8;
	v10 =	vadd.f32 v10, v11  }
0x1eb: {  	v4 =	vld.idx.msk [tilespmem:v4+s21+$0x0], $0xffff;
	v52 =	vand.u32 $0xFFFF0000, v44;
	v11 =	vmul.f32 v48, v9;
	v13 =	vadd.f32 v13, v14  }
0x1ec: {  	v53 =	vld.idx.msk [tilespmem:v3+s24+$0x70 ss:$0x1], $0xffff;
	v54 =	vshll.u32 v47, $0x10;
	v9 =	vmul.f32 v49, v9;
	v8 =	vadd.f32 v8, v10  }
0x1ed: {  	v24 =	vld.idx.msk [tilespmem:v5+s19+$0x0], $0xffff;
	v55 =	vand.u32 $0xFFFF0000, v47;
	v10 =	vmul.f32 v51, v6;
	v11 =	vadd.f32 v11, v13  }
0x1ee: {  	v5 =	vld.idx.msk [tilespmem:v5+s21+$0x0], $0xffff;
	v56 =	vshll.u32 v50, $0x10;
	v6 =	vmul.f32 v52, v6;
	v8 =	vadd.f32 v9, v8  }
0x1ef: {  	v27 =	vand.u32 $0xFFFF0000, v57;
	v9 =	vmul.f32 v54, v7;
	v10 =	vadd.f32 v10, v11  }
0x1f0: {  	v57 =	vand.u32 $0xFFFF0000, v50;
	v7 =	vmul.f32 v55, v7;
	v6 =	vadd.f32 v6, v8  }
0x1f1: {  	v58 =	vshll.u32 v53, $0x10;
	v8 =	vmul.f32 v56, v4;
	v9 =	vadd.f32 v9, v10  }
0x1f2: {  	v59 =	vand.u32 $0xFFFF0000, v53;
	v4 =	vmul.f32 v57, v4;
	v6 =	vadd.f32 v7, v6  }
0x1f3: {  	v12 =	vmul.f32 v33, v24;
	v7 =	vmul.f32 v58, v5;
	v8 =	vadd.f32 v8, v9  }
0x1f4: {  	v60 =	vmul.f32 v27, v24;
	v5 =	vmul.f32 v59, v5;
	v4 =	vadd.f32 v4, v6  }
0x1f5: {  	v61 =	vadd.f32 v12, v25;
	v7 =	vadd.f32 v7, v8  }
0x1f6: {  	v62 =	vadd.f32 v60, v26;
	v4 =	vadd.f32 v5, v4  }
0x1f7: {  	p1 =	sne.s32 s14, $0x1C00;
	v5 =	vadd.f32 v22, v20;
	v6 =	vadd.f32 v7, v61  }
.Ltmp6:
0x1f8: {  	v63 =	vadd.f32 v23, v21;
	v4 =	vadd.f32 v4, v62;
	(pc) =	sbr.rel @p1 .LBB2_9-.Ltmp6, $4  }
0x1f9: {  	v5 =	vadd.f32 v6, v5  }
0x1fa: {  	v4 =	vadd.f32 v4, v63  }
0x1fb: {  	[tilespmem:s25+$0xFFFFFFF0] =	vst v5  }
0x1fc: {  	s0 =	sadd.s32 $0x10, s0;
	s14 =	sadd.s32 $0x400, s14;
	[tilespmem:s25+$0x0] =	vst v4;
	s25 =	sadd.s32 $0x20, s25  }
0x1fd: {  	s12 =	sadd.s32 $0x1, s12  }
0x1fe: {  	p1 =	sne.s32 s12, $0x4  }
.Ltmp7:
0x1ff: {  	_ = 	snop;
	(pc) =	sbr.rel @p1 .LBB2_8-.Ltmp7, $3  }
0x200: {  	_ =	sdelay $0x1  }
0x201: {  	s2 =	sadd.s32 $0x80, s2;
	s16 =	sadd.s32 $0x100, s16;
	s22 =	sadd.s32 $0x800, s22  }
0x202: {  	s28 =	sadd.s32 $0x800, s28;
	s30 =	sadd.s32 $0x800, s30;
	s20 =	sadd.s32 $0x800, s20  }
.Ltmp8:
0x203: {  	(pc) =	sbr.rel @p0 .LBB2_13-.Ltmp8, $1  }
0x204: {  	_ =	sdelay $0x3  }
0x205: {  	s0 =	sshll.u32 s13, $0xA  }
0x206: {  	s12 =	simm.s32 $0x10000;
	s2 =	sadd.s32 $0x600, s0  }
0x207: {  	[tilespmem:s12], [sflag:$0x3] =	stream.indirect.gather [hbm4b:s3+s23], $0x10, s2, s23, $0xb8;
	[tilespmem:$0x1A000] =	vst v63  }
0x208: {  	s22 =	simm.s32 $0x10800;
	s20 =	sadd.s32 $0x680, s0  }
0x209: {  	[tilespmem:s22], [sflag:$0x3] =	stream.indirect.gather [hbm4b:s3+s23], $0x10, s20, s23, $0xb8;
	[tilespmem:$0x1A000] =	vst v63  }
0x20a: {  	s25 =	simm.s32 $0x11000;
	s24 =	sadd.s32 $0x700, s0  }
0x20b: {  	[tilespmem:s25], [sflag:$0x3] =	stream.indirect.gather [hbm4b:s3+s23], $0x10, s24, s23, $0xb8;
	[tilespmem:$0x1A000] =	vst v63  }
0x20c: {  	s30 =	simm.s32 $0x11800;
	s28 =	sadd.s32 $0x780, s0  }
0x20d: {  	[tilespmem:s30], [sflag:$0x3] =	stream.indirect.gather [hbm4b:s3+s23], $0x10, s28, s23, $0xb8;
	[tilespmem:$0x1A000] =	vst v63  }
0x20e: {  	s16 =	simm.s32 $0x12000;
	s14 =	sadd.s32 $0x1600, s0  }
0x20f: {  	[tilespmem:s16], [sflag:$0x3] =	stream.indirect.gather [hbm4b:s3+s23], $0x10, s14, s23, $0xb8;
	[tilespmem:$0x1A000] =	vst v63  }
0x210: {  	s20 =	sadd.s32 $0x1680, s0;
	s22 =	simm.s32 $0x12800  }
0x211: {  	[tilespmem:s22], [sflag:$0x3] =	stream.indirect.gather [hbm4b:s3+s23], $0x10, s20, s23, $0xb8;
	[tilespmem:$0x1A000] =	vst v63  }
0x212: {  	s24 =	sadd.s32 $0x1700, s0;
	s25 =	simm.s32 $0x13000  }
0x213: {  	[tilespmem:s25], [sflag:$0x3] =	stream.indirect.gather [hbm4b:s3+s23], $0x10, s24, s23, $0xb8;
	[tilespmem:$0x1A000] =	vst v63  }
0x214: {  	s28 =	sadd.s32 $0x1780, s0;
	s30 =	simm.s32 $0x13800  }
0x215: {  	[tilespmem:s30], [sflag:$0x3] =	stream.indirect.gather [hbm4b:s3+s23], $0x10, s28, s23, $0xb8;
	[tilespmem:$0x1A000] =	vst v63  }
0x216: {  	s14 =	sadd.s32 $0x2600, s0;
	s16 =	simm.s32 $0x14000  }
0x217: {  	[tilespmem:s16], [sflag:$0x3] =	stream.indirect.gather [hbm4b:s3+s23], $0x10, s14, s23, $0xb8;
	[tilespmem:$0x1A000] =	vst v63  }
0x218: {  	s20 =	sadd.s32 $0x2680, s0  }
0x219: {  	[tilespmem:s31], [sflag:$0x3] =	stream.indirect.gather [hbm4b:s3+s23], $0x10, s20, s23, $0xb8;
	[tilespmem:$0x1A000] =	vst v63  }
0x21a: {  	s22 =	sadd.s32 $0x2700, s0  }
0x21b: {  	[tilespmem:s26], [sflag:$0x3] =	stream.indirect.gather [hbm4b:s3+s23], $0x10, s22, s23, $0xb8;
	[tilespmem:$0x1A000] =	vst v63  }
0x21c: {  	s24 =	sadd.s32 $0x2780, s0  }
0x21d: {  	[tilespmem:s1], [sflag:$0x3] =	stream.indirect.gather [hbm4b:s3+s23], $0x10, s24, s23, $0xb8;
	[tilespmem:$0x1A000] =	vst v63  }
0x21e: {  	s25 =	sadd.s32 $0x3600, s0  }
0x21f: {  	[tilespmem:s4], [sflag:$0x3] =	stream.indirect.gather [hbm4b:s3+s23], $0x10, s25, s23, $0xb8;
	[tilespmem:$0x1A000] =	vst v63  }
0x220: {  	s28 =	sadd.s32 $0x3680, s0  }
0x221: {  	[tilespmem:s5], [sflag:$0x3] =	stream.indirect.gather [hbm4b:s3+s23], $0x10, s28, s23, $0xb8;
	[tilespmem:$0x1A000] =	vst v63  }
.Ltmp9:
0x222: {  	s13 =	sadd.s32 $0x1, s13;
	(pc) =	sbr.rel .LBB2_3-.Ltmp9, $4  }
0x223: {  	s8 =	sadd.s32 $0x400, s8;
	s29 =	sadd.s32 $0x800, s29;
	s30 =	sadd.s32 $0x3700, s0  }
0x224: {  	[tilespmem:s6], [sflag:$0x3] =	stream.indirect.gather [hbm4b:s3+s23], $0x10, s30, s23, $0xb8;
	[tilespmem:$0x1A000] =	vst v63  }
0x225: {  	s18 =	sadd.s32 $0x400, s18;
	s11 =	sadd.s32 $0x800, s11;
	s0 =	sadd.s32 $0x3780, s0  }
0x226: {  	[tilespmem:s7], [sflag:$0x3] =	stream.indirect.gather [hbm4b:s3+s23], $0x10, s0, s23, $0xb8;
	[tilespmem:$0x1A000] =	vst v63  }
.LBB2_15:
0x227: {  	_ =	sfence.sel $0x180000  }
0x228: {  	[bflag:$0x0] =	sbarrier.arrive $0xFFFF  }
0x229: {  	_ =	strace $0x90000047  }
0x22a: {  	s0 =	stileid.u32;
	[bflag:$0x2] =	sbarrier.arrive $0xFFFF  }
0x22b: {  	p0 =	sne.s32 s0, $0x0;
	s0 =	rddreg [dreg:$0x2]  }
0x22c: {  	s0 =	sadd.s32 @!p0 $0x100000, s0  }
0x22d: {  	[sflag:s0] =	ssyncadd.tile.s32 @!p0 $0x1;
	_ =	shalt  }
.Lfunc_end2:
_tile_overlayer_lowered:
.L_overlay_start_2:
0x22e: {  	(tag) =	ssettag $0x2  }
0x22f: {  	s0 =	rddreg [dreg:$0x0];
	s2 =	stileid.u32  }
0x230: {  	s1 =	rddreg [dreg:$0x1];
	p0 =	sne.s32 s2, $0x0  }
0x231: {  	s3 =	rddreg [dreg:$0x2];
	[bflag:$0x3] =	sbarrier.arrive $0xFFFF;
	s2 =	simm.s32 @!p0 $0x1C04  }
0x232: {  	[timem:s3], [sflag:s2] =	dma.local @!p0 [hbm:s0], s1  }
0x233: {  	s0 =	simm.s32 @!p0 $0x4  }
0x234: {  	_ =	swait.ge @!p0 [sflag:s0], s1  }
0x235: {  	s1 =	ssub.s32 @!p0 $0x0, s1;
	[sflag:s0] =	ssyncset.done @!p0 $0x0  }
0x236: {  	[sflag:s0] =	ssyncadd.s32 @!p0 s1  }
0x237: {  	[bflag:$0x3] =	sbarrier.arrive $0xFFFF  }
0x238: {  	_ =	shalt  }

</sc_bundles>
